<compile_context>
chip_gen: v7x
topology: tpu7x:2x2x1
jax: 0.10.2.dev20260603
libtpu: 0.0.44.dev20260713+nightly
codegen_flags: <defaults>
</compile_context>

<pallas_src>
import functools

import jax
import jax.numpy as jnp
from jax import lax
from jax.experimental import pallas as pl
from jax.experimental.pallas import tpu as pltpu
from jax.experimental.pallas import tpu_sc as plsc

N = 10000
E = 320000
D = 128
H = D // 2
NC = 2
NS = 16
NW = NC * NS
CH = 80
NCHD = E // NW // CH
CHP = 128
EPT = 20480
NCH = EPT // CHP
NB = 5
L = 2
RB = 624
ZB = 104
BN = 2000


def _sc_mesh():
    return plsc.VectorSubcoreMesh(
        core_axis_name="c", subcore_axis_name="s", num_cores=NC, num_subcores=NS
    )




def _deg_call(dst2d, zeros1d, ones1d):

    @functools.partial(
        pl.kernel,
        out_type=(
            jax.ShapeDtypeStruct((N,), jnp.float32),
            jax.ShapeDtypeStruct((N,), jnp.float32),
        ),
        mesh=_sc_mesh(),
        scratch_types=[
            pltpu.VMEM((NCHD, CH), jnp.int32),
            pltpu.VMEM((CH,), jnp.float32),
            pltpu.VMEM((RB + 16,), jnp.float32),
            pltpu.VMEM_SHARED((N,), jnp.float32),
        ],
    )
    def k(dst_hbm, zero_hbm, ones_hbm, out_a, out_b, idx_d, ones_v, zbuf, acc):
        cid = lax.axis_index("c")
        sid = lax.axis_index("s")
        wid = cid * NS + sid
        pltpu.sync_copy(zero_hbm, zbuf)
        pltpu.sync_copy(zbuf.at[pl.ds(0, RB)], acc.at[pl.ds(sid * RB, RB)])

        @pl.when(sid == NS - 1)
        def _():
            pltpu.sync_copy(zbuf.at[pl.ds(0, 16)], acc.at[pl.ds(NS * RB, 16)])

        pltpu.sync_copy(ones_hbm, ones_v)
        pltpu.sync_copy(dst_hbm.at[wid], idx_d)
        plsc.subcore_barrier()

        def body(j, carry):
            pltpu.sync_copy(ones_v, acc.at[idx_d.at[j]], add=True)
            return carry

        lax.fori_loop(0, NCHD, body, 0)
        plsc.subcore_barrier()

        pltpu.sync_copy(acc.at[pl.ds(sid * RB, RB)], zbuf.at[pl.ds(0, RB)])
        out = [out_a, out_b]
        for c in range(NC):

            @pl.when(cid == c)
            def _(c=c):
                pltpu.sync_copy(zbuf.at[pl.ds(0, RB)], out[c].at[pl.ds(sid * RB, RB)])

                @pl.when(sid == NS - 1)
                def _():
                    pltpu.sync_copy(acc.at[pl.ds(NS * RB, 16)], zbuf.at[pl.ds(RB, 16)])
                    pltpu.sync_copy(zbuf.at[pl.ds(RB, 16)], out[c].at[pl.ds(NS * RB, 16)])

    return k(dst2d, zeros1d, ones1d)


def _agg_call(hs_a, hs_b, src3, dst3, zeros2d):

    @functools.partial(
        pl.kernel,
        out_type=(
            jax.ShapeDtypeStruct((N, H), jnp.float32),
            jax.ShapeDtypeStruct((N, H), jnp.float32),
        ),
        mesh=_sc_mesh(),
        compiler_params=pltpu.CompilerParams(use_tc_tiling_on_sc=False),
        scratch_types=[
            pltpu.VMEM((NCH, CHP), jnp.int32),
            pltpu.VMEM((NCH, CHP), jnp.int32),
            [pltpu.VMEM((CHP, H), jnp.float32) for _ in range(NB)],
            pltpu.VMEM((ZB, H), jnp.float32),
            pltpu.VMEM_SHARED((N + 8, H), jnp.float32),
            [pltpu.SemaphoreType.DMA for _ in range(NB)],
            [pltpu.SemaphoreType.DMA for _ in range(NB)],
        ],
    )
    def k(hsa_hbm, hsb_hbm, src_hbm, dst_hbm, zero_hbm, out_a, out_b,
          idx_s, idx_d, rows, zbuf, acc, gsem, ssem):
        cid = lax.axis_index("c")
        sid = lax.axis_index("s")
        with jax.named_scope("agg_init"):
            pltpu.sync_copy(zero_hbm, zbuf)
            for kk in range(RB // ZB):
                pltpu.sync_copy(zbuf, acc.at[pl.ds(sid * RB + kk * ZB, ZB)])

            @pl.when(sid == NS - 1)
            def _():
                pltpu.sync_copy(zbuf.at[pl.ds(0, 16)], acc.at[pl.ds(NS * RB, 16)])

            pltpu.sync_copy(src_hbm.at[sid], idx_s)
            pltpu.sync_copy(dst_hbm.at[sid], idx_d)
            plsc.subcore_barrier()

        hsp = [hsa_hbm, hsb_hbm]
        for c in range(NC):

            @pl.when(cid == c)
            def _(c=c):
                hsrc = hsp[c]
                for m in range(NB):
                    pltpu.async_copy(hsrc.at[idx_s.at[m]], rows[m], gsem[m])

                def group(gi, carry):
                    for b in range(NB):
                        j = gi * NB + b
                        pltpu.make_async_copy(
                            hsrc.at[idx_s.at[j]], rows[b], gsem[b]).wait()
                        pltpu.async_copy(
                            rows[b], acc.at[idx_d.at[j]], ssem[b], add=True)
                        bl = (b - L) % NB
                        jl = j - L

                        @pl.when(jl >= 0)
                        def _():
                            pltpu.make_async_copy(
                                rows[bl], acc.at[idx_d.at[jl]], ssem[bl]).wait()

                            @pl.when(jl + NB < NCH)
                            def _():
                                pltpu.async_copy(
                                    hsrc.at[idx_s.at[jl + NB]], rows[bl],
                                    gsem[bl])

                    return carry

                with jax.named_scope("agg_loop"):
                    lax.fori_loop(0, NCH // NB, group, 0)
                    for i in range(L):
                        j = NCH - L + i
                        b = j % NB
                        pltpu.make_async_copy(
                            rows[b], acc.at[idx_d.at[j]], ssem[b]).wait()

        plsc.subcore_barrier()

        out = [out_a, out_b]
        for c in range(NC):

            @pl.when(cid == c)
            def _w(c=c):
              with jax.named_scope("agg_out"):
                for kk in range(RB // ZB):
                    pltpu.sync_copy(acc.at[pl.ds(sid * RB + kk * ZB, ZB)], zbuf)
                    pltpu.sync_copy(zbuf, out[c].at[pl.ds(sid * RB + kk * ZB, ZB)])

                @pl.when(sid == NS - 1)
                def _():
                    pltpu.sync_copy(acc.at[pl.ds(NS * RB, 16)], rows[0].at[pl.ds(0, 16)])
                    pltpu.sync_copy(rows[0].at[pl.ds(0, 16)], out[c].at[pl.ds(NS * RB, 16)])

    return k(hs_a, hs_b, src3, dst3, zeros2d)




def _dis(deg_ref):
    deg = deg_ref[:, 0:1] + deg_ref[:, 1:2] + 1.0
    return lax.rsqrt(deg)




def _dis_eo(degp_ref):
    d = degp_ref[...]
    dis_e = lax.rsqrt(d[:, 0:1] + d[:, 1:2] + 1.0)
    dis_o = lax.rsqrt(d[:, 2:3] + d[:, 3:4] + 1.0)
    return dis_e, dis_o


def _dis128(dis_e, dis_o):
    lane = lax.broadcasted_iota(jnp.int32, (dis_e.shape[0], D), 1)
    return jnp.where(lane < H, dis_e, dis_o)


def _mm1_body(xp_ref, w_ref, degp_ref, pa_ref, pb_ref):
    w = w_ref[...]
    he = jnp.dot(xp_ref[:, :D], w, preferred_element_type=jnp.float32)
    ho = jnp.dot(xp_ref[:, D:], w, preferred_element_type=jnp.float32)
    dis_e, dis_o = _dis_eo(degp_ref)
    hse = he * dis_e
    hso = ho * dis_o
    pa_ref[...] = jnp.concatenate([hse[:, :H], hso[:, :H]], 1)
    pb_ref[...] = jnp.concatenate([hse[:, H:], hso[:, H:]], 1)


def _mm2_body(aa_ref, ab_ref, hsa_ref, hsb_ref, degp_ref, b_ref, w_ref,
              oa_ref, ob_ref):
    dis_e, dis_o = _dis_eo(degp_ref)
    dis128 = _dis128(dis_e, dis_o)
    b = b_ref[...]
    za = dis128 * (aa_ref[...] + hsa_ref[...]) + jnp.concatenate(
        [b[:, :H], b[:, :H]], 1)
    zb = dis128 * (ab_ref[...] + hsb_ref[...]) + jnp.concatenate(
        [b[:, H:], b[:, H:]], 1)
    pa = jnp.maximum(za, 0.0)
    pb = jnp.maximum(zb, 0.0)
    xe = jnp.concatenate([pa[:, :H], pb[:, :H]], 1)
    xo = jnp.concatenate([pa[:, H:], pb[:, H:]], 1)
    w = w_ref[...]
    ye = jnp.dot(xe, w, preferred_element_type=jnp.float32) * dis_e
    yo = jnp.dot(xo, w, preferred_element_type=jnp.float32) * dis_o
    oa_ref[...] = jnp.concatenate([ye[:, :H], yo[:, :H]], 1)
    ob_ref[...] = jnp.concatenate([ye[:, H:], yo[:, H:]], 1)


def _fin_body(aa_ref, ab_ref, hsa_ref, hsb_ref, degp_ref, b_ref, out_ref):
    dis_e, dis_o = _dis_eo(degp_ref)
    dis128 = _dis128(dis_e, dis_o)
    b = b_ref[...]
    za = dis128 * (aa_ref[...] + hsa_ref[...]) + jnp.concatenate(
        [b[:, :H], b[:, :H]], 1)
    zb = dis128 * (ab_ref[...] + hsb_ref[...]) + jnp.concatenate(
        [b[:, H:], b[:, H:]], 1)
    xe = jnp.concatenate([za[:, :H], zb[:, :H]], 1)
    xo = jnp.concatenate([za[:, H:], zb[:, H:]], 1)
    out_ref[...] = jnp.concatenate([xe, xo], 1)


N2 = N // 2
BN2 = BN // 2
_packed = pl.BlockSpec((BN2, D), lambda i: (i, 0))
_xp_spec = pl.BlockSpec((BN2, 2 * D), lambda i: (i, 0))
_degp_spec = pl.BlockSpec((BN2, 4), lambda i: (i, 0))
_full = pl.BlockSpec((D, D), lambda i: (0, 0))
_bias = pl.BlockSpec((1, D), lambda i: (0, 0))
_G = N // BN
_packed_out = jax.ShapeDtypeStruct((N2, D), jnp.float32)


def _mm1_call(xp, W1, degp):
    return pl.pallas_call(
        _mm1_body,
        grid=(_G,),
        in_specs=[_xp_spec, _full, _degp_spec],
        out_specs=(_packed, _packed),
        out_shape=(_packed_out, _packed_out),
    )(xp, W1, degp)


def _mm2_call(agg_a, agg_b, hs1a, hs1b, degp, b1, W2):
    return pl.pallas_call(
        _mm2_body,
        grid=(_G,),
        in_specs=[_packed, _packed, _packed, _packed, _degp_spec, _bias, _full],
        out_specs=(_packed, _packed),
        out_shape=(_packed_out, _packed_out),
    )(agg_a, agg_b, hs1a, hs1b, degp, b1, W2)


def _fin_call(agg_a, agg_b, hs2a, hs2b, degp, b2):
    return pl.pallas_call(
        _fin_body,
        grid=(_G,),
        in_specs=[_packed, _packed, _packed, _packed, _degp_spec, _bias],
        out_specs=_xp_spec,
        out_shape=jax.ShapeDtypeStruct((N2, 2 * D), jnp.float32),
    )(agg_a, agg_b, hs2a, hs2b, degp, b2)




def kernel(x, edge_index, W1, b1, W2, b2):
    src = edge_index[0].astype(jnp.int32)
    dst = edge_index[1].astype(jnp.int32)
    src_d = src.reshape(NW, NCHD, CH)
    dst_d = dst.reshape(NW, NCHD, CH)
    pad = EPT - E // NS
    srcr = src.reshape(NS, E // NS)
    dstr = dst.reshape(NS, E // NS)
    pad_src = jnp.broadcast_to(
        (jnp.arange(pad, dtype=jnp.int32) * (N // pad)), (NS, pad))
    pad_dst = (N + (jnp.arange(NS, dtype=jnp.int32)[:, None]
                    + jnp.arange(pad, dtype=jnp.int32)[None, :]) % 8)
    src_s = jnp.concatenate([srcr, pad_src], axis=1).reshape(NS, NCH, CHP)
    dst_s = jnp.concatenate([dstr, pad_dst], axis=1).reshape(NS, NCH, CHP)
    zeros2d = jnp.zeros((ZB, H), jnp.float32)
    zeros1d = jnp.zeros((RB + 16,), jnp.float32)
    ones1d = jnp.ones((CH,), jnp.float32)

    deg_a, deg_b = _deg_call(dst_d, zeros1d, ones1d)
    degp = jnp.stack([deg_a, deg_b], axis=1).reshape(N2, 4)

    hs1a_p, hs1b_p = _mm1_call(x.reshape(N2, 2 * D), W1, degp)
    agg1a, agg1b = _agg_call(
        hs1a_p.reshape(N, H), hs1b_p.reshape(N, H), src_s, dst_s, zeros2d)
    hs2a_p, hs2b_p = _mm2_call(
        agg1a.reshape(N2, D), agg1b.reshape(N2, D), hs1a_p, hs1b_p, degp,
        b1.reshape(1, D), W2)
    agg2a, agg2b = _agg_call(
        hs2a_p.reshape(N, H), hs2b_p.reshape(N, H), src_s, dst_s, zeros2d)
    return _fin_call(
        agg2a.reshape(N2, D), agg2b.reshape(N2, D), hs2a_p, hs2b_p, degp,
        b2.reshape(1, D)).reshape(N, D)

# --- scband reference (transcript-rebuilt; emitter-appended) ---
"""Pipeline reference for scband-gcn-75359496175833 (READ-ONLY COPY).

The authoritative reference and input builder live on the scoring server;
editing this copy changes nothing except your own understanding.
"""

import jax, jax.numpy as jnp
import numpy as np

N_NODES = 10000
N_EDGES = 320000
D_IN = 128
D_HID = 128
D_OUT = 128


def gcn_conv(x, src, dst, W, b, num_nodes):
    # x' = D^{-1/2} (A + I) D^{-1/2} X W + b  (PyG GCNConv with add_self_loops=True)
    h = x @ W
    loop = jnp.arange(num_nodes, dtype=src.dtype)
    src2 = jnp.concatenate([src, loop])
    dst2 = jnp.concatenate([dst, loop])
    deg = jnp.zeros((num_nodes,), dtype=h.dtype).at[dst2].add(1.0)
    deg_inv_sqrt = jnp.where(deg > 0, jax.lax.rsqrt(jnp.maximum(deg, 1e-12)), 0.0)
    norm = deg_inv_sqrt[src2] * deg_inv_sqrt[dst2]
    msgs = h[src2] * norm[:, None]
    out = jax.ops.segment_sum(msgs, dst2, num_segments=num_nodes)
    return out + b


def setup_inputs(seed: int = 0) -> dict:
    key = jax.random.key(seed)
    k1, k2, k3, k4 = jax.random.split(key, 4)
    x = jax.random.normal(k1, (N_NODES, D_IN), dtype=jnp.float32)
    edge_index = jax.random.randint(k2, (2, N_EDGES), 0, N_NODES, dtype=jnp.int64)
    s1 = 1.0 / np.sqrt(D_IN)
    s2 = 1.0 / np.sqrt(D_HID)
    W1 = jax.random.uniform(k3, (D_IN, D_HID), dtype=jnp.float32, minval=-s1, maxval=s1)
    b1 = jnp.zeros((D_HID,), dtype=jnp.float32)
    W2 = jax.random.uniform(k4, (D_HID, D_OUT), dtype=jnp.float32, minval=-s2, maxval=s2)
    b2 = jnp.zeros((D_OUT,), dtype=jnp.float32)
    return {"x": x, "edge_index": edge_index, "W1": W1, "b1": b1, "W2": W2, "b2": b2}


def reference(x, edge_index, W1, b1, W2, b2):
    src = edge_index[0]
    dst = edge_index[1]
    h = gcn_conv(x, src, dst, W1, b1, N_NODES)
    h = jax.nn.relu(h)
    # dropout is identity in eval mode
    out = gcn_conv(h, src, dst, W2, b2, N_NODES)
    return out

if __name__ == "__main__":
    import jax
    _d = setup_inputs()
    print(jax.jit(kernel)(*tuple(_d.values())))

</pallas_src>

<mosaic_0001>
#map = affine_map<(d0, d1) -> (0, 0)>
#map1 = affine_map<(d0, d1) -> (0, 0, 0)>
module attributes {stable_mosaic.version = 14 : i64} {
  func.func @k(%arg0: i32, %arg1: i32, %arg2: memref<10000x64xf32, #tpu.memory_space<hbm>>, %arg3: memref<10000x64xf32, #tpu.memory_space<hbm>>, %arg4: memref<16x160x128xi32, #tpu.memory_space<hbm>>, %arg5: memref<16x160x128xi32, #tpu.memory_space<hbm>>, %arg6: memref<104x64xf32, #tpu.memory_space<hbm>>, %arg7: memref<10000x64xf32, #tpu.memory_space<hbm>>, %arg8: memref<10000x64xf32, #tpu.memory_space<hbm>>, %arg9: memref<160x128xi32, #tpu.memory_space<vmem>>, %arg10: memref<160x128xi32, #tpu.memory_space<vmem>>, %arg11: memref<128x64xf32, #tpu.memory_space<vmem>>, %arg12: memref<128x64xf32, #tpu.memory_space<vmem>>, %arg13: memref<128x64xf32, #tpu.memory_space<vmem>>, %arg14: memref<128x64xf32, #tpu.memory_space<vmem>>, %arg15: memref<128x64xf32, #tpu.memory_space<vmem>>, %arg16: memref<104x64xf32, #tpu.memory_space<vmem>>, %arg17: memref<10008x64xf32, #tpu.memory_space<vmem_shared>>, %arg18: memref<!tpu.dma_semaphore, #tpu.memory_space<semaphore_mem>>, %arg19: memref<!tpu.dma_semaphore, #tpu.memory_space<semaphore_mem>>, %arg20: memref<!tpu.dma_semaphore, #tpu.memory_space<semaphore_mem>>, %arg21: memref<!tpu.dma_semaphore, #tpu.memory_space<semaphore_mem>>, %arg22: memref<!tpu.dma_semaphore, #tpu.memory_space<semaphore_mem>>, %arg23: memref<!tpu.dma_semaphore, #tpu.memory_space<semaphore_mem>>, %arg24: memref<!tpu.dma_semaphore, #tpu.memory_space<semaphore_mem>>, %arg25: memref<!tpu.dma_semaphore, #tpu.memory_space<semaphore_mem>>, %arg26: memref<!tpu.dma_semaphore, #tpu.memory_space<semaphore_mem>>, %arg27: memref<!tpu.dma_semaphore, #tpu.memory_space<semaphore_mem>>) attributes {dimension_semantics = [#tpu.dimension_semantics<core_parallel>, #tpu.dimension_semantics<subcore_parallel>], iteration_bounds = array<i64: 2, 16>, scalar_prefetch = 0 : i64, scratch_operands = 19 : i64, tpu.core_type = #tpu.core_type<sc_vector_subcore>, window_params = [{transform_indices = #map}, {transform_indices = #map}, {transform_indices = #map1}, {transform_indices = #map1}, {transform_indices = #map}, {transform_indices = #map}, {transform_indices = #map}]} {
    "tpu.trace_start"() <{level = 10 : i32, message = "agg_init"}> : () -> ()
    "tpu.region"() ({
      %run_scoped3A = tpu.sem_alloc : memref<!tpu.dma_semaphore, #tpu.memory_space<semaphore_mem>>
      tpu.enqueue_dma source(%arg6 : memref<104x64xf32, #tpu.memory_space<hbm>>) target(%arg16 : memref<104x64xf32, #tpu.memory_space<vmem>>) target_semaphore(%run_scoped3A : memref<!tpu.dma_semaphore, #tpu.memory_space<semaphore_mem>>)
      tpu.wait_dma2 semaphore(%run_scoped3A : memref<!tpu.dma_semaphore, #tpu.memory_space<semaphore_mem>>) src(%arg6 : memref<104x64xf32, #tpu.memory_space<hbm>>) dst(%arg16 : memref<104x64xf32, #tpu.memory_space<vmem>>)
      tpu.yield
    }) : () -> ()
    %mul3A = arith.constant 624 : i32
    %mul3A_0 = arith.muli %arg1, %mul3A : i32
    %add3A = arith.constant 0 : i32
    %add3A_1 = arith.addi %mul3A_0, %add3A : i32
    "tpu.region"() ({
      %run_scoped3A = tpu.sem_alloc : memref<!tpu.dma_semaphore, #tpu.memory_space<semaphore_mem>>
      %dma_start3A = arith.constant 0 : i32
      %dma_start3A_45 = tpu.memref_slice %arg17[%add3A_1, %dma_start3A] : memref<10008x64xf32, #tpu.memory_space<vmem_shared>> -> memref<104x64xf32, #tpu.memory_space<vmem_shared>>
      %dma_start3A_46 = arith.constant 0 : i32
      %dma_start3A_47 = tpu.memref_slice %arg17[%add3A_1, %dma_start3A_46] : memref<10008x64xf32, #tpu.memory_space<vmem_shared>> -> memref<104x64xf32, #tpu.memory_space<vmem_shared>>
      tpu.enqueue_dma source(%arg16 : memref<104x64xf32, #tpu.memory_space<vmem>>) target(%dma_start3A_47 : memref<104x64xf32, #tpu.memory_space<vmem_shared>>) target_semaphore(%run_scoped3A : memref<!tpu.dma_semaphore, #tpu.memory_space<semaphore_mem>>)
      %dma_wait3A = arith.constant 0 : i32
      %dma_wait3A_48 = tpu.memref_slice %arg17[%add3A_1, %dma_wait3A] : memref<10008x64xf32, #tpu.memory_space<vmem_shared>> -> memref<104x64xf32, #tpu.memory_space<vmem_shared>>
      %dma_wait3A_49 = arith.constant 0 : i32
      %dma_wait3A_50 = tpu.memref_slice %arg17[%add3A_1, %dma_wait3A_49] : memref<10008x64xf32, #tpu.memory_space<vmem_shared>> -> memref<104x64xf32, #tpu.memory_space<vmem_shared>>
      tpu.wait_dma2 semaphore(%run_scoped3A : memref<!tpu.dma_semaphore, #tpu.memory_space<semaphore_mem>>) src(%arg16 : memref<104x64xf32, #tpu.memory_space<vmem>>) dst(%dma_wait3A_50 : memref<104x64xf32, #tpu.memory_space<vmem_shared>>)
      tpu.yield
    }) : () -> ()
    %mul3A_2 = arith.constant 624 : i32
    %mul3A_3 = arith.muli %arg1, %mul3A_2 : i32
    %add3A_4 = arith.constant 104 : i32
    %add3A_5 = arith.addi %mul3A_3, %add3A_4 : i32
    "tpu.region"() ({
      %run_scoped3A = tpu.sem_alloc : memref<!tpu.dma_semaphore, #tpu.memory_space<semaphore_mem>>
      %dma_start3A = arith.constant 0 : i32
      %dma_start3A_45 = tpu.memref_slice %arg17[%add3A_5, %dma_start3A] : memref<10008x64xf32, #tpu.memory_space<vmem_shared>> -> memref<104x64xf32, #tpu.memory_space<vmem_shared>>
      %dma_start3A_46 = arith.constant 0 : i32
      %dma_start3A_47 = tpu.memref_slice %arg17[%add3A_5, %dma_start3A_46] : memref<10008x64xf32, #tpu.memory_space<vmem_shared>> -> memref<104x64xf32, #tpu.memory_space<vmem_shared>>
      tpu.enqueue_dma source(%arg16 : memref<104x64xf32, #tpu.memory_space<vmem>>) target(%dma_start3A_47 : memref<104x64xf32, #tpu.memory_space<vmem_shared>>) target_semaphore(%run_scoped3A : memref<!tpu.dma_semaphore, #tpu.memory_space<semaphore_mem>>)
      %dma_wait3A = arith.constant 0 : i32
      %dma_wait3A_48 = tpu.memref_slice %arg17[%add3A_5, %dma_wait3A] : memref<10008x64xf32, #tpu.memory_space<vmem_shared>> -> memref<104x64xf32, #tpu.memory_space<vmem_shared>>
      %dma_wait3A_49 = arith.constant 0 : i32
      %dma_wait3A_50 = tpu.memref_slice %arg17[%add3A_5, %dma_wait3A_49] : memref<10008x64xf32, #tpu.memory_space<vmem_shared>> -> memref<104x64xf32, #tpu.memory_space<vmem_shared>>
      tpu.wait_dma2 semaphore(%run_scoped3A : memref<!tpu.dma_semaphore, #tpu.memory_space<semaphore_mem>>) src(%arg16 : memref<104x64xf32, #tpu.memory_space<vmem>>) dst(%dma_wait3A_50 : memref<104x64xf32, #tpu.memory_space<vmem_shared>>)
      tpu.yield
    }) : () -> ()
    %mul3A_6 = arith.constant 624 : i32
    %mul3A_7 = arith.muli %arg1, %mul3A_6 : i32
    %add3A_8 = arith.constant 208 : i32
    %add3A_9 = arith.addi %mul3A_7, %add3A_8 : i32
    "tpu.region"() ({
      %run_scoped3A = tpu.sem_alloc : memref<!tpu.dma_semaphore, #tpu.memory_space<semaphore_mem>>
      %dma_start3A = arith.constant 0 : i32
      %dma_start3A_45 = tpu.memref_slice %arg17[%add3A_9, %dma_start3A] : memref<10008x64xf32, #tpu.memory_space<vmem_shared>> -> memref<104x64xf32, #tpu.memory_space<vmem_shared>>
      %dma_start3A_46 = arith.constant 0 : i32
      %dma_start3A_47 = tpu.memref_slice %arg17[%add3A_9, %dma_start3A_46] : memref<10008x64xf32, #tpu.memory_space<vmem_shared>> -> memref<104x64xf32, #tpu.memory_space<vmem_shared>>
      tpu.enqueue_dma source(%arg16 : memref<104x64xf32, #tpu.memory_space<vmem>>) target(%dma_start3A_47 : memref<104x64xf32, #tpu.memory_space<vmem_shared>>) target_semaphore(%run_scoped3A : memref<!tpu.dma_semaphore, #tpu.memory_space<semaphore_mem>>)
      %dma_wait3A = arith.constant 0 : i32
      %dma_wait3A_48 = tpu.memref_slice %arg17[%add3A_9, %dma_wait3A] : memref<10008x64xf32, #tpu.memory_space<vmem_shared>> -> memref<104x64xf32, #tpu.memory_space<vmem_shared>>
      %dma_wait3A_49 = arith.constant 0 : i32
      %dma_wait3A_50 = tpu.memref_slice %arg17[%add3A_9, %dma_wait3A_49] : memref<10008x64xf32, #tpu.memory_space<vmem_shared>> -> memref<104x64xf32, #tpu.memory_space<vmem_shared>>
      tpu.wait_dma2 semaphore(%run_scoped3A : memref<!tpu.dma_semaphore, #tpu.memory_space<semaphore_mem>>) src(%arg16 : memref<104x64xf32, #tpu.memory_space<vmem>>) dst(%dma_wait3A_50 : memref<104x64xf32, #tpu.memory_space<vmem_shared>>)
      tpu.yield
    }) : () -> ()
    %mul3A_10 = arith.constant 624 : i32
    %mul3A_11 = arith.muli %arg1, %mul3A_10 : i32
    %add3A_12 = arith.constant 312 : i32
    %add3A_13 = arith.addi %mul3A_11, %add3A_12 : i32
    "tpu.region"() ({
      %run_scoped3A = tpu.sem_alloc : memref<!tpu.dma_semaphore, #tpu.memory_space<semaphore_mem>>
      %dma_start3A = arith.constant 0 : i32
      %dma_start3A_45 = tpu.memref_slice %arg17[%add3A_13, %dma_start3A] : memref<10008x64xf32, #tpu.memory_space<vmem_shared>> -> memref<104x64xf32, #tpu.memory_space<vmem_shared>>
      %dma_start3A_46 = arith.constant 0 : i32
      %dma_start3A_47 = tpu.memref_slice %arg17[%add3A_13, %dma_start3A_46] : memref<10008x64xf32, #tpu.memory_space<vmem_shared>> -> memref<104x64xf32, #tpu.memory_space<vmem_shared>>
      tpu.enqueue_dma source(%arg16 : memref<104x64xf32, #tpu.memory_space<vmem>>) target(%dma_start3A_47 : memref<104x64xf32, #tpu.memory_space<vmem_shared>>) target_semaphore(%run_scoped3A : memref<!tpu.dma_semaphore, #tpu.memory_space<semaphore_mem>>)
      %dma_wait3A = arith.constant 0 : i32
      %dma_wait3A_48 = tpu.memref_slice %arg17[%add3A_13, %dma_wait3A] : memref<10008x64xf32, #tpu.memory_space<vmem_shared>> -> memref<104x64xf32, #tpu.memory_space<vmem_shared>>
      %dma_wait3A_49 = arith.constant 0 : i32
      %dma_wait3A_50 = tpu.memref_slice %arg17[%add3A_13, %dma_wait3A_49] : memref<10008x64xf32, #tpu.memory_space<vmem_shared>> -> memref<104x64xf32, #tpu.memory_space<vmem_shared>>
      tpu.wait_dma2 semaphore(%run_scoped3A : memref<!tpu.dma_semaphore, #tpu.memory_space<semaphore_mem>>) src(%arg16 : memref<104x64xf32, #tpu.memory_space<vmem>>) dst(%dma_wait3A_50 : memref<104x64xf32, #tpu.memory_space<vmem_shared>>)
      tpu.yield
    }) : () -> ()
    %mul3A_14 = arith.constant 624 : i32
    %mul3A_15 = arith.muli %arg1, %mul3A_14 : i32
    %add3A_16 = arith.constant 416 : i32
    %add3A_17 = arith.addi %mul3A_15, %add3A_16 : i32
    "tpu.region"() ({
      %run_scoped3A = tpu.sem_alloc : memref<!tpu.dma_semaphore, #tpu.memory_space<semaphore_mem>>
      %dma_start3A = arith.constant 0 : i32
      %dma_start3A_45 = tpu.memref_slice %arg17[%add3A_17, %dma_start3A] : memref<10008x64xf32, #tpu.memory_space<vmem_shared>> -> memref<104x64xf32, #tpu.memory_space<vmem_shared>>
      %dma_start3A_46 = arith.constant 0 : i32
      %dma_start3A_47 = tpu.memref_slice %arg17[%add3A_17, %dma_start3A_46] : memref<10008x64xf32, #tpu.memory_space<vmem_shared>> -> memref<104x64xf32, #tpu.memory_space<vmem_shared>>
      tpu.enqueue_dma source(%arg16 : memref<104x64xf32, #tpu.memory_space<vmem>>) target(%dma_start3A_47 : memref<104x64xf32, #tpu.memory_space<vmem_shared>>) target_semaphore(%run_scoped3A : memref<!tpu.dma_semaphore, #tpu.memory_space<semaphore_mem>>)
      %dma_wait3A = arith.constant 0 : i32
      %dma_wait3A_48 = tpu.memref_slice %arg17[%add3A_17, %dma_wait3A] : memref<10008x64xf32, #tpu.memory_space<vmem_shared>> -> memref<104x64xf32, #tpu.memory_space<vmem_shared>>
      %dma_wait3A_49 = arith.constant 0 : i32
      %dma_wait3A_50 = tpu.memref_slice %arg17[%add3A_17, %dma_wait3A_49] : memref<10008x64xf32, #tpu.memory_space<vmem_shared>> -> memref<104x64xf32, #tpu.memory_space<vmem_shared>>
      tpu.wait_dma2 semaphore(%run_scoped3A : memref<!tpu.dma_semaphore, #tpu.memory_space<semaphore_mem>>) src(%arg16 : memref<104x64xf32, #tpu.memory_space<vmem>>) dst(%dma_wait3A_50 : memref<104x64xf32, #tpu.memory_space<vmem_shared>>)
      tpu.yield
    }) : () -> ()
    %mul3A_18 = arith.constant 624 : i32
    %mul3A_19 = arith.muli %arg1, %mul3A_18 : i32
    %add3A_20 = arith.constant 520 : i32
    %add3A_21 = arith.addi %mul3A_19, %add3A_20 : i32
    "tpu.region"() ({
      %run_scoped3A = tpu.sem_alloc : memref<!tpu.dma_semaphore, #tpu.memory_space<semaphore_mem>>
      %dma_start3A = arith.constant 0 : i32
      %dma_start3A_45 = tpu.memref_slice %arg17[%add3A_21, %dma_start3A] : memref<10008x64xf32, #tpu.memory_space<vmem_shared>> -> memref<104x64xf32, #tpu.memory_space<vmem_shared>>
      %dma_start3A_46 = arith.constant 0 : i32
      %dma_start3A_47 = tpu.memref_slice %arg17[%add3A_21, %dma_start3A_46] : memref<10008x64xf32, #tpu.memory_space<vmem_shared>> -> memref<104x64xf32, #tpu.memory_space<vmem_shared>>
      tpu.enqueue_dma source(%arg16 : memref<104x64xf32, #tpu.memory_space<vmem>>) target(%dma_start3A_47 : memref<104x64xf32, #tpu.memory_space<vmem_shared>>) target_semaphore(%run_scoped3A : memref<!tpu.dma_semaphore, #tpu.memory_space<semaphore_mem>>)
      %dma_wait3A = arith.constant 0 : i32
      %dma_wait3A_48 = tpu.memref_slice %arg17[%add3A_21, %dma_wait3A] : memref<10008x64xf32, #tpu.memory_space<vmem_shared>> -> memref<104x64xf32, #tpu.memory_space<vmem_shared>>
      %dma_wait3A_49 = arith.constant 0 : i32
      %dma_wait3A_50 = tpu.memref_slice %arg17[%add3A_21, %dma_wait3A_49] : memref<10008x64xf32, #tpu.memory_space<vmem_shared>> -> memref<104x64xf32, #tpu.memory_space<vmem_shared>>
      tpu.wait_dma2 semaphore(%run_scoped3A : memref<!tpu.dma_semaphore, #tpu.memory_space<semaphore_mem>>) src(%arg16 : memref<104x64xf32, #tpu.memory_space<vmem>>) dst(%dma_wait3A_50 : memref<104x64xf32, #tpu.memory_space<vmem_shared>>)
      tpu.yield
    }) : () -> ()
    %eq3A = arith.constant 15 : i32
    %eq3A_22 = arith.cmpi eq, %arg1, %eq3A : i32
    %convert_element_type3A = arith.extui %eq3A_22 : i1 to i32
    %cond3A = arith.constant 0 : i32
    %cond3A_23 = arith.cmpi ne, %convert_element_type3A, %cond3A : i32
    scf.if %cond3A_23 {
      "tpu.region"() ({
        %run_scoped3A = tpu.sem_alloc : memref<!tpu.dma_semaphore, #tpu.memory_space<semaphore_mem>>
        %dma_start3A = arith.constant 0 : i32
        %dma_start3A_45 = arith.constant 0 : i32
        %dma_start3A_46 = tpu.memref_slice %arg16[%dma_start3A, %dma_start3A_45] : memref<104x64xf32, #tpu.memory_space<vmem>> -> memref<16x64xf32, #tpu.memory_space<vmem>>
        %dma_start3A_47 = arith.constant 9984 : i32
        %dma_start3A_48 = arith.constant 0 : i32
        %dma_start3A_49 = tpu.memref_slice %arg17[%dma_start3A_47, %dma_start3A_48] : memref<10008x64xf32, #tpu.memory_space<vmem_shared>> -> memref<16x64xf32, #tpu.memory_space<vmem_shared>>
        %dma_start3A_50 = arith.constant 9984 : i32
        %dma_start3A_51 = arith.constant 0 : i32
        %dma_start3A_52 = tpu.memref_slice %arg17[%dma_start3A_50, %dma_start3A_51] : memref<10008x64xf32, #tpu.memory_space<vmem_shared>> -> memref<16x64xf32, #tpu.memory_space<vmem_shared>>
        %dma_start3A_53 = arith.constant 0 : i32
        %dma_start3A_54 = arith.constant 0 : i32
        %dma_start3A_55 = tpu.memref_slice %arg16[%dma_start3A_53, %dma_start3A_54] : memref<104x64xf32, #tpu.memory_space<vmem>> -> memref<16x64xf32, #tpu.memory_space<vmem>>
        tpu.enqueue_dma source(%dma_start3A_55 : memref<16x64xf32, #tpu.memory_space<vmem>>) target(%dma_start3A_52 : memref<16x64xf32, #tpu.memory_space<vmem_shared>>) target_semaphore(%run_scoped3A : memref<!tpu.dma_semaphore, #tpu.memory_space<semaphore_mem>>)
        %dma_wait3A = arith.constant 0 : i32
        %dma_wait3A_56 = arith.constant 0 : i32
        %dma_wait3A_57 = tpu.memref_slice %arg16[%dma_wait3A, %dma_wait3A_56] : memref<104x64xf32, #tpu.memory_space<vmem>> -> memref<16x64xf32, #tpu.memory_space<vmem>>
        %dma_wait3A_58 = arith.constant 9984 : i32
        %dma_wait3A_59 = arith.constant 0 : i32
        %dma_wait3A_60 = tpu.memref_slice %arg17[%dma_wait3A_58, %dma_wait3A_59] : memref<10008x64xf32, #tpu.memory_space<vmem_shared>> -> memref<16x64xf32, #tpu.memory_space<vmem_shared>>
        %dma_wait3A_61 = arith.constant 9984 : i32
        %dma_wait3A_62 = arith.constant 0 : i32
        %dma_wait3A_63 = tpu.memref_slice %arg17[%dma_wait3A_61, %dma_wait3A_62] : memref<10008x64xf32, #tpu.memory_space<vmem_shared>> -> memref<16x64xf32, #tpu.memory_space<vmem_shared>>
        %dma_wait3A_64 = arith.constant 0 : i32
        %dma_wait3A_65 = arith.constant 0 : i32
        %dma_wait3A_66 = tpu.memref_slice %arg16[%dma_wait3A_64, %dma_wait3A_65] : memref<104x64xf32, #tpu.memory_space<vmem>> -> memref<16x64xf32, #tpu.memory_space<vmem>>
        tpu.wait_dma2 semaphore(%run_scoped3A : memref<!tpu.dma_semaphore, #tpu.memory_space<semaphore_mem>>) src(%dma_wait3A_66 : memref<16x64xf32, #tpu.memory_space<vmem>>) dst(%dma_wait3A_63 : memref<16x64xf32, #tpu.memory_space<vmem_shared>>)
        tpu.yield
      }) : () -> ()
    } else {
    }
    "tpu.region"() ({
      %run_scoped3A = tpu.sem_alloc : memref<!tpu.dma_semaphore, #tpu.memory_space<semaphore_mem>>
      %dma_start3A = arith.constant 0 : i32
      %dma_start3A_45 = arith.constant 0 : i32
      %dma_start3A_46 = tpu.memref_slice %arg4[%arg1, %dma_start3A, %dma_start3A_45] : memref<16x160x128xi32, #tpu.memory_space<hbm>> -> memref<1x160x128xi32, #tpu.memory_space<hbm>>
      %dma_start3A_47 = tpu.memref_squeeze %dma_start3A_46 : memref<1x160x128xi32, #tpu.memory_space<hbm>> -> memref<160x128xi32, #tpu.memory_space<hbm>>
      %dma_start3A_48 = arith.constant 0 : i32
      %dma_start3A_49 = arith.constant 0 : i32
      %dma_start3A_50 = tpu.memref_slice %arg4[%arg1, %dma_start3A_48, %dma_start3A_49] : memref<16x160x128xi32, #tpu.memory_space<hbm>> -> memref<1x160x128xi32, #tpu.memory_space<hbm>>
      %dma_start3A_51 = tpu.memref_squeeze %dma_start3A_50 : memref<1x160x128xi32, #tpu.memory_space<hbm>> -> memref<160x128xi32, #tpu.memory_space<hbm>>
      tpu.enqueue_dma source(%dma_start3A_51 : memref<160x128xi32, #tpu.memory_space<hbm>>) target(%arg9 : memref<160x128xi32, #tpu.memory_space<vmem>>) target_semaphore(%run_scoped3A : memref<!tpu.dma_semaphore, #tpu.memory_space<semaphore_mem>>)
      %dma_wait3A = arith.constant 0 : i32
      %dma_wait3A_52 = arith.constant 0 : i32
      %dma_wait3A_53 = tpu.memref_slice %arg4[%arg1, %dma_wait3A, %dma_wait3A_52] : memref<16x160x128xi32, #tpu.memory_space<hbm>> -> memref<1x160x128xi32, #tpu.memory_space<hbm>>
      %dma_wait3A_54 = tpu.memref_squeeze %dma_wait3A_53 : memref<1x160x128xi32, #tpu.memory_space<hbm>> -> memref<160x128xi32, #tpu.memory_space<hbm>>
      %dma_wait3A_55 = arith.constant 0 : i32
      %dma_wait3A_56 = arith.constant 0 : i32
      %dma_wait3A_57 = tpu.memref_slice %arg4[%arg1, %dma_wait3A_55, %dma_wait3A_56] : memref<16x160x128xi32, #tpu.memory_space<hbm>> -> memref<1x160x128xi32, #tpu.memory_space<hbm>>
      %dma_wait3A_58 = tpu.memref_squeeze %dma_wait3A_57 : memref<1x160x128xi32, #tpu.memory_space<hbm>> -> memref<160x128xi32, #tpu.memory_space<hbm>>
      tpu.wait_dma2 semaphore(%run_scoped3A : memref<!tpu.dma_semaphore, #tpu.memory_space<semaphore_mem>>) src(%dma_wait3A_58 : memref<160x128xi32, #tpu.memory_space<hbm>>) dst(%arg9 : memref<160x128xi32, #tpu.memory_space<vmem>>)
      tpu.yield
    }) : () -> ()
    "tpu.region"() ({
      %run_scoped3A = tpu.sem_alloc : memref<!tpu.dma_semaphore, #tpu.memory_space<semaphore_mem>>
      %dma_start3A = arith.constant 0 : i32
      %dma_start3A_45 = arith.constant 0 : i32
      %dma_start3A_46 = tpu.memref_slice %arg5[%arg1, %dma_start3A, %dma_start3A_45] : memref<16x160x128xi32, #tpu.memory_space<hbm>> -> memref<1x160x128xi32, #tpu.memory_space<hbm>>
      %dma_start3A_47 = tpu.memref_squeeze %dma_start3A_46 : memref<1x160x128xi32, #tpu.memory_space<hbm>> -> memref<160x128xi32, #tpu.memory_space<hbm>>
      %dma_start3A_48 = arith.constant 0 : i32
      %dma_start3A_49 = arith.constant 0 : i32
      %dma_start3A_50 = tpu.memref_slice %arg5[%arg1, %dma_start3A_48, %dma_start3A_49] : memref<16x160x128xi32, #tpu.memory_space<hbm>> -> memref<1x160x128xi32, #tpu.memory_space<hbm>>
      %dma_start3A_51 = tpu.memref_squeeze %dma_start3A_50 : memref<1x160x128xi32, #tpu.memory_space<hbm>> -> memref<160x128xi32, #tpu.memory_space<hbm>>
      tpu.enqueue_dma source(%dma_start3A_51 : memref<160x128xi32, #tpu.memory_space<hbm>>) target(%arg10 : memref<160x128xi32, #tpu.memory_space<vmem>>) target_semaphore(%run_scoped3A : memref<!tpu.dma_semaphore, #tpu.memory_space<semaphore_mem>>)
      %dma_wait3A = arith.constant 0 : i32
      %dma_wait3A_52 = arith.constant 0 : i32
      %dma_wait3A_53 = tpu.memref_slice %arg5[%arg1, %dma_wait3A, %dma_wait3A_52] : memref<16x160x128xi32, #tpu.memory_space<hbm>> -> memref<1x160x128xi32, #tpu.memory_space<hbm>>
      %dma_wait3A_54 = tpu.memref_squeeze %dma_wait3A_53 : memref<1x160x128xi32, #tpu.memory_space<hbm>> -> memref<160x128xi32, #tpu.memory_space<hbm>>
      %dma_wait3A_55 = arith.constant 0 : i32
      %dma_wait3A_56 = arith.constant 0 : i32
      %dma_wait3A_57 = tpu.memref_slice %arg5[%arg1, %dma_wait3A_55, %dma_wait3A_56] : memref<16x160x128xi32, #tpu.memory_space<hbm>> -> memref<1x160x128xi32, #tpu.memory_space<hbm>>
      %dma_wait3A_58 = tpu.memref_squeeze %dma_wait3A_57 : memref<1x160x128xi32, #tpu.memory_space<hbm>> -> memref<160x128xi32, #tpu.memory_space<hbm>>
      tpu.wait_dma2 semaphore(%run_scoped3A : memref<!tpu.dma_semaphore, #tpu.memory_space<semaphore_mem>>) src(%dma_wait3A_58 : memref<160x128xi32, #tpu.memory_space<hbm>>) dst(%arg10 : memref<160x128xi32, #tpu.memory_space<vmem>>)
      tpu.yield
    }) : () -> ()
    %barrier3A = arith.constant 0 : index
    tpu.barrier barrier_id(%barrier3A)
    %eq3A_24 = arith.constant 0 : i32
    "tpu.trace_stop"() : () -> ()
    %eq3A_25 = arith.cmpi eq, %arg0, %eq3A_24 : i32
    %convert_element_type3A_26 = arith.extui %eq3A_25 : i1 to i32
    %cond3A_27 = arith.constant 0 : i32
    %cond3A_28 = arith.cmpi ne, %convert_element_type3A_26, %cond3A_27 : i32
    scf.if %cond3A_28 {
      %dma_start3A = arith.constant 0 : i32
      %dma_start3A_45 = arith.constant 0 : i32
      %dma_start3A_46 = tpu.memref_slice %arg9[%dma_start3A, %dma_start3A_45] : memref<160x128xi32, #tpu.memory_space<vmem>> -> memref<1x128xi32, #tpu.memory_space<vmem>>
      %dma_start3A_47 = tpu.memref_squeeze %dma_start3A_46 : memref<1x128xi32, #tpu.memory_space<vmem>> -> memref<128xi32, #tpu.memory_space<vmem>>
      %dma_start3A_48 = arith.constant 0 : i32
      %dma_start3A_49 = arith.constant 0 : i32
      %dma_start3A_50 = tpu.memref_slice %arg2[%dma_start3A_48, %dma_start3A_49] : memref<10000x64xf32, #tpu.memory_space<hbm>> -> memref<10000x64xf32, #tpu.memory_space<hbm>>
      tpu.enqueue_indirect_dma source(%dma_start3A_50 : memref<10000x64xf32, #tpu.memory_space<hbm>>) target(%arg11 : memref<128x64xf32, #tpu.memory_space<vmem>>) offsets(%dma_start3A_47 : memref<128xi32, #tpu.memory_space<vmem>>) semaphore(%arg18 : memref<!tpu.dma_semaphore, #tpu.memory_space<semaphore_mem>>)
      %dma_start3A_51 = arith.constant 1 : i32
      %dma_start3A_52 = arith.constant 0 : i32
      %dma_start3A_53 = tpu.memref_slice %arg9[%dma_start3A_51, %dma_start3A_52] : memref<160x128xi32, #tpu.memory_space<vmem>> -> memref<1x128xi32, #tpu.memory_space<vmem>>
      %dma_start3A_54 = tpu.memref_squeeze %dma_start3A_53 : memref<1x128xi32, #tpu.memory_space<vmem>> -> memref<128xi32, #tpu.memory_space<vmem>>
      %dma_start3A_55 = arith.constant 0 : i32
      %dma_start3A_56 = arith.constant 0 : i32
      %dma_start3A_57 = tpu.memref_slice %arg2[%dma_start3A_55, %dma_start3A_56] : memref<10000x64xf32, #tpu.memory_space<hbm>> -> memref<10000x64xf32, #tpu.memory_space<hbm>>
      tpu.enqueue_indirect_dma source(%dma_start3A_57 : memref<10000x64xf32, #tpu.memory_space<hbm>>) target(%arg12 : memref<128x64xf32, #tpu.memory_space<vmem>>) offsets(%dma_start3A_54 : memref<128xi32, #tpu.memory_space<vmem>>) semaphore(%arg19 : memref<!tpu.dma_semaphore, #tpu.memory_space<semaphore_mem>>)
      %dma_start3A_58 = arith.constant 2 : i32
      %dma_start3A_59 = arith.constant 0 : i32
      %dma_start3A_60 = tpu.memref_slice %arg9[%dma_start3A_58, %dma_start3A_59] : memref<160x128xi32, #tpu.memory_space<vmem>> -> memref<1x128xi32, #tpu.memory_space<vmem>>
      %dma_start3A_61 = tpu.memref_squeeze %dma_start3A_60 : memref<1x128xi32, #tpu.memory_space<vmem>> -> memref<128xi32, #tpu.memory_space<vmem>>
      %dma_start3A_62 = arith.constant 0 : i32
      %dma_start3A_63 = arith.constant 0 : i32
      %dma_start3A_64 = tpu.memref_slice %arg2[%dma_start3A_62, %dma_start3A_63] : memref<10000x64xf32, #tpu.memory_space<hbm>> -> memref<10000x64xf32, #tpu.memory_space<hbm>>
      tpu.enqueue_indirect_dma source(%dma_start3A_64 : memref<10000x64xf32, #tpu.memory_space<hbm>>) target(%arg13 : memref<128x64xf32, #tpu.memory_space<vmem>>) offsets(%dma_start3A_61 : memref<128xi32, #tpu.memory_space<vmem>>) semaphore(%arg20 : memref<!tpu.dma_semaphore, #tpu.memory_space<semaphore_mem>>)
      %dma_start3A_65 = arith.constant 3 : i32
      %dma_start3A_66 = arith.constant 0 : i32
      %dma_start3A_67 = tpu.memref_slice %arg9[%dma_start3A_65, %dma_start3A_66] : memref<160x128xi32, #tpu.memory_space<vmem>> -> memref<1x128xi32, #tpu.memory_space<vmem>>
      %dma_start3A_68 = tpu.memref_squeeze %dma_start3A_67 : memref<1x128xi32, #tpu.memory_space<vmem>> -> memref<128xi32, #tpu.memory_space<vmem>>
      %dma_start3A_69 = arith.constant 0 : i32
      %dma_start3A_70 = arith.constant 0 : i32
      %dma_start3A_71 = tpu.memref_slice %arg2[%dma_start3A_69, %dma_start3A_70] : memref<10000x64xf32, #tpu.memory_space<hbm>> -> memref<10000x64xf32, #tpu.memory_space<hbm>>
      tpu.enqueue_indirect_dma source(%dma_start3A_71 : memref<10000x64xf32, #tpu.memory_space<hbm>>) target(%arg14 : memref<128x64xf32, #tpu.memory_space<vmem>>) offsets(%dma_start3A_68 : memref<128xi32, #tpu.memory_space<vmem>>) semaphore(%arg21 : memref<!tpu.dma_semaphore, #tpu.memory_space<semaphore_mem>>)
      %dma_start3A_72 = arith.constant 4 : i32
      %dma_start3A_73 = arith.constant 0 : i32
      %dma_start3A_74 = tpu.memref_slice %arg9[%dma_start3A_72, %dma_start3A_73] : memref<160x128xi32, #tpu.memory_space<vmem>> -> memref<1x128xi32, #tpu.memory_space<vmem>>
      %dma_start3A_75 = tpu.memref_squeeze %dma_start3A_74 : memref<1x128xi32, #tpu.memory_space<vmem>> -> memref<128xi32, #tpu.memory_space<vmem>>
      %dma_start3A_76 = arith.constant 0 : i32
      %dma_start3A_77 = arith.constant 0 : i32
      %dma_start3A_78 = tpu.memref_slice %arg2[%dma_start3A_76, %dma_start3A_77] : memref<10000x64xf32, #tpu.memory_space<hbm>> -> memref<10000x64xf32, #tpu.memory_space<hbm>>
      tpu.enqueue_indirect_dma source(%dma_start3A_78 : memref<10000x64xf32, #tpu.memory_space<hbm>>) target(%arg15 : memref<128x64xf32, #tpu.memory_space<vmem>>) offsets(%dma_start3A_75 : memref<128xi32, #tpu.memory_space<vmem>>) semaphore(%arg22 : memref<!tpu.dma_semaphore, #tpu.memory_space<semaphore_mem>>)
      "tpu.trace_start"() <{level = 10 : i32, message = "agg_loop"}> : () -> ()
      %scan3A = arith.constant 0 : i32
      %scan3A_79 = arith.constant 0 : i32
      %scan3A_80 = arith.constant 32 : i32
      %scan3A_81 = arith.addi %scan3A_79, %scan3A_80 : i32
      %scan3A_82 = arith.constant 1 : i32
      scf.for %scan3A_97 = %scan3A_79 to %scan3A_81 step %scan3A_82  : i32 {
        %mul3A_98 = arith.constant 5 : i32
        %mul3A_99 = arith.muli %scan3A_97, %mul3A_98 : i32
        %add3A_100 = arith.constant 0 : i32
        %add3A_101 = arith.addi %mul3A_99, %add3A_100 : i32
        %dma_wait3A_102 = arith.constant 0 : i32
        %dma_wait3A_103 = tpu.memref_slice %arg9[%add3A_101, %dma_wait3A_102] : memref<160x128xi32, #tpu.memory_space<vmem>> -> memref<1x128xi32, #tpu.memory_space<vmem>>
        %dma_wait3A_104 = tpu.memref_squeeze %dma_wait3A_103 : memref<1x128xi32, #tpu.memory_space<vmem>> -> memref<128xi32, #tpu.memory_space<vmem>>
        %dma_wait3A_105 = arith.constant 0 : i32
        %dma_wait3A_106 = arith.constant 0 : i32
        %dma_wait3A_107 = tpu.memref_slice %arg2[%dma_wait3A_105, %dma_wait3A_106] : memref<10000x64xf32, #tpu.memory_space<hbm>> -> memref<10000x64xf32, #tpu.memory_space<hbm>>
        tpu.wait_indirect_dma semaphore(%arg18 : memref<!tpu.dma_semaphore, #tpu.memory_space<semaphore_mem>>) src(%dma_wait3A_107 : memref<10000x64xf32, #tpu.memory_space<hbm>>) dst(%arg11 : memref<128x64xf32, #tpu.memory_space<vmem>>)
        %dma_start3A_108 = arith.constant 0 : i32
        %dma_start3A_109 = tpu.memref_slice %arg10[%add3A_101, %dma_start3A_108] : memref<160x128xi32, #tpu.memory_space<vmem>> -> memref<1x128xi32, #tpu.memory_space<vmem>>
        %dma_start3A_110 = tpu.memref_squeeze %dma_start3A_109 : memref<1x128xi32, #tpu.memory_space<vmem>> -> memref<128xi32, #tpu.memory_space<vmem>>
        %dma_start3A_111 = arith.constant 0 : i32
        %dma_start3A_112 = arith.constant 0 : i32
        %dma_start3A_113 = tpu.memref_slice %arg17[%dma_start3A_111, %dma_start3A_112] : memref<10008x64xf32, #tpu.memory_space<vmem_shared>> -> memref<10008x64xf32, #tpu.memory_space<vmem_shared>>
        tpu.enqueue_indirect_dma source(%arg11 : memref<128x64xf32, #tpu.memory_space<vmem>>) target(%dma_start3A_113 : memref<10008x64xf32, #tpu.memory_space<vmem_shared>>) offsets(%dma_start3A_110 : memref<128xi32, #tpu.memory_space<vmem>>) semaphore(%arg23 : memref<!tpu.dma_semaphore, #tpu.memory_space<semaphore_mem>>) {add = true}
        %sub3A = arith.constant 2 : i32
        %sub3A_114 = arith.subi %add3A_101, %sub3A : i32
        %ge3A = arith.constant 0 : i32
        %ge3A_115 = arith.cmpi sge, %sub3A_114, %ge3A : i32
        %convert_element_type3A_116 = arith.extui %ge3A_115 : i1 to i32
        %cond3A_117 = arith.constant 0 : i32
        %cond3A_118 = arith.cmpi ne, %convert_element_type3A_116, %cond3A_117 : i32
        scf.if %cond3A_118 {
          %dma_wait3A_211 = arith.constant 0 : i32
          %dma_wait3A_212 = tpu.memref_slice %arg10[%sub3A_114, %dma_wait3A_211] : memref<160x128xi32, #tpu.memory_space<vmem>> -> memref<1x128xi32, #tpu.memory_space<vmem>>
          %dma_wait3A_213 = tpu.memref_squeeze %dma_wait3A_212 : memref<1x128xi32, #tpu.memory_space<vmem>> -> memref<128xi32, #tpu.memory_space<vmem>>
          %dma_wait3A_214 = arith.constant 0 : i32
          %dma_wait3A_215 = arith.constant 0 : i32
          %dma_wait3A_216 = tpu.memref_slice %arg17[%dma_wait3A_214, %dma_wait3A_215] : memref<10008x64xf32, #tpu.memory_space<vmem_shared>> -> memref<10008x64xf32, #tpu.memory_space<vmem_shared>>
          tpu.wait_indirect_dma semaphore(%arg26 : memref<!tpu.dma_semaphore, #tpu.memory_space<semaphore_mem>>) src(%arg14 : memref<128x64xf32, #tpu.memory_space<vmem>>) dst(%dma_wait3A_216 : memref<10008x64xf32, #tpu.memory_space<vmem_shared>>)
          %add3A_217 = arith.constant 5 : i32
          %add3A_218 = arith.addi %sub3A_114, %add3A_217 : i32
          %lt3A = arith.constant 160 : i32
          %lt3A_219 = arith.cmpi slt, %add3A_218, %lt3A : i32
          %convert_element_type3A_220 = arith.extui %lt3A_219 : i1 to i32
          %cond3A_221 = arith.constant 0 : i32
          %cond3A_222 = arith.cmpi ne, %convert_element_type3A_220, %cond3A_221 : i32
          scf.if %cond3A_222 {
            %add3A_223 = arith.constant 5 : i32
            %add3A_224 = arith.addi %sub3A_114, %add3A_223 : i32
            %dma_start3A_225 = arith.constant 0 : i32
            %dma_start3A_226 = tpu.memref_slice %arg9[%add3A_224, %dma_start3A_225] : memref<160x128xi32, #tpu.memory_space<vmem>> -> memref<1x128xi32, #tpu.memory_space<vmem>>
            %dma_start3A_227 = tpu.memref_squeeze %dma_start3A_226 : memref<1x128xi32, #tpu.memory_space<vmem>> -> memref<128xi32, #tpu.memory_space<vmem>>
            %dma_start3A_228 = arith.constant 0 : i32
            %dma_start3A_229 = arith.constant 0 : i32
            %dma_start3A_230 = tpu.memref_slice %arg2[%dma_start3A_228, %dma_start3A_229] : memref<10000x64xf32, #tpu.memory_space<hbm>> -> memref<10000x64xf32, #tpu.memory_space<hbm>>
            tpu.enqueue_indirect_dma source(%dma_start3A_230 : memref<10000x64xf32, #tpu.memory_space<hbm>>) target(%arg14 : memref<128x64xf32, #tpu.memory_space<vmem>>) offsets(%dma_start3A_227 : memref<128xi32, #tpu.memory_space<vmem>>) semaphore(%arg21 : memref<!tpu.dma_semaphore, #tpu.memory_space<semaphore_mem>>)
          } else {
          }
        } else {
        }
        %mul3A_119 = arith.constant 5 : i32
        %mul3A_120 = arith.muli %scan3A_97, %mul3A_119 : i32
        %add3A_121 = arith.constant 1 : i32
        %add3A_122 = arith.addi %mul3A_120, %add3A_121 : i32
        %dma_wait3A_123 = arith.constant 0 : i32
        %dma_wait3A_124 = tpu.memref_slice %arg9[%add3A_122, %dma_wait3A_123] : memref<160x128xi32, #tpu.memory_space<vmem>> -> memref<1x128xi32, #tpu.memory_space<vmem>>
        %dma_wait3A_125 = tpu.memref_squeeze %dma_wait3A_124 : memref<1x128xi32, #tpu.memory_space<vmem>> -> memref<128xi32, #tpu.memory_space<vmem>>
        %dma_wait3A_126 = arith.constant 0 : i32
        %dma_wait3A_127 = arith.constant 0 : i32
        %dma_wait3A_128 = tpu.memref_slice %arg2[%dma_wait3A_126, %dma_wait3A_127] : memref<10000x64xf32, #tpu.memory_space<hbm>> -> memref<10000x64xf32, #tpu.memory_space<hbm>>
        tpu.wait_indirect_dma semaphore(%arg19 : memref<!tpu.dma_semaphore, #tpu.memory_space<semaphore_mem>>) src(%dma_wait3A_128 : memref<10000x64xf32, #tpu.memory_space<hbm>>) dst(%arg12 : memref<128x64xf32, #tpu.memory_space<vmem>>)
        %dma_start3A_129 = arith.constant 0 : i32
        %dma_start3A_130 = tpu.memref_slice %arg10[%add3A_122, %dma_start3A_129] : memref<160x128xi32, #tpu.memory_space<vmem>> -> memref<1x128xi32, #tpu.memory_space<vmem>>
        %dma_start3A_131 = tpu.memref_squeeze %dma_start3A_130 : memref<1x128xi32, #tpu.memory_space<vmem>> -> memref<128xi32, #tpu.memory_space<vmem>>
        %dma_start3A_132 = arith.constant 0 : i32
        %dma_start3A_133 = arith.constant 0 : i32
        %dma_start3A_134 = tpu.memref_slice %arg17[%dma_start3A_132, %dma_start3A_133] : memref<10008x64xf32, #tpu.memory_space<vmem_shared>> -> memref<10008x64xf32, #tpu.memory_space<vmem_shared>>
        tpu.enqueue_indirect_dma source(%arg12 : memref<128x64xf32, #tpu.memory_space<vmem>>) target(%dma_start3A_134 : memref<10008x64xf32, #tpu.memory_space<vmem_shared>>) offsets(%dma_start3A_131 : memref<128xi32, #tpu.memory_space<vmem>>) semaphore(%arg24 : memref<!tpu.dma_semaphore, #tpu.memory_space<semaphore_mem>>) {add = true}
        %sub3A_135 = arith.constant 2 : i32
        %sub3A_136 = arith.subi %add3A_122, %sub3A_135 : i32
        %ge3A_137 = arith.constant 0 : i32
        %ge3A_138 = arith.cmpi sge, %sub3A_136, %ge3A_137 : i32
        %convert_element_type3A_139 = arith.extui %ge3A_138 : i1 to i32
        %cond3A_140 = arith.constant 0 : i32
        %cond3A_141 = arith.cmpi ne, %convert_element_type3A_139, %cond3A_140 : i32
        scf.if %cond3A_141 {
          %dma_wait3A_211 = arith.constant 0 : i32
          %dma_wait3A_212 = tpu.memref_slice %arg10[%sub3A_136, %dma_wait3A_211] : memref<160x128xi32, #tpu.memory_space<vmem>> -> memref<1x128xi32, #tpu.memory_space<vmem>>
          %dma_wait3A_213 = tpu.memref_squeeze %dma_wait3A_212 : memref<1x128xi32, #tpu.memory_space<vmem>> -> memref<128xi32, #tpu.memory_space<vmem>>
          %dma_wait3A_214 = arith.constant 0 : i32
          %dma_wait3A_215 = arith.constant 0 : i32
          %dma_wait3A_216 = tpu.memref_slice %arg17[%dma_wait3A_214, %dma_wait3A_215] : memref<10008x64xf32, #tpu.memory_space<vmem_shared>> -> memref<10008x64xf32, #tpu.memory_space<vmem_shared>>
          tpu.wait_indirect_dma semaphore(%arg27 : memref<!tpu.dma_semaphore, #tpu.memory_space<semaphore_mem>>) src(%arg15 : memref<128x64xf32, #tpu.memory_space<vmem>>) dst(%dma_wait3A_216 : memref<10008x64xf32, #tpu.memory_space<vmem_shared>>)
          %add3A_217 = arith.constant 5 : i32
          %add3A_218 = arith.addi %sub3A_136, %add3A_217 : i32
          %lt3A = arith.constant 160 : i32
          %lt3A_219 = arith.cmpi slt, %add3A_218, %lt3A : i32
          %convert_element_type3A_220 = arith.extui %lt3A_219 : i1 to i32
          %cond3A_221 = arith.constant 0 : i32
          %cond3A_222 = arith.cmpi ne, %convert_element_type3A_220, %cond3A_221 : i32
          scf.if %cond3A_222 {
            %add3A_223 = arith.constant 5 : i32
            %add3A_224 = arith.addi %sub3A_136, %add3A_223 : i32
            %dma_start3A_225 = arith.constant 0 : i32
            %dma_start3A_226 = tpu.memref_slice %arg9[%add3A_224, %dma_start3A_225] : memref<160x128xi32, #tpu.memory_space<vmem>> -> memref<1x128xi32, #tpu.memory_space<vmem>>
            %dma_start3A_227 = tpu.memref_squeeze %dma_start3A_226 : memref<1x128xi32, #tpu.memory_space<vmem>> -> memref<128xi32, #tpu.memory_space<vmem>>
            %dma_start3A_228 = arith.constant 0 : i32
            %dma_start3A_229 = arith.constant 0 : i32
            %dma_start3A_230 = tpu.memref_slice %arg2[%dma_start3A_228, %dma_start3A_229] : memref<10000x64xf32, #tpu.memory_space<hbm>> -> memref<10000x64xf32, #tpu.memory_space<hbm>>
            tpu.enqueue_indirect_dma source(%dma_start3A_230 : memref<10000x64xf32, #tpu.memory_space<hbm>>) target(%arg15 : memref<128x64xf32, #tpu.memory_space<vmem>>) offsets(%dma_start3A_227 : memref<128xi32, #tpu.memory_space<vmem>>) semaphore(%arg22 : memref<!tpu.dma_semaphore, #tpu.memory_space<semaphore_mem>>)
          } else {
          }
        } else {
        }
        %mul3A_142 = arith.constant 5 : i32
        %mul3A_143 = arith.muli %scan3A_97, %mul3A_142 : i32
        %add3A_144 = arith.constant 2 : i32
        %add3A_145 = arith.addi %mul3A_143, %add3A_144 : i32
        %dma_wait3A_146 = arith.constant 0 : i32
        %dma_wait3A_147 = tpu.memref_slice %arg9[%add3A_145, %dma_wait3A_146] : memref<160x128xi32, #tpu.memory_space<vmem>> -> memref<1x128xi32, #tpu.memory_space<vmem>>
        %dma_wait3A_148 = tpu.memref_squeeze %dma_wait3A_147 : memref<1x128xi32, #tpu.memory_space<vmem>> -> memref<128xi32, #tpu.memory_space<vmem>>
        %dma_wait3A_149 = arith.constant 0 : i32
        %dma_wait3A_150 = arith.constant 0 : i32
        %dma_wait3A_151 = tpu.memref_slice %arg2[%dma_wait3A_149, %dma_wait3A_150] : memref<10000x64xf32, #tpu.memory_space<hbm>> -> memref<10000x64xf32, #tpu.memory_space<hbm>>
        tpu.wait_indirect_dma semaphore(%arg20 : memref<!tpu.dma_semaphore, #tpu.memory_space<semaphore_mem>>) src(%dma_wait3A_151 : memref<10000x64xf32, #tpu.memory_space<hbm>>) dst(%arg13 : memref<128x64xf32, #tpu.memory_space<vmem>>)
        %dma_start3A_152 = arith.constant 0 : i32
        %dma_start3A_153 = tpu.memref_slice %arg10[%add3A_145, %dma_start3A_152] : memref<160x128xi32, #tpu.memory_space<vmem>> -> memref<1x128xi32, #tpu.memory_space<vmem>>
        %dma_start3A_154 = tpu.memref_squeeze %dma_start3A_153 : memref<1x128xi32, #tpu.memory_space<vmem>> -> memref<128xi32, #tpu.memory_space<vmem>>
        %dma_start3A_155 = arith.constant 0 : i32
        %dma_start3A_156 = arith.constant 0 : i32
        %dma_start3A_157 = tpu.memref_slice %arg17[%dma_start3A_155, %dma_start3A_156] : memref<10008x64xf32, #tpu.memory_space<vmem_shared>> -> memref<10008x64xf32, #tpu.memory_space<vmem_shared>>
        tpu.enqueue_indirect_dma source(%arg13 : memref<128x64xf32, #tpu.memory_space<vmem>>) target(%dma_start3A_157 : memref<10008x64xf32, #tpu.memory_space<vmem_shared>>) offsets(%dma_start3A_154 : memref<128xi32, #tpu.memory_space<vmem>>) semaphore(%arg25 : memref<!tpu.dma_semaphore, #tpu.memory_space<semaphore_mem>>) {add = true}
        %sub3A_158 = arith.constant 2 : i32
        %sub3A_159 = arith.subi %add3A_145, %sub3A_158 : i32
        %ge3A_160 = arith.constant 0 : i32
        %ge3A_161 = arith.cmpi sge, %sub3A_159, %ge3A_160 : i32
        %convert_element_type3A_162 = arith.extui %ge3A_161 : i1 to i32
        %cond3A_163 = arith.constant 0 : i32
        %cond3A_164 = arith.cmpi ne, %convert_element_type3A_162, %cond3A_163 : i32
        scf.if %cond3A_164 {
          %dma_wait3A_211 = arith.constant 0 : i32
          %dma_wait3A_212 = tpu.memref_slice %arg10[%sub3A_159, %dma_wait3A_211] : memref<160x128xi32, #tpu.memory_space<vmem>> -> memref<1x128xi32, #tpu.memory_space<vmem>>
          %dma_wait3A_213 = tpu.memref_squeeze %dma_wait3A_212 : memref<1x128xi32, #tpu.memory_space<vmem>> -> memref<128xi32, #tpu.memory_space<vmem>>
          %dma_wait3A_214 = arith.constant 0 : i32
          %dma_wait3A_215 = arith.constant 0 : i32
          %dma_wait3A_216 = tpu.memref_slice %arg17[%dma_wait3A_214, %dma_wait3A_215] : memref<10008x64xf32, #tpu.memory_space<vmem_shared>> -> memref<10008x64xf32, #tpu.memory_space<vmem_shared>>
          tpu.wait_indirect_dma semaphore(%arg23 : memref<!tpu.dma_semaphore, #tpu.memory_space<semaphore_mem>>) src(%arg11 : memref<128x64xf32, #tpu.memory_space<vmem>>) dst(%dma_wait3A_216 : memref<10008x64xf32, #tpu.memory_space<vmem_shared>>)
          %add3A_217 = arith.constant 5 : i32
          %add3A_218 = arith.addi %sub3A_159, %add3A_217 : i32
          %lt3A = arith.constant 160 : i32
          %lt3A_219 = arith.cmpi slt, %add3A_218, %lt3A : i32
          %convert_element_type3A_220 = arith.extui %lt3A_219 : i1 to i32
          %cond3A_221 = arith.constant 0 : i32
          %cond3A_222 = arith.cmpi ne, %convert_element_type3A_220, %cond3A_221 : i32
          scf.if %cond3A_222 {
            %add3A_223 = arith.constant 5 : i32
            %add3A_224 = arith.addi %sub3A_159, %add3A_223 : i32
            %dma_start3A_225 = arith.constant 0 : i32
            %dma_start3A_226 = tpu.memref_slice %arg9[%add3A_224, %dma_start3A_225] : memref<160x128xi32, #tpu.memory_space<vmem>> -> memref<1x128xi32, #tpu.memory_space<vmem>>
            %dma_start3A_227 = tpu.memref_squeeze %dma_start3A_226 : memref<1x128xi32, #tpu.memory_space<vmem>> -> memref<128xi32, #tpu.memory_space<vmem>>
            %dma_start3A_228 = arith.constant 0 : i32
            %dma_start3A_229 = arith.constant 0 : i32
            %dma_start3A_230 = tpu.memref_slice %arg2[%dma_start3A_228, %dma_start3A_229] : memref<10000x64xf32, #tpu.memory_space<hbm>> -> memref<10000x64xf32, #tpu.memory_space<hbm>>
            tpu.enqueue_indirect_dma source(%dma_start3A_230 : memref<10000x64xf32, #tpu.memory_space<hbm>>) target(%arg11 : memref<128x64xf32, #tpu.memory_space<vmem>>) offsets(%dma_start3A_227 : memref<128xi32, #tpu.memory_space<vmem>>) semaphore(%arg18 : memref<!tpu.dma_semaphore, #tpu.memory_space<semaphore_mem>>)
          } else {
          }
        } else {
        }
        %mul3A_165 = arith.constant 5 : i32
        %mul3A_166 = arith.muli %scan3A_97, %mul3A_165 : i32
        %add3A_167 = arith.constant 3 : i32
        %add3A_168 = arith.addi %mul3A_166, %add3A_167 : i32
        %dma_wait3A_169 = arith.constant 0 : i32
        %dma_wait3A_170 = tpu.memref_slice %arg9[%add3A_168, %dma_wait3A_169] : memref<160x128xi32, #tpu.memory_space<vmem>> -> memref<1x128xi32, #tpu.memory_space<vmem>>
        %dma_wait3A_171 = tpu.memref_squeeze %dma_wait3A_170 : memref<1x128xi32, #tpu.memory_space<vmem>> -> memref<128xi32, #tpu.memory_space<vmem>>
        %dma_wait3A_172 = arith.constant 0 : i32
        %dma_wait3A_173 = arith.constant 0 : i32
        %dma_wait3A_174 = tpu.memref_slice %arg2[%dma_wait3A_172, %dma_wait3A_173] : memref<10000x64xf32, #tpu.memory_space<hbm>> -> memref<10000x64xf32, #tpu.memory_space<hbm>>
        tpu.wait_indirect_dma semaphore(%arg21 : memref<!tpu.dma_semaphore, #tpu.memory_space<semaphore_mem>>) src(%dma_wait3A_174 : memref<10000x64xf32, #tpu.memory_space<hbm>>) dst(%arg14 : memref<128x64xf32, #tpu.memory_space<vmem>>)
        %dma_start3A_175 = arith.constant 0 : i32
        %dma_start3A_176 = tpu.memref_slice %arg10[%add3A_168, %dma_start3A_175] : memref<160x128xi32, #tpu.memory_space<vmem>> -> memref<1x128xi32, #tpu.memory_space<vmem>>
        %dma_start3A_177 = tpu.memref_squeeze %dma_start3A_176 : memref<1x128xi32, #tpu.memory_space<vmem>> -> memref<128xi32, #tpu.memory_space<vmem>>
        %dma_start3A_178 = arith.constant 0 : i32
        %dma_start3A_179 = arith.constant 0 : i32
        %dma_start3A_180 = tpu.memref_slice %arg17[%dma_start3A_178, %dma_start3A_179] : memref<10008x64xf32, #tpu.memory_space<vmem_shared>> -> memref<10008x64xf32, #tpu.memory_space<vmem_shared>>
        tpu.enqueue_indirect_dma source(%arg14 : memref<128x64xf32, #tpu.memory_space<vmem>>) target(%dma_start3A_180 : memref<10008x64xf32, #tpu.memory_space<vmem_shared>>) offsets(%dma_start3A_177 : memref<128xi32, #tpu.memory_space<vmem>>) semaphore(%arg26 : memref<!tpu.dma_semaphore, #tpu.memory_space<semaphore_mem>>) {add = true}
        %sub3A_181 = arith.constant 2 : i32
        %sub3A_182 = arith.subi %add3A_168, %sub3A_181 : i32
        %ge3A_183 = arith.constant 0 : i32
        %ge3A_184 = arith.cmpi sge, %sub3A_182, %ge3A_183 : i32
        %convert_element_type3A_185 = arith.extui %ge3A_184 : i1 to i32
        %cond3A_186 = arith.constant 0 : i32
        %cond3A_187 = arith.cmpi ne, %convert_element_type3A_185, %cond3A_186 : i32
        scf.if %cond3A_187 {
          %dma_wait3A_211 = arith.constant 0 : i32
          %dma_wait3A_212 = tpu.memref_slice %arg10[%sub3A_182, %dma_wait3A_211] : memref<160x128xi32, #tpu.memory_space<vmem>> -> memref<1x128xi32, #tpu.memory_space<vmem>>
          %dma_wait3A_213 = tpu.memref_squeeze %dma_wait3A_212 : memref<1x128xi32, #tpu.memory_space<vmem>> -> memref<128xi32, #tpu.memory_space<vmem>>
          %dma_wait3A_214 = arith.constant 0 : i32
          %dma_wait3A_215 = arith.constant 0 : i32
          %dma_wait3A_216 = tpu.memref_slice %arg17[%dma_wait3A_214, %dma_wait3A_215] : memref<10008x64xf32, #tpu.memory_space<vmem_shared>> -> memref<10008x64xf32, #tpu.memory_space<vmem_shared>>
          tpu.wait_indirect_dma semaphore(%arg24 : memref<!tpu.dma_semaphore, #tpu.memory_space<semaphore_mem>>) src(%arg12 : memref<128x64xf32, #tpu.memory_space<vmem>>) dst(%dma_wait3A_216 : memref<10008x64xf32, #tpu.memory_space<vmem_shared>>)
          %add3A_217 = arith.constant 5 : i32
          %add3A_218 = arith.addi %sub3A_182, %add3A_217 : i32
          %lt3A = arith.constant 160 : i32
          %lt3A_219 = arith.cmpi slt, %add3A_218, %lt3A : i32
          %convert_element_type3A_220 = arith.extui %lt3A_219 : i1 to i32
          %cond3A_221 = arith.constant 0 : i32
          %cond3A_222 = arith.cmpi ne, %convert_element_type3A_220, %cond3A_221 : i32
          scf.if %cond3A_222 {
            %add3A_223 = arith.constant 5 : i32
            %add3A_224 = arith.addi %sub3A_182, %add3A_223 : i32
            %dma_start3A_225 = arith.constant 0 : i32
            %dma_start3A_226 = tpu.memref_slice %arg9[%add3A_224, %dma_start3A_225] : memref<160x128xi32, #tpu.memory_space<vmem>> -> memref<1x128xi32, #tpu.memory_space<vmem>>
            %dma_start3A_227 = tpu.memref_squeeze %dma_start3A_226 : memref<1x128xi32, #tpu.memory_space<vmem>> -> memref<128xi32, #tpu.memory_space<vmem>>
            %dma_start3A_228 = arith.constant 0 : i32
            %dma_start3A_229 = arith.constant 0 : i32
            %dma_start3A_230 = tpu.memref_slice %arg2[%dma_start3A_228, %dma_start3A_229] : memref<10000x64xf32, #tpu.memory_space<hbm>> -> memref<10000x64xf32, #tpu.memory_space<hbm>>
            tpu.enqueue_indirect_dma source(%dma_start3A_230 : memref<10000x64xf32, #tpu.memory_space<hbm>>) target(%arg12 : memref<128x64xf32, #tpu.memory_space<vmem>>) offsets(%dma_start3A_227 : memref<128xi32, #tpu.memory_space<vmem>>) semaphore(%arg19 : memref<!tpu.dma_semaphore, #tpu.memory_space<semaphore_mem>>)
          } else {
          }
        } else {
        }
        %mul3A_188 = arith.constant 5 : i32
        %mul3A_189 = arith.muli %scan3A_97, %mul3A_188 : i32
        %add3A_190 = arith.constant 4 : i32
        %add3A_191 = arith.addi %mul3A_189, %add3A_190 : i32
        %dma_wait3A_192 = arith.constant 0 : i32
        %dma_wait3A_193 = tpu.memref_slice %arg9[%add3A_191, %dma_wait3A_192] : memref<160x128xi32, #tpu.memory_space<vmem>> -> memref<1x128xi32, #tpu.memory_space<vmem>>
        %dma_wait3A_194 = tpu.memref_squeeze %dma_wait3A_193 : memref<1x128xi32, #tpu.memory_space<vmem>> -> memref<128xi32, #tpu.memory_space<vmem>>
        %dma_wait3A_195 = arith.constant 0 : i32
        %dma_wait3A_196 = arith.constant 0 : i32
        %dma_wait3A_197 = tpu.memref_slice %arg2[%dma_wait3A_195, %dma_wait3A_196] : memref<10000x64xf32, #tpu.memory_space<hbm>> -> memref<10000x64xf32, #tpu.memory_space<hbm>>
        tpu.wait_indirect_dma semaphore(%arg22 : memref<!tpu.dma_semaphore, #tpu.memory_space<semaphore_mem>>) src(%dma_wait3A_197 : memref<10000x64xf32, #tpu.memory_space<hbm>>) dst(%arg15 : memref<128x64xf32, #tpu.memory_space<vmem>>)
        %dma_start3A_198 = arith.constant 0 : i32
        %dma_start3A_199 = tpu.memref_slice %arg10[%add3A_191, %dma_start3A_198] : memref<160x128xi32, #tpu.memory_space<vmem>> -> memref<1x128xi32, #tpu.memory_space<vmem>>
        %dma_start3A_200 = tpu.memref_squeeze %dma_start3A_199 : memref<1x128xi32, #tpu.memory_space<vmem>> -> memref<128xi32, #tpu.memory_space<vmem>>
        %dma_start3A_201 = arith.constant 0 : i32
        %dma_start3A_202 = arith.constant 0 : i32
        %dma_start3A_203 = tpu.memref_slice %arg17[%dma_start3A_201, %dma_start3A_202] : memref<10008x64xf32, #tpu.memory_space<vmem_shared>> -> memref<10008x64xf32, #tpu.memory_space<vmem_shared>>
        tpu.enqueue_indirect_dma source(%arg15 : memref<128x64xf32, #tpu.memory_space<vmem>>) target(%dma_start3A_203 : memref<10008x64xf32, #tpu.memory_space<vmem_shared>>) offsets(%dma_start3A_200 : memref<128xi32, #tpu.memory_space<vmem>>) semaphore(%arg27 : memref<!tpu.dma_semaphore, #tpu.memory_space<semaphore_mem>>) {add = true}
        %sub3A_204 = arith.constant 2 : i32
        %sub3A_205 = arith.subi %add3A_191, %sub3A_204 : i32
        %ge3A_206 = arith.constant 0 : i32
        %ge3A_207 = arith.cmpi sge, %sub3A_205, %ge3A_206 : i32
        %convert_element_type3A_208 = arith.extui %ge3A_207 : i1 to i32
        %cond3A_209 = arith.constant 0 : i32
        %cond3A_210 = arith.cmpi ne, %convert_element_type3A_208, %cond3A_209 : i32
        scf.if %cond3A_210 {
          %dma_wait3A_211 = arith.constant 0 : i32
          %dma_wait3A_212 = tpu.memref_slice %arg10[%sub3A_205, %dma_wait3A_211] : memref<160x128xi32, #tpu.memory_space<vmem>> -> memref<1x128xi32, #tpu.memory_space<vmem>>
          %dma_wait3A_213 = tpu.memref_squeeze %dma_wait3A_212 : memref<1x128xi32, #tpu.memory_space<vmem>> -> memref<128xi32, #tpu.memory_space<vmem>>
          %dma_wait3A_214 = arith.constant 0 : i32
          %dma_wait3A_215 = arith.constant 0 : i32
          %dma_wait3A_216 = tpu.memref_slice %arg17[%dma_wait3A_214, %dma_wait3A_215] : memref<10008x64xf32, #tpu.memory_space<vmem_shared>> -> memref<10008x64xf32, #tpu.memory_space<vmem_shared>>
          tpu.wait_indirect_dma semaphore(%arg25 : memref<!tpu.dma_semaphore, #tpu.memory_space<semaphore_mem>>) src(%arg13 : memref<128x64xf32, #tpu.memory_space<vmem>>) dst(%dma_wait3A_216 : memref<10008x64xf32, #tpu.memory_space<vmem_shared>>)
          %add3A_217 = arith.constant 5 : i32
          %add3A_218 = arith.addi %sub3A_205, %add3A_217 : i32
          %lt3A = arith.constant 160 : i32
          %lt3A_219 = arith.cmpi slt, %add3A_218, %lt3A : i32
          %convert_element_type3A_220 = arith.extui %lt3A_219 : i1 to i32
          %cond3A_221 = arith.constant 0 : i32
          %cond3A_222 = arith.cmpi ne, %convert_element_type3A_220, %cond3A_221 : i32
          scf.if %cond3A_222 {
            %add3A_223 = arith.constant 5 : i32
            %add3A_224 = arith.addi %sub3A_205, %add3A_223 : i32
            %dma_start3A_225 = arith.constant 0 : i32
            %dma_start3A_226 = tpu.memref_slice %arg9[%add3A_224, %dma_start3A_225] : memref<160x128xi32, #tpu.memory_space<vmem>> -> memref<1x128xi32, #tpu.memory_space<vmem>>
            %dma_start3A_227 = tpu.memref_squeeze %dma_start3A_226 : memref<1x128xi32, #tpu.memory_space<vmem>> -> memref<128xi32, #tpu.memory_space<vmem>>
            %dma_start3A_228 = arith.constant 0 : i32
            %dma_start3A_229 = arith.constant 0 : i32
            %dma_start3A_230 = tpu.memref_slice %arg2[%dma_start3A_228, %dma_start3A_229] : memref<10000x64xf32, #tpu.memory_space<hbm>> -> memref<10000x64xf32, #tpu.memory_space<hbm>>
            tpu.enqueue_indirect_dma source(%dma_start3A_230 : memref<10000x64xf32, #tpu.memory_space<hbm>>) target(%arg13 : memref<128x64xf32, #tpu.memory_space<vmem>>) offsets(%dma_start3A_227 : memref<128xi32, #tpu.memory_space<vmem>>) semaphore(%arg20 : memref<!tpu.dma_semaphore, #tpu.memory_space<semaphore_mem>>)
          } else {
          }
        } else {
        }
      }
      %scan3A_83 = arith.constant 32 : i32
      %dma_wait3A = arith.constant 158 : i32
      %dma_wait3A_84 = arith.constant 0 : i32
      %dma_wait3A_85 = tpu.memref_slice %arg10[%dma_wait3A, %dma_wait3A_84] : memref<160x128xi32, #tpu.memory_space<vmem>> -> memref<1x128xi32, #tpu.memory_space<vmem>>
      %dma_wait3A_86 = tpu.memref_squeeze %dma_wait3A_85 : memref<1x128xi32, #tpu.memory_space<vmem>> -> memref<128xi32, #tpu.memory_space<vmem>>
      %dma_wait3A_87 = arith.constant 0 : i32
      %dma_wait3A_88 = arith.constant 0 : i32
      %dma_wait3A_89 = tpu.memref_slice %arg17[%dma_wait3A_87, %dma_wait3A_88] : memref<10008x64xf32, #tpu.memory_space<vmem_shared>> -> memref<10008x64xf32, #tpu.memory_space<vmem_shared>>
      tpu.wait_indirect_dma semaphore(%arg26 : memref<!tpu.dma_semaphore, #tpu.memory_space<semaphore_mem>>) src(%arg14 : memref<128x64xf32, #tpu.memory_space<vmem>>) dst(%dma_wait3A_89 : memref<10008x64xf32, #tpu.memory_space<vmem_shared>>)
      %dma_wait3A_90 = arith.constant 159 : i32
      %dma_wait3A_91 = arith.constant 0 : i32
      %dma_wait3A_92 = tpu.memref_slice %arg10[%dma_wait3A_90, %dma_wait3A_91] : memref<160x128xi32, #tpu.memory_space<vmem>> -> memref<1x128xi32, #tpu.memory_space<vmem>>
      %dma_wait3A_93 = tpu.memref_squeeze %dma_wait3A_92 : memref<1x128xi32, #tpu.memory_space<vmem>> -> memref<128xi32, #tpu.memory_space<vmem>>
      %dma_wait3A_94 = arith.constant 0 : i32
      %dma_wait3A_95 = arith.constant 0 : i32
      %dma_wait3A_96 = tpu.memref_slice %arg17[%dma_wait3A_94, %dma_wait3A_95] : memref<10008x64xf32, #tpu.memory_space<vmem_shared>> -> memref<10008x64xf32, #tpu.memory_space<vmem_shared>>
      tpu.wait_indirect_dma semaphore(%arg27 : memref<!tpu.dma_semaphore, #tpu.memory_space<semaphore_mem>>) src(%arg15 : memref<128x64xf32, #tpu.memory_space<vmem>>) dst(%dma_wait3A_96 : memref<10008x64xf32, #tpu.memory_space<vmem_shared>>)
      "tpu.trace_stop"() : () -> ()
    } else {
    }
    %eq3A_29 = arith.constant 1 : i32
    %eq3A_30 = arith.cmpi eq, %arg0, %eq3A_29 : i32
    %convert_element_type3A_31 = arith.extui %eq3A_30 : i1 to i32
    %cond3A_32 = arith.constant 0 : i32
    %cond3A_33 = arith.cmpi ne, %convert_element_type3A_31, %cond3A_32 : i32
    scf.if %cond3A_33 {
      %dma_start3A = arith.constant 0 : i32
      %dma_start3A_45 = arith.constant 0 : i32
      %dma_start3A_46 = tpu.memref_slice %arg9[%dma_start3A, %dma_start3A_45] : memref<160x128xi32, #tpu.memory_space<vmem>> -> memref<1x128xi32, #tpu.memory_space<vmem>>
      %dma_start3A_47 = tpu.memref_squeeze %dma_start3A_46 : memref<1x128xi32, #tpu.memory_space<vmem>> -> memref<128xi32, #tpu.memory_space<vmem>>
      %dma_start3A_48 = arith.constant 0 : i32
      %dma_start3A_49 = arith.constant 0 : i32
      %dma_start3A_50 = tpu.memref_slice %arg3[%dma_start3A_48, %dma_start3A_49] : memref<10000x64xf32, #tpu.memory_space<hbm>> -> memref<10000x64xf32, #tpu.memory_space<hbm>>
      tpu.enqueue_indirect_dma source(%dma_start3A_50 : memref<10000x64xf32, #tpu.memory_space<hbm>>) target(%arg11 : memref<128x64xf32, #tpu.memory_space<vmem>>) offsets(%dma_start3A_47 : memref<128xi32, #tpu.memory_space<vmem>>) semaphore(%arg18 : memref<!tpu.dma_semaphore, #tpu.memory_space<semaphore_mem>>)
      %dma_start3A_51 = arith.constant 1 : i32
      %dma_start3A_52 = arith.constant 0 : i32
      %dma_start3A_53 = tpu.memref_slice %arg9[%dma_start3A_51, %dma_start3A_52] : memref<160x128xi32, #tpu.memory_space<vmem>> -> memref<1x128xi32, #tpu.memory_space<vmem>>
      %dma_start3A_54 = tpu.memref_squeeze %dma_start3A_53 : memref<1x128xi32, #tpu.memory_space<vmem>> -> memref<128xi32, #tpu.memory_space<vmem>>
      %dma_start3A_55 = arith.constant 0 : i32
      %dma_start3A_56 = arith.constant 0 : i32
      %dma_start3A_57 = tpu.memref_slice %arg3[%dma_start3A_55, %dma_start3A_56] : memref<10000x64xf32, #tpu.memory_space<hbm>> -> memref<10000x64xf32, #tpu.memory_space<hbm>>
      tpu.enqueue_indirect_dma source(%dma_start3A_57 : memref<10000x64xf32, #tpu.memory_space<hbm>>) target(%arg12 : memref<128x64xf32, #tpu.memory_space<vmem>>) offsets(%dma_start3A_54 : memref<128xi32, #tpu.memory_space<vmem>>) semaphore(%arg19 : memref<!tpu.dma_semaphore, #tpu.memory_space<semaphore_mem>>)
      %dma_start3A_58 = arith.constant 2 : i32
      %dma_start3A_59 = arith.constant 0 : i32
      %dma_start3A_60 = tpu.memref_slice %arg9[%dma_start3A_58, %dma_start3A_59] : memref<160x128xi32, #tpu.memory_space<vmem>> -> memref<1x128xi32, #tpu.memory_space<vmem>>
      %dma_start3A_61 = tpu.memref_squeeze %dma_start3A_60 : memref<1x128xi32, #tpu.memory_space<vmem>> -> memref<128xi32, #tpu.memory_space<vmem>>
      %dma_start3A_62 = arith.constant 0 : i32
      %dma_start3A_63 = arith.constant 0 : i32
      %dma_start3A_64 = tpu.memref_slice %arg3[%dma_start3A_62, %dma_start3A_63] : memref<10000x64xf32, #tpu.memory_space<hbm>> -> memref<10000x64xf32, #tpu.memory_space<hbm>>
      tpu.enqueue_indirect_dma source(%dma_start3A_64 : memref<10000x64xf32, #tpu.memory_space<hbm>>) target(%arg13 : memref<128x64xf32, #tpu.memory_space<vmem>>) offsets(%dma_start3A_61 : memref<128xi32, #tpu.memory_space<vmem>>) semaphore(%arg20 : memref<!tpu.dma_semaphore, #tpu.memory_space<semaphore_mem>>)
      %dma_start3A_65 = arith.constant 3 : i32
      %dma_start3A_66 = arith.constant 0 : i32
      %dma_start3A_67 = tpu.memref_slice %arg9[%dma_start3A_65, %dma_start3A_66] : memref<160x128xi32, #tpu.memory_space<vmem>> -> memref<1x128xi32, #tpu.memory_space<vmem>>
      %dma_start3A_68 = tpu.memref_squeeze %dma_start3A_67 : memref<1x128xi32, #tpu.memory_space<vmem>> -> memref<128xi32, #tpu.memory_space<vmem>>
      %dma_start3A_69 = arith.constant 0 : i32
      %dma_start3A_70 = arith.constant 0 : i32
      %dma_start3A_71 = tpu.memref_slice %arg3[%dma_start3A_69, %dma_start3A_70] : memref<10000x64xf32, #tpu.memory_space<hbm>> -> memref<10000x64xf32, #tpu.memory_space<hbm>>
      tpu.enqueue_indirect_dma source(%dma_start3A_71 : memref<10000x64xf32, #tpu.memory_space<hbm>>) target(%arg14 : memref<128x64xf32, #tpu.memory_space<vmem>>) offsets(%dma_start3A_68 : memref<128xi32, #tpu.memory_space<vmem>>) semaphore(%arg21 : memref<!tpu.dma_semaphore, #tpu.memory_space<semaphore_mem>>)
      %dma_start3A_72 = arith.constant 4 : i32
      %dma_start3A_73 = arith.constant 0 : i32
      %dma_start3A_74 = tpu.memref_slice %arg9[%dma_start3A_72, %dma_start3A_73] : memref<160x128xi32, #tpu.memory_space<vmem>> -> memref<1x128xi32, #tpu.memory_space<vmem>>
      %dma_start3A_75 = tpu.memref_squeeze %dma_start3A_74 : memref<1x128xi32, #tpu.memory_space<vmem>> -> memref<128xi32, #tpu.memory_space<vmem>>
      %dma_start3A_76 = arith.constant 0 : i32
      %dma_start3A_77 = arith.constant 0 : i32
      %dma_start3A_78 = tpu.memref_slice %arg3[%dma_start3A_76, %dma_start3A_77] : memref<10000x64xf32, #tpu.memory_space<hbm>> -> memref<10000x64xf32, #tpu.memory_space<hbm>>
      tpu.enqueue_indirect_dma source(%dma_start3A_78 : memref<10000x64xf32, #tpu.memory_space<hbm>>) target(%arg15 : memref<128x64xf32, #tpu.memory_space<vmem>>) offsets(%dma_start3A_75 : memref<128xi32, #tpu.memory_space<vmem>>) semaphore(%arg22 : memref<!tpu.dma_semaphore, #tpu.memory_space<semaphore_mem>>)
      "tpu.trace_start"() <{level = 10 : i32, message = "agg_loop"}> : () -> ()
      %scan3A = arith.constant 0 : i32
      %scan3A_79 = arith.constant 0 : i32
      %scan3A_80 = arith.constant 32 : i32
      %scan3A_81 = arith.addi %scan3A_79, %scan3A_80 : i32
      %scan3A_82 = arith.constant 1 : i32
      scf.for %scan3A_97 = %scan3A_79 to %scan3A_81 step %scan3A_82  : i32 {
        %mul3A_98 = arith.constant 5 : i32
        %mul3A_99 = arith.muli %scan3A_97, %mul3A_98 : i32
        %add3A_100 = arith.constant 0 : i32
        %add3A_101 = arith.addi %mul3A_99, %add3A_100 : i32
        %dma_wait3A_102 = arith.constant 0 : i32
        %dma_wait3A_103 = tpu.memref_slice %arg9[%add3A_101, %dma_wait3A_102] : memref<160x128xi32, #tpu.memory_space<vmem>> -> memref<1x128xi32, #tpu.memory_space<vmem>>
        %dma_wait3A_104 = tpu.memref_squeeze %dma_wait3A_103 : memref<1x128xi32, #tpu.memory_space<vmem>> -> memref<128xi32, #tpu.memory_space<vmem>>
        %dma_wait3A_105 = arith.constant 0 : i32
        %dma_wait3A_106 = arith.constant 0 : i32
        %dma_wait3A_107 = tpu.memref_slice %arg3[%dma_wait3A_105, %dma_wait3A_106] : memref<10000x64xf32, #tpu.memory_space<hbm>> -> memref<10000x64xf32, #tpu.memory_space<hbm>>
        tpu.wait_indirect_dma semaphore(%arg18 : memref<!tpu.dma_semaphore, #tpu.memory_space<semaphore_mem>>) src(%dma_wait3A_107 : memref<10000x64xf32, #tpu.memory_space<hbm>>) dst(%arg11 : memref<128x64xf32, #tpu.memory_space<vmem>>)
        %dma_start3A_108 = arith.constant 0 : i32
        %dma_start3A_109 = tpu.memref_slice %arg10[%add3A_101, %dma_start3A_108] : memref<160x128xi32, #tpu.memory_space<vmem>> -> memref<1x128xi32, #tpu.memory_space<vmem>>
        %dma_start3A_110 = tpu.memref_squeeze %dma_start3A_109 : memref<1x128xi32, #tpu.memory_space<vmem>> -> memref<128xi32, #tpu.memory_space<vmem>>
        %dma_start3A_111 = arith.constant 0 : i32
        %dma_start3A_112 = arith.constant 0 : i32
        %dma_start3A_113 = tpu.memref_slice %arg17[%dma_start3A_111, %dma_start3A_112] : memref<10008x64xf32, #tpu.memory_space<vmem_shared>> -> memref<10008x64xf32, #tpu.memory_space<vmem_shared>>
        tpu.enqueue_indirect_dma source(%arg11 : memref<128x64xf32, #tpu.memory_space<vmem>>) target(%dma_start3A_113 : memref<10008x64xf32, #tpu.memory_space<vmem_shared>>) offsets(%dma_start3A_110 : memref<128xi32, #tpu.memory_space<vmem>>) semaphore(%arg23 : memref<!tpu.dma_semaphore, #tpu.memory_space<semaphore_mem>>) {add = true}
        %sub3A = arith.constant 2 : i32
        %sub3A_114 = arith.subi %add3A_101, %sub3A : i32
        %ge3A = arith.constant 0 : i32
        %ge3A_115 = arith.cmpi sge, %sub3A_114, %ge3A : i32
        %convert_element_type3A_116 = arith.extui %ge3A_115 : i1 to i32
        %cond3A_117 = arith.constant 0 : i32
        %cond3A_118 = arith.cmpi ne, %convert_element_type3A_116, %cond3A_117 : i32
        scf.if %cond3A_118 {
          %dma_wait3A_211 = arith.constant 0 : i32
          %dma_wait3A_212 = tpu.memref_slice %arg10[%sub3A_114, %dma_wait3A_211] : memref<160x128xi32, #tpu.memory_space<vmem>> -> memref<1x128xi32, #tpu.memory_space<vmem>>
          %dma_wait3A_213 = tpu.memref_squeeze %dma_wait3A_212 : memref<1x128xi32, #tpu.memory_space<vmem>> -> memref<128xi32, #tpu.memory_space<vmem>>
          %dma_wait3A_214 = arith.constant 0 : i32
          %dma_wait3A_215 = arith.constant 0 : i32
          %dma_wait3A_216 = tpu.memref_slice %arg17[%dma_wait3A_214, %dma_wait3A_215] : memref<10008x64xf32, #tpu.memory_space<vmem_shared>> -> memref<10008x64xf32, #tpu.memory_space<vmem_shared>>
          tpu.wait_indirect_dma semaphore(%arg26 : memref<!tpu.dma_semaphore, #tpu.memory_space<semaphore_mem>>) src(%arg14 : memref<128x64xf32, #tpu.memory_space<vmem>>) dst(%dma_wait3A_216 : memref<10008x64xf32, #tpu.memory_space<vmem_shared>>)
          %add3A_217 = arith.constant 5 : i32
          %add3A_218 = arith.addi %sub3A_114, %add3A_217 : i32
          %lt3A = arith.constant 160 : i32
          %lt3A_219 = arith.cmpi slt, %add3A_218, %lt3A : i32
          %convert_element_type3A_220 = arith.extui %lt3A_219 : i1 to i32
          %cond3A_221 = arith.constant 0 : i32
          %cond3A_222 = arith.cmpi ne, %convert_element_type3A_220, %cond3A_221 : i32
          scf.if %cond3A_222 {
            %add3A_223 = arith.constant 5 : i32
            %add3A_224 = arith.addi %sub3A_114, %add3A_223 : i32
            %dma_start3A_225 = arith.constant 0 : i32
            %dma_start3A_226 = tpu.memref_slice %arg9[%add3A_224, %dma_start3A_225] : memref<160x128xi32, #tpu.memory_space<vmem>> -> memref<1x128xi32, #tpu.memory_space<vmem>>
            %dma_start3A_227 = tpu.memref_squeeze %dma_start3A_226 : memref<1x128xi32, #tpu.memory_space<vmem>> -> memref<128xi32, #tpu.memory_space<vmem>>
            %dma_start3A_228 = arith.constant 0 : i32
            %dma_start3A_229 = arith.constant 0 : i32
            %dma_start3A_230 = tpu.memref_slice %arg3[%dma_start3A_228, %dma_start3A_229] : memref<10000x64xf32, #tpu.memory_space<hbm>> -> memref<10000x64xf32, #tpu.memory_space<hbm>>
            tpu.enqueue_indirect_dma source(%dma_start3A_230 : memref<10000x64xf32, #tpu.memory_space<hbm>>) target(%arg14 : memref<128x64xf32, #tpu.memory_space<vmem>>) offsets(%dma_start3A_227 : memref<128xi32, #tpu.memory_space<vmem>>) semaphore(%arg21 : memref<!tpu.dma_semaphore, #tpu.memory_space<semaphore_mem>>)
          } else {
          }
        } else {
        }
        %mul3A_119 = arith.constant 5 : i32
        %mul3A_120 = arith.muli %scan3A_97, %mul3A_119 : i32
        %add3A_121 = arith.constant 1 : i32
        %add3A_122 = arith.addi %mul3A_120, %add3A_121 : i32
        %dma_wait3A_123 = arith.constant 0 : i32
        %dma_wait3A_124 = tpu.memref_slice %arg9[%add3A_122, %dma_wait3A_123] : memref<160x128xi32, #tpu.memory_space<vmem>> -> memref<1x128xi32, #tpu.memory_space<vmem>>
        %dma_wait3A_125 = tpu.memref_squeeze %dma_wait3A_124 : memref<1x128xi32, #tpu.memory_space<vmem>> -> memref<128xi32, #tpu.memory_space<vmem>>
        %dma_wait3A_126 = arith.constant 0 : i32
        %dma_wait3A_127 = arith.constant 0 : i32
        %dma_wait3A_128 = tpu.memref_slice %arg3[%dma_wait3A_126, %dma_wait3A_127] : memref<10000x64xf32, #tpu.memory_space<hbm>> -> memref<10000x64xf32, #tpu.memory_space<hbm>>
        tpu.wait_indirect_dma semaphore(%arg19 : memref<!tpu.dma_semaphore, #tpu.memory_space<semaphore_mem>>) src(%dma_wait3A_128 : memref<10000x64xf32, #tpu.memory_space<hbm>>) dst(%arg12 : memref<128x64xf32, #tpu.memory_space<vmem>>)
        %dma_start3A_129 = arith.constant 0 : i32
        %dma_start3A_130 = tpu.memref_slice %arg10[%add3A_122, %dma_start3A_129] : memref<160x128xi32, #tpu.memory_space<vmem>> -> memref<1x128xi32, #tpu.memory_space<vmem>>
        %dma_start3A_131 = tpu.memref_squeeze %dma_start3A_130 : memref<1x128xi32, #tpu.memory_space<vmem>> -> memref<128xi32, #tpu.memory_space<vmem>>
        %dma_start3A_132 = arith.constant 0 : i32
        %dma_start3A_133 = arith.constant 0 : i32
        %dma_start3A_134 = tpu.memref_slice %arg17[%dma_start3A_132, %dma_start3A_133] : memref<10008x64xf32, #tpu.memory_space<vmem_shared>> -> memref<10008x64xf32, #tpu.memory_space<vmem_shared>>
        tpu.enqueue_indirect_dma source(%arg12 : memref<128x64xf32, #tpu.memory_space<vmem>>) target(%dma_start3A_134 : memref<10008x64xf32, #tpu.memory_space<vmem_shared>>) offsets(%dma_start3A_131 : memref<128xi32, #tpu.memory_space<vmem>>) semaphore(%arg24 : memref<!tpu.dma_semaphore, #tpu.memory_space<semaphore_mem>>) {add = true}
        %sub3A_135 = arith.constant 2 : i32
        %sub3A_136 = arith.subi %add3A_122, %sub3A_135 : i32
        %ge3A_137 = arith.constant 0 : i32
        %ge3A_138 = arith.cmpi sge, %sub3A_136, %ge3A_137 : i32
        %convert_element_type3A_139 = arith.extui %ge3A_138 : i1 to i32
        %cond3A_140 = arith.constant 0 : i32
        %cond3A_141 = arith.cmpi ne, %convert_element_type3A_139, %cond3A_140 : i32
        scf.if %cond3A_141 {
          %dma_wait3A_211 = arith.constant 0 : i32
          %dma_wait3A_212 = tpu.memref_slice %arg10[%sub3A_136, %dma_wait3A_211] : memref<160x128xi32, #tpu.memory_space<vmem>> -> memref<1x128xi32, #tpu.memory_space<vmem>>
          %dma_wait3A_213 = tpu.memref_squeeze %dma_wait3A_212 : memref<1x128xi32, #tpu.memory_space<vmem>> -> memref<128xi32, #tpu.memory_space<vmem>>
          %dma_wait3A_214 = arith.constant 0 : i32
          %dma_wait3A_215 = arith.constant 0 : i32
          %dma_wait3A_216 = tpu.memref_slice %arg17[%dma_wait3A_214, %dma_wait3A_215] : memref<10008x64xf32, #tpu.memory_space<vmem_shared>> -> memref<10008x64xf32, #tpu.memory_space<vmem_shared>>
          tpu.wait_indirect_dma semaphore(%arg27 : memref<!tpu.dma_semaphore, #tpu.memory_space<semaphore_mem>>) src(%arg15 : memref<128x64xf32, #tpu.memory_space<vmem>>) dst(%dma_wait3A_216 : memref<10008x64xf32, #tpu.memory_space<vmem_shared>>)
          %add3A_217 = arith.constant 5 : i32
          %add3A_218 = arith.addi %sub3A_136, %add3A_217 : i32
          %lt3A = arith.constant 160 : i32
          %lt3A_219 = arith.cmpi slt, %add3A_218, %lt3A : i32
          %convert_element_type3A_220 = arith.extui %lt3A_219 : i1 to i32
          %cond3A_221 = arith.constant 0 : i32
          %cond3A_222 = arith.cmpi ne, %convert_element_type3A_220, %cond3A_221 : i32
          scf.if %cond3A_222 {
            %add3A_223 = arith.constant 5 : i32
            %add3A_224 = arith.addi %sub3A_136, %add3A_223 : i32
            %dma_start3A_225 = arith.constant 0 : i32
            %dma_start3A_226 = tpu.memref_slice %arg9[%add3A_224, %dma_start3A_225] : memref<160x128xi32, #tpu.memory_space<vmem>> -> memref<1x128xi32, #tpu.memory_space<vmem>>
            %dma_start3A_227 = tpu.memref_squeeze %dma_start3A_226 : memref<1x128xi32, #tpu.memory_space<vmem>> -> memref<128xi32, #tpu.memory_space<vmem>>
            %dma_start3A_228 = arith.constant 0 : i32
            %dma_start3A_229 = arith.constant 0 : i32
            %dma_start3A_230 = tpu.memref_slice %arg3[%dma_start3A_228, %dma_start3A_229] : memref<10000x64xf32, #tpu.memory_space<hbm>> -> memref<10000x64xf32, #tpu.memory_space<hbm>>
            tpu.enqueue_indirect_dma source(%dma_start3A_230 : memref<10000x64xf32, #tpu.memory_space<hbm>>) target(%arg15 : memref<128x64xf32, #tpu.memory_space<vmem>>) offsets(%dma_start3A_227 : memref<128xi32, #tpu.memory_space<vmem>>) semaphore(%arg22 : memref<!tpu.dma_semaphore, #tpu.memory_space<semaphore_mem>>)
          } else {
          }
        } else {
        }
        %mul3A_142 = arith.constant 5 : i32
        %mul3A_143 = arith.muli %scan3A_97, %mul3A_142 : i32
        %add3A_144 = arith.constant 2 : i32
        %add3A_145 = arith.addi %mul3A_143, %add3A_144 : i32
        %dma_wait3A_146 = arith.constant 0 : i32
        %dma_wait3A_147 = tpu.memref_slice %arg9[%add3A_145, %dma_wait3A_146] : memref<160x128xi32, #tpu.memory_space<vmem>> -> memref<1x128xi32, #tpu.memory_space<vmem>>
        %dma_wait3A_148 = tpu.memref_squeeze %dma_wait3A_147 : memref<1x128xi32, #tpu.memory_space<vmem>> -> memref<128xi32, #tpu.memory_space<vmem>>
        %dma_wait3A_149 = arith.constant 0 : i32
        %dma_wait3A_150 = arith.constant 0 : i32
        %dma_wait3A_151 = tpu.memref_slice %arg3[%dma_wait3A_149, %dma_wait3A_150] : memref<10000x64xf32, #tpu.memory_space<hbm>> -> memref<10000x64xf32, #tpu.memory_space<hbm>>
        tpu.wait_indirect_dma semaphore(%arg20 : memref<!tpu.dma_semaphore, #tpu.memory_space<semaphore_mem>>) src(%dma_wait3A_151 : memref<10000x64xf32, #tpu.memory_space<hbm>>) dst(%arg13 : memref<128x64xf32, #tpu.memory_space<vmem>>)
        %dma_start3A_152 = arith.constant 0 : i32
        %dma_start3A_153 = tpu.memref_slice %arg10[%add3A_145, %dma_start3A_152] : memref<160x128xi32, #tpu.memory_space<vmem>> -> memref<1x128xi32, #tpu.memory_space<vmem>>
        %dma_start3A_154 = tpu.memref_squeeze %dma_start3A_153 : memref<1x128xi32, #tpu.memory_space<vmem>> -> memref<128xi32, #tpu.memory_space<vmem>>
        %dma_start3A_155 = arith.constant 0 : i32
        %dma_start3A_156 = arith.constant 0 : i32
        %dma_start3A_157 = tpu.memref_slice %arg17[%dma_start3A_155, %dma_start3A_156] : memref<10008x64xf32, #tpu.memory_space<vmem_shared>> -> memref<10008x64xf32, #tpu.memory_space<vmem_shared>>
        tpu.enqueue_indirect_dma source(%arg13 : memref<128x64xf32, #tpu.memory_space<vmem>>) target(%dma_start3A_157 : memref<10008x64xf32, #tpu.memory_space<vmem_shared>>) offsets(%dma_start3A_154 : memref<128xi32, #tpu.memory_space<vmem>>) semaphore(%arg25 : memref<!tpu.dma_semaphore, #tpu.memory_space<semaphore_mem>>) {add = true}
        %sub3A_158 = arith.constant 2 : i32
        %sub3A_159 = arith.subi %add3A_145, %sub3A_158 : i32
        %ge3A_160 = arith.constant 0 : i32
        %ge3A_161 = arith.cmpi sge, %sub3A_159, %ge3A_160 : i32
        %convert_element_type3A_162 = arith.extui %ge3A_161 : i1 to i32
        %cond3A_163 = arith.constant 0 : i32
        %cond3A_164 = arith.cmpi ne, %convert_element_type3A_162, %cond3A_163 : i32
        scf.if %cond3A_164 {
          %dma_wait3A_211 = arith.constant 0 : i32
          %dma_wait3A_212 = tpu.memref_slice %arg10[%sub3A_159, %dma_wait3A_211] : memref<160x128xi32, #tpu.memory_space<vmem>> -> memref<1x128xi32, #tpu.memory_space<vmem>>
          %dma_wait3A_213 = tpu.memref_squeeze %dma_wait3A_212 : memref<1x128xi32, #tpu.memory_space<vmem>> -> memref<128xi32, #tpu.memory_space<vmem>>
          %dma_wait3A_214 = arith.constant 0 : i32
          %dma_wait3A_215 = arith.constant 0 : i32
          %dma_wait3A_216 = tpu.memref_slice %arg17[%dma_wait3A_214, %dma_wait3A_215] : memref<10008x64xf32, #tpu.memory_space<vmem_shared>> -> memref<10008x64xf32, #tpu.memory_space<vmem_shared>>
          tpu.wait_indirect_dma semaphore(%arg23 : memref<!tpu.dma_semaphore, #tpu.memory_space<semaphore_mem>>) src(%arg11 : memref<128x64xf32, #tpu.memory_space<vmem>>) dst(%dma_wait3A_216 : memref<10008x64xf32, #tpu.memory_space<vmem_shared>>)
          %add3A_217 = arith.constant 5 : i32
          %add3A_218 = arith.addi %sub3A_159, %add3A_217 : i32
          %lt3A = arith.constant 160 : i32
          %lt3A_219 = arith.cmpi slt, %add3A_218, %lt3A : i32
          %convert_element_type3A_220 = arith.extui %lt3A_219 : i1 to i32
          %cond3A_221 = arith.constant 0 : i32
          %cond3A_222 = arith.cmpi ne, %convert_element_type3A_220, %cond3A_221 : i32
          scf.if %cond3A_222 {
            %add3A_223 = arith.constant 5 : i32
            %add3A_224 = arith.addi %sub3A_159, %add3A_223 : i32
            %dma_start3A_225 = arith.constant 0 : i32
            %dma_start3A_226 = tpu.memref_slice %arg9[%add3A_224, %dma_start3A_225] : memref<160x128xi32, #tpu.memory_space<vmem>> -> memref<1x128xi32, #tpu.memory_space<vmem>>
            %dma_start3A_227 = tpu.memref_squeeze %dma_start3A_226 : memref<1x128xi32, #tpu.memory_space<vmem>> -> memref<128xi32, #tpu.memory_space<vmem>>
            %dma_start3A_228 = arith.constant 0 : i32
            %dma_start3A_229 = arith.constant 0 : i32
            %dma_start3A_230 = tpu.memref_slice %arg3[%dma_start3A_228, %dma_start3A_229] : memref<10000x64xf32, #tpu.memory_space<hbm>> -> memref<10000x64xf32, #tpu.memory_space<hbm>>
            tpu.enqueue_indirect_dma source(%dma_start3A_230 : memref<10000x64xf32, #tpu.memory_space<hbm>>) target(%arg11 : memref<128x64xf32, #tpu.memory_space<vmem>>) offsets(%dma_start3A_227 : memref<128xi32, #tpu.memory_space<vmem>>) semaphore(%arg18 : memref<!tpu.dma_semaphore, #tpu.memory_space<semaphore_mem>>)
          } else {
          }
        } else {
        }
        %mul3A_165 = arith.constant 5 : i32
        %mul3A_166 = arith.muli %scan3A_97, %mul3A_165 : i32
        %add3A_167 = arith.constant 3 : i32
        %add3A_168 = arith.addi %mul3A_166, %add3A_167 : i32
        %dma_wait3A_169 = arith.constant 0 : i32
        %dma_wait3A_170 = tpu.memref_slice %arg9[%add3A_168, %dma_wait3A_169] : memref<160x128xi32, #tpu.memory_space<vmem>> -> memref<1x128xi32, #tpu.memory_space<vmem>>
        %dma_wait3A_171 = tpu.memref_squeeze %dma_wait3A_170 : memref<1x128xi32, #tpu.memory_space<vmem>> -> memref<128xi32, #tpu.memory_space<vmem>>
        %dma_wait3A_172 = arith.constant 0 : i32
        %dma_wait3A_173 = arith.constant 0 : i32
        %dma_wait3A_174 = tpu.memref_slice %arg3[%dma_wait3A_172, %dma_wait3A_173] : memref<10000x64xf32, #tpu.memory_space<hbm>> -> memref<10000x64xf32, #tpu.memory_space<hbm>>
        tpu.wait_indirect_dma semaphore(%arg21 : memref<!tpu.dma_semaphore, #tpu.memory_space<semaphore_mem>>) src(%dma_wait3A_174 : memref<10000x64xf32, #tpu.memory_space<hbm>>) dst(%arg14 : memref<128x64xf32, #tpu.memory_space<vmem>>)
        %dma_start3A_175 = arith.constant 0 : i32
        %dma_start3A_176 = tpu.memref_slice %arg10[%add3A_168, %dma_start3A_175] : memref<160x128xi32, #tpu.memory_space<vmem>> -> memref<1x128xi32, #tpu.memory_space<vmem>>
        %dma_start3A_177 = tpu.memref_squeeze %dma_start3A_176 : memref<1x128xi32, #tpu.memory_space<vmem>> -> memref<128xi32, #tpu.memory_space<vmem>>
        %dma_start3A_178 = arith.constant 0 : i32
        %dma_start3A_179 = arith.constant 0 : i32
        %dma_start3A_180 = tpu.memref_slice %arg17[%dma_start3A_178, %dma_start3A_179] : memref<10008x64xf32, #tpu.memory_space<vmem_shared>> -> memref<10008x64xf32, #tpu.memory_space<vmem_shared>>
        tpu.enqueue_indirect_dma source(%arg14 : memref<128x64xf32, #tpu.memory_space<vmem>>) target(%dma_start3A_180 : memref<10008x64xf32, #tpu.memory_space<vmem_shared>>) offsets(%dma_start3A_177 : memref<128xi32, #tpu.memory_space<vmem>>) semaphore(%arg26 : memref<!tpu.dma_semaphore, #tpu.memory_space<semaphore_mem>>) {add = true}
        %sub3A_181 = arith.constant 2 : i32
        %sub3A_182 = arith.subi %add3A_168, %sub3A_181 : i32
        %ge3A_183 = arith.constant 0 : i32
        %ge3A_184 = arith.cmpi sge, %sub3A_182, %ge3A_183 : i32
        %convert_element_type3A_185 = arith.extui %ge3A_184 : i1 to i32
        %cond3A_186 = arith.constant 0 : i32
        %cond3A_187 = arith.cmpi ne, %convert_element_type3A_185, %cond3A_186 : i32
        scf.if %cond3A_187 {
          %dma_wait3A_211 = arith.constant 0 : i32
          %dma_wait3A_212 = tpu.memref_slice %arg10[%sub3A_182, %dma_wait3A_211] : memref<160x128xi32, #tpu.memory_space<vmem>> -> memref<1x128xi32, #tpu.memory_space<vmem>>
          %dma_wait3A_213 = tpu.memref_squeeze %dma_wait3A_212 : memref<1x128xi32, #tpu.memory_space<vmem>> -> memref<128xi32, #tpu.memory_space<vmem>>
          %dma_wait3A_214 = arith.constant 0 : i32
          %dma_wait3A_215 = arith.constant 0 : i32
          %dma_wait3A_216 = tpu.memref_slice %arg17[%dma_wait3A_214, %dma_wait3A_215] : memref<10008x64xf32, #tpu.memory_space<vmem_shared>> -> memref<10008x64xf32, #tpu.memory_space<vmem_shared>>
          tpu.wait_indirect_dma semaphore(%arg24 : memref<!tpu.dma_semaphore, #tpu.memory_space<semaphore_mem>>) src(%arg12 : memref<128x64xf32, #tpu.memory_space<vmem>>) dst(%dma_wait3A_216 : memref<10008x64xf32, #tpu.memory_space<vmem_shared>>)
          %add3A_217 = arith.constant 5 : i32
          %add3A_218 = arith.addi %sub3A_182, %add3A_217 : i32
          %lt3A = arith.constant 160 : i32
          %lt3A_219 = arith.cmpi slt, %add3A_218, %lt3A : i32
          %convert_element_type3A_220 = arith.extui %lt3A_219 : i1 to i32
          %cond3A_221 = arith.constant 0 : i32
          %cond3A_222 = arith.cmpi ne, %convert_element_type3A_220, %cond3A_221 : i32
          scf.if %cond3A_222 {
            %add3A_223 = arith.constant 5 : i32
            %add3A_224 = arith.addi %sub3A_182, %add3A_223 : i32
            %dma_start3A_225 = arith.constant 0 : i32
            %dma_start3A_226 = tpu.memref_slice %arg9[%add3A_224, %dma_start3A_225] : memref<160x128xi32, #tpu.memory_space<vmem>> -> memref<1x128xi32, #tpu.memory_space<vmem>>
            %dma_start3A_227 = tpu.memref_squeeze %dma_start3A_226 : memref<1x128xi32, #tpu.memory_space<vmem>> -> memref<128xi32, #tpu.memory_space<vmem>>
            %dma_start3A_228 = arith.constant 0 : i32
            %dma_start3A_229 = arith.constant 0 : i32
            %dma_start3A_230 = tpu.memref_slice %arg3[%dma_start3A_228, %dma_start3A_229] : memref<10000x64xf32, #tpu.memory_space<hbm>> -> memref<10000x64xf32, #tpu.memory_space<hbm>>
            tpu.enqueue_indirect_dma source(%dma_start3A_230 : memref<10000x64xf32, #tpu.memory_space<hbm>>) target(%arg12 : memref<128x64xf32, #tpu.memory_space<vmem>>) offsets(%dma_start3A_227 : memref<128xi32, #tpu.memory_space<vmem>>) semaphore(%arg19 : memref<!tpu.dma_semaphore, #tpu.memory_space<semaphore_mem>>)
          } else {
          }
        } else {
        }
        %mul3A_188 = arith.constant 5 : i32
        %mul3A_189 = arith.muli %scan3A_97, %mul3A_188 : i32
        %add3A_190 = arith.constant 4 : i32
        %add3A_191 = arith.addi %mul3A_189, %add3A_190 : i32
        %dma_wait3A_192 = arith.constant 0 : i32
        %dma_wait3A_193 = tpu.memref_slice %arg9[%add3A_191, %dma_wait3A_192] : memref<160x128xi32, #tpu.memory_space<vmem>> -> memref<1x128xi32, #tpu.memory_space<vmem>>
        %dma_wait3A_194 = tpu.memref_squeeze %dma_wait3A_193 : memref<1x128xi32, #tpu.memory_space<vmem>> -> memref<128xi32, #tpu.memory_space<vmem>>
        %dma_wait3A_195 = arith.constant 0 : i32
        %dma_wait3A_196 = arith.constant 0 : i32
        %dma_wait3A_197 = tpu.memref_slice %arg3[%dma_wait3A_195, %dma_wait3A_196] : memref<10000x64xf32, #tpu.memory_space<hbm>> -> memref<10000x64xf32, #tpu.memory_space<hbm>>
        tpu.wait_indirect_dma semaphore(%arg22 : memref<!tpu.dma_semaphore, #tpu.memory_space<semaphore_mem>>) src(%dma_wait3A_197 : memref<10000x64xf32, #tpu.memory_space<hbm>>) dst(%arg15 : memref<128x64xf32, #tpu.memory_space<vmem>>)
        %dma_start3A_198 = arith.constant 0 : i32
        %dma_start3A_199 = tpu.memref_slice %arg10[%add3A_191, %dma_start3A_198] : memref<160x128xi32, #tpu.memory_space<vmem>> -> memref<1x128xi32, #tpu.memory_space<vmem>>
        %dma_start3A_200 = tpu.memref_squeeze %dma_start3A_199 : memref<1x128xi32, #tpu.memory_space<vmem>> -> memref<128xi32, #tpu.memory_space<vmem>>
        %dma_start3A_201 = arith.constant 0 : i32
        %dma_start3A_202 = arith.constant 0 : i32
        %dma_start3A_203 = tpu.memref_slice %arg17[%dma_start3A_201, %dma_start3A_202] : memref<10008x64xf32, #tpu.memory_space<vmem_shared>> -> memref<10008x64xf32, #tpu.memory_space<vmem_shared>>
        tpu.enqueue_indirect_dma source(%arg15 : memref<128x64xf32, #tpu.memory_space<vmem>>) target(%dma_start3A_203 : memref<10008x64xf32, #tpu.memory_space<vmem_shared>>) offsets(%dma_start3A_200 : memref<128xi32, #tpu.memory_space<vmem>>) semaphore(%arg27 : memref<!tpu.dma_semaphore, #tpu.memory_space<semaphore_mem>>) {add = true}
        %sub3A_204 = arith.constant 2 : i32
        %sub3A_205 = arith.subi %add3A_191, %sub3A_204 : i32
        %ge3A_206 = arith.constant 0 : i32
        %ge3A_207 = arith.cmpi sge, %sub3A_205, %ge3A_206 : i32
        %convert_element_type3A_208 = arith.extui %ge3A_207 : i1 to i32
        %cond3A_209 = arith.constant 0 : i32
        %cond3A_210 = arith.cmpi ne, %convert_element_type3A_208, %cond3A_209 : i32
        scf.if %cond3A_210 {
          %dma_wait3A_211 = arith.constant 0 : i32
          %dma_wait3A_212 = tpu.memref_slice %arg10[%sub3A_205, %dma_wait3A_211] : memref<160x128xi32, #tpu.memory_space<vmem>> -> memref<1x128xi32, #tpu.memory_space<vmem>>
          %dma_wait3A_213 = tpu.memref_squeeze %dma_wait3A_212 : memref<1x128xi32, #tpu.memory_space<vmem>> -> memref<128xi32, #tpu.memory_space<vmem>>
          %dma_wait3A_214 = arith.constant 0 : i32
          %dma_wait3A_215 = arith.constant 0 : i32
          %dma_wait3A_216 = tpu.memref_slice %arg17[%dma_wait3A_214, %dma_wait3A_215] : memref<10008x64xf32, #tpu.memory_space<vmem_shared>> -> memref<10008x64xf32, #tpu.memory_space<vmem_shared>>
          tpu.wait_indirect_dma semaphore(%arg25 : memref<!tpu.dma_semaphore, #tpu.memory_space<semaphore_mem>>) src(%arg13 : memref<128x64xf32, #tpu.memory_space<vmem>>) dst(%dma_wait3A_216 : memref<10008x64xf32, #tpu.memory_space<vmem_shared>>)
          %add3A_217 = arith.constant 5 : i32
          %add3A_218 = arith.addi %sub3A_205, %add3A_217 : i32
          %lt3A = arith.constant 160 : i32
          %lt3A_219 = arith.cmpi slt, %add3A_218, %lt3A : i32
          %convert_element_type3A_220 = arith.extui %lt3A_219 : i1 to i32
          %cond3A_221 = arith.constant 0 : i32
          %cond3A_222 = arith.cmpi ne, %convert_element_type3A_220, %cond3A_221 : i32
          scf.if %cond3A_222 {
            %add3A_223 = arith.constant 5 : i32
            %add3A_224 = arith.addi %sub3A_205, %add3A_223 : i32
            %dma_start3A_225 = arith.constant 0 : i32
            %dma_start3A_226 = tpu.memref_slice %arg9[%add3A_224, %dma_start3A_225] : memref<160x128xi32, #tpu.memory_space<vmem>> -> memref<1x128xi32, #tpu.memory_space<vmem>>
            %dma_start3A_227 = tpu.memref_squeeze %dma_start3A_226 : memref<1x128xi32, #tpu.memory_space<vmem>> -> memref<128xi32, #tpu.memory_space<vmem>>
            %dma_start3A_228 = arith.constant 0 : i32
            %dma_start3A_229 = arith.constant 0 : i32
            %dma_start3A_230 = tpu.memref_slice %arg3[%dma_start3A_228, %dma_start3A_229] : memref<10000x64xf32, #tpu.memory_space<hbm>> -> memref<10000x64xf32, #tpu.memory_space<hbm>>
            tpu.enqueue_indirect_dma source(%dma_start3A_230 : memref<10000x64xf32, #tpu.memory_space<hbm>>) target(%arg13 : memref<128x64xf32, #tpu.memory_space<vmem>>) offsets(%dma_start3A_227 : memref<128xi32, #tpu.memory_space<vmem>>) semaphore(%arg20 : memref<!tpu.dma_semaphore, #tpu.memory_space<semaphore_mem>>)
          } else {
          }
        } else {
        }
      }
      %scan3A_83 = arith.constant 32 : i32
      %dma_wait3A = arith.constant 158 : i32
      %dma_wait3A_84 = arith.constant 0 : i32
      %dma_wait3A_85 = tpu.memref_slice %arg10[%dma_wait3A, %dma_wait3A_84] : memref<160x128xi32, #tpu.memory_space<vmem>> -> memref<1x128xi32, #tpu.memory_space<vmem>>
      %dma_wait3A_86 = tpu.memref_squeeze %dma_wait3A_85 : memref<1x128xi32, #tpu.memory_space<vmem>> -> memref<128xi32, #tpu.memory_space<vmem>>
      %dma_wait3A_87 = arith.constant 0 : i32
      %dma_wait3A_88 = arith.constant 0 : i32
      %dma_wait3A_89 = tpu.memref_slice %arg17[%dma_wait3A_87, %dma_wait3A_88] : memref<10008x64xf32, #tpu.memory_space<vmem_shared>> -> memref<10008x64xf32, #tpu.memory_space<vmem_shared>>
      tpu.wait_indirect_dma semaphore(%arg26 : memref<!tpu.dma_semaphore, #tpu.memory_space<semaphore_mem>>) src(%arg14 : memref<128x64xf32, #tpu.memory_space<vmem>>) dst(%dma_wait3A_89 : memref<10008x64xf32, #tpu.memory_space<vmem_shared>>)
      %dma_wait3A_90 = arith.constant 159 : i32
      %dma_wait3A_91 = arith.constant 0 : i32
      %dma_wait3A_92 = tpu.memref_slice %arg10[%dma_wait3A_90, %dma_wait3A_91] : memref<160x128xi32, #tpu.memory_space<vmem>> -> memref<1x128xi32, #tpu.memory_space<vmem>>
      %dma_wait3A_93 = tpu.memref_squeeze %dma_wait3A_92 : memref<1x128xi32, #tpu.memory_space<vmem>> -> memref<128xi32, #tpu.memory_space<vmem>>
      %dma_wait3A_94 = arith.constant 0 : i32
      %dma_wait3A_95 = arith.constant 0 : i32
      %dma_wait3A_96 = tpu.memref_slice %arg17[%dma_wait3A_94, %dma_wait3A_95] : memref<10008x64xf32, #tpu.memory_space<vmem_shared>> -> memref<10008x64xf32, #tpu.memory_space<vmem_shared>>
      tpu.wait_indirect_dma semaphore(%arg27 : memref<!tpu.dma_semaphore, #tpu.memory_space<semaphore_mem>>) src(%arg15 : memref<128x64xf32, #tpu.memory_space<vmem>>) dst(%dma_wait3A_96 : memref<10008x64xf32, #tpu.memory_space<vmem_shared>>)
      "tpu.trace_stop"() : () -> ()
    } else {
    }
    %barrier3A_34 = arith.constant 0 : index
    tpu.barrier barrier_id(%barrier3A_34)
    %eq3A_35 = arith.constant 0 : i32
    %eq3A_36 = arith.cmpi eq, %arg0, %eq3A_35 : i32
    %convert_element_type3A_37 = arith.extui %eq3A_36 : i1 to i32
    %cond3A_38 = arith.constant 0 : i32
    %cond3A_39 = arith.cmpi ne, %convert_element_type3A_37, %cond3A_38 : i32
    scf.if %cond3A_39 {
      "tpu.trace_start"() <{level = 10 : i32, message = "agg_out"}> : () -> ()
      %mul3A_45 = arith.constant 624 : i32
      %mul3A_46 = arith.muli %arg1, %mul3A_45 : i32
      %add3A_47 = arith.constant 0 : i32
      %add3A_48 = arith.addi %mul3A_46, %add3A_47 : i32
      "tpu.region"() ({
        %run_scoped3A = tpu.sem_alloc : memref<!tpu.dma_semaphore, #tpu.memory_space<semaphore_mem>>
        %dma_start3A = arith.constant 0 : i32
        %dma_start3A_98 = tpu.memref_slice %arg17[%add3A_48, %dma_start3A] : memref<10008x64xf32, #tpu.memory_space<vmem_shared>> -> memref<104x64xf32, #tpu.memory_space<vmem_shared>>
        %dma_start3A_99 = arith.constant 0 : i32
        %dma_start3A_100 = tpu.memref_slice %arg17[%add3A_48, %dma_start3A_99] : memref<10008x64xf32, #tpu.memory_space<vmem_shared>> -> memref<104x64xf32, #tpu.memory_space<vmem_shared>>
        tpu.enqueue_dma source(%dma_start3A_100 : memref<104x64xf32, #tpu.memory_space<vmem_shared>>) target(%arg16 : memref<104x64xf32, #tpu.memory_space<vmem>>) target_semaphore(%run_scoped3A : memref<!tpu.dma_semaphore, #tpu.memory_space<semaphore_mem>>)
        %dma_wait3A = arith.constant 0 : i32
        %dma_wait3A_101 = tpu.memref_slice %arg17[%add3A_48, %dma_wait3A] : memref<10008x64xf32, #tpu.memory_space<vmem_shared>> -> memref<104x64xf32, #tpu.memory_space<vmem_shared>>
        %dma_wait3A_102 = arith.constant 0 : i32
        %dma_wait3A_103 = tpu.memref_slice %arg17[%add3A_48, %dma_wait3A_102] : memref<10008x64xf32, #tpu.memory_space<vmem_shared>> -> memref<104x64xf32, #tpu.memory_space<vmem_shared>>
        tpu.wait_dma2 semaphore(%run_scoped3A : memref<!tpu.dma_semaphore, #tpu.memory_space<semaphore_mem>>) src(%dma_wait3A_103 : memref<104x64xf32, #tpu.memory_space<vmem_shared>>) dst(%arg16 : memref<104x64xf32, #tpu.memory_space<vmem>>)
        tpu.yield
      }) : () -> ()
      %mul3A_49 = arith.constant 624 : i32
      %mul3A_50 = arith.muli %arg1, %mul3A_49 : i32
      %add3A_51 = arith.constant 0 : i32
      %add3A_52 = arith.addi %mul3A_50, %add3A_51 : i32
      "tpu.region"() ({
        %run_scoped3A = tpu.sem_alloc : memref<!tpu.dma_semaphore, #tpu.memory_space<semaphore_mem>>
        %dma_start3A = arith.constant 0 : i32
        %dma_start3A_98 = tpu.memref_slice %arg7[%add3A_52, %dma_start3A] : memref<10000x64xf32, #tpu.memory_space<hbm>> -> memref<104x64xf32, #tpu.memory_space<hbm>>
        %dma_start3A_99 = arith.constant 0 : i32
        %dma_start3A_100 = tpu.memref_slice %arg7[%add3A_52, %dma_start3A_99] : memref<10000x64xf32, #tpu.memory_space<hbm>> -> memref<104x64xf32, #tpu.memory_space<hbm>>
        tpu.enqueue_dma source(%arg16 : memref<104x64xf32, #tpu.memory_space<vmem>>) target(%dma_start3A_100 : memref<104x64xf32, #tpu.memory_space<hbm>>) target_semaphore(%run_scoped3A : memref<!tpu.dma_semaphore, #tpu.memory_space<semaphore_mem>>)
        %dma_wait3A = arith.constant 0 : i32
        %dma_wait3A_101 = tpu.memref_slice %arg7[%add3A_52, %dma_wait3A] : memref<10000x64xf32, #tpu.memory_space<hbm>> -> memref<104x64xf32, #tpu.memory_space<hbm>>
        %dma_wait3A_102 = arith.constant 0 : i32
        %dma_wait3A_103 = tpu.memref_slice %arg7[%add3A_52, %dma_wait3A_102] : memref<10000x64xf32, #tpu.memory_space<hbm>> -> memref<104x64xf32, #tpu.memory_space<hbm>>
        tpu.wait_dma2 semaphore(%run_scoped3A : memref<!tpu.dma_semaphore, #tpu.memory_space<semaphore_mem>>) src(%arg16 : memref<104x64xf32, #tpu.memory_space<vmem>>) dst(%dma_wait3A_103 : memref<104x64xf32, #tpu.memory_space<hbm>>)
        tpu.yield
      }) : () -> ()
      %mul3A_53 = arith.constant 624 : i32
      %mul3A_54 = arith.muli %arg1, %mul3A_53 : i32
      %add3A_55 = arith.constant 104 : i32
      %add3A_56 = arith.addi %mul3A_54, %add3A_55 : i32
      "tpu.region"() ({
        %run_scoped3A = tpu.sem_alloc : memref<!tpu.dma_semaphore, #tpu.memory_space<semaphore_mem>>
        %dma_start3A = arith.constant 0 : i32
        %dma_start3A_98 = tpu.memref_slice %arg17[%add3A_56, %dma_start3A] : memref<10008x64xf32, #tpu.memory_space<vmem_shared>> -> memref<104x64xf32, #tpu.memory_space<vmem_shared>>
        %dma_start3A_99 = arith.constant 0 : i32
        %dma_start3A_100 = tpu.memref_slice %arg17[%add3A_56, %dma_start3A_99] : memref<10008x64xf32, #tpu.memory_space<vmem_shared>> -> memref<104x64xf32, #tpu.memory_space<vmem_shared>>
        tpu.enqueue_dma source(%dma_start3A_100 : memref<104x64xf32, #tpu.memory_space<vmem_shared>>) target(%arg16 : memref<104x64xf32, #tpu.memory_space<vmem>>) target_semaphore(%run_scoped3A : memref<!tpu.dma_semaphore, #tpu.memory_space<semaphore_mem>>)
        %dma_wait3A = arith.constant 0 : i32
        %dma_wait3A_101 = tpu.memref_slice %arg17[%add3A_56, %dma_wait3A] : memref<10008x64xf32, #tpu.memory_space<vmem_shared>> -> memref<104x64xf32, #tpu.memory_space<vmem_shared>>
        %dma_wait3A_102 = arith.constant 0 : i32
        %dma_wait3A_103 = tpu.memref_slice %arg17[%add3A_56, %dma_wait3A_102] : memref<10008x64xf32, #tpu.memory_space<vmem_shared>> -> memref<104x64xf32, #tpu.memory_space<vmem_shared>>
        tpu.wait_dma2 semaphore(%run_scoped3A : memref<!tpu.dma_semaphore, #tpu.memory_space<semaphore_mem>>) src(%dma_wait3A_103 : memref<104x64xf32, #tpu.memory_space<vmem_shared>>) dst(%arg16 : memref<104x64xf32, #tpu.memory_space<vmem>>)
        tpu.yield
      }) : () -> ()
      %mul3A_57 = arith.constant 624 : i32
      %mul3A_58 = arith.muli %arg1, %mul3A_57 : i32
      %add3A_59 = arith.constant 104 : i32
      %add3A_60 = arith.addi %mul3A_58, %add3A_59 : i32
      "tpu.region"() ({
        %run_scoped3A = tpu.sem_alloc : memref<!tpu.dma_semaphore, #tpu.memory_space<semaphore_mem>>
        %dma_start3A = arith.constant 0 : i32
        %dma_start3A_98 = tpu.memref_slice %arg7[%add3A_60, %dma_start3A] : memref<10000x64xf32, #tpu.memory_space<hbm>> -> memref<104x64xf32, #tpu.memory_space<hbm>>
        %dma_start3A_99 = arith.constant 0 : i32
        %dma_start3A_100 = tpu.memref_slice %arg7[%add3A_60, %dma_start3A_99] : memref<10000x64xf32, #tpu.memory_space<hbm>> -> memref<104x64xf32, #tpu.memory_space<hbm>>
        tpu.enqueue_dma source(%arg16 : memref<104x64xf32, #tpu.memory_space<vmem>>) target(%dma_start3A_100 : memref<104x64xf32, #tpu.memory_space<hbm>>) target_semaphore(%run_scoped3A : memref<!tpu.dma_semaphore, #tpu.memory_space<semaphore_mem>>)
        %dma_wait3A = arith.constant 0 : i32
        %dma_wait3A_101 = tpu.memref_slice %arg7[%add3A_60, %dma_wait3A] : memref<10000x64xf32, #tpu.memory_space<hbm>> -> memref<104x64xf32, #tpu.memory_space<hbm>>
        %dma_wait3A_102 = arith.constant 0 : i32
        %dma_wait3A_103 = tpu.memref_slice %arg7[%add3A_60, %dma_wait3A_102] : memref<10000x64xf32, #tpu.memory_space<hbm>> -> memref<104x64xf32, #tpu.memory_space<hbm>>
        tpu.wait_dma2 semaphore(%run_scoped3A : memref<!tpu.dma_semaphore, #tpu.memory_space<semaphore_mem>>) src(%arg16 : memref<104x64xf32, #tpu.memory_space<vmem>>) dst(%dma_wait3A_103 : memref<104x64xf32, #tpu.memory_space<hbm>>)
        tpu.yield
      }) : () -> ()
      %mul3A_61 = arith.constant 624 : i32
      %mul3A_62 = arith.muli %arg1, %mul3A_61 : i32
      %add3A_63 = arith.constant 208 : i32
      %add3A_64 = arith.addi %mul3A_62, %add3A_63 : i32
      "tpu.region"() ({
        %run_scoped3A = tpu.sem_alloc : memref<!tpu.dma_semaphore, #tpu.memory_space<semaphore_mem>>
        %dma_start3A = arith.constant 0 : i32
        %dma_start3A_98 = tpu.memref_slice %arg17[%add3A_64, %dma_start3A] : memref<10008x64xf32, #tpu.memory_space<vmem_shared>> -> memref<104x64xf32, #tpu.memory_space<vmem_shared>>
        %dma_start3A_99 = arith.constant 0 : i32
        %dma_start3A_100 = tpu.memref_slice %arg17[%add3A_64, %dma_start3A_99] : memref<10008x64xf32, #tpu.memory_space<vmem_shared>> -> memref<104x64xf32, #tpu.memory_space<vmem_shared>>
        tpu.enqueue_dma source(%dma_start3A_100 : memref<104x64xf32, #tpu.memory_space<vmem_shared>>) target(%arg16 : memref<104x64xf32, #tpu.memory_space<vmem>>) target_semaphore(%run_scoped3A : memref<!tpu.dma_semaphore, #tpu.memory_space<semaphore_mem>>)
        %dma_wait3A = arith.constant 0 : i32
        %dma_wait3A_101 = tpu.memref_slice %arg17[%add3A_64, %dma_wait3A] : memref<10008x64xf32, #tpu.memory_space<vmem_shared>> -> memref<104x64xf32, #tpu.memory_space<vmem_shared>>
        %dma_wait3A_102 = arith.constant 0 : i32
        %dma_wait3A_103 = tpu.memref_slice %arg17[%add3A_64, %dma_wait3A_102] : memref<10008x64xf32, #tpu.memory_space<vmem_shared>> -> memref<104x64xf32, #tpu.memory_space<vmem_shared>>
        tpu.wait_dma2 semaphore(%run_scoped3A : memref<!tpu.dma_semaphore, #tpu.memory_space<semaphore_mem>>) src(%dma_wait3A_103 : memref<104x64xf32, #tpu.memory_space<vmem_shared>>) dst(%arg16 : memref<104x64xf32, #tpu.memory_space<vmem>>)
        tpu.yield
      }) : () -> ()
      %mul3A_65 = arith.constant 624 : i32
      %mul3A_66 = arith.muli %arg1, %mul3A_65 : i32
      %add3A_67 = arith.constant 208 : i32
      %add3A_68 = arith.addi %mul3A_66, %add3A_67 : i32
      "tpu.region"() ({
        %run_scoped3A = tpu.sem_alloc : memref<!tpu.dma_semaphore, #tpu.memory_space<semaphore_mem>>
        %dma_start3A = arith.constant 0 : i32
        %dma_start3A_98 = tpu.memref_slice %arg7[%add3A_68, %dma_start3A] : memref<10000x64xf32, #tpu.memory_space<hbm>> -> memref<104x64xf32, #tpu.memory_space<hbm>>
        %dma_start3A_99 = arith.constant 0 : i32
        %dma_start3A_100 = tpu.memref_slice %arg7[%add3A_68, %dma_start3A_99] : memref<10000x64xf32, #tpu.memory_space<hbm>> -> memref<104x64xf32, #tpu.memory_space<hbm>>
        tpu.enqueue_dma source(%arg16 : memref<104x64xf32, #tpu.memory_space<vmem>>) target(%dma_start3A_100 : memref<104x64xf32, #tpu.memory_space<hbm>>) target_semaphore(%run_scoped3A : memref<!tpu.dma_semaphore, #tpu.memory_space<semaphore_mem>>)
        %dma_wait3A = arith.constant 0 : i32
        %dma_wait3A_101 = tpu.memref_slice %arg7[%add3A_68, %dma_wait3A] : memref<10000x64xf32, #tpu.memory_space<hbm>> -> memref<104x64xf32, #tpu.memory_space<hbm>>
        %dma_wait3A_102 = arith.constant 0 : i32
        %dma_wait3A_103 = tpu.memref_slice %arg7[%add3A_68, %dma_wait3A_102] : memref<10000x64xf32, #tpu.memory_space<hbm>> -> memref<104x64xf32, #tpu.memory_space<hbm>>
        tpu.wait_dma2 semaphore(%run_scoped3A : memref<!tpu.dma_semaphore, #tpu.memory_space<semaphore_mem>>) src(%arg16 : memref<104x64xf32, #tpu.memory_space<vmem>>) dst(%dma_wait3A_103 : memref<104x64xf32, #tpu.memory_space<hbm>>)
        tpu.yield
      }) : () -> ()
      %mul3A_69 = arith.constant 624 : i32
      %mul3A_70 = arith.muli %arg1, %mul3A_69 : i32
      %add3A_71 = arith.constant 312 : i32
      %add3A_72 = arith.addi %mul3A_70, %add3A_71 : i32
      "tpu.region"() ({
        %run_scoped3A = tpu.sem_alloc : memref<!tpu.dma_semaphore, #tpu.memory_space<semaphore_mem>>
        %dma_start3A = arith.constant 0 : i32
        %dma_start3A_98 = tpu.memref_slice %arg17[%add3A_72, %dma_start3A] : memref<10008x64xf32, #tpu.memory_space<vmem_shared>> -> memref<104x64xf32, #tpu.memory_space<vmem_shared>>
        %dma_start3A_99 = arith.constant 0 : i32
        %dma_start3A_100 = tpu.memref_slice %arg17[%add3A_72, %dma_start3A_99] : memref<10008x64xf32, #tpu.memory_space<vmem_shared>> -> memref<104x64xf32, #tpu.memory_space<vmem_shared>>
        tpu.enqueue_dma source(%dma_start3A_100 : memref<104x64xf32, #tpu.memory_space<vmem_shared>>) target(%arg16 : memref<104x64xf32, #tpu.memory_space<vmem>>) target_semaphore(%run_scoped3A : memref<!tpu.dma_semaphore, #tpu.memory_space<semaphore_mem>>)
        %dma_wait3A = arith.constant 0 : i32
        %dma_wait3A_101 = tpu.memref_slice %arg17[%add3A_72, %dma_wait3A] : memref<10008x64xf32, #tpu.memory_space<vmem_shared>> -> memref<104x64xf32, #tpu.memory_space<vmem_shared>>
        %dma_wait3A_102 = arith.constant 0 : i32
        %dma_wait3A_103 = tpu.memref_slice %arg17[%add3A_72, %dma_wait3A_102] : memref<10008x64xf32, #tpu.memory_space<vmem_shared>> -> memref<104x64xf32, #tpu.memory_space<vmem_shared>>
        tpu.wait_dma2 semaphore(%run_scoped3A : memref<!tpu.dma_semaphore, #tpu.memory_space<semaphore_mem>>) src(%dma_wait3A_103 : memref<104x64xf32, #tpu.memory_space<vmem_shared>>) dst(%arg16 : memref<104x64xf32, #tpu.memory_space<vmem>>)
        tpu.yield
      }) : () -> ()
      %mul3A_73 = arith.constant 624 : i32
      %mul3A_74 = arith.muli %arg1, %mul3A_73 : i32
      %add3A_75 = arith.constant 312 : i32
      %add3A_76 = arith.addi %mul3A_74, %add3A_75 : i32
      "tpu.region"() ({
        %run_scoped3A = tpu.sem_alloc : memref<!tpu.dma_semaphore, #tpu.memory_space<semaphore_mem>>
        %dma_start3A = arith.constant 0 : i32
        %dma_start3A_98 = tpu.memref_slice %arg7[%add3A_76, %dma_start3A] : memref<10000x64xf32, #tpu.memory_space<hbm>> -> memref<104x64xf32, #tpu.memory_space<hbm>>
        %dma_start3A_99 = arith.constant 0 : i32
        %dma_start3A_100 = tpu.memref_slice %arg7[%add3A_76, %dma_start3A_99] : memref<10000x64xf32, #tpu.memory_space<hbm>> -> memref<104x64xf32, #tpu.memory_space<hbm>>
        tpu.enqueue_dma source(%arg16 : memref<104x64xf32, #tpu.memory_space<vmem>>) target(%dma_start3A_100 : memref<104x64xf32, #tpu.memory_space<hbm>>) target_semaphore(%run_scoped3A : memref<!tpu.dma_semaphore, #tpu.memory_space<semaphore_mem>>)
        %dma_wait3A = arith.constant 0 : i32
        %dma_wait3A_101 = tpu.memref_slice %arg7[%add3A_76, %dma_wait3A] : memref<10000x64xf32, #tpu.memory_space<hbm>> -> memref<104x64xf32, #tpu.memory_space<hbm>>
        %dma_wait3A_102 = arith.constant 0 : i32
        %dma_wait3A_103 = tpu.memref_slice %arg7[%add3A_76, %dma_wait3A_102] : memref<10000x64xf32, #tpu.memory_space<hbm>> -> memref<104x64xf32, #tpu.memory_space<hbm>>
        tpu.wait_dma2 semaphore(%run_scoped3A : memref<!tpu.dma_semaphore, #tpu.memory_space<semaphore_mem>>) src(%arg16 : memref<104x64xf32, #tpu.memory_space<vmem>>) dst(%dma_wait3A_103 : memref<104x64xf32, #tpu.memory_space<hbm>>)
        tpu.yield
      }) : () -> ()
      %mul3A_77 = arith.constant 624 : i32
      %mul3A_78 = arith.muli %arg1, %mul3A_77 : i32
      %add3A_79 = arith.constant 416 : i32
      %add3A_80 = arith.addi %mul3A_78, %add3A_79 : i32
      "tpu.region"() ({
        %run_scoped3A = tpu.sem_alloc : memref<!tpu.dma_semaphore, #tpu.memory_space<semaphore_mem>>
        %dma_start3A = arith.constant 0 : i32
        %dma_start3A_98 = tpu.memref_slice %arg17[%add3A_80, %dma_start3A] : memref<10008x64xf32, #tpu.memory_space<vmem_shared>> -> memref<104x64xf32, #tpu.memory_space<vmem_shared>>
        %dma_start3A_99 = arith.constant 0 : i32
        %dma_start3A_100 = tpu.memref_slice %arg17[%add3A_80, %dma_start3A_99] : memref<10008x64xf32, #tpu.memory_space<vmem_shared>> -> memref<104x64xf32, #tpu.memory_space<vmem_shared>>
        tpu.enqueue_dma source(%dma_start3A_100 : memref<104x64xf32, #tpu.memory_space<vmem_shared>>) target(%arg16 : memref<104x64xf32, #tpu.memory_space<vmem>>) target_semaphore(%run_scoped3A : memref<!tpu.dma_semaphore, #tpu.memory_space<semaphore_mem>>)
        %dma_wait3A = arith.constant 0 : i32
        %dma_wait3A_101 = tpu.memref_slice %arg17[%add3A_80, %dma_wait3A] : memref<10008x64xf32, #tpu.memory_space<vmem_shared>> -> memref<104x64xf32, #tpu.memory_space<vmem_shared>>
        %dma_wait3A_102 = arith.constant 0 : i32
        %dma_wait3A_103 = tpu.memref_slice %arg17[%add3A_80, %dma_wait3A_102] : memref<10008x64xf32, #tpu.memory_space<vmem_shared>> -> memref<104x64xf32, #tpu.memory_space<vmem_shared>>
        tpu.wait_dma2 semaphore(%run_scoped3A : memref<!tpu.dma_semaphore, #tpu.memory_space<semaphore_mem>>) src(%dma_wait3A_103 : memref<104x64xf32, #tpu.memory_space<vmem_shared>>) dst(%arg16 : memref<104x64xf32, #tpu.memory_space<vmem>>)
        tpu.yield
      }) : () -> ()
      %mul3A_81 = arith.constant 624 : i32
      %mul3A_82 = arith.muli %arg1, %mul3A_81 : i32
      %add3A_83 = arith.constant 416 : i32
      %add3A_84 = arith.addi %mul3A_82, %add3A_83 : i32
      "tpu.region"() ({
        %run_scoped3A = tpu.sem_alloc : memref<!tpu.dma_semaphore, #tpu.memory_space<semaphore_mem>>
        %dma_start3A = arith.constant 0 : i32
        %dma_start3A_98 = tpu.memref_slice %arg7[%add3A_84, %dma_start3A] : memref<10000x64xf32, #tpu.memory_space<hbm>> -> memref<104x64xf32, #tpu.memory_space<hbm>>
        %dma_start3A_99 = arith.constant 0 : i32
        %dma_start3A_100 = tpu.memref_slice %arg7[%add3A_84, %dma_start3A_99] : memref<10000x64xf32, #tpu.memory_space<hbm>> -> memref<104x64xf32, #tpu.memory_space<hbm>>
        tpu.enqueue_dma source(%arg16 : memref<104x64xf32, #tpu.memory_space<vmem>>) target(%dma_start3A_100 : memref<104x64xf32, #tpu.memory_space<hbm>>) target_semaphore(%run_scoped3A : memref<!tpu.dma_semaphore, #tpu.memory_space<semaphore_mem>>)
        %dma_wait3A = arith.constant 0 : i32
        %dma_wait3A_101 = tpu.memref_slice %arg7[%add3A_84, %dma_wait3A] : memref<10000x64xf32, #tpu.memory_space<hbm>> -> memref<104x64xf32, #tpu.memory_space<hbm>>
        %dma_wait3A_102 = arith.constant 0 : i32
        %dma_wait3A_103 = tpu.memref_slice %arg7[%add3A_84, %dma_wait3A_102] : memref<10000x64xf32, #tpu.memory_space<hbm>> -> memref<104x64xf32, #tpu.memory_space<hbm>>
        tpu.wait_dma2 semaphore(%run_scoped3A : memref<!tpu.dma_semaphore, #tpu.memory_space<semaphore_mem>>) src(%arg16 : memref<104x64xf32, #tpu.memory_space<vmem>>) dst(%dma_wait3A_103 : memref<104x64xf32, #tpu.memory_space<hbm>>)
        tpu.yield
      }) : () -> ()
      %mul3A_85 = arith.constant 624 : i32
      %mul3A_86 = arith.muli %arg1, %mul3A_85 : i32
      %add3A_87 = arith.constant 520 : i32
      %add3A_88 = arith.addi %mul3A_86, %add3A_87 : i32
      "tpu.region"() ({
        %run_scoped3A = tpu.sem_alloc : memref<!tpu.dma_semaphore, #tpu.memory_space<semaphore_mem>>
        %dma_start3A = arith.constant 0 : i32
        %dma_start3A_98 = tpu.memref_slice %arg17[%add3A_88, %dma_start3A] : memref<10008x64xf32, #tpu.memory_space<vmem_shared>> -> memref<104x64xf32, #tpu.memory_space<vmem_shared>>
        %dma_start3A_99 = arith.constant 0 : i32
        %dma_start3A_100 = tpu.memref_slice %arg17[%add3A_88, %dma_start3A_99] : memref<10008x64xf32, #tpu.memory_space<vmem_shared>> -> memref<104x64xf32, #tpu.memory_space<vmem_shared>>
        tpu.enqueue_dma source(%dma_start3A_100 : memref<104x64xf32, #tpu.memory_space<vmem_shared>>) target(%arg16 : memref<104x64xf32, #tpu.memory_space<vmem>>) target_semaphore(%run_scoped3A : memref<!tpu.dma_semaphore, #tpu.memory_space<semaphore_mem>>)
        %dma_wait3A = arith.constant 0 : i32
        %dma_wait3A_101 = tpu.memref_slice %arg17[%add3A_88, %dma_wait3A] : memref<10008x64xf32, #tpu.memory_space<vmem_shared>> -> memref<104x64xf32, #tpu.memory_space<vmem_shared>>
        %dma_wait3A_102 = arith.constant 0 : i32
        %dma_wait3A_103 = tpu.memref_slice %arg17[%add3A_88, %dma_wait3A_102] : memref<10008x64xf32, #tpu.memory_space<vmem_shared>> -> memref<104x64xf32, #tpu.memory_space<vmem_shared>>
        tpu.wait_dma2 semaphore(%run_scoped3A : memref<!tpu.dma_semaphore, #tpu.memory_space<semaphore_mem>>) src(%dma_wait3A_103 : memref<104x64xf32, #tpu.memory_space<vmem_shared>>) dst(%arg16 : memref<104x64xf32, #tpu.memory_space<vmem>>)
        tpu.yield
      }) : () -> ()
      %mul3A_89 = arith.constant 624 : i32
      %mul3A_90 = arith.muli %arg1, %mul3A_89 : i32
      %add3A_91 = arith.constant 520 : i32
      %add3A_92 = arith.addi %mul3A_90, %add3A_91 : i32
      "tpu.region"() ({
        %run_scoped3A = tpu.sem_alloc : memref<!tpu.dma_semaphore, #tpu.memory_space<semaphore_mem>>
        %dma_start3A = arith.constant 0 : i32
        %dma_start3A_98 = tpu.memref_slice %arg7[%add3A_92, %dma_start3A] : memref<10000x64xf32, #tpu.memory_space<hbm>> -> memref<104x64xf32, #tpu.memory_space<hbm>>
        %dma_start3A_99 = arith.constant 0 : i32
        %dma_start3A_100 = tpu.memref_slice %arg7[%add3A_92, %dma_start3A_99] : memref<10000x64xf32, #tpu.memory_space<hbm>> -> memref<104x64xf32, #tpu.memory_space<hbm>>
        tpu.enqueue_dma source(%arg16 : memref<104x64xf32, #tpu.memory_space<vmem>>) target(%dma_start3A_100 : memref<104x64xf32, #tpu.memory_space<hbm>>) target_semaphore(%run_scoped3A : memref<!tpu.dma_semaphore, #tpu.memory_space<semaphore_mem>>)
        %dma_wait3A = arith.constant 0 : i32
        %dma_wait3A_101 = tpu.memref_slice %arg7[%add3A_92, %dma_wait3A] : memref<10000x64xf32, #tpu.memory_space<hbm>> -> memref<104x64xf32, #tpu.memory_space<hbm>>
        %dma_wait3A_102 = arith.constant 0 : i32
        %dma_wait3A_103 = tpu.memref_slice %arg7[%add3A_92, %dma_wait3A_102] : memref<10000x64xf32, #tpu.memory_space<hbm>> -> memref<104x64xf32, #tpu.memory_space<hbm>>
        tpu.wait_dma2 semaphore(%run_scoped3A : memref<!tpu.dma_semaphore, #tpu.memory_space<semaphore_mem>>) src(%arg16 : memref<104x64xf32, #tpu.memory_space<vmem>>) dst(%dma_wait3A_103 : memref<104x64xf32, #tpu.memory_space<hbm>>)
        tpu.yield
      }) : () -> ()
      %eq3A_93 = arith.constant 15 : i32
      %eq3A_94 = arith.cmpi eq, %arg1, %eq3A_93 : i32
      %convert_element_type3A_95 = arith.extui %eq3A_94 : i1 to i32
      %cond3A_96 = arith.constant 0 : i32
      %cond3A_97 = arith.cmpi ne, %convert_element_type3A_95, %cond3A_96 : i32
      scf.if %cond3A_97 {
        "tpu.region"() ({
          %run_scoped3A = tpu.sem_alloc : memref<!tpu.dma_semaphore, #tpu.memory_space<semaphore_mem>>
          %dma_start3A = arith.constant 0 : i32
          %dma_start3A_98 = arith.constant 0 : i32
          %dma_start3A_99 = tpu.memref_slice %arg11[%dma_start3A, %dma_start3A_98] : memref<128x64xf32, #tpu.memory_space<vmem>> -> memref<16x64xf32, #tpu.memory_space<vmem>>
          %dma_start3A_100 = arith.constant 9984 : i32
          %dma_start3A_101 = arith.constant 0 : i32
          %dma_start3A_102 = tpu.memref_slice %arg17[%dma_start3A_100, %dma_start3A_101] : memref<10008x64xf32, #tpu.memory_space<vmem_shared>> -> memref<16x64xf32, #tpu.memory_space<vmem_shared>>
          %dma_start3A_103 = arith.constant 0 : i32
          %dma_start3A_104 = arith.constant 0 : i32
          %dma_start3A_105 = tpu.memref_slice %arg11[%dma_start3A_103, %dma_start3A_104] : memref<128x64xf32, #tpu.memory_space<vmem>> -> memref<16x64xf32, #tpu.memory_space<vmem>>
          %dma_start3A_106 = arith.constant 9984 : i32
          %dma_start3A_107 = arith.constant 0 : i32
          %dma_start3A_108 = tpu.memref_slice %arg17[%dma_start3A_106, %dma_start3A_107] : memref<10008x64xf32, #tpu.memory_space<vmem_shared>> -> memref<16x64xf32, #tpu.memory_space<vmem_shared>>
          tpu.enqueue_dma source(%dma_start3A_108 : memref<16x64xf32, #tpu.memory_space<vmem_shared>>) target(%dma_start3A_105 : memref<16x64xf32, #tpu.memory_space<vmem>>) target_semaphore(%run_scoped3A : memref<!tpu.dma_semaphore, #tpu.memory_space<semaphore_mem>>)
          %dma_wait3A = arith.constant 0 : i32
          %dma_wait3A_109 = arith.constant 0 : i32
          %dma_wait3A_110 = tpu.memref_slice %arg11[%dma_wait3A, %dma_wait3A_109] : memref<128x64xf32, #tpu.memory_space<vmem>> -> memref<16x64xf32, #tpu.memory_space<vmem>>
          %dma_wait3A_111 = arith.constant 9984 : i32
          %dma_wait3A_112 = arith.constant 0 : i32
          %dma_wait3A_113 = tpu.memref_slice %arg17[%dma_wait3A_111, %dma_wait3A_112] : memref<10008x64xf32, #tpu.memory_space<vmem_shared>> -> memref<16x64xf32, #tpu.memory_space<vmem_shared>>
          %dma_wait3A_114 = arith.constant 0 : i32
          %dma_wait3A_115 = arith.constant 0 : i32
          %dma_wait3A_116 = tpu.memref_slice %arg11[%dma_wait3A_114, %dma_wait3A_115] : memref<128x64xf32, #tpu.memory_space<vmem>> -> memref<16x64xf32, #tpu.memory_space<vmem>>
          %dma_wait3A_117 = arith.constant 9984 : i32
          %dma_wait3A_118 = arith.constant 0 : i32
          %dma_wait3A_119 = tpu.memref_slice %arg17[%dma_wait3A_117, %dma_wait3A_118] : memref<10008x64xf32, #tpu.memory_space<vmem_shared>> -> memref<16x64xf32, #tpu.memory_space<vmem_shared>>
          tpu.wait_dma2 semaphore(%run_scoped3A : memref<!tpu.dma_semaphore, #tpu.memory_space<semaphore_mem>>) src(%dma_wait3A_119 : memref<16x64xf32, #tpu.memory_space<vmem_shared>>) dst(%dma_wait3A_116 : memref<16x64xf32, #tpu.memory_space<vmem>>)
          tpu.yield
        }) : () -> ()
        "tpu.region"() ({
          %run_scoped3A = tpu.sem_alloc : memref<!tpu.dma_semaphore, #tpu.memory_space<semaphore_mem>>
          %dma_start3A = arith.constant 0 : i32
          %dma_start3A_98 = arith.constant 0 : i32
          %dma_start3A_99 = tpu.memref_slice %arg11[%dma_start3A, %dma_start3A_98] : memref<128x64xf32, #tpu.memory_space<vmem>> -> memref<16x64xf32, #tpu.memory_space<vmem>>
          %dma_start3A_100 = arith.constant 9984 : i32
          %dma_start3A_101 = arith.constant 0 : i32
          %dma_start3A_102 = tpu.memref_slice %arg7[%dma_start3A_100, %dma_start3A_101] : memref<10000x64xf32, #tpu.memory_space<hbm>> -> memref<16x64xf32, #tpu.memory_space<hbm>>
          %dma_start3A_103 = arith.constant 9984 : i32
          %dma_start3A_104 = arith.constant 0 : i32
          %dma_start3A_105 = tpu.memref_slice %arg7[%dma_start3A_103, %dma_start3A_104] : memref<10000x64xf32, #tpu.memory_space<hbm>> -> memref<16x64xf32, #tpu.memory_space<hbm>>
          %dma_start3A_106 = arith.constant 0 : i32
          %dma_start3A_107 = arith.constant 0 : i32
          %dma_start3A_108 = tpu.memref_slice %arg11[%dma_start3A_106, %dma_start3A_107] : memref<128x64xf32, #tpu.memory_space<vmem>> -> memref<16x64xf32, #tpu.memory_space<vmem>>
          tpu.enqueue_dma source(%dma_start3A_108 : memref<16x64xf32, #tpu.memory_space<vmem>>) target(%dma_start3A_105 : memref<16x64xf32, #tpu.memory_space<hbm>>) target_semaphore(%run_scoped3A : memref<!tpu.dma_semaphore, #tpu.memory_space<semaphore_mem>>)
          %dma_wait3A = arith.constant 0 : i32
          %dma_wait3A_109 = arith.constant 0 : i32
          %dma_wait3A_110 = tpu.memref_slice %arg11[%dma_wait3A, %dma_wait3A_109] : memref<128x64xf32, #tpu.memory_space<vmem>> -> memref<16x64xf32, #tpu.memory_space<vmem>>
          %dma_wait3A_111 = arith.constant 9984 : i32
          %dma_wait3A_112 = arith.constant 0 : i32
          %dma_wait3A_113 = tpu.memref_slice %arg7[%dma_wait3A_111, %dma_wait3A_112] : memref<10000x64xf32, #tpu.memory_space<hbm>> -> memref<16x64xf32, #tpu.memory_space<hbm>>
          %dma_wait3A_114 = arith.constant 9984 : i32
          %dma_wait3A_115 = arith.constant 0 : i32
          %dma_wait3A_116 = tpu.memref_slice %arg7[%dma_wait3A_114, %dma_wait3A_115] : memref<10000x64xf32, #tpu.memory_space<hbm>> -> memref<16x64xf32, #tpu.memory_space<hbm>>
          %dma_wait3A_117 = arith.constant 0 : i32
          %dma_wait3A_118 = arith.constant 0 : i32
          %dma_wait3A_119 = tpu.memref_slice %arg11[%dma_wait3A_117, %dma_wait3A_118] : memref<128x64xf32, #tpu.memory_space<vmem>> -> memref<16x64xf32, #tpu.memory_space<vmem>>
          tpu.wait_dma2 semaphore(%run_scoped3A : memref<!tpu.dma_semaphore, #tpu.memory_space<semaphore_mem>>) src(%dma_wait3A_119 : memref<16x64xf32, #tpu.memory_space<vmem>>) dst(%dma_wait3A_116 : memref<16x64xf32, #tpu.memory_space<hbm>>)
          tpu.yield
        }) : () -> ()
      } else {
      }
      "tpu.trace_stop"() : () -> ()
    } else {
    }
    %eq3A_40 = arith.constant 1 : i32
    %eq3A_41 = arith.cmpi eq, %arg0, %eq3A_40 : i32
    %convert_element_type3A_42 = arith.extui %eq3A_41 : i1 to i32
    %cond3A_43 = arith.constant 0 : i32
    %cond3A_44 = arith.cmpi ne, %convert_element_type3A_42, %cond3A_43 : i32
    scf.if %cond3A_44 {
      "tpu.trace_start"() <{level = 10 : i32, message = "agg_out"}> : () -> ()
      %mul3A_45 = arith.constant 624 : i32
      %mul3A_46 = arith.muli %arg1, %mul3A_45 : i32
      %add3A_47 = arith.constant 0 : i32
      %add3A_48 = arith.addi %mul3A_46, %add3A_47 : i32
      "tpu.region"() ({
        %run_scoped3A = tpu.sem_alloc : memref<!tpu.dma_semaphore, #tpu.memory_space<semaphore_mem>>
        %dma_start3A = arith.constant 0 : i32
        %dma_start3A_98 = tpu.memref_slice %arg17[%add3A_48, %dma_start3A] : memref<10008x64xf32, #tpu.memory_space<vmem_shared>> -> memref<104x64xf32, #tpu.memory_space<vmem_shared>>
        %dma_start3A_99 = arith.constant 0 : i32
        %dma_start3A_100 = tpu.memref_slice %arg17[%add3A_48, %dma_start3A_99] : memref<10008x64xf32, #tpu.memory_space<vmem_shared>> -> memref<104x64xf32, #tpu.memory_space<vmem_shared>>
        tpu.enqueue_dma source(%dma_start3A_100 : memref<104x64xf32, #tpu.memory_space<vmem_shared>>) target(%arg16 : memref<104x64xf32, #tpu.memory_space<vmem>>) target_semaphore(%run_scoped3A : memref<!tpu.dma_semaphore, #tpu.memory_space<semaphore_mem>>)
        %dma_wait3A = arith.constant 0 : i32
        %dma_wait3A_101 = tpu.memref_slice %arg17[%add3A_48, %dma_wait3A] : memref<10008x64xf32, #tpu.memory_space<vmem_shared>> -> memref<104x64xf32, #tpu.memory_space<vmem_shared>>
        %dma_wait3A_102 = arith.constant 0 : i32
        %dma_wait3A_103 = tpu.memref_slice %arg17[%add3A_48, %dma_wait3A_102] : memref<10008x64xf32, #tpu.memory_space<vmem_shared>> -> memref<104x64xf32, #tpu.memory_space<vmem_shared>>
        tpu.wait_dma2 semaphore(%run_scoped3A : memref<!tpu.dma_semaphore, #tpu.memory_space<semaphore_mem>>) src(%dma_wait3A_103 : memref<104x64xf32, #tpu.memory_space<vmem_shared>>) dst(%arg16 : memref<104x64xf32, #tpu.memory_space<vmem>>)
        tpu.yield
      }) : () -> ()
      %mul3A_49 = arith.constant 624 : i32
      %mul3A_50 = arith.muli %arg1, %mul3A_49 : i32
      %add3A_51 = arith.constant 0 : i32
      %add3A_52 = arith.addi %mul3A_50, %add3A_51 : i32
      "tpu.region"() ({
        %run_scoped3A = tpu.sem_alloc : memref<!tpu.dma_semaphore, #tpu.memory_space<semaphore_mem>>
        %dma_start3A = arith.constant 0 : i32
        %dma_start3A_98 = tpu.memref_slice %arg8[%add3A_52, %dma_start3A] : memref<10000x64xf32, #tpu.memory_space<hbm>> -> memref<104x64xf32, #tpu.memory_space<hbm>>
        %dma_start3A_99 = arith.constant 0 : i32
        %dma_start3A_100 = tpu.memref_slice %arg8[%add3A_52, %dma_start3A_99] : memref<10000x64xf32, #tpu.memory_space<hbm>> -> memref<104x64xf32, #tpu.memory_space<hbm>>
        tpu.enqueue_dma source(%arg16 : memref<104x64xf32, #tpu.memory_space<vmem>>) target(%dma_start3A_100 : memref<104x64xf32, #tpu.memory_space<hbm>>) target_semaphore(%run_scoped3A : memref<!tpu.dma_semaphore, #tpu.memory_space<semaphore_mem>>)
        %dma_wait3A = arith.constant 0 : i32
        %dma_wait3A_101 = tpu.memref_slice %arg8[%add3A_52, %dma_wait3A] : memref<10000x64xf32, #tpu.memory_space<hbm>> -> memref<104x64xf32, #tpu.memory_space<hbm>>
        %dma_wait3A_102 = arith.constant 0 : i32
        %dma_wait3A_103 = tpu.memref_slice %arg8[%add3A_52, %dma_wait3A_102] : memref<10000x64xf32, #tpu.memory_space<hbm>> -> memref<104x64xf32, #tpu.memory_space<hbm>>
        tpu.wait_dma2 semaphore(%run_scoped3A : memref<!tpu.dma_semaphore, #tpu.memory_space<semaphore_mem>>) src(%arg16 : memref<104x64xf32, #tpu.memory_space<vmem>>) dst(%dma_wait3A_103 : memref<104x64xf32, #tpu.memory_space<hbm>>)
        tpu.yield
      }) : () -> ()
      %mul3A_53 = arith.constant 624 : i32
      %mul3A_54 = arith.muli %arg1, %mul3A_53 : i32
      %add3A_55 = arith.constant 104 : i32
      %add3A_56 = arith.addi %mul3A_54, %add3A_55 : i32
      "tpu.region"() ({
        %run_scoped3A = tpu.sem_alloc : memref<!tpu.dma_semaphore, #tpu.memory_space<semaphore_mem>>
        %dma_start3A = arith.constant 0 : i32
        %dma_start3A_98 = tpu.memref_slice %arg17[%add3A_56, %dma_start3A] : memref<10008x64xf32, #tpu.memory_space<vmem_shared>> -> memref<104x64xf32, #tpu.memory_space<vmem_shared>>
        %dma_start3A_99 = arith.constant 0 : i32
        %dma_start3A_100 = tpu.memref_slice %arg17[%add3A_56, %dma_start3A_99] : memref<10008x64xf32, #tpu.memory_space<vmem_shared>> -> memref<104x64xf32, #tpu.memory_space<vmem_shared>>
        tpu.enqueue_dma source(%dma_start3A_100 : memref<104x64xf32, #tpu.memory_space<vmem_shared>>) target(%arg16 : memref<104x64xf32, #tpu.memory_space<vmem>>) target_semaphore(%run_scoped3A : memref<!tpu.dma_semaphore, #tpu.memory_space<semaphore_mem>>)
        %dma_wait3A = arith.constant 0 : i32
        %dma_wait3A_101 = tpu.memref_slice %arg17[%add3A_56, %dma_wait3A] : memref<10008x64xf32, #tpu.memory_space<vmem_shared>> -> memref<104x64xf32, #tpu.memory_space<vmem_shared>>
        %dma_wait3A_102 = arith.constant 0 : i32
        %dma_wait3A_103 = tpu.memref_slice %arg17[%add3A_56, %dma_wait3A_102] : memref<10008x64xf32, #tpu.memory_space<vmem_shared>> -> memref<104x64xf32, #tpu.memory_space<vmem_shared>>
        tpu.wait_dma2 semaphore(%run_scoped3A : memref<!tpu.dma_semaphore, #tpu.memory_space<semaphore_mem>>) src(%dma_wait3A_103 : memref<104x64xf32, #tpu.memory_space<vmem_shared>>) dst(%arg16 : memref<104x64xf32, #tpu.memory_space<vmem>>)
        tpu.yield
      }) : () -> ()
      %mul3A_57 = arith.constant 624 : i32
      %mul3A_58 = arith.muli %arg1, %mul3A_57 : i32
      %add3A_59 = arith.constant 104 : i32
      %add3A_60 = arith.addi %mul3A_58, %add3A_59 : i32
      "tpu.region"() ({
        %run_scoped3A = tpu.sem_alloc : memref<!tpu.dma_semaphore, #tpu.memory_space<semaphore_mem>>
        %dma_start3A = arith.constant 0 : i32
        %dma_start3A_98 = tpu.memref_slice %arg8[%add3A_60, %dma_start3A] : memref<10000x64xf32, #tpu.memory_space<hbm>> -> memref<104x64xf32, #tpu.memory_space<hbm>>
        %dma_start3A_99 = arith.constant 0 : i32
        %dma_start3A_100 = tpu.memref_slice %arg8[%add3A_60, %dma_start3A_99] : memref<10000x64xf32, #tpu.memory_space<hbm>> -> memref<104x64xf32, #tpu.memory_space<hbm>>
        tpu.enqueue_dma source(%arg16 : memref<104x64xf32, #tpu.memory_space<vmem>>) target(%dma_start3A_100 : memref<104x64xf32, #tpu.memory_space<hbm>>) target_semaphore(%run_scoped3A : memref<!tpu.dma_semaphore, #tpu.memory_space<semaphore_mem>>)
        %dma_wait3A = arith.constant 0 : i32
        %dma_wait3A_101 = tpu.memref_slice %arg8[%add3A_60, %dma_wait3A] : memref<10000x64xf32, #tpu.memory_space<hbm>> -> memref<104x64xf32, #tpu.memory_space<hbm>>
        %dma_wait3A_102 = arith.constant 0 : i32
        %dma_wait3A_103 = tpu.memref_slice %arg8[%add3A_60, %dma_wait3A_102] : memref<10000x64xf32, #tpu.memory_space<hbm>> -> memref<104x64xf32, #tpu.memory_space<hbm>>
        tpu.wait_dma2 semaphore(%run_scoped3A : memref<!tpu.dma_semaphore, #tpu.memory_space<semaphore_mem>>) src(%arg16 : memref<104x64xf32, #tpu.memory_space<vmem>>) dst(%dma_wait3A_103 : memref<104x64xf32, #tpu.memory_space<hbm>>)
        tpu.yield
      }) : () -> ()
      %mul3A_61 = arith.constant 624 : i32
      %mul3A_62 = arith.muli %arg1, %mul3A_61 : i32
      %add3A_63 = arith.constant 208 : i32
      %add3A_64 = arith.addi %mul3A_62, %add3A_63 : i32
      "tpu.region"() ({
        %run_scoped3A = tpu.sem_alloc : memref<!tpu.dma_semaphore, #tpu.memory_space<semaphore_mem>>
        %dma_start3A = arith.constant 0 : i32
        %dma_start3A_98 = tpu.memref_slice %arg17[%add3A_64, %dma_start3A] : memref<10008x64xf32, #tpu.memory_space<vmem_shared>> -> memref<104x64xf32, #tpu.memory_space<vmem_shared>>
        %dma_start3A_99 = arith.constant 0 : i32
        %dma_start3A_100 = tpu.memref_slice %arg17[%add3A_64, %dma_start3A_99] : memref<10008x64xf32, #tpu.memory_space<vmem_shared>> -> memref<104x64xf32, #tpu.memory_space<vmem_shared>>
        tpu.enqueue_dma source(%dma_start3A_100 : memref<104x64xf32, #tpu.memory_space<vmem_shared>>) target(%arg16 : memref<104x64xf32, #tpu.memory_space<vmem>>) target_semaphore(%run_scoped3A : memref<!tpu.dma_semaphore, #tpu.memory_space<semaphore_mem>>)
        %dma_wait3A = arith.constant 0 : i32
        %dma_wait3A_101 = tpu.memref_slice %arg17[%add3A_64, %dma_wait3A] : memref<10008x64xf32, #tpu.memory_space<vmem_shared>> -> memref<104x64xf32, #tpu.memory_space<vmem_shared>>
        %dma_wait3A_102 = arith.constant 0 : i32
        %dma_wait3A_103 = tpu.memref_slice %arg17[%add3A_64, %dma_wait3A_102] : memref<10008x64xf32, #tpu.memory_space<vmem_shared>> -> memref<104x64xf32, #tpu.memory_space<vmem_shared>>
        tpu.wait_dma2 semaphore(%run_scoped3A : memref<!tpu.dma_semaphore, #tpu.memory_space<semaphore_mem>>) src(%dma_wait3A_103 : memref<104x64xf32, #tpu.memory_space<vmem_shared>>) dst(%arg16 : memref<104x64xf32, #tpu.memory_space<vmem>>)
        tpu.yield
      }) : () -> ()
      %mul3A_65 = arith.constant 624 : i32
      %mul3A_66 = arith.muli %arg1, %mul3A_65 : i32
      %add3A_67 = arith.constant 208 : i32
      %add3A_68 = arith.addi %mul3A_66, %add3A_67 : i32
      "tpu.region"() ({
        %run_scoped3A = tpu.sem_alloc : memref<!tpu.dma_semaphore, #tpu.memory_space<semaphore_mem>>
        %dma_start3A = arith.constant 0 : i32
        %dma_start3A_98 = tpu.memref_slice %arg8[%add3A_68, %dma_start3A] : memref<10000x64xf32, #tpu.memory_space<hbm>> -> memref<104x64xf32, #tpu.memory_space<hbm>>
        %dma_start3A_99 = arith.constant 0 : i32
        %dma_start3A_100 = tpu.memref_slice %arg8[%add3A_68, %dma_start3A_99] : memref<10000x64xf32, #tpu.memory_space<hbm>> -> memref<104x64xf32, #tpu.memory_space<hbm>>
        tpu.enqueue_dma source(%arg16 : memref<104x64xf32, #tpu.memory_space<vmem>>) target(%dma_start3A_100 : memref<104x64xf32, #tpu.memory_space<hbm>>) target_semaphore(%run_scoped3A : memref<!tpu.dma_semaphore, #tpu.memory_space<semaphore_mem>>)
        %dma_wait3A = arith.constant 0 : i32
        %dma_wait3A_101 = tpu.memref_slice %arg8[%add3A_68, %dma_wait3A] : memref<10000x64xf32, #tpu.memory_space<hbm>> -> memref<104x64xf32, #tpu.memory_space<hbm>>
        %dma_wait3A_102 = arith.constant 0 : i32
        %dma_wait3A_103 = tpu.memref_slice %arg8[%add3A_68, %dma_wait3A_102] : memref<10000x64xf32, #tpu.memory_space<hbm>> -> memref<104x64xf32, #tpu.memory_space<hbm>>
        tpu.wait_dma2 semaphore(%run_scoped3A : memref<!tpu.dma_semaphore, #tpu.memory_space<semaphore_mem>>) src(%arg16 : memref<104x64xf32, #tpu.memory_space<vmem>>) dst(%dma_wait3A_103 : memref<104x64xf32, #tpu.memory_space<hbm>>)
        tpu.yield
      }) : () -> ()
      %mul3A_69 = arith.constant 624 : i32
      %mul3A_70 = arith.muli %arg1, %mul3A_69 : i32
      %add3A_71 = arith.constant 312 : i32
      %add3A_72 = arith.addi %mul3A_70, %add3A_71 : i32
      "tpu.region"() ({
        %run_scoped3A = tpu.sem_alloc : memref<!tpu.dma_semaphore, #tpu.memory_space<semaphore_mem>>
        %dma_start3A = arith.constant 0 : i32
        %dma_start3A_98 = tpu.memref_slice %arg17[%add3A_72, %dma_start3A] : memref<10008x64xf32, #tpu.memory_space<vmem_shared>> -> memref<104x64xf32, #tpu.memory_space<vmem_shared>>
        %dma_start3A_99 = arith.constant 0 : i32
        %dma_start3A_100 = tpu.memref_slice %arg17[%add3A_72, %dma_start3A_99] : memref<10008x64xf32, #tpu.memory_space<vmem_shared>> -> memref<104x64xf32, #tpu.memory_space<vmem_shared>>
        tpu.enqueue_dma source(%dma_start3A_100 : memref<104x64xf32, #tpu.memory_space<vmem_shared>>) target(%arg16 : memref<104x64xf32, #tpu.memory_space<vmem>>) target_semaphore(%run_scoped3A : memref<!tpu.dma_semaphore, #tpu.memory_space<semaphore_mem>>)
        %dma_wait3A = arith.constant 0 : i32
        %dma_wait3A_101 = tpu.memref_slice %arg17[%add3A_72, %dma_wait3A] : memref<10008x64xf32, #tpu.memory_space<vmem_shared>> -> memref<104x64xf32, #tpu.memory_space<vmem_shared>>
        %dma_wait3A_102 = arith.constant 0 : i32
        %dma_wait3A_103 = tpu.memref_slice %arg17[%add3A_72, %dma_wait3A_102] : memref<10008x64xf32, #tpu.memory_space<vmem_shared>> -> memref<104x64xf32, #tpu.memory_space<vmem_shared>>
        tpu.wait_dma2 semaphore(%run_scoped3A : memref<!tpu.dma_semaphore, #tpu.memory_space<semaphore_mem>>) src(%dma_wait3A_103 : memref<104x64xf32, #tpu.memory_space<vmem_shared>>) dst(%arg16 : memref<104x64xf32, #tpu.memory_space<vmem>>)
        tpu.yield
      }) : () -> ()
      %mul3A_73 = arith.constant 624 : i32
      %mul3A_74 = arith.muli %arg1, %mul3A_73 : i32
      %add3A_75 = arith.constant 312 : i32
      %add3A_76 = arith.addi %mul3A_74, %add3A_75 : i32
      "tpu.region"() ({
        %run_scoped3A = tpu.sem_alloc : memref<!tpu.dma_semaphore, #tpu.memory_space<semaphore_mem>>
        %dma_start3A = arith.constant 0 : i32
        %dma_start3A_98 = tpu.memref_slice %arg8[%add3A_76, %dma_start3A] : memref<10000x64xf32, #tpu.memory_space<hbm>> -> memref<104x64xf32, #tpu.memory_space<hbm>>
        %dma_start3A_99 = arith.constant 0 : i32
        %dma_start3A_100 = tpu.memref_slice %arg8[%add3A_76, %dma_start3A_99] : memref<10000x64xf32, #tpu.memory_space<hbm>> -> memref<104x64xf32, #tpu.memory_space<hbm>>
        tpu.enqueue_dma source(%arg16 : memref<104x64xf32, #tpu.memory_space<vmem>>) target(%dma_start3A_100 : memref<104x64xf32, #tpu.memory_space<hbm>>) target_semaphore(%run_scoped3A : memref<!tpu.dma_semaphore, #tpu.memory_space<semaphore_mem>>)
        %dma_wait3A = arith.constant 0 : i32
        %dma_wait3A_101 = tpu.memref_slice %arg8[%add3A_76, %dma_wait3A] : memref<10000x64xf32, #tpu.memory_space<hbm>> -> memref<104x64xf32, #tpu.memory_space<hbm>>
        %dma_wait3A_102 = arith.constant 0 : i32
        %dma_wait3A_103 = tpu.memref_slice %arg8[%add3A_76, %dma_wait3A_102] : memref<10000x64xf32, #tpu.memory_space<hbm>> -> memref<104x64xf32, #tpu.memory_space<hbm>>
        tpu.wait_dma2 semaphore(%run_scoped3A : memref<!tpu.dma_semaphore, #tpu.memory_space<semaphore_mem>>) src(%arg16 : memref<104x64xf32, #tpu.memory_space<vmem>>) dst(%dma_wait3A_103 : memref<104x64xf32, #tpu.memory_space<hbm>>)
        tpu.yield
      }) : () -> ()
      %mul3A_77 = arith.constant 624 : i32
      %mul3A_78 = arith.muli %arg1, %mul3A_77 : i32
      %add3A_79 = arith.constant 416 : i32
      %add3A_80 = arith.addi %mul3A_78, %add3A_79 : i32
      "tpu.region"() ({
        %run_scoped3A = tpu.sem_alloc : memref<!tpu.dma_semaphore, #tpu.memory_space<semaphore_mem>>
        %dma_start3A = arith.constant 0 : i32
        %dma_start3A_98 = tpu.memref_slice %arg17[%add3A_80, %dma_start3A] : memref<10008x64xf32, #tpu.memory_space<vmem_shared>> -> memref<104x64xf32, #tpu.memory_space<vmem_shared>>
        %dma_start3A_99 = arith.constant 0 : i32
        %dma_start3A_100 = tpu.memref_slice %arg17[%add3A_80, %dma_start3A_99] : memref<10008x64xf32, #tpu.memory_space<vmem_shared>> -> memref<104x64xf32, #tpu.memory_space<vmem_shared>>
        tpu.enqueue_dma source(%dma_start3A_100 : memref<104x64xf32, #tpu.memory_space<vmem_shared>>) target(%arg16 : memref<104x64xf32, #tpu.memory_space<vmem>>) target_semaphore(%run_scoped3A : memref<!tpu.dma_semaphore, #tpu.memory_space<semaphore_mem>>)
        %dma_wait3A = arith.constant 0 : i32
        %dma_wait3A_101 = tpu.memref_slice %arg17[%add3A_80, %dma_wait3A] : memref<10008x64xf32, #tpu.memory_space<vmem_shared>> -> memref<104x64xf32, #tpu.memory_space<vmem_shared>>
        %dma_wait3A_102 = arith.constant 0 : i32
        %dma_wait3A_103 = tpu.memref_slice %arg17[%add3A_80, %dma_wait3A_102] : memref<10008x64xf32, #tpu.memory_space<vmem_shared>> -> memref<104x64xf32, #tpu.memory_space<vmem_shared>>
        tpu.wait_dma2 semaphore(%run_scoped3A : memref<!tpu.dma_semaphore, #tpu.memory_space<semaphore_mem>>) src(%dma_wait3A_103 : memref<104x64xf32, #tpu.memory_space<vmem_shared>>) dst(%arg16 : memref<104x64xf32, #tpu.memory_space<vmem>>)
        tpu.yield
      }) : () -> ()
      %mul3A_81 = arith.constant 624 : i32
      %mul3A_82 = arith.muli %arg1, %mul3A_81 : i32
      %add3A_83 = arith.constant 416 : i32
      %add3A_84 = arith.addi %mul3A_82, %add3A_83 : i32
      "tpu.region"() ({
        %run_scoped3A = tpu.sem_alloc : memref<!tpu.dma_semaphore, #tpu.memory_space<semaphore_mem>>
        %dma_start3A = arith.constant 0 : i32
        %dma_start3A_98 = tpu.memref_slice %arg8[%add3A_84, %dma_start3A] : memref<10000x64xf32, #tpu.memory_space<hbm>> -> memref<104x64xf32, #tpu.memory_space<hbm>>
        %dma_start3A_99 = arith.constant 0 : i32
        %dma_start3A_100 = tpu.memref_slice %arg8[%add3A_84, %dma_start3A_99] : memref<10000x64xf32, #tpu.memory_space<hbm>> -> memref<104x64xf32, #tpu.memory_space<hbm>>
        tpu.enqueue_dma source(%arg16 : memref<104x64xf32, #tpu.memory_space<vmem>>) target(%dma_start3A_100 : memref<104x64xf32, #tpu.memory_space<hbm>>) target_semaphore(%run_scoped3A : memref<!tpu.dma_semaphore, #tpu.memory_space<semaphore_mem>>)
        %dma_wait3A = arith.constant 0 : i32
        %dma_wait3A_101 = tpu.memref_slice %arg8[%add3A_84, %dma_wait3A] : memref<10000x64xf32, #tpu.memory_space<hbm>> -> memref<104x64xf32, #tpu.memory_space<hbm>>
        %dma_wait3A_102 = arith.constant 0 : i32
        %dma_wait3A_103 = tpu.memref_slice %arg8[%add3A_84, %dma_wait3A_102] : memref<10000x64xf32, #tpu.memory_space<hbm>> -> memref<104x64xf32, #tpu.memory_space<hbm>>
        tpu.wait_dma2 semaphore(%run_scoped3A : memref<!tpu.dma_semaphore, #tpu.memory_space<semaphore_mem>>) src(%arg16 : memref<104x64xf32, #tpu.memory_space<vmem>>) dst(%dma_wait3A_103 : memref<104x64xf32, #tpu.memory_space<hbm>>)
        tpu.yield
      }) : () -> ()
      %mul3A_85 = arith.constant 624 : i32
      %mul3A_86 = arith.muli %arg1, %mul3A_85 : i32
      %add3A_87 = arith.constant 520 : i32
      %add3A_88 = arith.addi %mul3A_86, %add3A_87 : i32
      "tpu.region"() ({
        %run_scoped3A = tpu.sem_alloc : memref<!tpu.dma_semaphore, #tpu.memory_space<semaphore_mem>>
        %dma_start3A = arith.constant 0 : i32
        %dma_start3A_98 = tpu.memref_slice %arg17[%add3A_88, %dma_start3A] : memref<10008x64xf32, #tpu.memory_space<vmem_shared>> -> memref<104x64xf32, #tpu.memory_space<vmem_shared>>
        %dma_start3A_99 = arith.constant 0 : i32
        %dma_start3A_100 = tpu.memref_slice %arg17[%add3A_88, %dma_start3A_99] : memref<10008x64xf32, #tpu.memory_space<vmem_shared>> -> memref<104x64xf32, #tpu.memory_space<vmem_shared>>
        tpu.enqueue_dma source(%dma_start3A_100 : memref<104x64xf32, #tpu.memory_space<vmem_shared>>) target(%arg16 : memref<104x64xf32, #tpu.memory_space<vmem>>) target_semaphore(%run_scoped3A : memref<!tpu.dma_semaphore, #tpu.memory_space<semaphore_mem>>)
        %dma_wait3A = arith.constant 0 : i32
        %dma_wait3A_101 = tpu.memref_slice %arg17[%add3A_88, %dma_wait3A] : memref<10008x64xf32, #tpu.memory_space<vmem_shared>> -> memref<104x64xf32, #tpu.memory_space<vmem_shared>>
        %dma_wait3A_102 = arith.constant 0 : i32
        %dma_wait3A_103 = tpu.memref_slice %arg17[%add3A_88, %dma_wait3A_102] : memref<10008x64xf32, #tpu.memory_space<vmem_shared>> -> memref<104x64xf32, #tpu.memory_space<vmem_shared>>
        tpu.wait_dma2 semaphore(%run_scoped3A : memref<!tpu.dma_semaphore, #tpu.memory_space<semaphore_mem>>) src(%dma_wait3A_103 : memref<104x64xf32, #tpu.memory_space<vmem_shared>>) dst(%arg16 : memref<104x64xf32, #tpu.memory_space<vmem>>)
        tpu.yield
      }) : () -> ()
      %mul3A_89 = arith.constant 624 : i32
      %mul3A_90 = arith.muli %arg1, %mul3A_89 : i32
      %add3A_91 = arith.constant 520 : i32
      %add3A_92 = arith.addi %mul3A_90, %add3A_91 : i32
      "tpu.region"() ({
        %run_scoped3A = tpu.sem_alloc : memref<!tpu.dma_semaphore, #tpu.memory_space<semaphore_mem>>
        %dma_start3A = arith.constant 0 : i32
        %dma_start3A_98 = tpu.memref_slice %arg8[%add3A_92, %dma_start3A] : memref<10000x64xf32, #tpu.memory_space<hbm>> -> memref<104x64xf32, #tpu.memory_space<hbm>>
        %dma_start3A_99 = arith.constant 0 : i32
        %dma_start3A_100 = tpu.memref_slice %arg8[%add3A_92, %dma_start3A_99] : memref<10000x64xf32, #tpu.memory_space<hbm>> -> memref<104x64xf32, #tpu.memory_space<hbm>>
        tpu.enqueue_dma source(%arg16 : memref<104x64xf32, #tpu.memory_space<vmem>>) target(%dma_start3A_100 : memref<104x64xf32, #tpu.memory_space<hbm>>) target_semaphore(%run_scoped3A : memref<!tpu.dma_semaphore, #tpu.memory_space<semaphore_mem>>)
        %dma_wait3A = arith.constant 0 : i32
        %dma_wait3A_101 = tpu.memref_slice %arg8[%add3A_92, %dma_wait3A] : memref<10000x64xf32, #tpu.memory_space<hbm>> -> memref<104x64xf32, #tpu.memory_space<hbm>>
        %dma_wait3A_102 = arith.constant 0 : i32
        %dma_wait3A_103 = tpu.memref_slice %arg8[%add3A_92, %dma_wait3A_102] : memref<10000x64xf32, #tpu.memory_space<hbm>> -> memref<104x64xf32, #tpu.memory_space<hbm>>
        tpu.wait_dma2 semaphore(%run_scoped3A : memref<!tpu.dma_semaphore, #tpu.memory_space<semaphore_mem>>) src(%arg16 : memref<104x64xf32, #tpu.memory_space<vmem>>) dst(%dma_wait3A_103 : memref<104x64xf32, #tpu.memory_space<hbm>>)
        tpu.yield
      }) : () -> ()
      %eq3A_93 = arith.constant 15 : i32
      %eq3A_94 = arith.cmpi eq, %arg1, %eq3A_93 : i32
      %convert_element_type3A_95 = arith.extui %eq3A_94 : i1 to i32
      %cond3A_96 = arith.constant 0 : i32
      %cond3A_97 = arith.cmpi ne, %convert_element_type3A_95, %cond3A_96 : i32
      scf.if %cond3A_97 {
        "tpu.region"() ({
          %run_scoped3A = tpu.sem_alloc : memref<!tpu.dma_semaphore, #tpu.memory_space<semaphore_mem>>
          %dma_start3A = arith.constant 0 : i32
          %dma_start3A_98 = arith.constant 0 : i32
          %dma_start3A_99 = tpu.memref_slice %arg11[%dma_start3A, %dma_start3A_98] : memref<128x64xf32, #tpu.memory_space<vmem>> -> memref<16x64xf32, #tpu.memory_space<vmem>>
          %dma_start3A_100 = arith.constant 9984 : i32
          %dma_start3A_101 = arith.constant 0 : i32
          %dma_start3A_102 = tpu.memref_slice %arg17[%dma_start3A_100, %dma_start3A_101] : memref<10008x64xf32, #tpu.memory_space<vmem_shared>> -> memref<16x64xf32, #tpu.memory_space<vmem_shared>>
          %dma_start3A_103 = arith.constant 0 : i32
          %dma_start3A_104 = arith.constant 0 : i32
          %dma_start3A_105 = tpu.memref_slice %arg11[%dma_start3A_103, %dma_start3A_104] : memref<128x64xf32, #tpu.memory_space<vmem>> -> memref<16x64xf32, #tpu.memory_space<vmem>>
          %dma_start3A_106 = arith.constant 9984 : i32
          %dma_start3A_107 = arith.constant 0 : i32
          %dma_start3A_108 = tpu.memref_slice %arg17[%dma_start3A_106, %dma_start3A_107] : memref<10008x64xf32, #tpu.memory_space<vmem_shared>> -> memref<16x64xf32, #tpu.memory_space<vmem_shared>>
          tpu.enqueue_dma source(%dma_start3A_108 : memref<16x64xf32, #tpu.memory_space<vmem_shared>>) target(%dma_start3A_105 : memref<16x64xf32, #tpu.memory_space<vmem>>) target_semaphore(%run_scoped3A : memref<!tpu.dma_semaphore, #tpu.memory_space<semaphore_mem>>)
          %dma_wait3A = arith.constant 0 : i32
          %dma_wait3A_109 = arith.constant 0 : i32
          %dma_wait3A_110 = tpu.memref_slice %arg11[%dma_wait3A, %dma_wait3A_109] : memref<128x64xf32, #tpu.memory_space<vmem>> -> memref<16x64xf32, #tpu.memory_space<vmem>>
          %dma_wait3A_111 = arith.constant 9984 : i32
          %dma_wait3A_112 = arith.constant 0 : i32
          %dma_wait3A_113 = tpu.memref_slice %arg17[%dma_wait3A_111, %dma_wait3A_112] : memref<10008x64xf32, #tpu.memory_space<vmem_shared>> -> memref<16x64xf32, #tpu.memory_space<vmem_shared>>
          %dma_wait3A_114 = arith.constant 0 : i32
          %dma_wait3A_115 = arith.constant 0 : i32
          %dma_wait3A_116 = tpu.memref_slice %arg11[%dma_wait3A_114, %dma_wait3A_115] : memref<128x64xf32, #tpu.memory_space<vmem>> -> memref<16x64xf32, #tpu.memory_space<vmem>>
          %dma_wait3A_117 = arith.constant 9984 : i32
          %dma_wait3A_118 = arith.constant 0 : i32
          %dma_wait3A_119 = tpu.memref_slice %arg17[%dma_wait3A_117, %dma_wait3A_118] : memref<10008x64xf32, #tpu.memory_space<vmem_shared>> -> memref<16x64xf32, #tpu.memory_space<vmem_shared>>
          tpu.wait_dma2 semaphore(%run_scoped3A : memref<!tpu.dma_semaphore, #tpu.memory_space<semaphore_mem>>) src(%dma_wait3A_119 : memref<16x64xf32, #tpu.memory_space<vmem_shared>>) dst(%dma_wait3A_116 : memref<16x64xf32, #tpu.memory_space<vmem>>)
          tpu.yield
        }) : () -> ()
        "tpu.region"() ({
          %run_scoped3A = tpu.sem_alloc : memref<!tpu.dma_semaphore, #tpu.memory_space<semaphore_mem>>
          %dma_start3A = arith.constant 0 : i32
          %dma_start3A_98 = arith.constant 0 : i32
          %dma_start3A_99 = tpu.memref_slice %arg11[%dma_start3A, %dma_start3A_98] : memref<128x64xf32, #tpu.memory_space<vmem>> -> memref<16x64xf32, #tpu.memory_space<vmem>>
          %dma_start3A_100 = arith.constant 9984 : i32
          %dma_start3A_101 = arith.constant 0 : i32
          %dma_start3A_102 = tpu.memref_slice %arg8[%dma_start3A_100, %dma_start3A_101] : memref<10000x64xf32, #tpu.memory_space<hbm>> -> memref<16x64xf32, #tpu.memory_space<hbm>>
          %dma_start3A_103 = arith.constant 9984 : i32
          %dma_start3A_104 = arith.constant 0 : i32
          %dma_start3A_105 = tpu.memref_slice %arg8[%dma_start3A_103, %dma_start3A_104] : memref<10000x64xf32, #tpu.memory_space<hbm>> -> memref<16x64xf32, #tpu.memory_space<hbm>>
          %dma_start3A_106 = arith.constant 0 : i32
          %dma_start3A_107 = arith.constant 0 : i32
          %dma_start3A_108 = tpu.memref_slice %arg11[%dma_start3A_106, %dma_start3A_107] : memref<128x64xf32, #tpu.memory_space<vmem>> -> memref<16x64xf32, #tpu.memory_space<vmem>>
          tpu.enqueue_dma source(%dma_start3A_108 : memref<16x64xf32, #tpu.memory_space<vmem>>) target(%dma_start3A_105 : memref<16x64xf32, #tpu.memory_space<hbm>>) target_semaphore(%run_scoped3A : memref<!tpu.dma_semaphore, #tpu.memory_space<semaphore_mem>>)
          %dma_wait3A = arith.constant 0 : i32
          %dma_wait3A_109 = arith.constant 0 : i32
          %dma_wait3A_110 = tpu.memref_slice %arg11[%dma_wait3A, %dma_wait3A_109] : memref<128x64xf32, #tpu.memory_space<vmem>> -> memref<16x64xf32, #tpu.memory_space<vmem>>
          %dma_wait3A_111 = arith.constant 9984 : i32
          %dma_wait3A_112 = arith.constant 0 : i32
          %dma_wait3A_113 = tpu.memref_slice %arg8[%dma_wait3A_111, %dma_wait3A_112] : memref<10000x64xf32, #tpu.memory_space<hbm>> -> memref<16x64xf32, #tpu.memory_space<hbm>>
          %dma_wait3A_114 = arith.constant 9984 : i32
          %dma_wait3A_115 = arith.constant 0 : i32
          %dma_wait3A_116 = tpu.memref_slice %arg8[%dma_wait3A_114, %dma_wait3A_115] : memref<10000x64xf32, #tpu.memory_space<hbm>> -> memref<16x64xf32, #tpu.memory_space<hbm>>
          %dma_wait3A_117 = arith.constant 0 : i32
          %dma_wait3A_118 = arith.constant 0 : i32
          %dma_wait3A_119 = tpu.memref_slice %arg11[%dma_wait3A_117, %dma_wait3A_118] : memref<128x64xf32, #tpu.memory_space<vmem>> -> memref<16x64xf32, #tpu.memory_space<vmem>>
          tpu.wait_dma2 semaphore(%run_scoped3A : memref<!tpu.dma_semaphore, #tpu.memory_space<semaphore_mem>>) src(%dma_wait3A_119 : memref<16x64xf32, #tpu.memory_space<vmem>>) dst(%dma_wait3A_116 : memref<16x64xf32, #tpu.memory_space<hbm>>)
          tpu.yield
        }) : () -> ()
      } else {
      }
      "tpu.trace_stop"() : () -> ()
    } else {
    }
    return
  }
}

#map = affine_map<(d0, d1) -> (0, 0, 0)>
#map1 = affine_map<(d0, d1) -> (0)>
module attributes {stable_mosaic.version = 14 : i64} {
  func.func @k(%arg0: i32, %arg1: i32, %arg2: memref<32x125x80xi32, #tpu.memory_space<hbm>>, %arg3: memref<640xf32, #tpu.memory_space<hbm>>, %arg4: memref<80xf32, #tpu.memory_space<hbm>>, %arg5: memref<10000xf32, #tpu.memory_space<hbm>>, %arg6: memref<10000xf32, #tpu.memory_space<hbm>>, %arg7: memref<125x80xi32, #tpu.memory_space<vmem>>, %arg8: memref<80xf32, #tpu.memory_space<vmem>>, %arg9: memref<640xf32, #tpu.memory_space<vmem>>, %arg10: memref<10000xf32, #tpu.memory_space<vmem_shared>>) attributes {dimension_semantics = [#tpu.dimension_semantics<core_parallel>, #tpu.dimension_semantics<subcore_parallel>], iteration_bounds = array<i64: 2, 16>, scalar_prefetch = 0 : i64, scratch_operands = 4 : i64, tpu.core_type = #tpu.core_type<sc_vector_subcore>, window_params = [{transform_indices = #map}, {transform_indices = #map1}, {transform_indices = #map1}, {transform_indices = #map1}, {transform_indices = #map1}]} {
    %mul3A = arith.constant 16 : i32
    %mul3A_0 = arith.muli %arg0, %mul3A : i32
    %add3A = arith.addi %mul3A_0, %arg1 : i32
    "tpu.region"() ({
      %run_scoped3A = tpu.sem_alloc : memref<!tpu.dma_semaphore, #tpu.memory_space<semaphore_mem>>
      tpu.enqueue_dma source(%arg3 : memref<640xf32, #tpu.memory_space<hbm>>) target(%arg9 : memref<640xf32, #tpu.memory_space<vmem>>) target_semaphore(%run_scoped3A : memref<!tpu.dma_semaphore, #tpu.memory_space<semaphore_mem>>)
      tpu.wait_dma2 semaphore(%run_scoped3A : memref<!tpu.dma_semaphore, #tpu.memory_space<semaphore_mem>>) src(%arg3 : memref<640xf32, #tpu.memory_space<hbm>>) dst(%arg9 : memref<640xf32, #tpu.memory_space<vmem>>)
      tpu.yield
    }) : () -> ()
    %mul3A_1 = arith.constant 624 : i32
    %mul3A_2 = arith.muli %arg1, %mul3A_1 : i32
    "tpu.region"() ({
      %run_scoped3A = tpu.sem_alloc : memref<!tpu.dma_semaphore, #tpu.memory_space<semaphore_mem>>
      %dma_start3A = arith.constant 0 : i32
      %dma_start3A_23 = tpu.memref_slice %arg9[%dma_start3A] : memref<640xf32, #tpu.memory_space<vmem>> -> memref<624xf32, #tpu.memory_space<vmem>>
      %dma_start3A_24 = tpu.memref_slice %arg10[%mul3A_2] : memref<10000xf32, #tpu.memory_space<vmem_shared>> -> memref<624xf32, #tpu.memory_space<vmem_shared>>
      %dma_start3A_25 = tpu.memref_slice %arg10[%mul3A_2] : memref<10000xf32, #tpu.memory_space<vmem_shared>> -> memref<624xf32, #tpu.memory_space<vmem_shared>>
      %dma_start3A_26 = arith.constant 0 : i32
      %dma_start3A_27 = tpu.memref_slice %arg9[%dma_start3A_26] : memref<640xf32, #tpu.memory_space<vmem>> -> memref<624xf32, #tpu.memory_space<vmem>>
      tpu.enqueue_dma source(%dma_start3A_27 : memref<624xf32, #tpu.memory_space<vmem>>) target(%dma_start3A_25 : memref<624xf32, #tpu.memory_space<vmem_shared>>) target_semaphore(%run_scoped3A : memref<!tpu.dma_semaphore, #tpu.memory_space<semaphore_mem>>)
      %dma_wait3A = arith.constant 0 : i32
      %dma_wait3A_28 = tpu.memref_slice %arg9[%dma_wait3A] : memref<640xf32, #tpu.memory_space<vmem>> -> memref<624xf32, #tpu.memory_space<vmem>>
      %dma_wait3A_29 = tpu.memref_slice %arg10[%mul3A_2] : memref<10000xf32, #tpu.memory_space<vmem_shared>> -> memref<624xf32, #tpu.memory_space<vmem_shared>>
      %dma_wait3A_30 = tpu.memref_slice %arg10[%mul3A_2] : memref<10000xf32, #tpu.memory_space<vmem_shared>> -> memref<624xf32, #tpu.memory_space<vmem_shared>>
      %dma_wait3A_31 = arith.constant 0 : i32
      %dma_wait3A_32 = tpu.memref_slice %arg9[%dma_wait3A_31] : memref<640xf32, #tpu.memory_space<vmem>> -> memref<624xf32, #tpu.memory_space<vmem>>
      tpu.wait_dma2 semaphore(%run_scoped3A : memref<!tpu.dma_semaphore, #tpu.memory_space<semaphore_mem>>) src(%dma_wait3A_32 : memref<624xf32, #tpu.memory_space<vmem>>) dst(%dma_wait3A_30 : memref<624xf32, #tpu.memory_space<vmem_shared>>)
      tpu.yield
    }) : () -> ()
    %eq3A = arith.constant 15 : i32
    %eq3A_3 = arith.cmpi eq, %arg1, %eq3A : i32
    %convert_element_type3A = arith.extui %eq3A_3 : i1 to i32
    %cond3A = arith.constant 0 : i32
    %cond3A_4 = arith.cmpi ne, %convert_element_type3A, %cond3A : i32
    scf.if %cond3A_4 {
      "tpu.region"() ({
        %run_scoped3A = tpu.sem_alloc : memref<!tpu.dma_semaphore, #tpu.memory_space<semaphore_mem>>
        %dma_start3A = arith.constant 0 : i32
        %dma_start3A_23 = tpu.memref_slice %arg9[%dma_start3A] : memref<640xf32, #tpu.memory_space<vmem>> -> memref<16xf32, #tpu.memory_space<vmem>>
        %dma_start3A_24 = arith.constant 9984 : i32
        %dma_start3A_25 = tpu.memref_slice %arg10[%dma_start3A_24] : memref<10000xf32, #tpu.memory_space<vmem_shared>> -> memref<16xf32, #tpu.memory_space<vmem_shared>>
        %dma_start3A_26 = arith.constant 9984 : i32
        %dma_start3A_27 = tpu.memref_slice %arg10[%dma_start3A_26] : memref<10000xf32, #tpu.memory_space<vmem_shared>> -> memref<16xf32, #tpu.memory_space<vmem_shared>>
        %dma_start3A_28 = arith.constant 0 : i32
        %dma_start3A_29 = tpu.memref_slice %arg9[%dma_start3A_28] : memref<640xf32, #tpu.memory_space<vmem>> -> memref<16xf32, #tpu.memory_space<vmem>>
        tpu.enqueue_dma source(%dma_start3A_29 : memref<16xf32, #tpu.memory_space<vmem>>) target(%dma_start3A_27 : memref<16xf32, #tpu.memory_space<vmem_shared>>) target_semaphore(%run_scoped3A : memref<!tpu.dma_semaphore, #tpu.memory_space<semaphore_mem>>)
        %dma_wait3A = arith.constant 0 : i32
        %dma_wait3A_30 = tpu.memref_slice %arg9[%dma_wait3A] : memref<640xf32, #tpu.memory_space<vmem>> -> memref<16xf32, #tpu.memory_space<vmem>>
        %dma_wait3A_31 = arith.constant 9984 : i32
        %dma_wait3A_32 = tpu.memref_slice %arg10[%dma_wait3A_31] : memref<10000xf32, #tpu.memory_space<vmem_shared>> -> memref<16xf32, #tpu.memory_space<vmem_shared>>
        %dma_wait3A_33 = arith.constant 9984 : i32
        %dma_wait3A_34 = tpu.memref_slice %arg10[%dma_wait3A_33] : memref<10000xf32, #tpu.memory_space<vmem_shared>> -> memref<16xf32, #tpu.memory_space<vmem_shared>>
        %dma_wait3A_35 = arith.constant 0 : i32
        %dma_wait3A_36 = tpu.memref_slice %arg9[%dma_wait3A_35] : memref<640xf32, #tpu.memory_space<vmem>> -> memref<16xf32, #tpu.memory_space<vmem>>
        tpu.wait_dma2 semaphore(%run_scoped3A : memref<!tpu.dma_semaphore, #tpu.memory_space<semaphore_mem>>) src(%dma_wait3A_36 : memref<16xf32, #tpu.memory_space<vmem>>) dst(%dma_wait3A_34 : memref<16xf32, #tpu.memory_space<vmem_shared>>)
        tpu.yield
      }) : () -> ()
    } else {
    }
    "tpu.region"() ({
      %run_scoped3A = tpu.sem_alloc : memref<!tpu.dma_semaphore, #tpu.memory_space<semaphore_mem>>
      tpu.enqueue_dma source(%arg4 : memref<80xf32, #tpu.memory_space<hbm>>) target(%arg8 : memref<80xf32, #tpu.memory_space<vmem>>) target_semaphore(%run_scoped3A : memref<!tpu.dma_semaphore, #tpu.memory_space<semaphore_mem>>)
      tpu.wait_dma2 semaphore(%run_scoped3A : memref<!tpu.dma_semaphore, #tpu.memory_space<semaphore_mem>>) src(%arg4 : memref<80xf32, #tpu.memory_space<hbm>>) dst(%arg8 : memref<80xf32, #tpu.memory_space<vmem>>)
      tpu.yield
    }) : () -> ()
    "tpu.region"() ({
      %run_scoped3A = tpu.sem_alloc : memref<!tpu.dma_semaphore, #tpu.memory_space<semaphore_mem>>
      %dma_start3A = arith.constant 0 : i32
      %dma_start3A_23 = arith.constant 0 : i32
      %dma_start3A_24 = tpu.memref_slice %arg2[%add3A, %dma_start3A, %dma_start3A_23] : memref<32x125x80xi32, #tpu.memory_space<hbm>> -> memref<1x125x80xi32, #tpu.memory_space<hbm>>
      %dma_start3A_25 = tpu.memref_squeeze %dma_start3A_24 : memref<1x125x80xi32, #tpu.memory_space<hbm>> -> memref<125x80xi32, #tpu.memory_space<hbm>>
      %dma_start3A_26 = arith.constant 0 : i32
      %dma_start3A_27 = arith.constant 0 : i32
      %dma_start3A_28 = tpu.memref_slice %arg2[%add3A, %dma_start3A_26, %dma_start3A_27] : memref<32x125x80xi32, #tpu.memory_space<hbm>> -> memref<1x125x80xi32, #tpu.memory_space<hbm>>
      %dma_start3A_29 = tpu.memref_squeeze %dma_start3A_28 : memref<1x125x80xi32, #tpu.memory_space<hbm>> -> memref<125x80xi32, #tpu.memory_space<hbm>>
      tpu.enqueue_dma source(%dma_start3A_29 : memref<125x80xi32, #tpu.memory_space<hbm>>) target(%arg7 : memref<125x80xi32, #tpu.memory_space<vmem>>) target_semaphore(%run_scoped3A : memref<!tpu.dma_semaphore, #tpu.memory_space<semaphore_mem>>)
      %dma_wait3A = arith.constant 0 : i32
      %dma_wait3A_30 = arith.constant 0 : i32
      %dma_wait3A_31 = tpu.memref_slice %arg2[%add3A, %dma_wait3A, %dma_wait3A_30] : memref<32x125x80xi32, #tpu.memory_space<hbm>> -> memref<1x125x80xi32, #tpu.memory_space<hbm>>
      %dma_wait3A_32 = tpu.memref_squeeze %dma_wait3A_31 : memref<1x125x80xi32, #tpu.memory_space<hbm>> -> memref<125x80xi32, #tpu.memory_space<hbm>>
      %dma_wait3A_33 = arith.constant 0 : i32
      %dma_wait3A_34 = arith.constant 0 : i32
      %dma_wait3A_35 = tpu.memref_slice %arg2[%add3A, %dma_wait3A_33, %dma_wait3A_34] : memref<32x125x80xi32, #tpu.memory_space<hbm>> -> memref<1x125x80xi32, #tpu.memory_space<hbm>>
      %dma_wait3A_36 = tpu.memref_squeeze %dma_wait3A_35 : memref<1x125x80xi32, #tpu.memory_space<hbm>> -> memref<125x80xi32, #tpu.memory_space<hbm>>
      tpu.wait_dma2 semaphore(%run_scoped3A : memref<!tpu.dma_semaphore, #tpu.memory_space<semaphore_mem>>) src(%dma_wait3A_36 : memref<125x80xi32, #tpu.memory_space<hbm>>) dst(%arg7 : memref<125x80xi32, #tpu.memory_space<vmem>>)
      tpu.yield
    }) : () -> ()
    %barrier3A = arith.constant 0 : index
    tpu.barrier barrier_id(%barrier3A)
    %scan3A = arith.constant 0 : i32
    %scan3A_5 = arith.constant 0 : i32
    %scan3A_6 = arith.constant 125 : i32
    %scan3A_7 = arith.addi %scan3A_5, %scan3A_6 : i32
    %scan3A_8 = arith.constant 1 : i32
    scf.for %scan3A_23 = %scan3A_5 to %scan3A_7 step %scan3A_8  : i32 {
      "tpu.region"() ({
        %run_scoped3A = tpu.sem_alloc : memref<!tpu.dma_semaphore, #tpu.memory_space<semaphore_mem>>
        %dma_start3A = arith.constant 0 : i32
        %dma_start3A_24 = tpu.memref_slice %arg7[%scan3A_23, %dma_start3A] : memref<125x80xi32, #tpu.memory_space<vmem>> -> memref<1x80xi32, #tpu.memory_space<vmem>>
        %dma_start3A_25 = tpu.memref_squeeze %dma_start3A_24 : memref<1x80xi32, #tpu.memory_space<vmem>> -> memref<80xi32, #tpu.memory_space<vmem>>
        %dma_start3A_26 = arith.constant 0 : i32
        %dma_start3A_27 = tpu.memref_slice %arg10[%dma_start3A_26] : memref<10000xf32, #tpu.memory_space<vmem_shared>> -> memref<10000xf32, #tpu.memory_space<vmem_shared>>
        tpu.enqueue_indirect_dma source(%arg8 : memref<80xf32, #tpu.memory_space<vmem>>) target(%dma_start3A_27 : memref<10000xf32, #tpu.memory_space<vmem_shared>>) offsets(%dma_start3A_25 : memref<80xi32, #tpu.memory_space<vmem>>) semaphore(%run_scoped3A : memref<!tpu.dma_semaphore, #tpu.memory_space<semaphore_mem>>) {add = true}
        %dma_wait3A = arith.constant 0 : i32
        %dma_wait3A_28 = tpu.memref_slice %arg7[%scan3A_23, %dma_wait3A] : memref<125x80xi32, #tpu.memory_space<vmem>> -> memref<1x80xi32, #tpu.memory_space<vmem>>
        %dma_wait3A_29 = tpu.memref_squeeze %dma_wait3A_28 : memref<1x80xi32, #tpu.memory_space<vmem>> -> memref<80xi32, #tpu.memory_space<vmem>>
        %dma_wait3A_30 = arith.constant 0 : i32
        %dma_wait3A_31 = tpu.memref_slice %arg10[%dma_wait3A_30] : memref<10000xf32, #tpu.memory_space<vmem_shared>> -> memref<10000xf32, #tpu.memory_space<vmem_shared>>
        tpu.wait_indirect_dma semaphore(%run_scoped3A : memref<!tpu.dma_semaphore, #tpu.memory_space<semaphore_mem>>) src(%arg8 : memref<80xf32, #tpu.memory_space<vmem>>) dst(%dma_wait3A_31 : memref<10000xf32, #tpu.memory_space<vmem_shared>>)
        tpu.yield
      }) : () -> ()
    }
    %scan3A_9 = arith.constant 125 : i32
    %barrier3A_10 = arith.constant 0 : index
    tpu.barrier barrier_id(%barrier3A_10)
    %mul3A_11 = arith.constant 624 : i32
    %mul3A_12 = arith.muli %arg1, %mul3A_11 : i32
    "tpu.region"() ({
      %run_scoped3A = tpu.sem_alloc : memref<!tpu.dma_semaphore, #tpu.memory_space<semaphore_mem>>
      %dma_start3A = arith.constant 0 : i32
      %dma_start3A_23 = tpu.memref_slice %arg9[%dma_start3A] : memref<640xf32, #tpu.memory_space<vmem>> -> memref<624xf32, #tpu.memory_space<vmem>>
      %dma_start3A_24 = tpu.memref_slice %arg10[%mul3A_12] : memref<10000xf32, #tpu.memory_space<vmem_shared>> -> memref<624xf32, #tpu.memory_space<vmem_shared>>
      %dma_start3A_25 = arith.constant 0 : i32
      %dma_start3A_26 = tpu.memref_slice %arg9[%dma_start3A_25] : memref<640xf32, #tpu.memory_space<vmem>> -> memref<624xf32, #tpu.memory_space<vmem>>
      %dma_start3A_27 = tpu.memref_slice %arg10[%mul3A_12] : memref<10000xf32, #tpu.memory_space<vmem_shared>> -> memref<624xf32, #tpu.memory_space<vmem_shared>>
      tpu.enqueue_dma source(%dma_start3A_27 : memref<624xf32, #tpu.memory_space<vmem_shared>>) target(%dma_start3A_26 : memref<624xf32, #tpu.memory_space<vmem>>) target_semaphore(%run_scoped3A : memref<!tpu.dma_semaphore, #tpu.memory_space<semaphore_mem>>)
      %dma_wait3A = arith.constant 0 : i32
      %dma_wait3A_28 = tpu.memref_slice %arg9[%dma_wait3A] : memref<640xf32, #tpu.memory_space<vmem>> -> memref<624xf32, #tpu.memory_space<vmem>>
      %dma_wait3A_29 = tpu.memref_slice %arg10[%mul3A_12] : memref<10000xf32, #tpu.memory_space<vmem_shared>> -> memref<624xf32, #tpu.memory_space<vmem_shared>>
      %dma_wait3A_30 = arith.constant 0 : i32
      %dma_wait3A_31 = tpu.memref_slice %arg9[%dma_wait3A_30] : memref<640xf32, #tpu.memory_space<vmem>> -> memref<624xf32, #tpu.memory_space<vmem>>
      %dma_wait3A_32 = tpu.memref_slice %arg10[%mul3A_12] : memref<10000xf32, #tpu.memory_space<vmem_shared>> -> memref<624xf32, #tpu.memory_space<vmem_shared>>
      tpu.wait_dma2 semaphore(%run_scoped3A : memref<!tpu.dma_semaphore, #tpu.memory_space<semaphore_mem>>) src(%dma_wait3A_32 : memref<624xf32, #tpu.memory_space<vmem_shared>>) dst(%dma_wait3A_31 : memref<624xf32, #tpu.memory_space<vmem>>)
      tpu.yield
    }) : () -> ()
    %eq3A_13 = arith.constant 0 : i32
    %eq3A_14 = arith.cmpi eq, %arg0, %eq3A_13 : i32
    %convert_element_type3A_15 = arith.extui %eq3A_14 : i1 to i32
    %cond3A_16 = arith.constant 0 : i32
    %cond3A_17 = arith.cmpi ne, %convert_element_type3A_15, %cond3A_16 : i32
    scf.if %cond3A_17 {
      %mul3A_23 = arith.constant 624 : i32
      %mul3A_24 = arith.muli %arg1, %mul3A_23 : i32
      "tpu.region"() ({
        %run_scoped3A = tpu.sem_alloc : memref<!tpu.dma_semaphore, #tpu.memory_space<semaphore_mem>>
        %dma_start3A = arith.constant 0 : i32
        %dma_start3A_30 = tpu.memref_slice %arg9[%dma_start3A] : memref<640xf32, #tpu.memory_space<vmem>> -> memref<624xf32, #tpu.memory_space<vmem>>
        %dma_start3A_31 = tpu.memref_slice %arg5[%mul3A_24] : memref<10000xf32, #tpu.memory_space<hbm>> -> memref<624xf32, #tpu.memory_space<hbm>>
        %dma_start3A_32 = tpu.memref_slice %arg5[%mul3A_24] : memref<10000xf32, #tpu.memory_space<hbm>> -> memref<624xf32, #tpu.memory_space<hbm>>
        %dma_start3A_33 = arith.constant 0 : i32
        %dma_start3A_34 = tpu.memref_slice %arg9[%dma_start3A_33] : memref<640xf32, #tpu.memory_space<vmem>> -> memref<624xf32, #tpu.memory_space<vmem>>
        tpu.enqueue_dma source(%dma_start3A_34 : memref<624xf32, #tpu.memory_space<vmem>>) target(%dma_start3A_32 : memref<624xf32, #tpu.memory_space<hbm>>) target_semaphore(%run_scoped3A : memref<!tpu.dma_semaphore, #tpu.memory_space<semaphore_mem>>)
        %dma_wait3A = arith.constant 0 : i32
        %dma_wait3A_35 = tpu.memref_slice %arg9[%dma_wait3A] : memref<640xf32, #tpu.memory_space<vmem>> -> memref<624xf32, #tpu.memory_space<vmem>>
        %dma_wait3A_36 = tpu.memref_slice %arg5[%mul3A_24] : memref<10000xf32, #tpu.memory_space<hbm>> -> memref<624xf32, #tpu.memory_space<hbm>>
        %dma_wait3A_37 = tpu.memref_slice %arg5[%mul3A_24] : memref<10000xf32, #tpu.memory_space<hbm>> -> memref<624xf32, #tpu.memory_space<hbm>>
        %dma_wait3A_38 = arith.constant 0 : i32
        %dma_wait3A_39 = tpu.memref_slice %arg9[%dma_wait3A_38] : memref<640xf32, #tpu.memory_space<vmem>> -> memref<624xf32, #tpu.memory_space<vmem>>
        tpu.wait_dma2 semaphore(%run_scoped3A : memref<!tpu.dma_semaphore, #tpu.memory_space<semaphore_mem>>) src(%dma_wait3A_39 : memref<624xf32, #tpu.memory_space<vmem>>) dst(%dma_wait3A_37 : memref<624xf32, #tpu.memory_space<hbm>>)
        tpu.yield
      }) : () -> ()
      %eq3A_25 = arith.constant 15 : i32
      %eq3A_26 = arith.cmpi eq, %arg1, %eq3A_25 : i32
      %convert_element_type3A_27 = arith.extui %eq3A_26 : i1 to i32
      %cond3A_28 = arith.constant 0 : i32
      %cond3A_29 = arith.cmpi ne, %convert_element_type3A_27, %cond3A_28 : i32
      scf.if %cond3A_29 {
        "tpu.region"() ({
          %run_scoped3A = tpu.sem_alloc : memref<!tpu.dma_semaphore, #tpu.memory_space<semaphore_mem>>
          %dma_start3A = arith.constant 624 : i32
          %dma_start3A_30 = tpu.memref_slice %arg9[%dma_start3A] : memref<640xf32, #tpu.memory_space<vmem>> -> memref<16xf32, #tpu.memory_space<vmem>>
          %dma_start3A_31 = arith.constant 9984 : i32
          %dma_start3A_32 = tpu.memref_slice %arg10[%dma_start3A_31] : memref<10000xf32, #tpu.memory_space<vmem_shared>> -> memref<16xf32, #tpu.memory_space<vmem_shared>>
          %dma_start3A_33 = arith.constant 624 : i32
          %dma_start3A_34 = tpu.memref_slice %arg9[%dma_start3A_33] : memref<640xf32, #tpu.memory_space<vmem>> -> memref<16xf32, #tpu.memory_space<vmem>>
          %dma_start3A_35 = arith.constant 9984 : i32
          %dma_start3A_36 = tpu.memref_slice %arg10[%dma_start3A_35] : memref<10000xf32, #tpu.memory_space<vmem_shared>> -> memref<16xf32, #tpu.memory_space<vmem_shared>>
          tpu.enqueue_dma source(%dma_start3A_36 : memref<16xf32, #tpu.memory_space<vmem_shared>>) target(%dma_start3A_34 : memref<16xf32, #tpu.memory_space<vmem>>) target_semaphore(%run_scoped3A : memref<!tpu.dma_semaphore, #tpu.memory_space<semaphore_mem>>)
          %dma_wait3A = arith.constant 624 : i32
          %dma_wait3A_37 = tpu.memref_slice %arg9[%dma_wait3A] : memref<640xf32, #tpu.memory_space<vmem>> -> memref<16xf32, #tpu.memory_space<vmem>>
          %dma_wait3A_38 = arith.constant 9984 : i32
          %dma_wait3A_39 = tpu.memref_slice %arg10[%dma_wait3A_38] : memref<10000xf32, #tpu.memory_space<vmem_shared>> -> memref<16xf32, #tpu.memory_space<vmem_shared>>
          %dma_wait3A_40 = arith.constant 624 : i32
          %dma_wait3A_41 = tpu.memref_slice %arg9[%dma_wait3A_40] : memref<640xf32, #tpu.memory_space<vmem>> -> memref<16xf32, #tpu.memory_space<vmem>>
          %dma_wait3A_42 = arith.constant 9984 : i32
          %dma_wait3A_43 = tpu.memref_slice %arg10[%dma_wait3A_42] : memref<10000xf32, #tpu.memory_space<vmem_shared>> -> memref<16xf32, #tpu.memory_space<vmem_shared>>
          tpu.wait_dma2 semaphore(%run_scoped3A : memref<!tpu.dma_semaphore, #tpu.memory_space<semaphore_mem>>) src(%dma_wait3A_43 : memref<16xf32, #tpu.memory_space<vmem_shared>>) dst(%dma_wait3A_41 : memref<16xf32, #tpu.memory_space<vmem>>)
          tpu.yield
        }) : () -> ()
        "tpu.region"() ({
          %run_scoped3A = tpu.sem_alloc : memref<!tpu.dma_semaphore, #tpu.memory_space<semaphore_mem>>
          %dma_start3A = arith.constant 624 : i32
          %dma_start3A_30 = tpu.memref_slice %arg9[%dma_start3A] : memref<640xf32, #tpu.memory_space<vmem>> -> memref<16xf32, #tpu.memory_space<vmem>>
          %dma_start3A_31 = arith.constant 9984 : i32
          %dma_start3A_32 = tpu.memref_slice %arg5[%dma_start3A_31] : memref<10000xf32, #tpu.memory_space<hbm>> -> memref<16xf32, #tpu.memory_space<hbm>>
          %dma_start3A_33 = arith.constant 9984 : i32
          %dma_start3A_34 = tpu.memref_slice %arg5[%dma_start3A_33] : memref<10000xf32, #tpu.memory_space<hbm>> -> memref<16xf32, #tpu.memory_space<hbm>>
          %dma_start3A_35 = arith.constant 624 : i32
          %dma_start3A_36 = tpu.memref_slice %arg9[%dma_start3A_35] : memref<640xf32, #tpu.memory_space<vmem>> -> memref<16xf32, #tpu.memory_space<vmem>>
          tpu.enqueue_dma source(%dma_start3A_36 : memref<16xf32, #tpu.memory_space<vmem>>) target(%dma_start3A_34 : memref<16xf32, #tpu.memory_space<hbm>>) target_semaphore(%run_scoped3A : memref<!tpu.dma_semaphore, #tpu.memory_space<semaphore_mem>>)
          %dma_wait3A = arith.constant 624 : i32
          %dma_wait3A_37 = tpu.memref_slice %arg9[%dma_wait3A] : memref<640xf32, #tpu.memory_space<vmem>> -> memref<16xf32, #tpu.memory_space<vmem>>
          %dma_wait3A_38 = arith.constant 9984 : i32
          %dma_wait3A_39 = tpu.memref_slice %arg5[%dma_wait3A_38] : memref<10000xf32, #tpu.memory_space<hbm>> -> memref<16xf32, #tpu.memory_space<hbm>>
          %dma_wait3A_40 = arith.constant 9984 : i32
          %dma_wait3A_41 = tpu.memref_slice %arg5[%dma_wait3A_40] : memref<10000xf32, #tpu.memory_space<hbm>> -> memref<16xf32, #tpu.memory_space<hbm>>
          %dma_wait3A_42 = arith.constant 624 : i32
          %dma_wait3A_43 = tpu.memref_slice %arg9[%dma_wait3A_42] : memref<640xf32, #tpu.memory_space<vmem>> -> memref<16xf32, #tpu.memory_space<vmem>>
          tpu.wait_dma2 semaphore(%run_scoped3A : memref<!tpu.dma_semaphore, #tpu.memory_space<semaphore_mem>>) src(%dma_wait3A_43 : memref<16xf32, #tpu.memory_space<vmem>>) dst(%dma_wait3A_41 : memref<16xf32, #tpu.memory_space<hbm>>)
          tpu.yield
        }) : () -> ()
      } else {
      }
    } else {
    }
    %eq3A_18 = arith.constant 1 : i32
    %eq3A_19 = arith.cmpi eq, %arg0, %eq3A_18 : i32
    %convert_element_type3A_20 = arith.extui %eq3A_19 : i1 to i32
    %cond3A_21 = arith.constant 0 : i32
    %cond3A_22 = arith.cmpi ne, %convert_element_type3A_20, %cond3A_21 : i32
    scf.if %cond3A_22 {
      %mul3A_23 = arith.constant 624 : i32
      %mul3A_24 = arith.muli %arg1, %mul3A_23 : i32
      "tpu.region"() ({
        %run_scoped3A = tpu.sem_alloc : memref<!tpu.dma_semaphore, #tpu.memory_space<semaphore_mem>>
        %dma_start3A = arith.constant 0 : i32
        %dma_start3A_30 = tpu.memref_slice %arg9[%dma_start3A] : memref<640xf32, #tpu.memory_space<vmem>> -> memref<624xf32, #tpu.memory_space<vmem>>
        %dma_start3A_31 = tpu.memref_slice %arg6[%mul3A_24] : memref<10000xf32, #tpu.memory_space<hbm>> -> memref<624xf32, #tpu.memory_space<hbm>>
        %dma_start3A_32 = tpu.memref_slice %arg6[%mul3A_24] : memref<10000xf32, #tpu.memory_space<hbm>> -> memref<624xf32, #tpu.memory_space<hbm>>
        %dma_start3A_33 = arith.constant 0 : i32
        %dma_start3A_34 = tpu.memref_slice %arg9[%dma_start3A_33] : memref<640xf32, #tpu.memory_space<vmem>> -> memref<624xf32, #tpu.memory_space<vmem>>
        tpu.enqueue_dma source(%dma_start3A_34 : memref<624xf32, #tpu.memory_space<vmem>>) target(%dma_start3A_32 : memref<624xf32, #tpu.memory_space<hbm>>) target_semaphore(%run_scoped3A : memref<!tpu.dma_semaphore, #tpu.memory_space<semaphore_mem>>)
        %dma_wait3A = arith.constant 0 : i32
        %dma_wait3A_35 = tpu.memref_slice %arg9[%dma_wait3A] : memref<640xf32, #tpu.memory_space<vmem>> -> memref<624xf32, #tpu.memory_space<vmem>>
        %dma_wait3A_36 = tpu.memref_slice %arg6[%mul3A_24] : memref<10000xf32, #tpu.memory_space<hbm>> -> memref<624xf32, #tpu.memory_space<hbm>>
        %dma_wait3A_37 = tpu.memref_slice %arg6[%mul3A_24] : memref<10000xf32, #tpu.memory_space<hbm>> -> memref<624xf32, #tpu.memory_space<hbm>>
        %dma_wait3A_38 = arith.constant 0 : i32
        %dma_wait3A_39 = tpu.memref_slice %arg9[%dma_wait3A_38] : memref<640xf32, #tpu.memory_space<vmem>> -> memref<624xf32, #tpu.memory_space<vmem>>
        tpu.wait_dma2 semaphore(%run_scoped3A : memref<!tpu.dma_semaphore, #tpu.memory_space<semaphore_mem>>) src(%dma_wait3A_39 : memref<624xf32, #tpu.memory_space<vmem>>) dst(%dma_wait3A_37 : memref<624xf32, #tpu.memory_space<hbm>>)
        tpu.yield
      }) : () -> ()
      %eq3A_25 = arith.constant 15 : i32
      %eq3A_26 = arith.cmpi eq, %arg1, %eq3A_25 : i32
      %convert_element_type3A_27 = arith.extui %eq3A_26 : i1 to i32
      %cond3A_28 = arith.constant 0 : i32
      %cond3A_29 = arith.cmpi ne, %convert_element_type3A_27, %cond3A_28 : i32
      scf.if %cond3A_29 {
        "tpu.region"() ({
          %run_scoped3A = tpu.sem_alloc : memref<!tpu.dma_semaphore, #tpu.memory_space<semaphore_mem>>
          %dma_start3A = arith.constant 624 : i32
          %dma_start3A_30 = tpu.memref_slice %arg9[%dma_start3A] : memref<640xf32, #tpu.memory_space<vmem>> -> memref<16xf32, #tpu.memory_space<vmem>>
          %dma_start3A_31 = arith.constant 9984 : i32
          %dma_start3A_32 = tpu.memref_slice %arg10[%dma_start3A_31] : memref<10000xf32, #tpu.memory_space<vmem_shared>> -> memref<16xf32, #tpu.memory_space<vmem_shared>>
          %dma_start3A_33 = arith.constant 624 : i32
          %dma_start3A_34 = tpu.memref_slice %arg9[%dma_start3A_33] : memref<640xf32, #tpu.memory_space<vmem>> -> memref<16xf32, #tpu.memory_space<vmem>>
          %dma_start3A_35 = arith.constant 9984 : i32
          %dma_start3A_36 = tpu.memref_slice %arg10[%dma_start3A_35] : memref<10000xf32, #tpu.memory_space<vmem_shared>> -> memref<16xf32, #tpu.memory_space<vmem_shared>>
          tpu.enqueue_dma source(%dma_start3A_36 : memref<16xf32, #tpu.memory_space<vmem_shared>>) target(%dma_start3A_34 : memref<16xf32, #tpu.memory_space<vmem>>) target_semaphore(%run_scoped3A : memref<!tpu.dma_semaphore, #tpu.memory_space<semaphore_mem>>)
          %dma_wait3A = arith.constant 624 : i32
          %dma_wait3A_37 = tpu.memref_slice %arg9[%dma_wait3A] : memref<640xf32, #tpu.memory_space<vmem>> -> memref<16xf32, #tpu.memory_space<vmem>>
          %dma_wait3A_38 = arith.constant 9984 : i32
          %dma_wait3A_39 = tpu.memref_slice %arg10[%dma_wait3A_38] : memref<10000xf32, #tpu.memory_space<vmem_shared>> -> memref<16xf32, #tpu.memory_space<vmem_shared>>
          %dma_wait3A_40 = arith.constant 624 : i32
          %dma_wait3A_41 = tpu.memref_slice %arg9[%dma_wait3A_40] : memref<640xf32, #tpu.memory_space<vmem>> -> memref<16xf32, #tpu.memory_space<vmem>>
          %dma_wait3A_42 = arith.constant 9984 : i32
          %dma_wait3A_43 = tpu.memref_slice %arg10[%dma_wait3A_42] : memref<10000xf32, #tpu.memory_space<vmem_shared>> -> memref<16xf32, #tpu.memory_space<vmem_shared>>
          tpu.wait_dma2 semaphore(%run_scoped3A : memref<!tpu.dma_semaphore, #tpu.memory_space<semaphore_mem>>) src(%dma_wait3A_43 : memref<16xf32, #tpu.memory_space<vmem_shared>>) dst(%dma_wait3A_41 : memref<16xf32, #tpu.memory_space<vmem>>)
          tpu.yield
        }) : () -> ()
        "tpu.region"() ({
          %run_scoped3A = tpu.sem_alloc : memref<!tpu.dma_semaphore, #tpu.memory_space<semaphore_mem>>
          %dma_start3A = arith.constant 624 : i32
          %dma_start3A_30 = tpu.memref_slice %arg9[%dma_start3A] : memref<640xf32, #tpu.memory_space<vmem>> -> memref<16xf32, #tpu.memory_space<vmem>>
          %dma_start3A_31 = arith.constant 9984 : i32
          %dma_start3A_32 = tpu.memref_slice %arg6[%dma_start3A_31] : memref<10000xf32, #tpu.memory_space<hbm>> -> memref<16xf32, #tpu.memory_space<hbm>>
          %dma_start3A_33 = arith.constant 9984 : i32
          %dma_start3A_34 = tpu.memref_slice %arg6[%dma_start3A_33] : memref<10000xf32, #tpu.memory_space<hbm>> -> memref<16xf32, #tpu.memory_space<hbm>>
          %dma_start3A_35 = arith.constant 624 : i32
          %dma_start3A_36 = tpu.memref_slice %arg9[%dma_start3A_35] : memref<640xf32, #tpu.memory_space<vmem>> -> memref<16xf32, #tpu.memory_space<vmem>>
          tpu.enqueue_dma source(%dma_start3A_36 : memref<16xf32, #tpu.memory_space<vmem>>) target(%dma_start3A_34 : memref<16xf32, #tpu.memory_space<hbm>>) target_semaphore(%run_scoped3A : memref<!tpu.dma_semaphore, #tpu.memory_space<semaphore_mem>>)
          %dma_wait3A = arith.constant 624 : i32
          %dma_wait3A_37 = tpu.memref_slice %arg9[%dma_wait3A] : memref<640xf32, #tpu.memory_space<vmem>> -> memref<16xf32, #tpu.memory_space<vmem>>
          %dma_wait3A_38 = arith.constant 9984 : i32
          %dma_wait3A_39 = tpu.memref_slice %arg6[%dma_wait3A_38] : memref<10000xf32, #tpu.memory_space<hbm>> -> memref<16xf32, #tpu.memory_space<hbm>>
          %dma_wait3A_40 = arith.constant 9984 : i32
          %dma_wait3A_41 = tpu.memref_slice %arg6[%dma_wait3A_40] : memref<10000xf32, #tpu.memory_space<hbm>> -> memref<16xf32, #tpu.memory_space<hbm>>
          %dma_wait3A_42 = arith.constant 624 : i32
          %dma_wait3A_43 = tpu.memref_slice %arg9[%dma_wait3A_42] : memref<640xf32, #tpu.memory_space<vmem>> -> memref<16xf32, #tpu.memory_space<vmem>>
          tpu.wait_dma2 semaphore(%run_scoped3A : memref<!tpu.dma_semaphore, #tpu.memory_space<semaphore_mem>>) src(%dma_wait3A_43 : memref<16xf32, #tpu.memory_space<vmem>>) dst(%dma_wait3A_41 : memref<16xf32, #tpu.memory_space<hbm>>)
          tpu.yield
        }) : () -> ()
      } else {
      }
    } else {
    }
    return
  }
}

#map = affine_map<(d0, d1) -> (0, 0)>
#map1 = affine_map<(d0, d1) -> (0, 0, 0)>
module attributes {stable_mosaic.version = 14 : i64} {
  func.func @k(%arg0: i32, %arg1: i32, %arg2: memref<10000x64xf32, #tpu.memory_space<hbm>>, %arg3: memref<10000x64xf32, #tpu.memory_space<hbm>>, %arg4: memref<16x160x128xi32, #tpu.memory_space<hbm>>, %arg5: memref<16x160x128xi32, #tpu.memory_space<hbm>>, %arg6: memref<104x64xf32, #tpu.memory_space<hbm>>, %arg7: memref<10000x64xf32, #tpu.memory_space<hbm>>, %arg8: memref<10000x64xf32, #tpu.memory_space<hbm>>, %arg9: memref<160x128xi32, #tpu.memory_space<vmem>>, %arg10: memref<160x128xi32, #tpu.memory_space<vmem>>, %arg11: memref<128x64xf32, #tpu.memory_space<vmem>>, %arg12: memref<128x64xf32, #tpu.memory_space<vmem>>, %arg13: memref<128x64xf32, #tpu.memory_space<vmem>>, %arg14: memref<128x64xf32, #tpu.memory_space<vmem>>, %arg15: memref<128x64xf32, #tpu.memory_space<vmem>>, %arg16: memref<104x64xf32, #tpu.memory_space<vmem>>, %arg17: memref<10008x64xf32, #tpu.memory_space<vmem_shared>>, %arg18: memref<!tpu.dma_semaphore, #tpu.memory_space<semaphore_mem>>, %arg19: memref<!tpu.dma_semaphore, #tpu.memory_space<semaphore_mem>>, %arg20: memref<!tpu.dma_semaphore, #tpu.memory_space<semaphore_mem>>, %arg21: memref<!tpu.dma_semaphore, #tpu.memory_space<semaphore_mem>>, %arg22: memref<!tpu.dma_semaphore, #tpu.memory_space<semaphore_mem>>, %arg23: memref<!tpu.dma_semaphore, #tpu.memory_space<semaphore_mem>>, %arg24: memref<!tpu.dma_semaphore, #tpu.memory_space<semaphore_mem>>, %arg25: memref<!tpu.dma_semaphore, #tpu.memory_space<semaphore_mem>>, %arg26: memref<!tpu.dma_semaphore, #tpu.memory_space<semaphore_mem>>, %arg27: memref<!tpu.dma_semaphore, #tpu.memory_space<semaphore_mem>>) attributes {dimension_semantics = [#tpu.dimension_semantics<core_parallel>, #tpu.dimension_semantics<subcore_parallel>], iteration_bounds = array<i64: 2, 16>, scalar_prefetch = 0 : i64, scratch_operands = 19 : i64, tpu.core_type = #tpu.core_type<sc_vector_subcore>, window_params = [{transform_indices = #map}, {transform_indices = #map}, {transform_indices = #map1}, {transform_indices = #map1}, {transform_indices = #map}, {transform_indices = #map}, {transform_indices = #map}]} {
    "tpu.trace_start"() <{level = 10 : i32, message = "agg_init"}> : () -> ()
    "tpu.region"() ({
      %run_scoped3A = tpu.sem_alloc : memref<!tpu.dma_semaphore, #tpu.memory_space<semaphore_mem>>
      tpu.enqueue_dma source(%arg6 : memref<104x64xf32, #tpu.memory_space<hbm>>) target(%arg16 : memref<104x64xf32, #tpu.memory_space<vmem>>) target_semaphore(%run_scoped3A : memref<!tpu.dma_semaphore, #tpu.memory_space<semaphore_mem>>)
      tpu.wait_dma2 semaphore(%run_scoped3A : memref<!tpu.dma_semaphore, #tpu.memory_space<semaphore_mem>>) src(%arg6 : memref<104x64xf32, #tpu.memory_space<hbm>>) dst(%arg16 : memref<104x64xf32, #tpu.memory_space<vmem>>)
      tpu.yield
    }) : () -> ()
    %mul3A = arith.constant 624 : i32
    %mul3A_0 = arith.muli %arg1, %mul3A : i32
    %add3A = arith.constant 0 : i32
    %add3A_1 = arith.addi %mul3A_0, %add3A : i32
    "tpu.region"() ({
      %run_scoped3A = tpu.sem_alloc : memref<!tpu.dma_semaphore, #tpu.memory_space<semaphore_mem>>
      %dma_start3A = arith.constant 0 : i32
      %dma_start3A_45 = tpu.memref_slice %arg17[%add3A_1, %dma_start3A] : memref<10008x64xf32, #tpu.memory_space<vmem_shared>> -> memref<104x64xf32, #tpu.memory_space<vmem_shared>>
      %dma_start3A_46 = arith.constant 0 : i32
      %dma_start3A_47 = tpu.memref_slice %arg17[%add3A_1, %dma_start3A_46] : memref<10008x64xf32, #tpu.memory_space<vmem_shared>> -> memref<104x64xf32, #tpu.memory_space<vmem_shared>>
      tpu.enqueue_dma source(%arg16 : memref<104x64xf32, #tpu.memory_space<vmem>>) target(%dma_start3A_47 : memref<104x64xf32, #tpu.memory_space<vmem_shared>>) target_semaphore(%run_scoped3A : memref<!tpu.dma_semaphore, #tpu.memory_space<semaphore_mem>>)
      %dma_wait3A = arith.constant 0 : i32
      %dma_wait3A_48 = tpu.memref_slice %arg17[%add3A_1, %dma_wait3A] : memref<10008x64xf32, #tpu.memory_space<vmem_shared>> -> memref<104x64xf32, #tpu.memory_space<vmem_shared>>
      %dma_wait3A_49 = arith.constant 0 : i32
      %dma_wait3A_50 = tpu.memref_slice %arg17[%add3A_1, %dma_wait3A_49] : memref<10008x64xf32, #tpu.memory_space<vmem_shared>> -> memref<104x64xf32, #tpu.memory_space<vmem_shared>>
      tpu.wait_dma2 semaphore(%run_scoped3A : memref<!tpu.dma_semaphore, #tpu.memory_space<semaphore_mem>>) src(%arg16 : memref<104x64xf32, #tpu.memory_space<vmem>>) dst(%dma_wait3A_50 : memref<104x64xf32, #tpu.memory_space<vmem_shared>>)
      tpu.yield
    }) : () -> ()
    %mul3A_2 = arith.constant 624 : i32
    %mul3A_3 = arith.muli %arg1, %mul3A_2 : i32
    %add3A_4 = arith.constant 104 : i32
    %add3A_5 = arith.addi %mul3A_3, %add3A_4 : i32
    "tpu.region"() ({
      %run_scoped3A = tpu.sem_alloc : memref<!tpu.dma_semaphore, #tpu.memory_space<semaphore_mem>>
      %dma_start3A = arith.constant 0 : i32
      %dma_start3A_45 = tpu.memref_slice %arg17[%add3A_5, %dma_start3A] : memref<10008x64xf32, #tpu.memory_space<vmem_shared>> -> memref<104x64xf32, #tpu.memory_space<vmem_shared>>
      %dma_start3A_46 = arith.constant 0 : i32
      %dma_start3A_47 = tpu.memref_slice %arg17[%add3A_5, %dma_start3A_46] : memref<10008x64xf32, #tpu.memory_space<vmem_shared>> -> memref<104x64xf32, #tpu.memory_space<vmem_shared>>
      tpu.enqueue_dma source(%arg16 : memref<104x64xf32, #tpu.memory_space<vmem>>) target(%dma_start3A_47 : memref<104x64xf32, #tpu.memory_space<vmem_shared>>) target_semaphore(%run_scoped3A : memref<!tpu.dma_semaphore, #tpu.memory_space<semaphore_mem>>)
      %dma_wait3A = arith.constant 0 : i32
      %dma_wait3A_48 = tpu.memref_slice %arg17[%add3A_5, %dma_wait3A] : memref<10008x64xf32, #tpu.memory_space<vmem_shared>> -> memref<104x64xf32, #tpu.memory_space<vmem_shared>>
      %dma_wait3A_49 = arith.constant 0 : i32
      %dma_wait3A_50 = tpu.memref_slice %arg17[%add3A_5, %dma_wait3A_49] : memref<10008x64xf32, #tpu.memory_space<vmem_shared>> -> memref<104x64xf32, #tpu.memory_space<vmem_shared>>
      tpu.wait_dma2 semaphore(%run_scoped3A : memref<!tpu.dma_semaphore, #tpu.memory_space<semaphore_mem>>) src(%arg16 : memref<104x64xf32, #tpu.memory_space<vmem>>) dst(%dma_wait3A_50 : memref<104x64xf32, #tpu.memory_space<vmem_shared>>)
      tpu.yield
    }) : () -> ()
    %mul3A_6 = arith.constant 624 : i32
    %mul3A_7 = arith.muli %arg1, %mul3A_6 : i32
    %add3A_8 = arith.constant 208 : i32
    %add3A_9 = arith.addi %mul3A_7, %add3A_8 : i32
    "tpu.region"() ({
      %run_scoped3A = tpu.sem_alloc : memref<!tpu.dma_semaphore, #tpu.memory_space<semaphore_mem>>
      %dma_start3A = arith.constant 0 : i32
      %dma_start3A_45 = tpu.memref_slice %arg17[%add3A_9, %dma_start3A] : memref<10008x64xf32, #tpu.memory_space<vmem_shared>> -> memref<104x64xf32, #tpu.memory_space<vmem_shared>>
      %dma_start3A_46 = arith.constant 0 : i32
      %dma_start3A_47 = tpu.memref_slice %arg17[%add3A_9, %dma_start3A_46] : memref<10008x64xf32, #tpu.memory_space<vmem_shared>> -> memref<104x64xf32, #tpu.memory_space<vmem_shared>>
      tpu.enqueue_dma source(%arg16 : memref<104x64xf32, #tpu.memory_space<vmem>>) target(%dma_start3A_47 : memref<104x64xf32, #tpu.memory_space<vmem_shared>>) target_semaphore(%run_scoped3A : memref<!tpu.dma_semaphore, #tpu.memory_space<semaphore_mem>>)
      %dma_wait3A = arith.constant 0 : i32
      %dma_wait3A_48 = tpu.memref_slice %arg17[%add3A_9, %dma_wait3A] : memref<10008x64xf32, #tpu.memory_space<vmem_shared>> -> memref<104x64xf32, #tpu.memory_space<vmem_shared>>
      %dma_wait3A_49 = arith.constant 0 : i32
      %dma_wait3A_50 = tpu.memref_slice %arg17[%add3A_9, %dma_wait3A_49] : memref<10008x64xf32, #tpu.memory_space<vmem_shared>> -> memref<104x64xf32, #tpu.memory_space<vmem_shared>>
      tpu.wait_dma2 semaphore(%run_scoped3A : memref<!tpu.dma_semaphore, #tpu.memory_space<semaphore_mem>>) src(%arg16 : memref<104x64xf32, #tpu.memory_space<vmem>>) dst(%dma_wait3A_50 : memref<104x64xf32, #tpu.memory_space<vmem_shared>>)
      tpu.yield
    }) : () -> ()
    %mul3A_10 = arith.constant 624 : i32
    %mul3A_11 = arith.muli %arg1, %mul3A_10 : i32
    %add3A_12 = arith.constant 312 : i32
    %add3A_13 = arith.addi %mul3A_11, %add3A_12 : i32
    "tpu.region"() ({
      %run_scoped3A = tpu.sem_alloc : memref<!tpu.dma_semaphore, #tpu.memory_space<semaphore_mem>>
      %dma_start3A = arith.constant 0 : i32
      %dma_start3A_45 = tpu.memref_slice %arg17[%add3A_13, %dma_start3A] : memref<10008x64xf32, #tpu.memory_space<vmem_shared>> -> memref<104x64xf32, #tpu.memory_space<vmem_shared>>
      %dma_start3A_46 = arith.constant 0 : i32
      %dma_start3A_47 = tpu.memref_slice %arg17[%add3A_13, %dma_start3A_46] : memref<10008x64xf32, #tpu.memory_space<vmem_shared>> -> memref<104x64xf32, #tpu.memory_space<vmem_shared>>
      tpu.enqueue_dma source(%arg16 : memref<104x64xf32, #tpu.memory_space<vmem>>) target(%dma_start3A_47 : memref<104x64xf32, #tpu.memory_space<vmem_shared>>) target_semaphore(%run_scoped3A : memref<!tpu.dma_semaphore, #tpu.memory_space<semaphore_mem>>)
      %dma_wait3A = arith.constant 0 : i32
      %dma_wait3A_48 = tpu.memref_slice %arg17[%add3A_13, %dma_wait3A] : memref<10008x64xf32, #tpu.memory_space<vmem_shared>> -> memref<104x64xf32, #tpu.memory_space<vmem_shared>>
      %dma_wait3A_49 = arith.constant 0 : i32
      %dma_wait3A_50 = tpu.memref_slice %arg17[%add3A_13, %dma_wait3A_49] : memref<10008x64xf32, #tpu.memory_space<vmem_shared>> -> memref<104x64xf32, #tpu.memory_space<vmem_shared>>
      tpu.wait_dma2 semaphore(%run_scoped3A : memref<!tpu.dma_semaphore, #tpu.memory_space<semaphore_mem>>) src(%arg16 : memref<104x64xf32, #tpu.memory_space<vmem>>) dst(%dma_wait3A_50 : memref<104x64xf32, #tpu.memory_space<vmem_shared>>)
      tpu.yield
    }) : () -> ()
    %mul3A_14 = arith.constant 624 : i32
    %mul3A_15 = arith.muli %arg1, %mul3A_14 : i32
    %add3A_16 = arith.constant 416 : i32
    %add3A_17 = arith.addi %mul3A_15, %add3A_16 : i32
    "tpu.region"() ({
      %run_scoped3A = tpu.sem_alloc : memref<!tpu.dma_semaphore, #tpu.memory_space<semaphore_mem>>
      %dma_start3A = arith.constant 0 : i32
      %dma_start3A_45 = tpu.memref_slice %arg17[%add3A_17, %dma_start3A] : memref<10008x64xf32, #tpu.memory_space<vmem_shared>> -> memref<104x64xf32, #tpu.memory_space<vmem_shared>>
      %dma_start3A_46 = arith.constant 0 : i32
      %dma_start3A_47 = tpu.memref_slice %arg17[%add3A_17, %dma_start3A_46] : memref<10008x64xf32, #tpu.memory_space<vmem_shared>> -> memref<104x64xf32, #tpu.memory_space<vmem_shared>>
      tpu.enqueue_dma source(%arg16 : memref<104x64xf32, #tpu.memory_space<vmem>>) target(%dma_start3A_47 : memref<104x64xf32, #tpu.memory_space<vmem_shared>>) target_semaphore(%run_scoped3A : memref<!tpu.dma_semaphore, #tpu.memory_space<semaphore_mem>>)
      %dma_wait3A = arith.constant 0 : i32
      %dma_wait3A_48 = tpu.memref_slice %arg17[%add3A_17, %dma_wait3A] : memref<10008x64xf32, #tpu.memory_space<vmem_shared>> -> memref<104x64xf32, #tpu.memory_space<vmem_shared>>
      %dma_wait3A_49 = arith.constant 0 : i32
      %dma_wait3A_50 = tpu.memref_slice %arg17[%add3A_17, %dma_wait3A_49] : memref<10008x64xf32, #tpu.memory_space<vmem_shared>> -> memref<104x64xf32, #tpu.memory_space<vmem_shared>>
      tpu.wait_dma2 semaphore(%run_scoped3A : memref<!tpu.dma_semaphore, #tpu.memory_space<semaphore_mem>>) src(%arg16 : memref<104x64xf32, #tpu.memory_space<vmem>>) dst(%dma_wait3A_50 : memref<104x64xf32, #tpu.memory_space<vmem_shared>>)
      tpu.yield
    }) : () -> ()
    %mul3A_18 = arith.constant 624 : i32
    %mul3A_19 = arith.muli %arg1, %mul3A_18 : i32
    %add3A_20 = arith.constant 520 : i32
    %add3A_21 = arith.addi %mul3A_19, %add3A_20 : i32
    "tpu.region"() ({
      %run_scoped3A = tpu.sem_alloc : memref<!tpu.dma_semaphore, #tpu.memory_space<semaphore_mem>>
      %dma_start3A = arith.constant 0 : i32
      %dma_start3A_45 = tpu.memref_slice %arg17[%add3A_21, %dma_start3A] : memref<10008x64xf32, #tpu.memory_space<vmem_shared>> -> memref<104x64xf32, #tpu.memory_space<vmem_shared>>
      %dma_start3A_46 = arith.constant 0 : i32
      %dma_start3A_47 = tpu.memref_slice %arg17[%add3A_21, %dma_start3A_46] : memref<10008x64xf32, #tpu.memory_space<vmem_shared>> -> memref<104x64xf32, #tpu.memory_space<vmem_shared>>
      tpu.enqueue_dma source(%arg16 : memref<104x64xf32, #tpu.memory_space<vmem>>) target(%dma_start3A_47 : memref<104x64xf32, #tpu.memory_space<vmem_shared>>) target_semaphore(%run_scoped3A : memref<!tpu.dma_semaphore, #tpu.memory_space<semaphore_mem>>)
      %dma_wait3A = arith.constant 0 : i32
      %dma_wait3A_48 = tpu.memref_slice %arg17[%add3A_21, %dma_wait3A] : memref<10008x64xf32, #tpu.memory_space<vmem_shared>> -> memref<104x64xf32, #tpu.memory_space<vmem_shared>>
      %dma_wait3A_49 = arith.constant 0 : i32
      %dma_wait3A_50 = tpu.memref_slice %arg17[%add3A_21, %dma_wait3A_49] : memref<10008x64xf32, #tpu.memory_space<vmem_shared>> -> memref<104x64xf32, #tpu.memory_space<vmem_shared>>
      tpu.wait_dma2 semaphore(%run_scoped3A : memref<!tpu.dma_semaphore, #tpu.memory_space<semaphore_mem>>) src(%arg16 : memref<104x64xf32, #tpu.memory_space<vmem>>) dst(%dma_wait3A_50 : memref<104x64xf32, #tpu.memory_space<vmem_shared>>)
      tpu.yield
    }) : () -> ()
    %eq3A = arith.constant 15 : i32
    %eq3A_22 = arith.cmpi eq, %arg1, %eq3A : i32
    %convert_element_type3A = arith.extui %eq3A_22 : i1 to i32
    %cond3A = arith.constant 0 : i32
    %cond3A_23 = arith.cmpi ne, %convert_element_type3A, %cond3A : i32
    scf.if %cond3A_23 {
      "tpu.region"() ({
        %run_scoped3A = tpu.sem_alloc : memref<!tpu.dma_semaphore, #tpu.memory_space<semaphore_mem>>
        %dma_start3A = arith.constant 0 : i32
        %dma_start3A_45 = arith.constant 0 : i32
        %dma_start3A_46 = tpu.memref_slice %arg16[%dma_start3A, %dma_start3A_45] : memref<104x64xf32, #tpu.memory_space<vmem>> -> memref<16x64xf32, #tpu.memory_space<vmem>>
        %dma_start3A_47 = arith.constant 9984 : i32
        %dma_start3A_48 = arith.constant 0 : i32
        %dma_start3A_49 = tpu.memref_slice %arg17[%dma_start3A_47, %dma_start3A_48] : memref<10008x64xf32, #tpu.memory_space<vmem_shared>> -> memref<16x64xf32, #tpu.memory_space<vmem_shared>>
        %dma_start3A_50 = arith.constant 9984 : i32
        %dma_start3A_51 = arith.constant 0 : i32
        %dma_start3A_52 = tpu.memref_slice %arg17[%dma_start3A_50, %dma_start3A_51] : memref<10008x64xf32, #tpu.memory_space<vmem_shared>> -> memref<16x64xf32, #tpu.memory_space<vmem_shared>>
        %dma_start3A_53 = arith.constant 0 : i32
        %dma_start3A_54 = arith.constant 0 : i32
        %dma_start3A_55 = tpu.memref_slice %arg16[%dma_start3A_53, %dma_start3A_54] : memref<104x64xf32, #tpu.memory_space<vmem>> -> memref<16x64xf32, #tpu.memory_space<vmem>>
        tpu.enqueue_dma source(%dma_start3A_55 : memref<16x64xf32, #tpu.memory_space<vmem>>) target(%dma_start3A_52 : memref<16x64xf32, #tpu.memory_space<vmem_shared>>) target_semaphore(%run_scoped3A : memref<!tpu.dma_semaphore, #tpu.memory_space<semaphore_mem>>)
        %dma_wait3A = arith.constant 0 : i32
        %dma_wait3A_56 = arith.constant 0 : i32
        %dma_wait3A_57 = tpu.memref_slice %arg16[%dma_wait3A, %dma_wait3A_56] : memref<104x64xf32, #tpu.memory_space<vmem>> -> memref<16x64xf32, #tpu.memory_space<vmem>>
        %dma_wait3A_58 = arith.constant 9984 : i32
        %dma_wait3A_59 = arith.constant 0 : i32
        %dma_wait3A_60 = tpu.memref_slice %arg17[%dma_wait3A_58, %dma_wait3A_59] : memref<10008x64xf32, #tpu.memory_space<vmem_shared>> -> memref<16x64xf32, #tpu.memory_space<vmem_shared>>
        %dma_wait3A_61 = arith.constant 9984 : i32
        %dma_wait3A_62 = arith.constant 0 : i32
        %dma_wait3A_63 = tpu.memref_slice %arg17[%dma_wait3A_61, %dma_wait3A_62] : memref<10008x64xf32, #tpu.memory_space<vmem_shared>> -> memref<16x64xf32, #tpu.memory_space<vmem_shared>>
        %dma_wait3A_64 = arith.constant 0 : i32
        %dma_wait3A_65 = arith.constant 0 : i32
        %dma_wait3A_66 = tpu.memref_slice %arg16[%dma_wait3A_64, %dma_wait3A_65] : memref<104x64xf32, #tpu.memory_space<vmem>> -> memref<16x64xf32, #tpu.memory_space<vmem>>
        tpu.wait_dma2 semaphore(%run_scoped3A : memref<!tpu.dma_semaphore, #tpu.memory_space<semaphore_mem>>) src(%dma_wait3A_66 : memref<16x64xf32, #tpu.memory_space<vmem>>) dst(%dma_wait3A_63 : memref<16x64xf32, #tpu.memory_space<vmem_shared>>)
        tpu.yield
      }) : () -> ()
    } else {
    }
    "tpu.region"() ({
      %run_scoped3A = tpu.sem_alloc : memref<!tpu.dma_semaphore, #tpu.memory_space<semaphore_mem>>
      %dma_start3A = arith.constant 0 : i32
      %dma_start3A_45 = arith.constant 0 : i32
      %dma_start3A_46 = tpu.memref_slice %arg4[%arg1, %dma_start3A, %dma_start3A_45] : memref<16x160x128xi32, #tpu.memory_space<hbm>> -> memref<1x160x128xi32, #tpu.memory_space<hbm>>
      %dma_start3A_47 = tpu.memref_squeeze %dma_start3A_46 : memref<1x160x128xi32, #tpu.memory_space<hbm>> -> memref<160x128xi32, #tpu.memory_space<hbm>>
      %dma_start3A_48 = arith.constant 0 : i32
      %dma_start3A_49 = arith.constant 0 : i32
      %dma_start3A_50 = tpu.memref_slice %arg4[%arg1, %dma_start3A_48, %dma_start3A_49] : memref<16x160x128xi32, #tpu.memory_space<hbm>> -> memref<1x160x128xi32, #tpu.memory_space<hbm>>
      %dma_start3A_51 = tpu.memref_squeeze %dma_start3A_50 : memref<1x160x128xi32, #tpu.memory_space<hbm>> -> memref<160x128xi32, #tpu.memory_space<hbm>>
      tpu.enqueue_dma source(%dma_start3A_51 : memref<160x128xi32, #tpu.memory_space<hbm>>) target(%arg9 : memref<160x128xi32, #tpu.memory_space<vmem>>) target_semaphore(%run_scoped3A : memref<!tpu.dma_semaphore, #tpu.memory_space<semaphore_mem>>)
      %dma_wait3A = arith.constant 0 : i32
      %dma_wait3A_52 = arith.constant 0 : i32
      %dma_wait3A_53 = tpu.memref_slice %arg4[%arg1, %dma_wait3A, %dma_wait3A_52] : memref<16x160x128xi32, #tpu.memory_space<hbm>> -> memref<1x160x128xi32, #tpu.memory_space<hbm>>
      %dma_wait3A_54 = tpu.memref_squeeze %dma_wait3A_53 : memref<1x160x128xi32, #tpu.memory_space<hbm>> -> memref<160x128xi32, #tpu.memory_space<hbm>>
      %dma_wait3A_55 = arith.constant 0 : i32
      %dma_wait3A_56 = arith.constant 0 : i32
      %dma_wait3A_57 = tpu.memref_slice %arg4[%arg1, %dma_wait3A_55, %dma_wait3A_56] : memref<16x160x128xi32, #tpu.memory_space<hbm>> -> memref<1x160x128xi32, #tpu.memory_space<hbm>>
      %dma_wait3A_58 = tpu.memref_squeeze %dma_wait3A_57 : memref<1x160x128xi32, #tpu.memory_space<hbm>> -> memref<160x128xi32, #tpu.memory_space<hbm>>
      tpu.wait_dma2 semaphore(%run_scoped3A : memref<!tpu.dma_semaphore, #tpu.memory_space<semaphore_mem>>) src(%dma_wait3A_58 : memref<160x128xi32, #tpu.memory_space<hbm>>) dst(%arg9 : memref<160x128xi32, #tpu.memory_space<vmem>>)
      tpu.yield
    }) : () -> ()
    "tpu.region"() ({
      %run_scoped3A = tpu.sem_alloc : memref<!tpu.dma_semaphore, #tpu.memory_space<semaphore_mem>>
      %dma_start3A = arith.constant 0 : i32
      %dma_start3A_45 = arith.constant 0 : i32
      %dma_start3A_46 = tpu.memref_slice %arg5[%arg1, %dma_start3A, %dma_start3A_45] : memref<16x160x128xi32, #tpu.memory_space<hbm>> -> memref<1x160x128xi32, #tpu.memory_space<hbm>>
      %dma_start3A_47 = tpu.memref_squeeze %dma_start3A_46 : memref<1x160x128xi32, #tpu.memory_space<hbm>> -> memref<160x128xi32, #tpu.memory_space<hbm>>
      %dma_start3A_48 = arith.constant 0 : i32
      %dma_start3A_49 = arith.constant 0 : i32
      %dma_start3A_50 = tpu.memref_slice %arg5[%arg1, %dma_start3A_48, %dma_start3A_49] : memref<16x160x128xi32, #tpu.memory_space<hbm>> -> memref<1x160x128xi32, #tpu.memory_space<hbm>>
      %dma_start3A_51 = tpu.memref_squeeze %dma_start3A_50 : memref<1x160x128xi32, #tpu.memory_space<hbm>> -> memref<160x128xi32, #tpu.memory_space<hbm>>
      tpu.enqueue_dma source(%dma_start3A_51 : memref<160x128xi32, #tpu.memory_space<hbm>>) target(%arg10 : memref<160x128xi32, #tpu.memory_space<vmem>>) target_semaphore(%run_scoped3A : memref<!tpu.dma_semaphore, #tpu.memory_space<semaphore_mem>>)
      %dma_wait3A = arith.constant 0 : i32
      %dma_wait3A_52 = arith.constant 0 : i32
      %dma_wait3A_53 = tpu.memref_slice %arg5[%arg1, %dma_wait3A, %dma_wait3A_52] : memref<16x160x128xi32, #tpu.memory_space<hbm>> -> memref<1x160x128xi32, #tpu.memory_space<hbm>>
      %dma_wait3A_54 = tpu.memref_squeeze %dma_wait3A_53 : memref<1x160x128xi32, #tpu.memory_space<hbm>> -> memref<160x128xi32, #tpu.memory_space<hbm>>
      %dma_wait3A_55 = arith.constant 0 : i32
      %dma_wait3A_56 = arith.constant 0 : i32
      %dma_wait3A_57 = tpu.memref_slice %arg5[%arg1, %dma_wait3A_55, %dma_wait3A_56] : memref<16x160x128xi32, #tpu.memory_space<hbm>> -> memref<1x160x128xi32, #tpu.memory_space<hbm>>
      %dma_wait3A_58 = tpu.memref_squeeze %dma_wait3A_57 : memref<1x160x128xi32, #tpu.memory_space<hbm>> -> memref<160x128xi32, #tpu.memory_space<hbm>>
      tpu.wait_dma2 semaphore(%run_scoped3A : memref<!tpu.dma_semaphore, #tpu.memory_space<semaphore_mem>>) src(%dma_wait3A_58 : memref<160x128xi32, #tpu.memory_space<hbm>>) dst(%arg10 : memref<160x128xi32, #tpu.memory_space<vmem>>)
      tpu.yield
    }) : () -> ()
    %barrier3A = arith.constant 0 : index
    tpu.barrier barrier_id(%barrier3A)
    %eq3A_24 = arith.constant 0 : i32
    "tpu.trace_stop"() : () -> ()
    %eq3A_25 = arith.cmpi eq, %arg0, %eq3A_24 : i32
    %convert_element_type3A_26 = arith.extui %eq3A_25 : i1 to i32
    %cond3A_27 = arith.constant 0 : i32
    %cond3A_28 = arith.cmpi ne, %convert_element_type3A_26, %cond3A_27 : i32
    scf.if %cond3A_28 {
      %dma_start3A = arith.constant 0 : i32
      %dma_start3A_45 = arith.constant 0 : i32
      %dma_start3A_46 = tpu.memref_slice %arg9[%dma_start3A, %dma_start3A_45] : memref<160x128xi32, #tpu.memory_space<vmem>> -> memref<1x128xi32, #tpu.memory_space<vmem>>
      %dma_start3A_47 = tpu.memref_squeeze %dma_start3A_46 : memref<1x128xi32, #tpu.memory_space<vmem>> -> memref<128xi32, #tpu.memory_space<vmem>>
      %dma_start3A_48 = arith.constant 0 : i32
      %dma_start3A_49 = arith.constant 0 : i32
      %dma_start3A_50 = tpu.memref_slice %arg2[%dma_start3A_48, %dma_start3A_49] : memref<10000x64xf32, #tpu.memory_space<hbm>> -> memref<10000x64xf32, #tpu.memory_space<hbm>>
      tpu.enqueue_indirect_dma source(%dma_start3A_50 : memref<10000x64xf32, #tpu.memory_space<hbm>>) target(%arg11 : memref<128x64xf32, #tpu.memory_space<vmem>>) offsets(%dma_start3A_47 : memref<128xi32, #tpu.memory_space<vmem>>) semaphore(%arg18 : memref<!tpu.dma_semaphore, #tpu.memory_space<semaphore_mem>>)
      %dma_start3A_51 = arith.constant 1 : i32
      %dma_start3A_52 = arith.constant 0 : i32
      %dma_start3A_53 = tpu.memref_slice %arg9[%dma_start3A_51, %dma_start3A_52] : memref<160x128xi32, #tpu.memory_space<vmem>> -> memref<1x128xi32, #tpu.memory_space<vmem>>
      %dma_start3A_54 = tpu.memref_squeeze %dma_start3A_53 : memref<1x128xi32, #tpu.memory_space<vmem>> -> memref<128xi32, #tpu.memory_space<vmem>>
      %dma_start3A_55 = arith.constant 0 : i32
      %dma_start3A_56 = arith.constant 0 : i32
      %dma_start3A_57 = tpu.memref_slice %arg2[%dma_start3A_55, %dma_start3A_56] : memref<10000x64xf32, #tpu.memory_space<hbm>> -> memref<10000x64xf32, #tpu.memory_space<hbm>>
      tpu.enqueue_indirect_dma source(%dma_start3A_57 : memref<10000x64xf32, #tpu.memory_space<hbm>>) target(%arg12 : memref<128x64xf32, #tpu.memory_space<vmem>>) offsets(%dma_start3A_54 : memref<128xi32, #tpu.memory_space<vmem>>) semaphore(%arg19 : memref<!tpu.dma_semaphore, #tpu.memory_space<semaphore_mem>>)
      %dma_start3A_58 = arith.constant 2 : i32
      %dma_start3A_59 = arith.constant 0 : i32
      %dma_start3A_60 = tpu.memref_slice %arg9[%dma_start3A_58, %dma_start3A_59] : memref<160x128xi32, #tpu.memory_space<vmem>> -> memref<1x128xi32, #tpu.memory_space<vmem>>
      %dma_start3A_61 = tpu.memref_squeeze %dma_start3A_60 : memref<1x128xi32, #tpu.memory_space<vmem>> -> memref<128xi32, #tpu.memory_space<vmem>>
      %dma_start3A_62 = arith.constant 0 : i32
      %dma_start3A_63 = arith.constant 0 : i32
      %dma_start3A_64 = tpu.memref_slice %arg2[%dma_start3A_62, %dma_start3A_63] : memref<10000x64xf32, #tpu.memory_space<hbm>> -> memref<10000x64xf32, #tpu.memory_space<hbm>>
      tpu.enqueue_indirect_dma source(%dma_start3A_64 : memref<10000x64xf32, #tpu.memory_space<hbm>>) target(%arg13 : memref<128x64xf32, #tpu.memory_space<vmem>>) offsets(%dma_start3A_61 : memref<128xi32, #tpu.memory_space<vmem>>) semaphore(%arg20 : memref<!tpu.dma_semaphore, #tpu.memory_space<semaphore_mem>>)
      %dma_start3A_65 = arith.constant 3 : i32
      %dma_start3A_66 = arith.constant 0 : i32
      %dma_start3A_67 = tpu.memref_slice %arg9[%dma_start3A_65, %dma_start3A_66] : memref<160x128xi32, #tpu.memory_space<vmem>> -> memref<1x128xi32, #tpu.memory_space<vmem>>
      %dma_start3A_68 = tpu.memref_squeeze %dma_start3A_67 : memref<1x128xi32, #tpu.memory_space<vmem>> -> memref<128xi32, #tpu.memory_space<vmem>>
      %dma_start3A_69 = arith.constant 0 : i32
      %dma_start3A_70 = arith.constant 0 : i32
      %dma_start3A_71 = tpu.memref_slice %arg2[%dma_start3A_69, %dma_start3A_70] : memref<10000x64xf32, #tpu.memory_space<hbm>> -> memref<10000x64xf32, #tpu.memory_space<hbm>>
      tpu.enqueue_indirect_dma source(%dma_start3A_71 : memref<10000x64xf32, #tpu.memory_space<hbm>>) target(%arg14 : memref<128x64xf32, #tpu.memory_space<vmem>>) offsets(%dma_start3A_68 : memref<128xi32, #tpu.memory_space<vmem>>) semaphore(%arg21 : memref<!tpu.dma_semaphore, #tpu.memory_space<semaphore_mem>>)
      %dma_start3A_72 = arith.constant 4 : i32
      %dma_start3A_73 = arith.constant 0 : i32
      %dma_start3A_74 = tpu.memref_slice %arg9[%dma_start3A_72, %dma_start3A_73] : memref<160x128xi32, #tpu.memory_space<vmem>> -> memref<1x128xi32, #tpu.memory_space<vmem>>
      %dma_start3A_75 = tpu.memref_squeeze %dma_start3A_74 : memref<1x128xi32, #tpu.memory_space<vmem>> -> memref<128xi32, #tpu.memory_space<vmem>>
      %dma_start3A_76 = arith.constant 0 : i32
      %dma_start3A_77 = arith.constant 0 : i32
      %dma_start3A_78 = tpu.memref_slice %arg2[%dma_start3A_76, %dma_start3A_77] : memref<10000x64xf32, #tpu.memory_space<hbm>> -> memref<10000x64xf32, #tpu.memory_space<hbm>>
      tpu.enqueue_indirect_dma source(%dma_start3A_78 : memref<10000x64xf32, #tpu.memory_space<hbm>>) target(%arg15 : memref<128x64xf32, #tpu.memory_space<vmem>>) offsets(%dma_start3A_75 : memref<128xi32, #tpu.memory_space<vmem>>) semaphore(%arg22 : memref<!tpu.dma_semaphore, #tpu.memory_space<semaphore_mem>>)
      "tpu.trace_start"() <{level = 10 : i32, message = "agg_loop"}> : () -> ()
      %scan3A = arith.constant 0 : i32
      %scan3A_79 = arith.constant 0 : i32
      %scan3A_80 = arith.constant 32 : i32
      %scan3A_81 = arith.addi %scan3A_79, %scan3A_80 : i32
      %scan3A_82 = arith.constant 1 : i32
      scf.for %scan3A_97 = %scan3A_79 to %scan3A_81 step %scan3A_82  : i32 {
        %mul3A_98 = arith.constant 5 : i32
        %mul3A_99 = arith.muli %scan3A_97, %mul3A_98 : i32
        %add3A_100 = arith.constant 0 : i32
        %add3A_101 = arith.addi %mul3A_99, %add3A_100 : i32
        %dma_wait3A_102 = arith.constant 0 : i32
        %dma_wait3A_103 = tpu.memref_slice %arg9[%add3A_101, %dma_wait3A_102] : memref<160x128xi32, #tpu.memory_space<vmem>> -> memref<1x128xi32, #tpu.memory_space<vmem>>
        %dma_wait3A_104 = tpu.memref_squeeze %dma_wait3A_103 : memref<1x128xi32, #tpu.memory_space<vmem>> -> memref<128xi32, #tpu.memory_space<vmem>>
        %dma_wait3A_105 = arith.constant 0 : i32
        %dma_wait3A_106 = arith.constant 0 : i32
        %dma_wait3A_107 = tpu.memref_slice %arg2[%dma_wait3A_105, %dma_wait3A_106] : memref<10000x64xf32, #tpu.memory_space<hbm>> -> memref<10000x64xf32, #tpu.memory_space<hbm>>
        tpu.wait_indirect_dma semaphore(%arg18 : memref<!tpu.dma_semaphore, #tpu.memory_space<semaphore_mem>>) src(%dma_wait3A_107 : memref<10000x64xf32, #tpu.memory_space<hbm>>) dst(%arg11 : memref<128x64xf32, #tpu.memory_space<vmem>>)
        %dma_start3A_108 = arith.constant 0 : i32
        %dma_start3A_109 = tpu.memref_slice %arg10[%add3A_101, %dma_start3A_108] : memref<160x128xi32, #tpu.memory_space<vmem>> -> memref<1x128xi32, #tpu.memory_space<vmem>>
        %dma_start3A_110 = tpu.memref_squeeze %dma_start3A_109 : memref<1x128xi32, #tpu.memory_space<vmem>> -> memref<128xi32, #tpu.memory_space<vmem>>
        %dma_start3A_111 = arith.constant 0 : i32
        %dma_start3A_112 = arith.constant 0 : i32
        %dma_start3A_113 = tpu.memref_slice %arg17[%dma_start3A_111, %dma_start3A_112] : memref<10008x64xf32, #tpu.memory_space<vmem_shared>> -> memref<10008x64xf32, #tpu.memory_space<vmem_shared>>
        tpu.enqueue_indirect_dma source(%arg11 : memref<128x64xf32, #tpu.memory_space<vmem>>) target(%dma_start3A_113 : memref<10008x64xf32, #tpu.memory_space<vmem_shared>>) offsets(%dma_start3A_110 : memref<128xi32, #tpu.memory_space<vmem>>) semaphore(%arg23 : memref<!tpu.dma_semaphore, #tpu.memory_space<semaphore_mem>>) {add = true}
        %sub3A = arith.constant 2 : i32
        %sub3A_114 = arith.subi %add3A_101, %sub3A : i32
        %ge3A = arith.constant 0 : i32
        %ge3A_115 = arith.cmpi sge, %sub3A_114, %ge3A : i32
        %convert_element_type3A_116 = arith.extui %ge3A_115 : i1 to i32
        %cond3A_117 = arith.constant 0 : i32
        %cond3A_118 = arith.cmpi ne, %convert_element_type3A_116, %cond3A_117 : i32
        scf.if %cond3A_118 {
          %dma_wait3A_211 = arith.constant 0 : i32
          %dma_wait3A_212 = tpu.memref_slice %arg10[%sub3A_114, %dma_wait3A_211] : memref<160x128xi32, #tpu.memory_space<vmem>> -> memref<1x128xi32, #tpu.memory_space<vmem>>
          %dma_wait3A_213 = tpu.memref_squeeze %dma_wait3A_212 : memref<1x128xi32, #tpu.memory_space<vmem>> -> memref<128xi32, #tpu.memory_space<vmem>>
          %dma_wait3A_214 = arith.constant 0 : i32
          %dma_wait3A_215 = arith.constant 0 : i32
          %dma_wait3A_216 = tpu.memref_slice %arg17[%dma_wait3A_214, %dma_wait3A_215] : memref<10008x64xf32, #tpu.memory_space<vmem_shared>> -> memref<10008x64xf32, #tpu.memory_space<vmem_shared>>
          tpu.wait_indirect_dma semaphore(%arg26 : memref<!tpu.dma_semaphore, #tpu.memory_space<semaphore_mem>>) src(%arg14 : memref<128x64xf32, #tpu.memory_space<vmem>>) dst(%dma_wait3A_216 : memref<10008x64xf32, #tpu.memory_space<vmem_shared>>)
          %add3A_217 = arith.constant 5 : i32
          %add3A_218 = arith.addi %sub3A_114, %add3A_217 : i32
          %lt3A = arith.constant 160 : i32
          %lt3A_219 = arith.cmpi slt, %add3A_218, %lt3A : i32
          %convert_element_type3A_220 = arith.extui %lt3A_219 : i1 to i32
          %cond3A_221 = arith.constant 0 : i32
          %cond3A_222 = arith.cmpi ne, %convert_element_type3A_220, %cond3A_221 : i32
          scf.if %cond3A_222 {
            %add3A_223 = arith.constant 5 : i32
            %add3A_224 = arith.addi %sub3A_114, %add3A_223 : i32
            %dma_start3A_225 = arith.constant 0 : i32
            %dma_start3A_226 = tpu.memref_slice %arg9[%add3A_224, %dma_start3A_225] : memref<160x128xi32, #tpu.memory_space<vmem>> -> memref<1x128xi32, #tpu.memory_space<vmem>>
            %dma_start3A_227 = tpu.memref_squeeze %dma_start3A_226 : memref<1x128xi32, #tpu.memory_space<vmem>> -> memref<128xi32, #tpu.memory_space<vmem>>
            %dma_start3A_228 = arith.constant 0 : i32
            %dma_start3A_229 = arith.constant 0 : i32
            %dma_start3A_230 = tpu.memref_slice %arg2[%dma_start3A_228, %dma_start3A_229] : memref<10000x64xf32, #tpu.memory_space<hbm>> -> memref<10000x64xf32, #tpu.memory_space<hbm>>
            tpu.enqueue_indirect_dma source(%dma_start3A_230 : memref<10000x64xf32, #tpu.memory_space<hbm>>) target(%arg14 : memref<128x64xf32, #tpu.memory_space<vmem>>) offsets(%dma_start3A_227 : memref<128xi32, #tpu.memory_space<vmem>>) semaphore(%arg21 : memref<!tpu.dma_semaphore, #tpu.memory_space<semaphore_mem>>)
          } else {
          }
        } else {
        }
        %mul3A_119 = arith.constant 5 : i32
        %mul3A_120 = arith.muli %scan3A_97, %mul3A_119 : i32
        %add3A_121 = arith.constant 1 : i32
        %add3A_122 = arith.addi %mul3A_120, %add3A_121 : i32
        %dma_wait3A_123 = arith.constant 0 : i32
        %dma_wait3A_124 = tpu.memref_slice %arg9[%add3A_122, %dma_wait3A_123] : memref<160x128xi32, #tpu.memory_space<vmem>> -> memref<1x128xi32, #tpu.memory_space<vmem>>
        %dma_wait3A_125 = tpu.memref_squeeze %dma_wait3A_124 : memref<1x128xi32, #tpu.memory_space<vmem>> -> memref<128xi32, #tpu.memory_space<vmem>>
        %dma_wait3A_126 = arith.constant 0 : i32
        %dma_wait3A_127 = arith.constant 0 : i32
        %dma_wait3A_128 = tpu.memref_slice %arg2[%dma_wait3A_126, %dma_wait3A_127] : memref<10000x64xf32, #tpu.memory_space<hbm>> -> memref<10000x64xf32, #tpu.memory_space<hbm>>
        tpu.wait_indirect_dma semaphore(%arg19 : memref<!tpu.dma_semaphore, #tpu.memory_space<semaphore_mem>>) src(%dma_wait3A_128 : memref<10000x64xf32, #tpu.memory_space<hbm>>) dst(%arg12 : memref<128x64xf32, #tpu.memory_space<vmem>>)
        %dma_start3A_129 = arith.constant 0 : i32
        %dma_start3A_130 = tpu.memref_slice %arg10[%add3A_122, %dma_start3A_129] : memref<160x128xi32, #tpu.memory_space<vmem>> -> memref<1x128xi32, #tpu.memory_space<vmem>>
        %dma_start3A_131 = tpu.memref_squeeze %dma_start3A_130 : memref<1x128xi32, #tpu.memory_space<vmem>> -> memref<128xi32, #tpu.memory_space<vmem>>
        %dma_start3A_132 = arith.constant 0 : i32
        %dma_start3A_133 = arith.constant 0 : i32
        %dma_start3A_134 = tpu.memref_slice %arg17[%dma_start3A_132, %dma_start3A_133] : memref<10008x64xf32, #tpu.memory_space<vmem_shared>> -> memref<10008x64xf32, #tpu.memory_space<vmem_shared>>
        tpu.enqueue_indirect_dma source(%arg12 : memref<128x64xf32, #tpu.memory_space<vmem>>) target(%dma_start3A_134 : memref<10008x64xf32, #tpu.memory_space<vmem_shared>>) offsets(%dma_start3A_131 : memref<128xi32, #tpu.memory_space<vmem>>) semaphore(%arg24 : memref<!tpu.dma_semaphore, #tpu.memory_space<semaphore_mem>>) {add = true}
        %sub3A_135 = arith.constant 2 : i32
        %sub3A_136 = arith.subi %add3A_122, %sub3A_135 : i32
        %ge3A_137 = arith.constant 0 : i32
        %ge3A_138 = arith.cmpi sge, %sub3A_136, %ge3A_137 : i32
        %convert_element_type3A_139 = arith.extui %ge3A_138 : i1 to i32
        %cond3A_140 = arith.constant 0 : i32
        %cond3A_141 = arith.cmpi ne, %convert_element_type3A_139, %cond3A_140 : i32
        scf.if %cond3A_141 {
          %dma_wait3A_211 = arith.constant 0 : i32
          %dma_wait3A_212 = tpu.memref_slice %arg10[%sub3A_136, %dma_wait3A_211] : memref<160x128xi32, #tpu.memory_space<vmem>> -> memref<1x128xi32, #tpu.memory_space<vmem>>
          %dma_wait3A_213 = tpu.memref_squeeze %dma_wait3A_212 : memref<1x128xi32, #tpu.memory_space<vmem>> -> memref<128xi32, #tpu.memory_space<vmem>>
          %dma_wait3A_214 = arith.constant 0 : i32
          %dma_wait3A_215 = arith.constant 0 : i32
          %dma_wait3A_216 = tpu.memref_slice %arg17[%dma_wait3A_214, %dma_wait3A_215] : memref<10008x64xf32, #tpu.memory_space<vmem_shared>> -> memref<10008x64xf32, #tpu.memory_space<vmem_shared>>
          tpu.wait_indirect_dma semaphore(%arg27 : memref<!tpu.dma_semaphore, #tpu.memory_space<semaphore_mem>>) src(%arg15 : memref<128x64xf32, #tpu.memory_space<vmem>>) dst(%dma_wait3A_216 : memref<10008x64xf32, #tpu.memory_space<vmem_shared>>)
          %add3A_217 = arith.constant 5 : i32
          %add3A_218 = arith.addi %sub3A_136, %add3A_217 : i32
          %lt3A = arith.constant 160 : i32
          %lt3A_219 = arith.cmpi slt, %add3A_218, %lt3A : i32
          %convert_element_type3A_220 = arith.extui %lt3A_219 : i1 to i32
          %cond3A_221 = arith.constant 0 : i32
          %cond3A_222 = arith.cmpi ne, %convert_element_type3A_220, %cond3A_221 : i32
          scf.if %cond3A_222 {
            %add3A_223 = arith.constant 5 : i32
            %add3A_224 = arith.addi %sub3A_136, %add3A_223 : i32
            %dma_start3A_225 = arith.constant 0 : i32
            %dma_start3A_226 = tpu.memref_slice %arg9[%add3A_224, %dma_start3A_225] : memref<160x128xi32, #tpu.memory_space<vmem>> -> memref<1x128xi32, #tpu.memory_space<vmem>>
            %dma_start3A_227 = tpu.memref_squeeze %dma_start3A_226 : memref<1x128xi32, #tpu.memory_space<vmem>> -> memref<128xi32, #tpu.memory_space<vmem>>
            %dma_start3A_228 = arith.constant 0 : i32
            %dma_start3A_229 = arith.constant 0 : i32
            %dma_start3A_230 = tpu.memref_slice %arg2[%dma_start3A_228, %dma_start3A_229] : memref<10000x64xf32, #tpu.memory_space<hbm>> -> memref<10000x64xf32, #tpu.memory_space<hbm>>
            tpu.enqueue_indirect_dma source(%dma_start3A_230 : memref<10000x64xf32, #tpu.memory_space<hbm>>) target(%arg15 : memref<128x64xf32, #tpu.memory_space<vmem>>) offsets(%dma_start3A_227 : memref<128xi32, #tpu.memory_space<vmem>>) semaphore(%arg22 : memref<!tpu.dma_semaphore, #tpu.memory_space<semaphore_mem>>)
          } else {
          }
        } else {
        }
        %mul3A_142 = arith.constant 5 : i32
        %mul3A_143 = arith.muli %scan3A_97, %mul3A_142 : i32
        %add3A_144 = arith.constant 2 : i32
        %add3A_145 = arith.addi %mul3A_143, %add3A_144 : i32
        %dma_wait3A_146 = arith.constant 0 : i32
        %dma_wait3A_147 = tpu.memref_slice %arg9[%add3A_145, %dma_wait3A_146] : memref<160x128xi32, #tpu.memory_space<vmem>> -> memref<1x128xi32, #tpu.memory_space<vmem>>
        %dma_wait3A_148 = tpu.memref_squeeze %dma_wait3A_147 : memref<1x128xi32, #tpu.memory_space<vmem>> -> memref<128xi32, #tpu.memory_space<vmem>>
        %dma_wait3A_149 = arith.constant 0 : i32
        %dma_wait3A_150 = arith.constant 0 : i32
        %dma_wait3A_151 = tpu.memref_slice %arg2[%dma_wait3A_149, %dma_wait3A_150] : memref<10000x64xf32, #tpu.memory_space<hbm>> -> memref<10000x64xf32, #tpu.memory_space<hbm>>
        tpu.wait_indirect_dma semaphore(%arg20 : memref<!tpu.dma_semaphore, #tpu.memory_space<semaphore_mem>>) src(%dma_wait3A_151 : memref<10000x64xf32, #tpu.memory_space<hbm>>) dst(%arg13 : memref<128x64xf32, #tpu.memory_space<vmem>>)
        %dma_start3A_152 = arith.constant 0 : i32
        %dma_start3A_153 = tpu.memref_slice %arg10[%add3A_145, %dma_start3A_152] : memref<160x128xi32, #tpu.memory_space<vmem>> -> memref<1x128xi32, #tpu.memory_space<vmem>>
        %dma_start3A_154 = tpu.memref_squeeze %dma_start3A_153 : memref<1x128xi32, #tpu.memory_space<vmem>> -> memref<128xi32, #tpu.memory_space<vmem>>
        %dma_start3A_155 = arith.constant 0 : i32
        %dma_start3A_156 = arith.constant 0 : i32
        %dma_start3A_157 = tpu.memref_slice %arg17[%dma_start3A_155, %dma_start3A_156] : memref<10008x64xf32, #tpu.memory_space<vmem_shared>> -> memref<10008x64xf32, #tpu.memory_space<vmem_shared>>
        tpu.enqueue_indirect_dma source(%arg13 : memref<128x64xf32, #tpu.memory_space<vmem>>) target(%dma_start3A_157 : memref<10008x64xf32, #tpu.memory_space<vmem_shared>>) offsets(%dma_start3A_154 : memref<128xi32, #tpu.memory_space<vmem>>) semaphore(%arg25 : memref<!tpu.dma_semaphore, #tpu.memory_space<semaphore_mem>>) {add = true}
        %sub3A_158 = arith.constant 2 : i32
        %sub3A_159 = arith.subi %add3A_145, %sub3A_158 : i32
        %ge3A_160 = arith.constant 0 : i32
        %ge3A_161 = arith.cmpi sge, %sub3A_159, %ge3A_160 : i32
        %convert_element_type3A_162 = arith.extui %ge3A_161 : i1 to i32
        %cond3A_163 = arith.constant 0 : i32
        %cond3A_164 = arith.cmpi ne, %convert_element_type3A_162, %cond3A_163 : i32
        scf.if %cond3A_164 {
          %dma_wait3A_211 = arith.constant 0 : i32
          %dma_wait3A_212 = tpu.memref_slice %arg10[%sub3A_159, %dma_wait3A_211] : memref<160x128xi32, #tpu.memory_space<vmem>> -> memref<1x128xi32, #tpu.memory_space<vmem>>
          %dma_wait3A_213 = tpu.memref_squeeze %dma_wait3A_212 : memref<1x128xi32, #tpu.memory_space<vmem>> -> memref<128xi32, #tpu.memory_space<vmem>>
          %dma_wait3A_214 = arith.constant 0 : i32
          %dma_wait3A_215 = arith.constant 0 : i32
          %dma_wait3A_216 = tpu.memref_slice %arg17[%dma_wait3A_214, %dma_wait3A_215] : memref<10008x64xf32, #tpu.memory_space<vmem_shared>> -> memref<10008x64xf32, #tpu.memory_space<vmem_shared>>
          tpu.wait_indirect_dma semaphore(%arg23 : memref<!tpu.dma_semaphore, #tpu.memory_space<semaphore_mem>>) src(%arg11 : memref<128x64xf32, #tpu.memory_space<vmem>>) dst(%dma_wait3A_216 : memref<10008x64xf32, #tpu.memory_space<vmem_shared>>)
          %add3A_217 = arith.constant 5 : i32
          %add3A_218 = arith.addi %sub3A_159, %add3A_217 : i32
          %lt3A = arith.constant 160 : i32
          %lt3A_219 = arith.cmpi slt, %add3A_218, %lt3A : i32
          %convert_element_type3A_220 = arith.extui %lt3A_219 : i1 to i32
          %cond3A_221 = arith.constant 0 : i32
          %cond3A_222 = arith.cmpi ne, %convert_element_type3A_220, %cond3A_221 : i32
          scf.if %cond3A_222 {
            %add3A_223 = arith.constant 5 : i32
            %add3A_224 = arith.addi %sub3A_159, %add3A_223 : i32
            %dma_start3A_225 = arith.constant 0 : i32
            %dma_start3A_226 = tpu.memref_slice %arg9[%add3A_224, %dma_start3A_225] : memref<160x128xi32, #tpu.memory_space<vmem>> -> memref<1x128xi32, #tpu.memory_space<vmem>>
            %dma_start3A_227 = tpu.memref_squeeze %dma_start3A_226 : memref<1x128xi32, #tpu.memory_space<vmem>> -> memref<128xi32, #tpu.memory_space<vmem>>
            %dma_start3A_228 = arith.constant 0 : i32
            %dma_start3A_229 = arith.constant 0 : i32
            %dma_start3A_230 = tpu.memref_slice %arg2[%dma_start3A_228, %dma_start3A_229] : memref<10000x64xf32, #tpu.memory_space<hbm>> -> memref<10000x64xf32, #tpu.memory_space<hbm>>
            tpu.enqueue_indirect_dma source(%dma_start3A_230 : memref<10000x64xf32, #tpu.memory_space<hbm>>) target(%arg11 : memref<128x64xf32, #tpu.memory_space<vmem>>) offsets(%dma_start3A_227 : memref<128xi32, #tpu.memory_space<vmem>>) semaphore(%arg18 : memref<!tpu.dma_semaphore, #tpu.memory_space<semaphore_mem>>)
          } else {
          }
        } else {
        }
        %mul3A_165 = arith.constant 5 : i32
        %mul3A_166 = arith.muli %scan3A_97, %mul3A_165 : i32
        %add3A_167 = arith.constant 3 : i32
        %add3A_168 = arith.addi %mul3A_166, %add3A_167 : i32
        %dma_wait3A_169 = arith.constant 0 : i32
        %dma_wait3A_170 = tpu.memref_slice %arg9[%add3A_168, %dma_wait3A_169] : memref<160x128xi32, #tpu.memory_space<vmem>> -> memref<1x128xi32, #tpu.memory_space<vmem>>
        %dma_wait3A_171 = tpu.memref_squeeze %dma_wait3A_170 : memref<1x128xi32, #tpu.memory_space<vmem>> -> memref<128xi32, #tpu.memory_space<vmem>>
        %dma_wait3A_172 = arith.constant 0 : i32
        %dma_wait3A_173 = arith.constant 0 : i32
        %dma_wait3A_174 = tpu.memref_slice %arg2[%dma_wait3A_172, %dma_wait3A_173] : memref<10000x64xf32, #tpu.memory_space<hbm>> -> memref<10000x64xf32, #tpu.memory_space<hbm>>
        tpu.wait_indirect_dma semaphore(%arg21 : memref<!tpu.dma_semaphore, #tpu.memory_space<semaphore_mem>>) src(%dma_wait3A_174 : memref<10000x64xf32, #tpu.memory_space<hbm>>) dst(%arg14 : memref<128x64xf32, #tpu.memory_space<vmem>>)
        %dma_start3A_175 = arith.constant 0 : i32
        %dma_start3A_176 = tpu.memref_slice %arg10[%add3A_168, %dma_start3A_175] : memref<160x128xi32, #tpu.memory_space<vmem>> -> memref<1x128xi32, #tpu.memory_space<vmem>>
        %dma_start3A_177 = tpu.memref_squeeze %dma_start3A_176 : memref<1x128xi32, #tpu.memory_space<vmem>> -> memref<128xi32, #tpu.memory_space<vmem>>
        %dma_start3A_178 = arith.constant 0 : i32
        %dma_start3A_179 = arith.constant 0 : i32
        %dma_start3A_180 = tpu.memref_slice %arg17[%dma_start3A_178, %dma_start3A_179] : memref<10008x64xf32, #tpu.memory_space<vmem_shared>> -> memref<10008x64xf32, #tpu.memory_space<vmem_shared>>
        tpu.enqueue_indirect_dma source(%arg14 : memref<128x64xf32, #tpu.memory_space<vmem>>) target(%dma_start3A_180 : memref<10008x64xf32, #tpu.memory_space<vmem_shared>>) offsets(%dma_start3A_177 : memref<128xi32, #tpu.memory_space<vmem>>) semaphore(%arg26 : memref<!tpu.dma_semaphore, #tpu.memory_space<semaphore_mem>>) {add = true}
        %sub3A_181 = arith.constant 2 : i32
        %sub3A_182 = arith.subi %add3A_168, %sub3A_181 : i32
        %ge3A_183 = arith.constant 0 : i32
        %ge3A_184 = arith.cmpi sge, %sub3A_182, %ge3A_183 : i32
        %convert_element_type3A_185 = arith.extui %ge3A_184 : i1 to i32
        %cond3A_186 = arith.constant 0 : i32
        %cond3A_187 = arith.cmpi ne, %convert_element_type3A_185, %cond3A_186 : i32
        scf.if %cond3A_187 {
          %dma_wait3A_211 = arith.constant 0 : i32
          %dma_wait3A_212 = tpu.memref_slice %arg10[%sub3A_182, %dma_wait3A_211] : memref<160x128xi32, #tpu.memory_space<vmem>> -> memref<1x128xi32, #tpu.memory_space<vmem>>
          %dma_wait3A_213 = tpu.memref_squeeze %dma_wait3A_212 : memref<1x128xi32, #tpu.memory_space<vmem>> -> memref<128xi32, #tpu.memory_space<vmem>>
          %dma_wait3A_214 = arith.constant 0 : i32
          %dma_wait3A_215 = arith.constant 0 : i32
          %dma_wait3A_216 = tpu.memref_slice %arg17[%dma_wait3A_214, %dma_wait3A_215] : memref<10008x64xf32, #tpu.memory_space<vmem_shared>> -> memref<10008x64xf32, #tpu.memory_space<vmem_shared>>
          tpu.wait_indirect_dma semaphore(%arg24 : memref<!tpu.dma_semaphore, #tpu.memory_space<semaphore_mem>>) src(%arg12 : memref<128x64xf32, #tpu.memory_space<vmem>>) dst(%dma_wait3A_216 : memref<10008x64xf32, #tpu.memory_space<vmem_shared>>)
          %add3A_217 = arith.constant 5 : i32
          %add3A_218 = arith.addi %sub3A_182, %add3A_217 : i32
          %lt3A = arith.constant 160 : i32
          %lt3A_219 = arith.cmpi slt, %add3A_218, %lt3A : i32
          %convert_element_type3A_220 = arith.extui %lt3A_219 : i1 to i32
          %cond3A_221 = arith.constant 0 : i32
          %cond3A_222 = arith.cmpi ne, %convert_element_type3A_220, %cond3A_221 : i32
          scf.if %cond3A_222 {
            %add3A_223 = arith.constant 5 : i32
            %add3A_224 = arith.addi %sub3A_182, %add3A_223 : i32
            %dma_start3A_225 = arith.constant 0 : i32
            %dma_start3A_226 = tpu.memref_slice %arg9[%add3A_224, %dma_start3A_225] : memref<160x128xi32, #tpu.memory_space<vmem>> -> memref<1x128xi32, #tpu.memory_space<vmem>>
            %dma_start3A_227 = tpu.memref_squeeze %dma_start3A_226 : memref<1x128xi32, #tpu.memory_space<vmem>> -> memref<128xi32, #tpu.memory_space<vmem>>
            %dma_start3A_228 = arith.constant 0 : i32
            %dma_start3A_229 = arith.constant 0 : i32
            %dma_start3A_230 = tpu.memref_slice %arg2[%dma_start3A_228, %dma_start3A_229] : memref<10000x64xf32, #tpu.memory_space<hbm>> -> memref<10000x64xf32, #tpu.memory_space<hbm>>
            tpu.enqueue_indirect_dma source(%dma_start3A_230 : memref<10000x64xf32, #tpu.memory_space<hbm>>) target(%arg12 : memref<128x64xf32, #tpu.memory_space<vmem>>) offsets(%dma_start3A_227 : memref<128xi32, #tpu.memory_space<vmem>>) semaphore(%arg19 : memref<!tpu.dma_semaphore, #tpu.memory_space<semaphore_mem>>)
          } else {
          }
        } else {
        }
        %mul3A_188 = arith.constant 5 : i32
        %mul3A_189 = arith.muli %scan3A_97, %mul3A_188 : i32
        %add3A_190 = arith.constant 4 : i32
        %add3A_191 = arith.addi %mul3A_189, %add3A_190 : i32
        %dma_wait3A_192 = arith.constant 0 : i32
        %dma_wait3A_193 = tpu.memref_slice %arg9[%add3A_191, %dma_wait3A_192] : memref<160x128xi32, #tpu.memory_space<vmem>> -> memref<1x128xi32, #tpu.memory_space<vmem>>
        %dma_wait3A_194 = tpu.memref_squeeze %dma_wait3A_193 : memref<1x128xi32, #tpu.memory_space<vmem>> -> memref<128xi32, #tpu.memory_space<vmem>>
        %dma_wait3A_195 = arith.constant 0 : i32
        %dma_wait3A_196 = arith.constant 0 : i32
        %dma_wait3A_197 = tpu.memref_slice %arg2[%dma_wait3A_195, %dma_wait3A_196] : memref<10000x64xf32, #tpu.memory_space<hbm>> -> memref<10000x64xf32, #tpu.memory_space<hbm>>
        tpu.wait_indirect_dma semaphore(%arg22 : memref<!tpu.dma_semaphore, #tpu.memory_space<semaphore_mem>>) src(%dma_wait3A_197 : memref<10000x64xf32, #tpu.memory_space<hbm>>) dst(%arg15 : memref<128x64xf32, #tpu.memory_space<vmem>>)
        %dma_start3A_198 = arith.constant 0 : i32
        %dma_start3A_199 = tpu.memref_slice %arg10[%add3A_191, %dma_start3A_198] : memref<160x128xi32, #tpu.memory_space<vmem>> -> memref<1x128xi32, #tpu.memory_space<vmem>>
        %dma_start3A_200 = tpu.memref_squeeze %dma_start3A_199 : memref<1x128xi32, #tpu.memory_space<vmem>> -> memref<128xi32, #tpu.memory_space<vmem>>
        %dma_start3A_201 = arith.constant 0 : i32
        %dma_start3A_202 = arith.constant 0 : i32
        %dma_start3A_203 = tpu.memref_slice %arg17[%dma_start3A_201, %dma_start3A_202] : memref<10008x64xf32, #tpu.memory_space<vmem_shared>> -> memref<10008x64xf32, #tpu.memory_space<vmem_shared>>
        tpu.enqueue_indirect_dma source(%arg15 : memref<128x64xf32, #tpu.memory_space<vmem>>) target(%dma_start3A_203 : memref<10008x64xf32, #tpu.memory_space<vmem_shared>>) offsets(%dma_start3A_200 : memref<128xi32, #tpu.memory_space<vmem>>) semaphore(%arg27 : memref<!tpu.dma_semaphore, #tpu.memory_space<semaphore_mem>>) {add = true}
        %sub3A_204 = arith.constant 2 : i32
        %sub3A_205 = arith.subi %add3A_191, %sub3A_204 : i32
        %ge3A_206 = arith.constant 0 : i32
        %ge3A_207 = arith.cmpi sge, %sub3A_205, %ge3A_206 : i32
        %convert_element_type3A_208 = arith.extui %ge3A_207 : i1 to i32
        %cond3A_209 = arith.constant 0 : i32
        %cond3A_210 = arith.cmpi ne, %convert_element_type3A_208, %cond3A_209 : i32
        scf.if %cond3A_210 {
          %dma_wait3A_211 = arith.constant 0 : i32
          %dma_wait3A_212 = tpu.memref_slice %arg10[%sub3A_205, %dma_wait3A_211] : memref<160x128xi32, #tpu.memory_space<vmem>> -> memref<1x128xi32, #tpu.memory_space<vmem>>
          %dma_wait3A_213 = tpu.memref_squeeze %dma_wait3A_212 : memref<1x128xi32, #tpu.memory_space<vmem>> -> memref<128xi32, #tpu.memory_space<vmem>>
          %dma_wait3A_214 = arith.constant 0 : i32
          %dma_wait3A_215 = arith.constant 0 : i32
          %dma_wait3A_216 = tpu.memref_slice %arg17[%dma_wait3A_214, %dma_wait3A_215] : memref<10008x64xf32, #tpu.memory_space<vmem_shared>> -> memref<10008x64xf32, #tpu.memory_space<vmem_shared>>
          tpu.wait_indirect_dma semaphore(%arg25 : memref<!tpu.dma_semaphore, #tpu.memory_space<semaphore_mem>>) src(%arg13 : memref<128x64xf32, #tpu.memory_space<vmem>>) dst(%dma_wait3A_216 : memref<10008x64xf32, #tpu.memory_space<vmem_shared>>)
          %add3A_217 = arith.constant 5 : i32
          %add3A_218 = arith.addi %sub3A_205, %add3A_217 : i32
          %lt3A = arith.constant 160 : i32
          %lt3A_219 = arith.cmpi slt, %add3A_218, %lt3A : i32
          %convert_element_type3A_220 = arith.extui %lt3A_219 : i1 to i32
          %cond3A_221 = arith.constant 0 : i32
          %cond3A_222 = arith.cmpi ne, %convert_element_type3A_220, %cond3A_221 : i32
          scf.if %cond3A_222 {
            %add3A_223 = arith.constant 5 : i32
            %add3A_224 = arith.addi %sub3A_205, %add3A_223 : i32
            %dma_start3A_225 = arith.constant 0 : i32
            %dma_start3A_226 = tpu.memref_slice %arg9[%add3A_224, %dma_start3A_225] : memref<160x128xi32, #tpu.memory_space<vmem>> -> memref<1x128xi32, #tpu.memory_space<vmem>>
            %dma_start3A_227 = tpu.memref_squeeze %dma_start3A_226 : memref<1x128xi32, #tpu.memory_space<vmem>> -> memref<128xi32, #tpu.memory_space<vmem>>
            %dma_start3A_228 = arith.constant 0 : i32
            %dma_start3A_229 = arith.constant 0 : i32
            %dma_start3A_230 = tpu.memref_slice %arg2[%dma_start3A_228, %dma_start3A_229] : memref<10000x64xf32, #tpu.memory_space<hbm>> -> memref<10000x64xf32, #tpu.memory_space<hbm>>
            tpu.enqueue_indirect_dma source(%dma_start3A_230 : memref<10000x64xf32, #tpu.memory_space<hbm>>) target(%arg13 : memref<128x64xf32, #tpu.memory_space<vmem>>) offsets(%dma_start3A_227 : memref<128xi32, #tpu.memory_space<vmem>>) semaphore(%arg20 : memref<!tpu.dma_semaphore, #tpu.memory_space<semaphore_mem>>)
          } else {
          }
        } else {
        }
      }
      %scan3A_83 = arith.constant 32 : i32
      %dma_wait3A = arith.constant 158 : i32
      %dma_wait3A_84 = arith.constant 0 : i32
      %dma_wait3A_85 = tpu.memref_slice %arg10[%dma_wait3A, %dma_wait3A_84] : memref<160x128xi32, #tpu.memory_space<vmem>> -> memref<1x128xi32, #tpu.memory_space<vmem>>
      %dma_wait3A_86 = tpu.memref_squeeze %dma_wait3A_85 : memref<1x128xi32, #tpu.memory_space<vmem>> -> memref<128xi32, #tpu.memory_space<vmem>>
      %dma_wait3A_87 = arith.constant 0 : i32
      %dma_wait3A_88 = arith.constant 0 : i32
      %dma_wait3A_89 = tpu.memref_slice %arg17[%dma_wait3A_87, %dma_wait3A_88] : memref<10008x64xf32, #tpu.memory_space<vmem_shared>> -> memref<10008x64xf32, #tpu.memory_space<vmem_shared>>
      tpu.wait_indirect_dma semaphore(%arg26 : memref<!tpu.dma_semaphore, #tpu.memory_space<semaphore_mem>>) src(%arg14 : memref<128x64xf32, #tpu.memory_space<vmem>>) dst(%dma_wait3A_89 : memref<10008x64xf32, #tpu.memory_space<vmem_shared>>)
      %dma_wait3A_90 = arith.constant 159 : i32
      %dma_wait3A_91 = arith.constant 0 : i32
      %dma_wait3A_92 = tpu.memref_slice %arg10[%dma_wait3A_90, %dma_wait3A_91] : memref<160x128xi32, #tpu.memory_space<vmem>> -> memref<1x128xi32, #tpu.memory_space<vmem>>
      %dma_wait3A_93 = tpu.memref_squeeze %dma_wait3A_92 : memref<1x128xi32, #tpu.memory_space<vmem>> -> memref<128xi32, #tpu.memory_space<vmem>>
      %dma_wait3A_94 = arith.constant 0 : i32
      %dma_wait3A_95 = arith.constant 0 : i32
      %dma_wait3A_96 = tpu.memref_slice %arg17[%dma_wait3A_94, %dma_wait3A_95] : memref<10008x64xf32, #tpu.memory_space<vmem_shared>> -> memref<10008x64xf32, #tpu.memory_space<vmem_shared>>
      tpu.wait_indirect_dma semaphore(%arg27 : memref<!tpu.dma_semaphore, #tpu.memory_space<semaphore_mem>>) src(%arg15 : memref<128x64xf32, #tpu.memory_space<vmem>>) dst(%dma_wait3A_96 : memref<10008x64xf32, #tpu.memory_space<vmem_shared>>)
      "tpu.trace_stop"() : () -> ()
    } else {
    }
    %eq3A_29 = arith.constant 1 : i32
    %eq3A_30 = arith.cmpi eq, %arg0, %eq3A_29 : i32
    %convert_element_type3A_31 = arith.extui %eq3A_30 : i1 to i32
    %cond3A_32 = arith.constant 0 : i32
    %cond3A_33 = arith.cmpi ne, %convert_element_type3A_31, %cond3A_32 : i32
    scf.if %cond3A_33 {
      %dma_start3A = arith.constant 0 : i32
      %dma_start3A_45 = arith.constant 0 : i32
      %dma_start3A_46 = tpu.memref_slice %arg9[%dma_start3A, %dma_start3A_45] : memref<160x128xi32, #tpu.memory_space<vmem>> -> memref<1x128xi32, #tpu.memory_space<vmem>>
      %dma_start3A_47 = tpu.memref_squeeze %dma_start3A_46 : memref<1x128xi32, #tpu.memory_space<vmem>> -> memref<128xi32, #tpu.memory_space<vmem>>
      %dma_start3A_48 = arith.constant 0 : i32
      %dma_start3A_49 = arith.constant 0 : i32
      %dma_start3A_50 = tpu.memref_slice %arg3[%dma_start3A_48, %dma_start3A_49] : memref<10000x64xf32, #tpu.memory_space<hbm>> -> memref<10000x64xf32, #tpu.memory_space<hbm>>
      tpu.enqueue_indirect_dma source(%dma_start3A_50 : memref<10000x64xf32, #tpu.memory_space<hbm>>) target(%arg11 : memref<128x64xf32, #tpu.memory_space<vmem>>) offsets(%dma_start3A_47 : memref<128xi32, #tpu.memory_space<vmem>>) semaphore(%arg18 : memref<!tpu.dma_semaphore, #tpu.memory_space<semaphore_mem>>)
      %dma_start3A_51 = arith.constant 1 : i32
      %dma_start3A_52 = arith.constant 0 : i32
      %dma_start3A_53 = tpu.memref_slice %arg9[%dma_start3A_51, %dma_start3A_52] : memref<160x128xi32, #tpu.memory_space<vmem>> -> memref<1x128xi32, #tpu.memory_space<vmem>>
      %dma_start3A_54 = tpu.memref_squeeze %dma_start3A_53 : memref<1x128xi32, #tpu.memory_space<vmem>> -> memref<128xi32, #tpu.memory_space<vmem>>
      %dma_start3A_55 = arith.constant 0 : i32
      %dma_start3A_56 = arith.constant 0 : i32
      %dma_start3A_57 = tpu.memref_slice %arg3[%dma_start3A_55, %dma_start3A_56] : memref<10000x64xf32, #tpu.memory_space<hbm>> -> memref<10000x64xf32, #tpu.memory_space<hbm>>
      tpu.enqueue_indirect_dma source(%dma_start3A_57 : memref<10000x64xf32, #tpu.memory_space<hbm>>) target(%arg12 : memref<128x64xf32, #tpu.memory_space<vmem>>) offsets(%dma_start3A_54 : memref<128xi32, #tpu.memory_space<vmem>>) semaphore(%arg19 : memref<!tpu.dma_semaphore, #tpu.memory_space<semaphore_mem>>)
      %dma_start3A_58 = arith.constant 2 : i32
      %dma_start3A_59 = arith.constant 0 : i32
      %dma_start3A_60 = tpu.memref_slice %arg9[%dma_start3A_58, %dma_start3A_59] : memref<160x128xi32, #tpu.memory_space<vmem>> -> memref<1x128xi32, #tpu.memory_space<vmem>>
      %dma_start3A_61 = tpu.memref_squeeze %dma_start3A_60 : memref<1x128xi32, #tpu.memory_space<vmem>> -> memref<128xi32, #tpu.memory_space<vmem>>
      %dma_start3A_62 = arith.constant 0 : i32
      %dma_start3A_63 = arith.constant 0 : i32
      %dma_start3A_64 = tpu.memref_slice %arg3[%dma_start3A_62, %dma_start3A_63] : memref<10000x64xf32, #tpu.memory_space<hbm>> -> memref<10000x64xf32, #tpu.memory_space<hbm>>
      tpu.enqueue_indirect_dma source(%dma_start3A_64 : memref<10000x64xf32, #tpu.memory_space<hbm>>) target(%arg13 : memref<128x64xf32, #tpu.memory_space<vmem>>) offsets(%dma_start3A_61 : memref<128xi32, #tpu.memory_space<vmem>>) semaphore(%arg20 : memref<!tpu.dma_semaphore, #tpu.memory_space<semaphore_mem>>)
      %dma_start3A_65 = arith.constant 3 : i32
      %dma_start3A_66 = arith.constant 0 : i32
      %dma_start3A_67 = tpu.memref_slice %arg9[%dma_start3A_65, %dma_start3A_66] : memref<160x128xi32, #tpu.memory_space<vmem>> -> memref<1x128xi32, #tpu.memory_space<vmem>>
      %dma_start3A_68 = tpu.memref_squeeze %dma_start3A_67 : memref<1x128xi32, #tpu.memory_space<vmem>> -> memref<128xi32, #tpu.memory_space<vmem>>
      %dma_start3A_69 = arith.constant 0 : i32
      %dma_start3A_70 = arith.constant 0 : i32
      %dma_start3A_71 = tpu.memref_slice %arg3[%dma_start3A_69, %dma_start3A_70] : memref<10000x64xf32, #tpu.memory_space<hbm>> -> memref<10000x64xf32, #tpu.memory_space<hbm>>
      tpu.enqueue_indirect_dma source(%dma_start3A_71 : memref<10000x64xf32, #tpu.memory_space<hbm>>) target(%arg14 : memref<128x64xf32, #tpu.memory_space<vmem>>) offsets(%dma_start3A_68 : memref<128xi32, #tpu.memory_space<vmem>>) semaphore(%arg21 : memref<!tpu.dma_semaphore, #tpu.memory_space<semaphore_mem>>)
      %dma_start3A_72 = arith.constant 4 : i32
      %dma_start3A_73 = arith.constant 0 : i32
      %dma_start3A_74 = tpu.memref_slice %arg9[%dma_start3A_72, %dma_start3A_73] : memref<160x128xi32, #tpu.memory_space<vmem>> -> memref<1x128xi32, #tpu.memory_space<vmem>>
      %dma_start3A_75 = tpu.memref_squeeze %dma_start3A_74 : memref<1x128xi32, #tpu.memory_space<vmem>> -> memref<128xi32, #tpu.memory_space<vmem>>
      %dma_start3A_76 = arith.constant 0 : i32
      %dma_start3A_77 = arith.constant 0 : i32
      %dma_start3A_78 = tpu.memref_slice %arg3[%dma_start3A_76, %dma_start3A_77] : memref<10000x64xf32, #tpu.memory_space<hbm>> -> memref<10000x64xf32, #tpu.memory_space<hbm>>
      tpu.enqueue_indirect_dma source(%dma_start3A_78 : memref<10000x64xf32, #tpu.memory_space<hbm>>) target(%arg15 : memref<128x64xf32, #tpu.memory_space<vmem>>) offsets(%dma_start3A_75 : memref<128xi32, #tpu.memory_space<vmem>>) semaphore(%arg22 : memref<!tpu.dma_semaphore, #tpu.memory_space<semaphore_mem>>)
      "tpu.trace_start"() <{level = 10 : i32, message = "agg_loop"}> : () -> ()
      %scan3A = arith.constant 0 : i32
      %scan3A_79 = arith.constant 0 : i32
      %scan3A_80 = arith.constant 32 : i32
      %scan3A_81 = arith.addi %scan3A_79, %scan3A_80 : i32
      %scan3A_82 = arith.constant 1 : i32
      scf.for %scan3A_97 = %scan3A_79 to %scan3A_81 step %scan3A_82  : i32 {
        %mul3A_98 = arith.constant 5 : i32
        %mul3A_99 = arith.muli %scan3A_97, %mul3A_98 : i32
        %add3A_100 = arith.constant 0 : i32
        %add3A_101 = arith.addi %mul3A_99, %add3A_100 : i32
        %dma_wait3A_102 = arith.constant 0 : i32
        %dma_wait3A_103 = tpu.memref_slice %arg9[%add3A_101, %dma_wait3A_102] : memref<160x128xi32, #tpu.memory_space<vmem>> -> memref<1x128xi32, #tpu.memory_space<vmem>>
        %dma_wait3A_104 = tpu.memref_squeeze %dma_wait3A_103 : memref<1x128xi32, #tpu.memory_space<vmem>> -> memref<128xi32, #tpu.memory_space<vmem>>
        %dma_wait3A_105 = arith.constant 0 : i32
        %dma_wait3A_106 = arith.constant 0 : i32
        %dma_wait3A_107 = tpu.memref_slice %arg3[%dma_wait3A_105, %dma_wait3A_106] : memref<10000x64xf32, #tpu.memory_space<hbm>> -> memref<10000x64xf32, #tpu.memory_space<hbm>>
        tpu.wait_indirect_dma semaphore(%arg18 : memref<!tpu.dma_semaphore, #tpu.memory_space<semaphore_mem>>) src(%dma_wait3A_107 : memref<10000x64xf32, #tpu.memory_space<hbm>>) dst(%arg11 : memref<128x64xf32, #tpu.memory_space<vmem>>)
        %dma_start3A_108 = arith.constant 0 : i32
        %dma_start3A_109 = tpu.memref_slice %arg10[%add3A_101, %dma_start3A_108] : memref<160x128xi32, #tpu.memory_space<vmem>> -> memref<1x128xi32, #tpu.memory_space<vmem>>
        %dma_start3A_110 = tpu.memref_squeeze %dma_start3A_109 : memref<1x128xi32, #tpu.memory_space<vmem>> -> memref<128xi32, #tpu.memory_space<vmem>>
        %dma_start3A_111 = arith.constant 0 : i32
        %dma_start3A_112 = arith.constant 0 : i32
        %dma_start3A_113 = tpu.memref_slice %arg17[%dma_start3A_111, %dma_start3A_112] : memref<10008x64xf32, #tpu.memory_space<vmem_shared>> -> memref<10008x64xf32, #tpu.memory_space<vmem_shared>>
        tpu.enqueue_indirect_dma source(%arg11 : memref<128x64xf32, #tpu.memory_space<vmem>>) target(%dma_start3A_113 : memref<10008x64xf32, #tpu.memory_space<vmem_shared>>) offsets(%dma_start3A_110 : memref<128xi32, #tpu.memory_space<vmem>>) semaphore(%arg23 : memref<!tpu.dma_semaphore, #tpu.memory_space<semaphore_mem>>) {add = true}
        %sub3A = arith.constant 2 : i32
        %sub3A_114 = arith.subi %add3A_101, %sub3A : i32
        %ge3A = arith.constant 0 : i32
        %ge3A_115 = arith.cmpi sge, %sub3A_114, %ge3A : i32
        %convert_element_type3A_116 = arith.extui %ge3A_115 : i1 to i32
        %cond3A_117 = arith.constant 0 : i32
        %cond3A_118 = arith.cmpi ne, %convert_element_type3A_116, %cond3A_117 : i32
        scf.if %cond3A_118 {
          %dma_wait3A_211 = arith.constant 0 : i32
          %dma_wait3A_212 = tpu.memref_slice %arg10[%sub3A_114, %dma_wait3A_211] : memref<160x128xi32, #tpu.memory_space<vmem>> -> memref<1x128xi32, #tpu.memory_space<vmem>>
          %dma_wait3A_213 = tpu.memref_squeeze %dma_wait3A_212 : memref<1x128xi32, #tpu.memory_space<vmem>> -> memref<128xi32, #tpu.memory_space<vmem>>
          %dma_wait3A_214 = arith.constant 0 : i32
          %dma_wait3A_215 = arith.constant 0 : i32
          %dma_wait3A_216 = tpu.memref_slice %arg17[%dma_wait3A_214, %dma_wait3A_215] : memref<10008x64xf32, #tpu.memory_space<vmem_shared>> -> memref<10008x64xf32, #tpu.memory_space<vmem_shared>>
          tpu.wait_indirect_dma semaphore(%arg26 : memref<!tpu.dma_semaphore, #tpu.memory_space<semaphore_mem>>) src(%arg14 : memref<128x64xf32, #tpu.memory_space<vmem>>) dst(%dma_wait3A_216 : memref<10008x64xf32, #tpu.memory_space<vmem_shared>>)
          %add3A_217 = arith.constant 5 : i32
          %add3A_218 = arith.addi %sub3A_114, %add3A_217 : i32
          %lt3A = arith.constant 160 : i32
          %lt3A_219 = arith.cmpi slt, %add3A_218, %lt3A : i32
          %convert_element_type3A_220 = arith.extui %lt3A_219 : i1 to i32
          %cond3A_221 = arith.constant 0 : i32
          %cond3A_222 = arith.cmpi ne, %convert_element_type3A_220, %cond3A_221 : i32
          scf.if %cond3A_222 {
            %add3A_223 = arith.constant 5 : i32
            %add3A_224 = arith.addi %sub3A_114, %add3A_223 : i32
            %dma_start3A_225 = arith.constant 0 : i32
            %dma_start3A_226 = tpu.memref_slice %arg9[%add3A_224, %dma_start3A_225] : memref<160x128xi32, #tpu.memory_space<vmem>> -> memref<1x128xi32, #tpu.memory_space<vmem>>
            %dma_start3A_227 = tpu.memref_squeeze %dma_start3A_226 : memref<1x128xi32, #tpu.memory_space<vmem>> -> memref<128xi32, #tpu.memory_space<vmem>>
            %dma_start3A_228 = arith.constant 0 : i32
            %dma_start3A_229 = arith.constant 0 : i32
            %dma_start3A_230 = tpu.memref_slice %arg3[%dma_start3A_228, %dma_start3A_229] : memref<10000x64xf32, #tpu.memory_space<hbm>> -> memref<10000x64xf32, #tpu.memory_space<hbm>>
            tpu.enqueue_indirect_dma source(%dma_start3A_230 : memref<10000x64xf32, #tpu.memory_space<hbm>>) target(%arg14 : memref<128x64xf32, #tpu.memory_space<vmem>>) offsets(%dma_start3A_227 : memref<128xi32, #tpu.memory_space<vmem>>) semaphore(%arg21 : memref<!tpu.dma_semaphore, #tpu.memory_space<semaphore_mem>>)
          } else {
          }
        } else {
        }
        %mul3A_119 = arith.constant 5 : i32
        %mul3A_120 = arith.muli %scan3A_97, %mul3A_119 : i32
        %add3A_121 = arith.constant 1 : i32
        %add3A_122 = arith.addi %mul3A_120, %add3A_121 : i32
        %dma_wait3A_123 = arith.constant 0 : i32
        %dma_wait3A_124 = tpu.memref_slice %arg9[%add3A_122, %dma_wait3A_123] : memref<160x128xi32, #tpu.memory_space<vmem>> -> memref<1x128xi32, #tpu.memory_space<vmem>>
        %dma_wait3A_125 = tpu.memref_squeeze %dma_wait3A_124 : memref<1x128xi32, #tpu.memory_space<vmem>> -> memref<128xi32, #tpu.memory_space<vmem>>
        %dma_wait3A_126 = arith.constant 0 : i32
        %dma_wait3A_127 = arith.constant 0 : i32
        %dma_wait3A_128 = tpu.memref_slice %arg3[%dma_wait3A_126, %dma_wait3A_127] : memref<10000x64xf32, #tpu.memory_space<hbm>> -> memref<10000x64xf32, #tpu.memory_space<hbm>>
        tpu.wait_indirect_dma semaphore(%arg19 : memref<!tpu.dma_semaphore, #tpu.memory_space<semaphore_mem>>) src(%dma_wait3A_128 : memref<10000x64xf32, #tpu.memory_space<hbm>>) dst(%arg12 : memref<128x64xf32, #tpu.memory_space<vmem>>)
        %dma_start3A_129 = arith.constant 0 : i32
        %dma_start3A_130 = tpu.memref_slice %arg10[%add3A_122, %dma_start3A_129] : memref<160x128xi32, #tpu.memory_space<vmem>> -> memref<1x128xi32, #tpu.memory_space<vmem>>
        %dma_start3A_131 = tpu.memref_squeeze %dma_start3A_130 : memref<1x128xi32, #tpu.memory_space<vmem>> -> memref<128xi32, #tpu.memory_space<vmem>>
        %dma_start3A_132 = arith.constant 0 : i32
        %dma_start3A_133 = arith.constant 0 : i32
        %dma_start3A_134 = tpu.memref_slice %arg17[%dma_start3A_132, %dma_start3A_133] : memref<10008x64xf32, #tpu.memory_space<vmem_shared>> -> memref<10008x64xf32, #tpu.memory_space<vmem_shared>>
        tpu.enqueue_indirect_dma source(%arg12 : memref<128x64xf32, #tpu.memory_space<vmem>>) target(%dma_start3A_134 : memref<10008x64xf32, #tpu.memory_space<vmem_shared>>) offsets(%dma_start3A_131 : memref<128xi32, #tpu.memory_space<vmem>>) semaphore(%arg24 : memref<!tpu.dma_semaphore, #tpu.memory_space<semaphore_mem>>) {add = true}
        %sub3A_135 = arith.constant 2 : i32
        %sub3A_136 = arith.subi %add3A_122, %sub3A_135 : i32
        %ge3A_137 = arith.constant 0 : i32
        %ge3A_138 = arith.cmpi sge, %sub3A_136, %ge3A_137 : i32
        %convert_element_type3A_139 = arith.extui %ge3A_138 : i1 to i32
        %cond3A_140 = arith.constant 0 : i32
        %cond3A_141 = arith.cmpi ne, %convert_element_type3A_139, %cond3A_140 : i32
        scf.if %cond3A_141 {
          %dma_wait3A_211 = arith.constant 0 : i32
          %dma_wait3A_212 = tpu.memref_slice %arg10[%sub3A_136, %dma_wait3A_211] : memref<160x128xi32, #tpu.memory_space<vmem>> -> memref<1x128xi32, #tpu.memory_space<vmem>>
          %dma_wait3A_213 = tpu.memref_squeeze %dma_wait3A_212 : memref<1x128xi32, #tpu.memory_space<vmem>> -> memref<128xi32, #tpu.memory_space<vmem>>
          %dma_wait3A_214 = arith.constant 0 : i32
          %dma_wait3A_215 = arith.constant 0 : i32
          %dma_wait3A_216 = tpu.memref_slice %arg17[%dma_wait3A_214, %dma_wait3A_215] : memref<10008x64xf32, #tpu.memory_space<vmem_shared>> -> memref<10008x64xf32, #tpu.memory_space<vmem_shared>>
          tpu.wait_indirect_dma semaphore(%arg27 : memref<!tpu.dma_semaphore, #tpu.memory_space<semaphore_mem>>) src(%arg15 : memref<128x64xf32, #tpu.memory_space<vmem>>) dst(%dma_wait3A_216 : memref<10008x64xf32, #tpu.memory_space<vmem_shared>>)
          %add3A_217 = arith.constant 5 : i32
          %add3A_218 = arith.addi %sub3A_136, %add3A_217 : i32
          %lt3A = arith.constant 160 : i32
          %lt3A_219 = arith.cmpi slt, %add3A_218, %lt3A : i32
          %convert_element_type3A_220 = arith.extui %lt3A_219 : i1 to i32
          %cond3A_221 = arith.constant 0 : i32
          %cond3A_222 = arith.cmpi ne, %convert_element_type3A_220, %cond3A_221 : i32
          scf.if %cond3A_222 {
            %add3A_223 = arith.constant 5 : i32
            %add3A_224 = arith.addi %sub3A_136, %add3A_223 : i32
            %dma_start3A_225 = arith.constant 0 : i32
            %dma_start3A_226 = tpu.memref_slice %arg9[%add3A_224, %dma_start3A_225] : memref<160x128xi32, #tpu.memory_space<vmem>> -> memref<1x128xi32, #tpu.memory_space<vmem>>
            %dma_start3A_227 = tpu.memref_squeeze %dma_start3A_226 : memref<1x128xi32, #tpu.memory_space<vmem>> -> memref<128xi32, #tpu.memory_space<vmem>>
            %dma_start3A_228 = arith.constant 0 : i32
            %dma_start3A_229 = arith.constant 0 : i32
            %dma_start3A_230 = tpu.memref_slice %arg3[%dma_start3A_228, %dma_start3A_229] : memref<10000x64xf32, #tpu.memory_space<hbm>> -> memref<10000x64xf32, #tpu.memory_space<hbm>>
            tpu.enqueue_indirect_dma source(%dma_start3A_230 : memref<10000x64xf32, #tpu.memory_space<hbm>>) target(%arg15 : memref<128x64xf32, #tpu.memory_space<vmem>>) offsets(%dma_start3A_227 : memref<128xi32, #tpu.memory_space<vmem>>) semaphore(%arg22 : memref<!tpu.dma_semaphore, #tpu.memory_space<semaphore_mem>>)
          } else {
          }
        } else {
        }
        %mul3A_142 = arith.constant 5 : i32
        %mul3A_143 = arith.muli %scan3A_97, %mul3A_142 : i32
        %add3A_144 = arith.constant 2 : i32
        %add3A_145 = arith.addi %mul3A_143, %add3A_144 : i32
        %dma_wait3A_146 = arith.constant 0 : i32
        %dma_wait3A_147 = tpu.memref_slice %arg9[%add3A_145, %dma_wait3A_146] : memref<160x128xi32, #tpu.memory_space<vmem>> -> memref<1x128xi32, #tpu.memory_space<vmem>>
        %dma_wait3A_148 = tpu.memref_squeeze %dma_wait3A_147 : memref<1x128xi32, #tpu.memory_space<vmem>> -> memref<128xi32, #tpu.memory_space<vmem>>
        %dma_wait3A_149 = arith.constant 0 : i32
        %dma_wait3A_150 = arith.constant 0 : i32
        %dma_wait3A_151 = tpu.memref_slice %arg3[%dma_wait3A_149, %dma_wait3A_150] : memref<10000x64xf32, #tpu.memory_space<hbm>> -> memref<10000x64xf32, #tpu.memory_space<hbm>>
        tpu.wait_indirect_dma semaphore(%arg20 : memref<!tpu.dma_semaphore, #tpu.memory_space<semaphore_mem>>) src(%dma_wait3A_151 : memref<10000x64xf32, #tpu.memory_space<hbm>>) dst(%arg13 : memref<128x64xf32, #tpu.memory_space<vmem>>)
        %dma_start3A_152 = arith.constant 0 : i32
        %dma_start3A_153 = tpu.memref_slice %arg10[%add3A_145, %dma_start3A_152] : memref<160x128xi32, #tpu.memory_space<vmem>> -> memref<1x128xi32, #tpu.memory_space<vmem>>
        %dma_start3A_154 = tpu.memref_squeeze %dma_start3A_153 : memref<1x128xi32, #tpu.memory_space<vmem>> -> memref<128xi32, #tpu.memory_space<vmem>>
        %dma_start3A_155 = arith.constant 0 : i32
        %dma_start3A_156 = arith.constant 0 : i32
        %dma_start3A_157 = tpu.memref_slice %arg17[%dma_start3A_155, %dma_start3A_156] : memref<10008x64xf32, #tpu.memory_space<vmem_shared>> -> memref<10008x64xf32, #tpu.memory_space<vmem_shared>>
        tpu.enqueue_indirect_dma source(%arg13 : memref<128x64xf32, #tpu.memory_space<vmem>>) target(%dma_start3A_157 : memref<10008x64xf32, #tpu.memory_space<vmem_shared>>) offsets(%dma_start3A_154 : memref<128xi32, #tpu.memory_space<vmem>>) semaphore(%arg25 : memref<!tpu.dma_semaphore, #tpu.memory_space<semaphore_mem>>) {add = true}
        %sub3A_158 = arith.constant 2 : i32
        %sub3A_159 = arith.subi %add3A_145, %sub3A_158 : i32
        %ge3A_160 = arith.constant 0 : i32
        %ge3A_161 = arith.cmpi sge, %sub3A_159, %ge3A_160 : i32
        %convert_element_type3A_162 = arith.extui %ge3A_161 : i1 to i32
        %cond3A_163 = arith.constant 0 : i32
        %cond3A_164 = arith.cmpi ne, %convert_element_type3A_162, %cond3A_163 : i32
        scf.if %cond3A_164 {
          %dma_wait3A_211 = arith.constant 0 : i32
          %dma_wait3A_212 = tpu.memref_slice %arg10[%sub3A_159, %dma_wait3A_211] : memref<160x128xi32, #tpu.memory_space<vmem>> -> memref<1x128xi32, #tpu.memory_space<vmem>>
          %dma_wait3A_213 = tpu.memref_squeeze %dma_wait3A_212 : memref<1x128xi32, #tpu.memory_space<vmem>> -> memref<128xi32, #tpu.memory_space<vmem>>
          %dma_wait3A_214 = arith.constant 0 : i32
          %dma_wait3A_215 = arith.constant 0 : i32
          %dma_wait3A_216 = tpu.memref_slice %arg17[%dma_wait3A_214, %dma_wait3A_215] : memref<10008x64xf32, #tpu.memory_space<vmem_shared>> -> memref<10008x64xf32, #tpu.memory_space<vmem_shared>>
          tpu.wait_indirect_dma semaphore(%arg23 : memref<!tpu.dma_semaphore, #tpu.memory_space<semaphore_mem>>) src(%arg11 : memref<128x64xf32, #tpu.memory_space<vmem>>) dst(%dma_wait3A_216 : memref<10008x64xf32, #tpu.memory_space<vmem_shared>>)
          %add3A_217 = arith.constant 5 : i32
          %add3A_218 = arith.addi %sub3A_159, %add3A_217 : i32
          %lt3A = arith.constant 160 : i32
          %lt3A_219 = arith.cmpi slt, %add3A_218, %lt3A : i32
          %convert_element_type3A_220 = arith.extui %lt3A_219 : i1 to i32
          %cond3A_221 = arith.constant 0 : i32
          %cond3A_222 = arith.cmpi ne, %convert_element_type3A_220, %cond3A_221 : i32
          scf.if %cond3A_222 {
            %add3A_223 = arith.constant 5 : i32
            %add3A_224 = arith.addi %sub3A_159, %add3A_223 : i32
            %dma_start3A_225 = arith.constant 0 : i32
            %dma_start3A_226 = tpu.memref_slice %arg9[%add3A_224, %dma_start3A_225] : memref<160x128xi32, #tpu.memory_space<vmem>> -> memref<1x128xi32, #tpu.memory_space<vmem>>
            %dma_start3A_227 = tpu.memref_squeeze %dma_start3A_226 : memref<1x128xi32, #tpu.memory_space<vmem>> -> memref<128xi32, #tpu.memory_space<vmem>>
            %dma_start3A_228 = arith.constant 0 : i32
            %dma_start3A_229 = arith.constant 0 : i32
            %dma_start3A_230 = tpu.memref_slice %arg3[%dma_start3A_228, %dma_start3A_229] : memref<10000x64xf32, #tpu.memory_space<hbm>> -> memref<10000x64xf32, #tpu.memory_space<hbm>>
            tpu.enqueue_indirect_dma source(%dma_start3A_230 : memref<10000x64xf32, #tpu.memory_space<hbm>>) target(%arg11 : memref<128x64xf32, #tpu.memory_space<vmem>>) offsets(%dma_start3A_227 : memref<128xi32, #tpu.memory_space<vmem>>) semaphore(%arg18 : memref<!tpu.dma_semaphore, #tpu.memory_space<semaphore_mem>>)
          } else {
          }
        } else {
        }
        %mul3A_165 = arith.constant 5 : i32
        %mul3A_166 = arith.muli %scan3A_97, %mul3A_165 : i32
        %add3A_167 = arith.constant 3 : i32
        %add3A_168 = arith.addi %mul3A_166, %add3A_167 : i32
        %dma_wait3A_169 = arith.constant 0 : i32
        %dma_wait3A_170 = tpu.memref_slice %arg9[%add3A_168, %dma_wait3A_169] : memref<160x128xi32, #tpu.memory_space<vmem>> -> memref<1x128xi32, #tpu.memory_space<vmem>>
        %dma_wait3A_171 = tpu.memref_squeeze %dma_wait3A_170 : memref<1x128xi32, #tpu.memory_space<vmem>> -> memref<128xi32, #tpu.memory_space<vmem>>
        %dma_wait3A_172 = arith.constant 0 : i32
        %dma_wait3A_173 = arith.constant 0 : i32
        %dma_wait3A_174 = tpu.memref_slice %arg3[%dma_wait3A_172, %dma_wait3A_173] : memref<10000x64xf32, #tpu.memory_space<hbm>> -> memref<10000x64xf32, #tpu.memory_space<hbm>>
        tpu.wait_indirect_dma semaphore(%arg21 : memref<!tpu.dma_semaphore, #tpu.memory_space<semaphore_mem>>) src(%dma_wait3A_174 : memref<10000x64xf32, #tpu.memory_space<hbm>>) dst(%arg14 : memref<128x64xf32, #tpu.memory_space<vmem>>)
        %dma_start3A_175 = arith.constant 0 : i32
        %dma_start3A_176 = tpu.memref_slice %arg10[%add3A_168, %dma_start3A_175] : memref<160x128xi32, #tpu.memory_space<vmem>> -> memref<1x128xi32, #tpu.memory_space<vmem>>
        %dma_start3A_177 = tpu.memref_squeeze %dma_start3A_176 : memref<1x128xi32, #tpu.memory_space<vmem>> -> memref<128xi32, #tpu.memory_space<vmem>>
        %dma_start3A_178 = arith.constant 0 : i32
        %dma_start3A_179 = arith.constant 0 : i32
        %dma_start3A_180 = tpu.memref_slice %arg17[%dma_start3A_178, %dma_start3A_179] : memref<10008x64xf32, #tpu.memory_space<vmem_shared>> -> memref<10008x64xf32, #tpu.memory_space<vmem_shared>>
        tpu.enqueue_indirect_dma source(%arg14 : memref<128x64xf32, #tpu.memory_space<vmem>>) target(%dma_start3A_180 : memref<10008x64xf32, #tpu.memory_space<vmem_shared>>) offsets(%dma_start3A_177 : memref<128xi32, #tpu.memory_space<vmem>>) semaphore(%arg26 : memref<!tpu.dma_semaphore, #tpu.memory_space<semaphore_mem>>) {add = true}
        %sub3A_181 = arith.constant 2 : i32
        %sub3A_182 = arith.subi %add3A_168, %sub3A_181 : i32
        %ge3A_183 = arith.constant 0 : i32
        %ge3A_184 = arith.cmpi sge, %sub3A_182, %ge3A_183 : i32
        %convert_element_type3A_185 = arith.extui %ge3A_184 : i1 to i32
        %cond3A_186 = arith.constant 0 : i32
        %cond3A_187 = arith.cmpi ne, %convert_element_type3A_185, %cond3A_186 : i32
        scf.if %cond3A_187 {
          %dma_wait3A_211 = arith.constant 0 : i32
          %dma_wait3A_212 = tpu.memref_slice %arg10[%sub3A_182, %dma_wait3A_211] : memref<160x128xi32, #tpu.memory_space<vmem>> -> memref<1x128xi32, #tpu.memory_space<vmem>>
          %dma_wait3A_213 = tpu.memref_squeeze %dma_wait3A_212 : memref<1x128xi32, #tpu.memory_space<vmem>> -> memref<128xi32, #tpu.memory_space<vmem>>
          %dma_wait3A_214 = arith.constant 0 : i32
          %dma_wait3A_215 = arith.constant 0 : i32
          %dma_wait3A_216 = tpu.memref_slice %arg17[%dma_wait3A_214, %dma_wait3A_215] : memref<10008x64xf32, #tpu.memory_space<vmem_shared>> -> memref<10008x64xf32, #tpu.memory_space<vmem_shared>>
          tpu.wait_indirect_dma semaphore(%arg24 : memref<!tpu.dma_semaphore, #tpu.memory_space<semaphore_mem>>) src(%arg12 : memref<128x64xf32, #tpu.memory_space<vmem>>) dst(%dma_wait3A_216 : memref<10008x64xf32, #tpu.memory_space<vmem_shared>>)
          %add3A_217 = arith.constant 5 : i32
          %add3A_218 = arith.addi %sub3A_182, %add3A_217 : i32
          %lt3A = arith.constant 160 : i32
          %lt3A_219 = arith.cmpi slt, %add3A_218, %lt3A : i32
          %convert_element_type3A_220 = arith.extui %lt3A_219 : i1 to i32
          %cond3A_221 = arith.constant 0 : i32
          %cond3A_222 = arith.cmpi ne, %convert_element_type3A_220, %cond3A_221 : i32
          scf.if %cond3A_222 {
            %add3A_223 = arith.constant 5 : i32
            %add3A_224 = arith.addi %sub3A_182, %add3A_223 : i32
            %dma_start3A_225 = arith.constant 0 : i32
            %dma_start3A_226 = tpu.memref_slice %arg9[%add3A_224, %dma_start3A_225] : memref<160x128xi32, #tpu.memory_space<vmem>> -> memref<1x128xi32, #tpu.memory_space<vmem>>
            %dma_start3A_227 = tpu.memref_squeeze %dma_start3A_226 : memref<1x128xi32, #tpu.memory_space<vmem>> -> memref<128xi32, #tpu.memory_space<vmem>>
            %dma_start3A_228 = arith.constant 0 : i32
            %dma_start3A_229 = arith.constant 0 : i32
            %dma_start3A_230 = tpu.memref_slice %arg3[%dma_start3A_228, %dma_start3A_229] : memref<10000x64xf32, #tpu.memory_space<hbm>> -> memref<10000x64xf32, #tpu.memory_space<hbm>>
            tpu.enqueue_indirect_dma source(%dma_start3A_230 : memref<10000x64xf32, #tpu.memory_space<hbm>>) target(%arg12 : memref<128x64xf32, #tpu.memory_space<vmem>>) offsets(%dma_start3A_227 : memref<128xi32, #tpu.memory_space<vmem>>) semaphore(%arg19 : memref<!tpu.dma_semaphore, #tpu.memory_space<semaphore_mem>>)
          } else {
          }
        } else {
        }
        %mul3A_188 = arith.constant 5 : i32
        %mul3A_189 = arith.muli %scan3A_97, %mul3A_188 : i32
        %add3A_190 = arith.constant 4 : i32
        %add3A_191 = arith.addi %mul3A_189, %add3A_190 : i32
        %dma_wait3A_192 = arith.constant 0 : i32
        %dma_wait3A_193 = tpu.memref_slice %arg9[%add3A_191, %dma_wait3A_192] : memref<160x128xi32, #tpu.memory_space<vmem>> -> memref<1x128xi32, #tpu.memory_space<vmem>>
        %dma_wait3A_194 = tpu.memref_squeeze %dma_wait3A_193 : memref<1x128xi32, #tpu.memory_space<vmem>> -> memref<128xi32, #tpu.memory_space<vmem>>
        %dma_wait3A_195 = arith.constant 0 : i32
        %dma_wait3A_196 = arith.constant 0 : i32
        %dma_wait3A_197 = tpu.memref_slice %arg3[%dma_wait3A_195, %dma_wait3A_196] : memref<10000x64xf32, #tpu.memory_space<hbm>> -> memref<10000x64xf32, #tpu.memory_space<hbm>>
        tpu.wait_indirect_dma semaphore(%arg22 : memref<!tpu.dma_semaphore, #tpu.memory_space<semaphore_mem>>) src(%dma_wait3A_197 : memref<10000x64xf32, #tpu.memory_space<hbm>>) dst(%arg15 : memref<128x64xf32, #tpu.memory_space<vmem>>)
        %dma_start3A_198 = arith.constant 0 : i32
        %dma_start3A_199 = tpu.memref_slice %arg10[%add3A_191, %dma_start3A_198] : memref<160x128xi32, #tpu.memory_space<vmem>> -> memref<1x128xi32, #tpu.memory_space<vmem>>
        %dma_start3A_200 = tpu.memref_squeeze %dma_start3A_199 : memref<1x128xi32, #tpu.memory_space<vmem>> -> memref<128xi32, #tpu.memory_space<vmem>>
        %dma_start3A_201 = arith.constant 0 : i32
        %dma_start3A_202 = arith.constant 0 : i32
        %dma_start3A_203 = tpu.memref_slice %arg17[%dma_start3A_201, %dma_start3A_202] : memref<10008x64xf32, #tpu.memory_space<vmem_shared>> -> memref<10008x64xf32, #tpu.memory_space<vmem_shared>>
        tpu.enqueue_indirect_dma source(%arg15 : memref<128x64xf32, #tpu.memory_space<vmem>>) target(%dma_start3A_203 : memref<10008x64xf32, #tpu.memory_space<vmem_shared>>) offsets(%dma_start3A_200 : memref<128xi32, #tpu.memory_space<vmem>>) semaphore(%arg27 : memref<!tpu.dma_semaphore, #tpu.memory_space<semaphore_mem>>) {add = true}
        %sub3A_204 = arith.constant 2 : i32
        %sub3A_205 = arith.subi %add3A_191, %sub3A_204 : i32
        %ge3A_206 = arith.constant 0 : i32
        %ge3A_207 = arith.cmpi sge, %sub3A_205, %ge3A_206 : i32
        %convert_element_type3A_208 = arith.extui %ge3A_207 : i1 to i32
        %cond3A_209 = arith.constant 0 : i32
        %cond3A_210 = arith.cmpi ne, %convert_element_type3A_208, %cond3A_209 : i32
        scf.if %cond3A_210 {
          %dma_wait3A_211 = arith.constant 0 : i32
          %dma_wait3A_212 = tpu.memref_slice %arg10[%sub3A_205, %dma_wait3A_211] : memref<160x128xi32, #tpu.memory_space<vmem>> -> memref<1x128xi32, #tpu.memory_space<vmem>>
          %dma_wait3A_213 = tpu.memref_squeeze %dma_wait3A_212 : memref<1x128xi32, #tpu.memory_space<vmem>> -> memref<128xi32, #tpu.memory_space<vmem>>
          %dma_wait3A_214 = arith.constant 0 : i32
          %dma_wait3A_215 = arith.constant 0 : i32
          %dma_wait3A_216 = tpu.memref_slice %arg17[%dma_wait3A_214, %dma_wait3A_215] : memref<10008x64xf32, #tpu.memory_space<vmem_shared>> -> memref<10008x64xf32, #tpu.memory_space<vmem_shared>>
          tpu.wait_indirect_dma semaphore(%arg25 : memref<!tpu.dma_semaphore, #tpu.memory_space<semaphore_mem>>) src(%arg13 : memref<128x64xf32, #tpu.memory_space<vmem>>) dst(%dma_wait3A_216 : memref<10008x64xf32, #tpu.memory_space<vmem_shared>>)
          %add3A_217 = arith.constant 5 : i32
          %add3A_218 = arith.addi %sub3A_205, %add3A_217 : i32
          %lt3A = arith.constant 160 : i32
          %lt3A_219 = arith.cmpi slt, %add3A_218, %lt3A : i32
          %convert_element_type3A_220 = arith.extui %lt3A_219 : i1 to i32
          %cond3A_221 = arith.constant 0 : i32
          %cond3A_222 = arith.cmpi ne, %convert_element_type3A_220, %cond3A_221 : i32
          scf.if %cond3A_222 {
            %add3A_223 = arith.constant 5 : i32
            %add3A_224 = arith.addi %sub3A_205, %add3A_223 : i32
            %dma_start3A_225 = arith.constant 0 : i32
            %dma_start3A_226 = tpu.memref_slice %arg9[%add3A_224, %dma_start3A_225] : memref<160x128xi32, #tpu.memory_space<vmem>> -> memref<1x128xi32, #tpu.memory_space<vmem>>
            %dma_start3A_227 = tpu.memref_squeeze %dma_start3A_226 : memref<1x128xi32, #tpu.memory_space<vmem>> -> memref<128xi32, #tpu.memory_space<vmem>>
            %dma_start3A_228 = arith.constant 0 : i32
            %dma_start3A_229 = arith.constant 0 : i32
            %dma_start3A_230 = tpu.memref_slice %arg3[%dma_start3A_228, %dma_start3A_229] : memref<10000x64xf32, #tpu.memory_space<hbm>> -> memref<10000x64xf32, #tpu.memory_space<hbm>>
            tpu.enqueue_indirect_dma source(%dma_start3A_230 : memref<10000x64xf32, #tpu.memory_space<hbm>>) target(%arg13 : memref<128x64xf32, #tpu.memory_space<vmem>>) offsets(%dma_start3A_227 : memref<128xi32, #tpu.memory_space<vmem>>) semaphore(%arg20 : memref<!tpu.dma_semaphore, #tpu.memory_space<semaphore_mem>>)
          } else {
          }
        } else {
        }
      }
      %scan3A_83 = arith.constant 32 : i32
      %dma_wait3A = arith.constant 158 : i32
      %dma_wait3A_84 = arith.constant 0 : i32
      %dma_wait3A_85 = tpu.memref_slice %arg10[%dma_wait3A, %dma_wait3A_84] : memref<160x128xi32, #tpu.memory_space<vmem>> -> memref<1x128xi32, #tpu.memory_space<vmem>>
      %dma_wait3A_86 = tpu.memref_squeeze %dma_wait3A_85 : memref<1x128xi32, #tpu.memory_space<vmem>> -> memref<128xi32, #tpu.memory_space<vmem>>
      %dma_wait3A_87 = arith.constant 0 : i32
      %dma_wait3A_88 = arith.constant 0 : i32
      %dma_wait3A_89 = tpu.memref_slice %arg17[%dma_wait3A_87, %dma_wait3A_88] : memref<10008x64xf32, #tpu.memory_space<vmem_shared>> -> memref<10008x64xf32, #tpu.memory_space<vmem_shared>>
      tpu.wait_indirect_dma semaphore(%arg26 : memref<!tpu.dma_semaphore, #tpu.memory_space<semaphore_mem>>) src(%arg14 : memref<128x64xf32, #tpu.memory_space<vmem>>) dst(%dma_wait3A_89 : memref<10008x64xf32, #tpu.memory_space<vmem_shared>>)
      %dma_wait3A_90 = arith.constant 159 : i32
      %dma_wait3A_91 = arith.constant 0 : i32
      %dma_wait3A_92 = tpu.memref_slice %arg10[%dma_wait3A_90, %dma_wait3A_91] : memref<160x128xi32, #tpu.memory_space<vmem>> -> memref<1x128xi32, #tpu.memory_space<vmem>>
      %dma_wait3A_93 = tpu.memref_squeeze %dma_wait3A_92 : memref<1x128xi32, #tpu.memory_space<vmem>> -> memref<128xi32, #tpu.memory_space<vmem>>
      %dma_wait3A_94 = arith.constant 0 : i32
      %dma_wait3A_95 = arith.constant 0 : i32
      %dma_wait3A_96 = tpu.memref_slice %arg17[%dma_wait3A_94, %dma_wait3A_95] : memref<10008x64xf32, #tpu.memory_space<vmem_shared>> -> memref<10008x64xf32, #tpu.memory_space<vmem_shared>>
      tpu.wait_indirect_dma semaphore(%arg27 : memref<!tpu.dma_semaphore, #tpu.memory_space<semaphore_mem>>) src(%arg15 : memref<128x64xf32, #tpu.memory_space<vmem>>) dst(%dma_wait3A_96 : memref<10008x64xf32, #tpu.memory_space<vmem_shared>>)
      "tpu.trace_stop"() : () -> ()
    } else {
    }
    %barrier3A_34 = arith.constant 0 : index
    tpu.barrier barrier_id(%barrier3A_34)
    %eq3A_35 = arith.constant 0 : i32
    %eq3A_36 = arith.cmpi eq, %arg0, %eq3A_35 : i32
    %convert_element_type3A_37 = arith.extui %eq3A_36 : i1 to i32
    %cond3A_38 = arith.constant 0 : i32
    %cond3A_39 = arith.cmpi ne, %convert_element_type3A_37, %cond3A_38 : i32
    scf.if %cond3A_39 {
      "tpu.trace_start"() <{level = 10 : i32, message = "agg_out"}> : () -> ()
      %mul3A_45 = arith.constant 624 : i32
      %mul3A_46 = arith.muli %arg1, %mul3A_45 : i32
      %add3A_47 = arith.constant 0 : i32
      %add3A_48 = arith.addi %mul3A_46, %add3A_47 : i32
      "tpu.region"() ({
        %run_scoped3A = tpu.sem_alloc : memref<!tpu.dma_semaphore, #tpu.memory_space<semaphore_mem>>
        %dma_start3A = arith.constant 0 : i32
        %dma_start3A_98 = tpu.memref_slice %arg17[%add3A_48, %dma_start3A] : memref<10008x64xf32, #tpu.memory_space<vmem_shared>> -> memref<104x64xf32, #tpu.memory_space<vmem_shared>>
        %dma_start3A_99 = arith.constant 0 : i32
        %dma_start3A_100 = tpu.memref_slice %arg17[%add3A_48, %dma_start3A_99] : memref<10008x64xf32, #tpu.memory_space<vmem_shared>> -> memref<104x64xf32, #tpu.memory_space<vmem_shared>>
        tpu.enqueue_dma source(%dma_start3A_100 : memref<104x64xf32, #tpu.memory_space<vmem_shared>>) target(%arg16 : memref<104x64xf32, #tpu.memory_space<vmem>>) target_semaphore(%run_scoped3A : memref<!tpu.dma_semaphore, #tpu.memory_space<semaphore_mem>>)
        %dma_wait3A = arith.constant 0 : i32
        %dma_wait3A_101 = tpu.memref_slice %arg17[%add3A_48, %dma_wait3A] : memref<10008x64xf32, #tpu.memory_space<vmem_shared>> -> memref<104x64xf32, #tpu.memory_space<vmem_shared>>
        %dma_wait3A_102 = arith.constant 0 : i32
        %dma_wait3A_103 = tpu.memref_slice %arg17[%add3A_48, %dma_wait3A_102] : memref<10008x64xf32, #tpu.memory_space<vmem_shared>> -> memref<104x64xf32, #tpu.memory_space<vmem_shared>>
        tpu.wait_dma2 semaphore(%run_scoped3A : memref<!tpu.dma_semaphore, #tpu.memory_space<semaphore_mem>>) src(%dma_wait3A_103 : memref<104x64xf32, #tpu.memory_space<vmem_shared>>) dst(%arg16 : memref<104x64xf32, #tpu.memory_space<vmem>>)
        tpu.yield
      }) : () -> ()
      %mul3A_49 = arith.constant 624 : i32
      %mul3A_50 = arith.muli %arg1, %mul3A_49 : i32
      %add3A_51 = arith.constant 0 : i32
      %add3A_52 = arith.addi %mul3A_50, %add3A_51 : i32
      "tpu.region"() ({
        %run_scoped3A = tpu.sem_alloc : memref<!tpu.dma_semaphore, #tpu.memory_space<semaphore_mem>>
        %dma_start3A = arith.constant 0 : i32
        %dma_start3A_98 = tpu.memref_slice %arg7[%add3A_52, %dma_start3A] : memref<10000x64xf32, #tpu.memory_space<hbm>> -> memref<104x64xf32, #tpu.memory_space<hbm>>
        %dma_start3A_99 = arith.constant 0 : i32
        %dma_start3A_100 = tpu.memref_slice %arg7[%add3A_52, %dma_start3A_99] : memref<10000x64xf32, #tpu.memory_space<hbm>> -> memref<104x64xf32, #tpu.memory_space<hbm>>
        tpu.enqueue_dma source(%arg16 : memref<104x64xf32, #tpu.memory_space<vmem>>) target(%dma_start3A_100 : memref<104x64xf32, #tpu.memory_space<hbm>>) target_semaphore(%run_scoped3A : memref<!tpu.dma_semaphore, #tpu.memory_space<semaphore_mem>>)
        %dma_wait3A = arith.constant 0 : i32
        %dma_wait3A_101 = tpu.memref_slice %arg7[%add3A_52, %dma_wait3A] : memref<10000x64xf32, #tpu.memory_space<hbm>> -> memref<104x64xf32, #tpu.memory_space<hbm>>
        %dma_wait3A_102 = arith.constant 0 : i32
        %dma_wait3A_103 = tpu.memref_slice %arg7[%add3A_52, %dma_wait3A_102] : memref<10000x64xf32, #tpu.memory_space<hbm>> -> memref<104x64xf32, #tpu.memory_space<hbm>>
        tpu.wait_dma2 semaphore(%run_scoped3A : memref<!tpu.dma_semaphore, #tpu.memory_space<semaphore_mem>>) src(%arg16 : memref<104x64xf32, #tpu.memory_space<vmem>>) dst(%dma_wait3A_103 : memref<104x64xf32, #tpu.memory_space<hbm>>)
        tpu.yield
      }) : () -> ()
      %mul3A_53 = arith.constant 624 : i32
      %mul3A_54 = arith.muli %arg1, %mul3A_53 : i32
      %add3A_55 = arith.constant 104 : i32
      %add3A_56 = arith.addi %mul3A_54, %add3A_55 : i32
      "tpu.region"() ({
        %run_scoped3A = tpu.sem_alloc : memref<!tpu.dma_semaphore, #tpu.memory_space<semaphore_mem>>
        %dma_start3A = arith.constant 0 : i32
        %dma_start3A_98 = tpu.memref_slice %arg17[%add3A_56, %dma_start3A] : memref<10008x64xf32, #tpu.memory_space<vmem_shared>> -> memref<104x64xf32, #tpu.memory_space<vmem_shared>>
        %dma_start3A_99 = arith.constant 0 : i32
        %dma_start3A_100 = tpu.memref_slice %arg17[%add3A_56, %dma_start3A_99] : memref<10008x64xf32, #tpu.memory_space<vmem_shared>> -> memref<104x64xf32, #tpu.memory_space<vmem_shared>>
        tpu.enqueue_dma source(%dma_start3A_100 : memref<104x64xf32, #tpu.memory_space<vmem_shared>>) target(%arg16 : memref<104x64xf32, #tpu.memory_space<vmem>>) target_semaphore(%run_scoped3A : memref<!tpu.dma_semaphore, #tpu.memory_space<semaphore_mem>>)
        %dma_wait3A = arith.constant 0 : i32
        %dma_wait3A_101 = tpu.memref_slice %arg17[%add3A_56, %dma_wait3A] : memref<10008x64xf32, #tpu.memory_space<vmem_shared>> -> memref<104x64xf32, #tpu.memory_space<vmem_shared>>
        %dma_wait3A_102 = arith.constant 0 : i32
        %dma_wait3A_103 = tpu.memref_slice %arg17[%add3A_56, %dma_wait3A_102] : memref<10008x64xf32, #tpu.memory_space<vmem_shared>> -> memref<104x64xf32, #tpu.memory_space<vmem_shared>>
        tpu.wait_dma2 semaphore(%run_scoped3A : memref<!tpu.dma_semaphore, #tpu.memory_space<semaphore_mem>>) src(%dma_wait3A_103 : memref<104x64xf32, #tpu.memory_space<vmem_shared>>) dst(%arg16 : memref<104x64xf32, #tpu.memory_space<vmem>>)
        tpu.yield
      }) : () -> ()
      %mul3A_57 = arith.constant 624 : i32
      %mul3A_58 = arith.muli %arg1, %mul3A_57 : i32
      %add3A_59 = arith.constant 104 : i32
      %add3A_60 = arith.addi %mul3A_58, %add3A_59 : i32
      "tpu.region"() ({
        %run_scoped3A = tpu.sem_alloc : memref<!tpu.dma_semaphore, #tpu.memory_space<semaphore_mem>>
        %dma_start3A = arith.constant 0 : i32
        %dma_start3A_98 = tpu.memref_slice %arg7[%add3A_60, %dma_start3A] : memref<10000x64xf32, #tpu.memory_space<hbm>> -> memref<104x64xf32, #tpu.memory_space<hbm>>
        %dma_start3A_99 = arith.constant 0 : i32
        %dma_start3A_100 = tpu.memref_slice %arg7[%add3A_60, %dma_start3A_99] : memref<10000x64xf32, #tpu.memory_space<hbm>> -> memref<104x64xf32, #tpu.memory_space<hbm>>
        tpu.enqueue_dma source(%arg16 : memref<104x64xf32, #tpu.memory_space<vmem>>) target(%dma_start3A_100 : memref<104x64xf32, #tpu.memory_space<hbm>>) target_semaphore(%run_scoped3A : memref<!tpu.dma_semaphore, #tpu.memory_space<semaphore_mem>>)
        %dma_wait3A = arith.constant 0 : i32
        %dma_wait3A_101 = tpu.memref_slice %arg7[%add3A_60, %dma_wait3A] : memref<10000x64xf32, #tpu.memory_space<hbm>> -> memref<104x64xf32, #tpu.memory_space<hbm>>
        %dma_wait3A_102 = arith.constant 0 : i32
        %dma_wait3A_103 = tpu.memref_slice %arg7[%add3A_60, %dma_wait3A_102] : memref<10000x64xf32, #tpu.memory_space<hbm>> -> memref<104x64xf32, #tpu.memory_space<hbm>>
        tpu.wait_dma2 semaphore(%run_scoped3A : memref<!tpu.dma_semaphore, #tpu.memory_space<semaphore_mem>>) src(%arg16 : memref<104x64xf32, #tpu.memory_space<vmem>>) dst(%dma_wait3A_103 : memref<104x64xf32, #tpu.memory_space<hbm>>)
        tpu.yield
      }) : () -> ()
      %mul3A_61 = arith.constant 624 : i32
      %mul3A_62 = arith.muli %arg1, %mul3A_61 : i32
      %add3A_63 = arith.constant 208 : i32
      %add3A_64 = arith.addi %mul3A_62, %add3A_63 : i32
      "tpu.region"() ({
        %run_scoped3A = tpu.sem_alloc : memref<!tpu.dma_semaphore, #tpu.memory_space<semaphore_mem>>
        %dma_start3A = arith.constant 0 : i32
        %dma_start3A_98 = tpu.memref_slice %arg17[%add3A_64, %dma_start3A] : memref<10008x64xf32, #tpu.memory_space<vmem_shared>> -> memref<104x64xf32, #tpu.memory_space<vmem_shared>>
        %dma_start3A_99 = arith.constant 0 : i32
        %dma_start3A_100 = tpu.memref_slice %arg17[%add3A_64, %dma_start3A_99] : memref<10008x64xf32, #tpu.memory_space<vmem_shared>> -> memref<104x64xf32, #tpu.memory_space<vmem_shared>>
        tpu.enqueue_dma source(%dma_start3A_100 : memref<104x64xf32, #tpu.memory_space<vmem_shared>>) target(%arg16 : memref<104x64xf32, #tpu.memory_space<vmem>>) target_semaphore(%run_scoped3A : memref<!tpu.dma_semaphore, #tpu.memory_space<semaphore_mem>>)
        %dma_wait3A = arith.constant 0 : i32
        %dma_wait3A_101 = tpu.memref_slice %arg17[%add3A_64, %dma_wait3A] : memref<10008x64xf32, #tpu.memory_space<vmem_shared>> -> memref<104x64xf32, #tpu.memory_space<vmem_shared>>
        %dma_wait3A_102 = arith.constant 0 : i32
        %dma_wait3A_103 = tpu.memref_slice %arg17[%add3A_64, %dma_wait3A_102] : memref<10008x64xf32, #tpu.memory_space<vmem_shared>> -> memref<104x64xf32, #tpu.memory_space<vmem_shared>>
        tpu.wait_dma2 semaphore(%run_scoped3A : memref<!tpu.dma_semaphore, #tpu.memory_space<semaphore_mem>>) src(%dma_wait3A_103 : memref<104x64xf32, #tpu.memory_space<vmem_shared>>) dst(%arg16 : memref<104x64xf32, #tpu.memory_space<vmem>>)
        tpu.yield
      }) : () -> ()
      %mul3A_65 = arith.constant 624 : i32
      %mul3A_66 = arith.muli %arg1, %mul3A_65 : i32
      %add3A_67 = arith.constant 208 : i32
      %add3A_68 = arith.addi %mul3A_66, %add3A_67 : i32
      "tpu.region"() ({
        %run_scoped3A = tpu.sem_alloc : memref<!tpu.dma_semaphore, #tpu.memory_space<semaphore_mem>>
        %dma_start3A = arith.constant 0 : i32
        %dma_start3A_98 = tpu.memref_slice %arg7[%add3A_68, %dma_start3A] : memref<10000x64xf32, #tpu.memory_space<hbm>> -> memref<104x64xf32, #tpu.memory_space<hbm>>
        %dma_start3A_99 = arith.constant 0 : i32
        %dma_start3A_100 = tpu.memref_slice %arg7[%add3A_68, %dma_start3A_99] : memref<10000x64xf32, #tpu.memory_space<hbm>> -> memref<104x64xf32, #tpu.memory_space<hbm>>
        tpu.enqueue_dma source(%arg16 : memref<104x64xf32, #tpu.memory_space<vmem>>) target(%dma_start3A_100 : memref<104x64xf32, #tpu.memory_space<hbm>>) target_semaphore(%run_scoped3A : memref<!tpu.dma_semaphore, #tpu.memory_space<semaphore_mem>>)
        %dma_wait3A = arith.constant 0 : i32
        %dma_wait3A_101 = tpu.memref_slice %arg7[%add3A_68, %dma_wait3A] : memref<10000x64xf32, #tpu.memory_space<hbm>> -> memref<104x64xf32, #tpu.memory_space<hbm>>
        %dma_wait3A_102 = arith.constant 0 : i32
        %dma_wait3A_103 = tpu.memref_slice %arg7[%add3A_68, %dma_wait3A_102] : memref<10000x64xf32, #tpu.memory_space<hbm>> -> memref<104x64xf32, #tpu.memory_space<hbm>>
        tpu.wait_dma2 semaphore(%run_scoped3A : memref<!tpu.dma_semaphore, #tpu.memory_space<semaphore_mem>>) src(%arg16 : memref<104x64xf32, #tpu.memory_space<vmem>>) dst(%dma_wait3A_103 : memref<104x64xf32, #tpu.memory_space<hbm>>)
        tpu.yield
      }) : () -> ()
      %mul3A_69 = arith.constant 624 : i32
      %mul3A_70 = arith.muli %arg1, %mul3A_69 : i32
      %add3A_71 = arith.constant 312 : i32
      %add3A_72 = arith.addi %mul3A_70, %add3A_71 : i32
      "tpu.region"() ({
        %run_scoped3A = tpu.sem_alloc : memref<!tpu.dma_semaphore, #tpu.memory_space<semaphore_mem>>
        %dma_start3A = arith.constant 0 : i32
        %dma_start3A_98 = tpu.memref_slice %arg17[%add3A_72, %dma_start3A] : memref<10008x64xf32, #tpu.memory_space<vmem_shared>> -> memref<104x64xf32, #tpu.memory_space<vmem_shared>>
        %dma_start3A_99 = arith.constant 0 : i32
        %dma_start3A_100 = tpu.memref_slice %arg17[%add3A_72, %dma_start3A_99] : memref<10008x64xf32, #tpu.memory_space<vmem_shared>> -> memref<104x64xf32, #tpu.memory_space<vmem_shared>>
        tpu.enqueue_dma source(%dma_start3A_100 : memref<104x64xf32, #tpu.memory_space<vmem_shared>>) target(%arg16 : memref<104x64xf32, #tpu.memory_space<vmem>>) target_semaphore(%run_scoped3A : memref<!tpu.dma_semaphore, #tpu.memory_space<semaphore_mem>>)
        %dma_wait3A = arith.constant 0 : i32
        %dma_wait3A_101 = tpu.memref_slice %arg17[%add3A_72, %dma_wait3A] : memref<10008x64xf32, #tpu.memory_space<vmem_shared>> -> memref<104x64xf32, #tpu.memory_space<vmem_shared>>
        %dma_wait3A_102 = arith.constant 0 : i32
        %dma_wait3A_103 = tpu.memref_slice %arg17[%add3A_72, %dma_wait3A_102] : memref<10008x64xf32, #tpu.memory_space<vmem_shared>> -> memref<104x64xf32, #tpu.memory_space<vmem_shared>>
        tpu.wait_dma2 semaphore(%run_scoped3A : memref<!tpu.dma_semaphore, #tpu.memory_space<semaphore_mem>>) src(%dma_wait3A_103 : memref<104x64xf32, #tpu.memory_space<vmem_shared>>) dst(%arg16 : memref<104x64xf32, #tpu.memory_space<vmem>>)
        tpu.yield
      }) : () -> ()
      %mul3A_73 = arith.constant 624 : i32
      %mul3A_74 = arith.muli %arg1, %mul3A_73 : i32
      %add3A_75 = arith.constant 312 : i32
      %add3A_76 = arith.addi %mul3A_74, %add3A_75 : i32
      "tpu.region"() ({
        %run_scoped3A = tpu.sem_alloc : memref<!tpu.dma_semaphore, #tpu.memory_space<semaphore_mem>>
        %dma_start3A = arith.constant 0 : i32
        %dma_start3A_98 = tpu.memref_slice %arg7[%add3A_76, %dma_start3A] : memref<10000x64xf32, #tpu.memory_space<hbm>> -> memref<104x64xf32, #tpu.memory_space<hbm>>
        %dma_start3A_99 = arith.constant 0 : i32
        %dma_start3A_100 = tpu.memref_slice %arg7[%add3A_76, %dma_start3A_99] : memref<10000x64xf32, #tpu.memory_space<hbm>> -> memref<104x64xf32, #tpu.memory_space<hbm>>
        tpu.enqueue_dma source(%arg16 : memref<104x64xf32, #tpu.memory_space<vmem>>) target(%dma_start3A_100 : memref<104x64xf32, #tpu.memory_space<hbm>>) target_semaphore(%run_scoped3A : memref<!tpu.dma_semaphore, #tpu.memory_space<semaphore_mem>>)
        %dma_wait3A = arith.constant 0 : i32
        %dma_wait3A_101 = tpu.memref_slice %arg7[%add3A_76, %dma_wait3A] : memref<10000x64xf32, #tpu.memory_space<hbm>> -> memref<104x64xf32, #tpu.memory_space<hbm>>
        %dma_wait3A_102 = arith.constant 0 : i32
        %dma_wait3A_103 = tpu.memref_slice %arg7[%add3A_76, %dma_wait3A_102] : memref<10000x64xf32, #tpu.memory_space<hbm>> -> memref<104x64xf32, #tpu.memory_space<hbm>>
        tpu.wait_dma2 semaphore(%run_scoped3A : memref<!tpu.dma_semaphore, #tpu.memory_space<semaphore_mem>>) src(%arg16 : memref<104x64xf32, #tpu.memory_space<vmem>>) dst(%dma_wait3A_103 : memref<104x64xf32, #tpu.memory_space<hbm>>)
        tpu.yield
      }) : () -> ()
      %mul3A_77 = arith.constant 624 : i32
      %mul3A_78 = arith.muli %arg1, %mul3A_77 : i32
      %add3A_79 = arith.constant 416 : i32
      %add3A_80 = arith.addi %mul3A_78, %add3A_79 : i32
      "tpu.region"() ({
        %run_scoped3A = tpu.sem_alloc : memref<!tpu.dma_semaphore, #tpu.memory_space<semaphore_mem>>
        %dma_start3A = arith.constant 0 : i32
        %dma_start3A_98 = tpu.memref_slice %arg17[%add3A_80, %dma_start3A] : memref<10008x64xf32, #tpu.memory_space<vmem_shared>> -> memref<104x64xf32, #tpu.memory_space<vmem_shared>>
        %dma_start3A_99 = arith.constant 0 : i32
        %dma_start3A_100 = tpu.memref_slice %arg17[%add3A_80, %dma_start3A_99] : memref<10008x64xf32, #tpu.memory_space<vmem_shared>> -> memref<104x64xf32, #tpu.memory_space<vmem_shared>>
        tpu.enqueue_dma source(%dma_start3A_100 : memref<104x64xf32, #tpu.memory_space<vmem_shared>>) target(%arg16 : memref<104x64xf32, #tpu.memory_space<vmem>>) target_semaphore(%run_scoped3A : memref<!tpu.dma_semaphore, #tpu.memory_space<semaphore_mem>>)
        %dma_wait3A = arith.constant 0 : i32
        %dma_wait3A_101 = tpu.memref_slice %arg17[%add3A_80, %dma_wait3A] : memref<10008x64xf32, #tpu.memory_space<vmem_shared>> -> memref<104x64xf32, #tpu.memory_space<vmem_shared>>
        %dma_wait3A_102 = arith.constant 0 : i32
        %dma_wait3A_103 = tpu.memref_slice %arg17[%add3A_80, %dma_wait3A_102] : memref<10008x64xf32, #tpu.memory_space<vmem_shared>> -> memref<104x64xf32, #tpu.memory_space<vmem_shared>>
        tpu.wait_dma2 semaphore(%run_scoped3A : memref<!tpu.dma_semaphore, #tpu.memory_space<semaphore_mem>>) src(%dma_wait3A_103 : memref<104x64xf32, #tpu.memory_space<vmem_shared>>) dst(%arg16 : memref<104x64xf32, #tpu.memory_space<vmem>>)
        tpu.yield
      }) : () -> ()
      %mul3A_81 = arith.constant 624 : i32
      %mul3A_82 = arith.muli %arg1, %mul3A_81 : i32
      %add3A_83 = arith.constant 416 : i32
      %add3A_84 = arith.addi %mul3A_82, %add3A_83 : i32
      "tpu.region"() ({
        %run_scoped3A = tpu.sem_alloc : memref<!tpu.dma_semaphore, #tpu.memory_space<semaphore_mem>>
        %dma_start3A = arith.constant 0 : i32
        %dma_start3A_98 = tpu.memref_slice %arg7[%add3A_84, %dma_start3A] : memref<10000x64xf32, #tpu.memory_space<hbm>> -> memref<104x64xf32, #tpu.memory_space<hbm>>
        %dma_start3A_99 = arith.constant 0 : i32
        %dma_start3A_100 = tpu.memref_slice %arg7[%add3A_84, %dma_start3A_99] : memref<10000x64xf32, #tpu.memory_space<hbm>> -> memref<104x64xf32, #tpu.memory_space<hbm>>
        tpu.enqueue_dma source(%arg16 : memref<104x64xf32, #tpu.memory_space<vmem>>) target(%dma_start3A_100 : memref<104x64xf32, #tpu.memory_space<hbm>>) target_semaphore(%run_scoped3A : memref<!tpu.dma_semaphore, #tpu.memory_space<semaphore_mem>>)
        %dma_wait3A = arith.constant 0 : i32
        %dma_wait3A_101 = tpu.memref_slice %arg7[%add3A_84, %dma_wait3A] : memref<10000x64xf32, #tpu.memory_space<hbm>> -> memref<104x64xf32, #tpu.memory_space<hbm>>
        %dma_wait3A_102 = arith.constant 0 : i32
        %dma_wait3A_103 = tpu.memref_slice %arg7[%add3A_84, %dma_wait3A_102] : memref<10000x64xf32, #tpu.memory_space<hbm>> -> memref<104x64xf32, #tpu.memory_space<hbm>>
        tpu.wait_dma2 semaphore(%run_scoped3A : memref<!tpu.dma_semaphore, #tpu.memory_space<semaphore_mem>>) src(%arg16 : memref<104x64xf32, #tpu.memory_space<vmem>>) dst(%dma_wait3A_103 : memref<104x64xf32, #tpu.memory_space<hbm>>)
        tpu.yield
      }) : () -> ()
      %mul3A_85 = arith.constant 624 : i32
      %mul3A_86 = arith.muli %arg1, %mul3A_85 : i32
      %add3A_87 = arith.constant 520 : i32
      %add3A_88 = arith.addi %mul3A_86, %add3A_87 : i32
      "tpu.region"() ({
        %run_scoped3A = tpu.sem_alloc : memref<!tpu.dma_semaphore, #tpu.memory_space<semaphore_mem>>
        %dma_start3A = arith.constant 0 : i32
        %dma_start3A_98 = tpu.memref_slice %arg17[%add3A_88, %dma_start3A] : memref<10008x64xf32, #tpu.memory_space<vmem_shared>> -> memref<104x64xf32, #tpu.memory_space<vmem_shared>>
        %dma_start3A_99 = arith.constant 0 : i32
        %dma_start3A_100 = tpu.memref_slice %arg17[%add3A_88, %dma_start3A_99] : memref<10008x64xf32, #tpu.memory_space<vmem_shared>> -> memref<104x64xf32, #tpu.memory_space<vmem_shared>>
        tpu.enqueue_dma source(%dma_start3A_100 : memref<104x64xf32, #tpu.memory_space<vmem_shared>>) target(%arg16 : memref<104x64xf32, #tpu.memory_space<vmem>>) target_semaphore(%run_scoped3A : memref<!tpu.dma_semaphore, #tpu.memory_space<semaphore_mem>>)
        %dma_wait3A = arith.constant 0 : i32
        %dma_wait3A_101 = tpu.memref_slice %arg17[%add3A_88, %dma_wait3A] : memref<10008x64xf32, #tpu.memory_space<vmem_shared>> -> memref<104x64xf32, #tpu.memory_space<vmem_shared>>
        %dma_wait3A_102 = arith.constant 0 : i32
        %dma_wait3A_103 = tpu.memref_slice %arg17[%add3A_88, %dma_wait3A_102] : memref<10008x64xf32, #tpu.memory_space<vmem_shared>> -> memref<104x64xf32, #tpu.memory_space<vmem_shared>>
        tpu.wait_dma2 semaphore(%run_scoped3A : memref<!tpu.dma_semaphore, #tpu.memory_space<semaphore_mem>>) src(%dma_wait3A_103 : memref<104x64xf32, #tpu.memory_space<vmem_shared>>) dst(%arg16 : memref<104x64xf32, #tpu.memory_space<vmem>>)
        tpu.yield
      }) : () -> ()
      %mul3A_89 = arith.constant 624 : i32
      %mul3A_90 = arith.muli %arg1, %mul3A_89 : i32
      %add3A_91 = arith.constant 520 : i32
      %add3A_92 = arith.addi %mul3A_90, %add3A_91 : i32
      "tpu.region"() ({
        %run_scoped3A = tpu.sem_alloc : memref<!tpu.dma_semaphore, #tpu.memory_space<semaphore_mem>>
        %dma_start3A = arith.constant 0 : i32
        %dma_start3A_98 = tpu.memref_slice %arg7[%add3A_92, %dma_start3A] : memref<10000x64xf32, #tpu.memory_space<hbm>> -> memref<104x64xf32, #tpu.memory_space<hbm>>
        %dma_start3A_99 = arith.constant 0 : i32
        %dma_start3A_100 = tpu.memref_slice %arg7[%add3A_92, %dma_start3A_99] : memref<10000x64xf32, #tpu.memory_space<hbm>> -> memref<104x64xf32, #tpu.memory_space<hbm>>
        tpu.enqueue_dma source(%arg16 : memref<104x64xf32, #tpu.memory_space<vmem>>) target(%dma_start3A_100 : memref<104x64xf32, #tpu.memory_space<hbm>>) target_semaphore(%run_scoped3A : memref<!tpu.dma_semaphore, #tpu.memory_space<semaphore_mem>>)
        %dma_wait3A = arith.constant 0 : i32
        %dma_wait3A_101 = tpu.memref_slice %arg7[%add3A_92, %dma_wait3A] : memref<10000x64xf32, #tpu.memory_space<hbm>> -> memref<104x64xf32, #tpu.memory_space<hbm>>
        %dma_wait3A_102 = arith.constant 0 : i32
        %dma_wait3A_103 = tpu.memref_slice %arg7[%add3A_92, %dma_wait3A_102] : memref<10000x64xf32, #tpu.memory_space<hbm>> -> memref<104x64xf32, #tpu.memory_space<hbm>>
        tpu.wait_dma2 semaphore(%run_scoped3A : memref<!tpu.dma_semaphore, #tpu.memory_space<semaphore_mem>>) src(%arg16 : memref<104x64xf32, #tpu.memory_space<vmem>>) dst(%dma_wait3A_103 : memref<104x64xf32, #tpu.memory_space<hbm>>)
        tpu.yield
      }) : () -> ()
      %eq3A_93 = arith.constant 15 : i32
      %eq3A_94 = arith.cmpi eq, %arg1, %eq3A_93 : i32
      %convert_element_type3A_95 = arith.extui %eq3A_94 : i1 to i32
      %cond3A_96 = arith.constant 0 : i32
      %cond3A_97 = arith.cmpi ne, %convert_element_type3A_95, %cond3A_96 : i32
      scf.if %cond3A_97 {
        "tpu.region"() ({
          %run_scoped3A = tpu.sem_alloc : memref<!tpu.dma_semaphore, #tpu.memory_space<semaphore_mem>>
          %dma_start3A = arith.constant 0 : i32
          %dma_start3A_98 = arith.constant 0 : i32
          %dma_start3A_99 = tpu.memref_slice %arg11[%dma_start3A, %dma_start3A_98] : memref<128x64xf32, #tpu.memory_space<vmem>> -> memref<16x64xf32, #tpu.memory_space<vmem>>
          %dma_start3A_100 = arith.constant 9984 : i32
          %dma_start3A_101 = arith.constant 0 : i32
          %dma_start3A_102 = tpu.memref_slice %arg17[%dma_start3A_100, %dma_start3A_101] : memref<10008x64xf32, #tpu.memory_space<vmem_shared>> -> memref<16x64xf32, #tpu.memory_space<vmem_shared>>
          %dma_start3A_103 = arith.constant 0 : i32
          %dma_start3A_104 = arith.constant 0 : i32
          %dma_start3A_105 = tpu.memref_slice %arg11[%dma_start3A_103, %dma_start3A_104] : memref<128x64xf32, #tpu.memory_space<vmem>> -> memref<16x64xf32, #tpu.memory_space<vmem>>
          %dma_start3A_106 = arith.constant 9984 : i32
          %dma_start3A_107 = arith.constant 0 : i32
          %dma_start3A_108 = tpu.memref_slice %arg17[%dma_start3A_106, %dma_start3A_107] : memref<10008x64xf32, #tpu.memory_space<vmem_shared>> -> memref<16x64xf32, #tpu.memory_space<vmem_shared>>
          tpu.enqueue_dma source(%dma_start3A_108 : memref<16x64xf32, #tpu.memory_space<vmem_shared>>) target(%dma_start3A_105 : memref<16x64xf32, #tpu.memory_space<vmem>>) target_semaphore(%run_scoped3A : memref<!tpu.dma_semaphore, #tpu.memory_space<semaphore_mem>>)
          %dma_wait3A = arith.constant 0 : i32
          %dma_wait3A_109 = arith.constant 0 : i32
          %dma_wait3A_110 = tpu.memref_slice %arg11[%dma_wait3A, %dma_wait3A_109] : memref<128x64xf32, #tpu.memory_space<vmem>> -> memref<16x64xf32, #tpu.memory_space<vmem>>
          %dma_wait3A_111 = arith.constant 9984 : i32
          %dma_wait3A_112 = arith.constant 0 : i32
          %dma_wait3A_113 = tpu.memref_slice %arg17[%dma_wait3A_111, %dma_wait3A_112] : memref<10008x64xf32, #tpu.memory_space<vmem_shared>> -> memref<16x64xf32, #tpu.memory_space<vmem_shared>>
          %dma_wait3A_114 = arith.constant 0 : i32
          %dma_wait3A_115 = arith.constant 0 : i32
          %dma_wait3A_116 = tpu.memref_slice %arg11[%dma_wait3A_114, %dma_wait3A_115] : memref<128x64xf32, #tpu.memory_space<vmem>> -> memref<16x64xf32, #tpu.memory_space<vmem>>
          %dma_wait3A_117 = arith.constant 9984 : i32
          %dma_wait3A_118 = arith.constant 0 : i32
          %dma_wait3A_119 = tpu.memref_slice %arg17[%dma_wait3A_117, %dma_wait3A_118] : memref<10008x64xf32, #tpu.memory_space<vmem_shared>> -> memref<16x64xf32, #tpu.memory_space<vmem_shared>>
          tpu.wait_dma2 semaphore(%run_scoped3A : memref<!tpu.dma_semaphore, #tpu.memory_space<semaphore_mem>>) src(%dma_wait3A_119 : memref<16x64xf32, #tpu.memory_space<vmem_shared>>) dst(%dma_wait3A_116 : memref<16x64xf32, #tpu.memory_space<vmem>>)
          tpu.yield
        }) : () -> ()
        "tpu.region"() ({
          %run_scoped3A = tpu.sem_alloc : memref<!tpu.dma_semaphore, #tpu.memory_space<semaphore_mem>>
          %dma_start3A = arith.constant 0 : i32
          %dma_start3A_98 = arith.constant 0 : i32
          %dma_start3A_99 = tpu.memref_slice %arg11[%dma_start3A, %dma_start3A_98] : memref<128x64xf32, #tpu.memory_space<vmem>> -> memref<16x64xf32, #tpu.memory_space<vmem>>
          %dma_start3A_100 = arith.constant 9984 : i32
          %dma_start3A_101 = arith.constant 0 : i32
          %dma_start3A_102 = tpu.memref_slice %arg7[%dma_start3A_100, %dma_start3A_101] : memref<10000x64xf32, #tpu.memory_space<hbm>> -> memref<16x64xf32, #tpu.memory_space<hbm>>
          %dma_start3A_103 = arith.constant 9984 : i32
          %dma_start3A_104 = arith.constant 0 : i32
          %dma_start3A_105 = tpu.memref_slice %arg7[%dma_start3A_103, %dma_start3A_104] : memref<10000x64xf32, #tpu.memory_space<hbm>> -> memref<16x64xf32, #tpu.memory_space<hbm>>
          %dma_start3A_106 = arith.constant 0 : i32
          %dma_start3A_107 = arith.constant 0 : i32
          %dma_start3A_108 = tpu.memref_slice %arg11[%dma_start3A_106, %dma_start3A_107] : memref<128x64xf32, #tpu.memory_space<vmem>> -> memref<16x64xf32, #tpu.memory_space<vmem>>
          tpu.enqueue_dma source(%dma_start3A_108 : memref<16x64xf32, #tpu.memory_space<vmem>>) target(%dma_start3A_105 : memref<16x64xf32, #tpu.memory_space<hbm>>) target_semaphore(%run_scoped3A : memref<!tpu.dma_semaphore, #tpu.memory_space<semaphore_mem>>)
          %dma_wait3A = arith.constant 0 : i32
          %dma_wait3A_109 = arith.constant 0 : i32
          %dma_wait3A_110 = tpu.memref_slice %arg11[%dma_wait3A, %dma_wait3A_109] : memref<128x64xf32, #tpu.memory_space<vmem>> -> memref<16x64xf32, #tpu.memory_space<vmem>>
          %dma_wait3A_111 = arith.constant 9984 : i32
          %dma_wait3A_112 = arith.constant 0 : i32
          %dma_wait3A_113 = tpu.memref_slice %arg7[%dma_wait3A_111, %dma_wait3A_112] : memref<10000x64xf32, #tpu.memory_space<hbm>> -> memref<16x64xf32, #tpu.memory_space<hbm>>
          %dma_wait3A_114 = arith.constant 9984 : i32
          %dma_wait3A_115 = arith.constant 0 : i32
          %dma_wait3A_116 = tpu.memref_slice %arg7[%dma_wait3A_114, %dma_wait3A_115] : memref<10000x64xf32, #tpu.memory_space<hbm>> -> memref<16x64xf32, #tpu.memory_space<hbm>>
          %dma_wait3A_117 = arith.constant 0 : i32
          %dma_wait3A_118 = arith.constant 0 : i32
          %dma_wait3A_119 = tpu.memref_slice %arg11[%dma_wait3A_117, %dma_wait3A_118] : memref<128x64xf32, #tpu.memory_space<vmem>> -> memref<16x64xf32, #tpu.memory_space<vmem>>
          tpu.wait_dma2 semaphore(%run_scoped3A : memref<!tpu.dma_semaphore, #tpu.memory_space<semaphore_mem>>) src(%dma_wait3A_119 : memref<16x64xf32, #tpu.memory_space<vmem>>) dst(%dma_wait3A_116 : memref<16x64xf32, #tpu.memory_space<hbm>>)
          tpu.yield
        }) : () -> ()
      } else {
      }
      "tpu.trace_stop"() : () -> ()
    } else {
    }
    %eq3A_40 = arith.constant 1 : i32
    %eq3A_41 = arith.cmpi eq, %arg0, %eq3A_40 : i32
    %convert_element_type3A_42 = arith.extui %eq3A_41 : i1 to i32
    %cond3A_43 = arith.constant 0 : i32
    %cond3A_44 = arith.cmpi ne, %convert_element_type3A_42, %cond3A_43 : i32
    scf.if %cond3A_44 {
      "tpu.trace_start"() <{level = 10 : i32, message = "agg_out"}> : () -> ()
      %mul3A_45 = arith.constant 624 : i32
      %mul3A_46 = arith.muli %arg1, %mul3A_45 : i32
      %add3A_47 = arith.constant 0 : i32
      %add3A_48 = arith.addi %mul3A_46, %add3A_47 : i32
      "tpu.region"() ({
        %run_scoped3A = tpu.sem_alloc : memref<!tpu.dma_semaphore, #tpu.memory_space<semaphore_mem>>
        %dma_start3A = arith.constant 0 : i32
        %dma_start3A_98 = tpu.memref_slice %arg17[%add3A_48, %dma_start3A] : memref<10008x64xf32, #tpu.memory_space<vmem_shared>> -> memref<104x64xf32, #tpu.memory_space<vmem_shared>>
        %dma_start3A_99 = arith.constant 0 : i32
        %dma_start3A_100 = tpu.memref_slice %arg17[%add3A_48, %dma_start3A_99] : memref<10008x64xf32, #tpu.memory_space<vmem_shared>> -> memref<104x64xf32, #tpu.memory_space<vmem_shared>>
        tpu.enqueue_dma source(%dma_start3A_100 : memref<104x64xf32, #tpu.memory_space<vmem_shared>>) target(%arg16 : memref<104x64xf32, #tpu.memory_space<vmem>>) target_semaphore(%run_scoped3A : memref<!tpu.dma_semaphore, #tpu.memory_space<semaphore_mem>>)
        %dma_wait3A = arith.constant 0 : i32
        %dma_wait3A_101 = tpu.memref_slice %arg17[%add3A_48, %dma_wait3A] : memref<10008x64xf32, #tpu.memory_space<vmem_shared>> -> memref<104x64xf32, #tpu.memory_space<vmem_shared>>
        %dma_wait3A_102 = arith.constant 0 : i32
        %dma_wait3A_103 = tpu.memref_slice %arg17[%add3A_48, %dma_wait3A_102] : memref<10008x64xf32, #tpu.memory_space<vmem_shared>> -> memref<104x64xf32, #tpu.memory_space<vmem_shared>>
        tpu.wait_dma2 semaphore(%run_scoped3A : memref<!tpu.dma_semaphore, #tpu.memory_space<semaphore_mem>>) src(%dma_wait3A_103 : memref<104x64xf32, #tpu.memory_space<vmem_shared>>) dst(%arg16 : memref<104x64xf32, #tpu.memory_space<vmem>>)
        tpu.yield
      }) : () -> ()
      %mul3A_49 = arith.constant 624 : i32
      %mul3A_50 = arith.muli %arg1, %mul3A_49 : i32
      %add3A_51 = arith.constant 0 : i32
      %add3A_52 = arith.addi %mul3A_50, %add3A_51 : i32
      "tpu.region"() ({
        %run_scoped3A = tpu.sem_alloc : memref<!tpu.dma_semaphore, #tpu.memory_space<semaphore_mem>>
        %dma_start3A = arith.constant 0 : i32
        %dma_start3A_98 = tpu.memref_slice %arg8[%add3A_52, %dma_start3A] : memref<10000x64xf32, #tpu.memory_space<hbm>> -> memref<104x64xf32, #tpu.memory_space<hbm>>
        %dma_start3A_99 = arith.constant 0 : i32
        %dma_start3A_100 = tpu.memref_slice %arg8[%add3A_52, %dma_start3A_99] : memref<10000x64xf32, #tpu.memory_space<hbm>> -> memref<104x64xf32, #tpu.memory_space<hbm>>
        tpu.enqueue_dma source(%arg16 : memref<104x64xf32, #tpu.memory_space<vmem>>) target(%dma_start3A_100 : memref<104x64xf32, #tpu.memory_space<hbm>>) target_semaphore(%run_scoped3A : memref<!tpu.dma_semaphore, #tpu.memory_space<semaphore_mem>>)
        %dma_wait3A = arith.constant 0 : i32
        %dma_wait3A_101 = tpu.memref_slice %arg8[%add3A_52, %dma_wait3A] : memref<10000x64xf32, #tpu.memory_space<hbm>> -> memref<104x64xf32, #tpu.memory_space<hbm>>
        %dma_wait3A_102 = arith.constant 0 : i32
        %dma_wait3A_103 = tpu.memref_slice %arg8[%add3A_52, %dma_wait3A_102] : memref<10000x64xf32, #tpu.memory_space<hbm>> -> memref<104x64xf32, #tpu.memory_space<hbm>>
        tpu.wait_dma2 semaphore(%run_scoped3A : memref<!tpu.dma_semaphore, #tpu.memory_space<semaphore_mem>>) src(%arg16 : memref<104x64xf32, #tpu.memory_space<vmem>>) dst(%dma_wait3A_103 : memref<104x64xf32, #tpu.memory_space<hbm>>)
        tpu.yield
      }) : () -> ()
      %mul3A_53 = arith.constant 624 : i32
      %mul3A_54 = arith.muli %arg1, %mul3A_53 : i32
      %add3A_55 = arith.constant 104 : i32
      %add3A_56 = arith.addi %mul3A_54, %add3A_55 : i32
      "tpu.region"() ({
        %run_scoped3A = tpu.sem_alloc : memref<!tpu.dma_semaphore, #tpu.memory_space<semaphore_mem>>
        %dma_start3A = arith.constant 0 : i32
        %dma_start3A_98 = tpu.memref_slice %arg17[%add3A_56, %dma_start3A] : memref<10008x64xf32, #tpu.memory_space<vmem_shared>> -> memref<104x64xf32, #tpu.memory_space<vmem_shared>>
        %dma_start3A_99 = arith.constant 0 : i32
        %dma_start3A_100 = tpu.memref_slice %arg17[%add3A_56, %dma_start3A_99] : memref<10008x64xf32, #tpu.memory_space<vmem_shared>> -> memref<104x64xf32, #tpu.memory_space<vmem_shared>>
        tpu.enqueue_dma source(%dma_start3A_100 : memref<104x64xf32, #tpu.memory_space<vmem_shared>>) target(%arg16 : memref<104x64xf32, #tpu.memory_space<vmem>>) target_semaphore(%run_scoped3A : memref<!tpu.dma_semaphore, #tpu.memory_space<semaphore_mem>>)
        %dma_wait3A = arith.constant 0 : i32
        %dma_wait3A_101 = tpu.memref_slice %arg17[%add3A_56, %dma_wait3A] : memref<10008x64xf32, #tpu.memory_space<vmem_shared>> -> memref<104x64xf32, #tpu.memory_space<vmem_shared>>
        %dma_wait3A_102 = arith.constant 0 : i32
        %dma_wait3A_103 = tpu.memref_slice %arg17[%add3A_56, %dma_wait3A_102] : memref<10008x64xf32, #tpu.memory_space<vmem_shared>> -> memref<104x64xf32, #tpu.memory_space<vmem_shared>>
        tpu.wait_dma2 semaphore(%run_scoped3A : memref<!tpu.dma_semaphore, #tpu.memory_space<semaphore_mem>>) src(%dma_wait3A_103 : memref<104x64xf32, #tpu.memory_space<vmem_shared>>) dst(%arg16 : memref<104x64xf32, #tpu.memory_space<vmem>>)
        tpu.yield
      }) : () -> ()
      %mul3A_57 = arith.constant 624 : i32
      %mul3A_58 = arith.muli %arg1, %mul3A_57 : i32
      %add3A_59 = arith.constant 104 : i32
      %add3A_60 = arith.addi %mul3A_58, %add3A_59 : i32
      "tpu.region"() ({
        %run_scoped3A = tpu.sem_alloc : memref<!tpu.dma_semaphore, #tpu.memory_space<semaphore_mem>>
        %dma_start3A = arith.constant 0 : i32
        %dma_start3A_98 = tpu.memref_slice %arg8[%add3A_60, %dma_start3A] : memref<10000x64xf32, #tpu.memory_space<hbm>> -> memref<104x64xf32, #tpu.memory_space<hbm>>
        %dma_start3A_99 = arith.constant 0 : i32
        %dma_start3A_100 = tpu.memref_slice %arg8[%add3A_60, %dma_start3A_99] : memref<10000x64xf32, #tpu.memory_space<hbm>> -> memref<104x64xf32, #tpu.memory_space<hbm>>
        tpu.enqueue_dma source(%arg16 : memref<104x64xf32, #tpu.memory_space<vmem>>) target(%dma_start3A_100 : memref<104x64xf32, #tpu.memory_space<hbm>>) target_semaphore(%run_scoped3A : memref<!tpu.dma_semaphore, #tpu.memory_space<semaphore_mem>>)
        %dma_wait3A = arith.constant 0 : i32
        %dma_wait3A_101 = tpu.memref_slice %arg8[%add3A_60, %dma_wait3A] : memref<10000x64xf32, #tpu.memory_space<hbm>> -> memref<104x64xf32, #tpu.memory_space<hbm>>
        %dma_wait3A_102 = arith.constant 0 : i32
        %dma_wait3A_103 = tpu.memref_slice %arg8[%add3A_60, %dma_wait3A_102] : memref<10000x64xf32, #tpu.memory_space<hbm>> -> memref<104x64xf32, #tpu.memory_space<hbm>>
        tpu.wait_dma2 semaphore(%run_scoped3A : memref<!tpu.dma_semaphore, #tpu.memory_space<semaphore_mem>>) src(%arg16 : memref<104x64xf32, #tpu.memory_space<vmem>>) dst(%dma_wait3A_103 : memref<104x64xf32, #tpu.memory_space<hbm>>)
        tpu.yield
      }) : () -> ()
      %mul3A_61 = arith.constant 624 : i32
      %mul3A_62 = arith.muli %arg1, %mul3A_61 : i32
      %add3A_63 = arith.constant 208 : i32
      %add3A_64 = arith.addi %mul3A_62, %add3A_63 : i32
      "tpu.region"() ({
        %run_scoped3A = tpu.sem_alloc : memref<!tpu.dma_semaphore, #tpu.memory_space<semaphore_mem>>
        %dma_start3A = arith.constant 0 : i32
        %dma_start3A_98 = tpu.memref_slice %arg17[%add3A_64, %dma_start3A] : memref<10008x64xf32, #tpu.memory_space<vmem_shared>> -> memref<104x64xf32, #tpu.memory_space<vmem_shared>>
        %dma_start3A_99 = arith.constant 0 : i32
        %dma_start3A_100 = tpu.memref_slice %arg17[%add3A_64, %dma_start3A_99] : memref<10008x64xf32, #tpu.memory_space<vmem_shared>> -> memref<104x64xf32, #tpu.memory_space<vmem_shared>>
        tpu.enqueue_dma source(%dma_start3A_100 : memref<104x64xf32, #tpu.memory_space<vmem_shared>>) target(%arg16 : memref<104x64xf32, #tpu.memory_space<vmem>>) target_semaphore(%run_scoped3A : memref<!tpu.dma_semaphore, #tpu.memory_space<semaphore_mem>>)
        %dma_wait3A = arith.constant 0 : i32
        %dma_wait3A_101 = tpu.memref_slice %arg17[%add3A_64, %dma_wait3A] : memref<10008x64xf32, #tpu.memory_space<vmem_shared>> -> memref<104x64xf32, #tpu.memory_space<vmem_shared>>
        %dma_wait3A_102 = arith.constant 0 : i32
        %dma_wait3A_103 = tpu.memref_slice %arg17[%add3A_64, %dma_wait3A_102] : memref<10008x64xf32, #tpu.memory_space<vmem_shared>> -> memref<104x64xf32, #tpu.memory_space<vmem_shared>>
        tpu.wait_dma2 semaphore(%run_scoped3A : memref<!tpu.dma_semaphore, #tpu.memory_space<semaphore_mem>>) src(%dma_wait3A_103 : memref<104x64xf32, #tpu.memory_space<vmem_shared>>) dst(%arg16 : memref<104x64xf32, #tpu.memory_space<vmem>>)
        tpu.yield
      }) : () -> ()
      %mul3A_65 = arith.constant 624 : i32
      %mul3A_66 = arith.muli %arg1, %mul3A_65 : i32
      %add3A_67 = arith.constant 208 : i32
      %add3A_68 = arith.addi %mul3A_66, %add3A_67 : i32
      "tpu.region"() ({
        %run_scoped3A = tpu.sem_alloc : memref<!tpu.dma_semaphore, #tpu.memory_space<semaphore_mem>>
        %dma_start3A = arith.constant 0 : i32
        %dma_start3A_98 = tpu.memref_slice %arg8[%add3A_68, %dma_start3A] : memref<10000x64xf32, #tpu.memory_space<hbm>> -> memref<104x64xf32, #tpu.memory_space<hbm>>
        %dma_start3A_99 = arith.constant 0 : i32
        %dma_start3A_100 = tpu.memref_slice %arg8[%add3A_68, %dma_start3A_99] : memref<10000x64xf32, #tpu.memory_space<hbm>> -> memref<104x64xf32, #tpu.memory_space<hbm>>
        tpu.enqueue_dma source(%arg16 : memref<104x64xf32, #tpu.memory_space<vmem>>) target(%dma_start3A_100 : memref<104x64xf32, #tpu.memory_space<hbm>>) target_semaphore(%run_scoped3A : memref<!tpu.dma_semaphore, #tpu.memory_space<semaphore_mem>>)
        %dma_wait3A = arith.constant 0 : i32
        %dma_wait3A_101 = tpu.memref_slice %arg8[%add3A_68, %dma_wait3A] : memref<10000x64xf32, #tpu.memory_space<hbm>> -> memref<104x64xf32, #tpu.memory_space<hbm>>
        %dma_wait3A_102 = arith.constant 0 : i32
        %dma_wait3A_103 = tpu.memref_slice %arg8[%add3A_68, %dma_wait3A_102] : memref<10000x64xf32, #tpu.memory_space<hbm>> -> memref<104x64xf32, #tpu.memory_space<hbm>>
        tpu.wait_dma2 semaphore(%run_scoped3A : memref<!tpu.dma_semaphore, #tpu.memory_space<semaphore_mem>>) src(%arg16 : memref<104x64xf32, #tpu.memory_space<vmem>>) dst(%dma_wait3A_103 : memref<104x64xf32, #tpu.memory_space<hbm>>)
        tpu.yield
      }) : () -> ()
      %mul3A_69 = arith.constant 624 : i32
      %mul3A_70 = arith.muli %arg1, %mul3A_69 : i32
      %add3A_71 = arith.constant 312 : i32
      %add3A_72 = arith.addi %mul3A_70, %add3A_71 : i32
      "tpu.region"() ({
        %run_scoped3A = tpu.sem_alloc : memref<!tpu.dma_semaphore, #tpu.memory_space<semaphore_mem>>
        %dma_start3A = arith.constant 0 : i32
        %dma_start3A_98 = tpu.memref_slice %arg17[%add3A_72, %dma_start3A] : memref<10008x64xf32, #tpu.memory_space<vmem_shared>> -> memref<104x64xf32, #tpu.memory_space<vmem_shared>>
        %dma_start3A_99 = arith.constant 0 : i32
        %dma_start3A_100 = tpu.memref_slice %arg17[%add3A_72, %dma_start3A_99] : memref<10008x64xf32, #tpu.memory_space<vmem_shared>> -> memref<104x64xf32, #tpu.memory_space<vmem_shared>>
        tpu.enqueue_dma source(%dma_start3A_100 : memref<104x64xf32, #tpu.memory_space<vmem_shared>>) target(%arg16 : memref<104x64xf32, #tpu.memory_space<vmem>>) target_semaphore(%run_scoped3A : memref<!tpu.dma_semaphore, #tpu.memory_space<semaphore_mem>>)
        %dma_wait3A = arith.constant 0 : i32
        %dma_wait3A_101 = tpu.memref_slice %arg17[%add3A_72, %dma_wait3A] : memref<10008x64xf32, #tpu.memory_space<vmem_shared>> -> memref<104x64xf32, #tpu.memory_space<vmem_shared>>
        %dma_wait3A_102 = arith.constant 0 : i32
        %dma_wait3A_103 = tpu.memref_slice %arg17[%add3A_72, %dma_wait3A_102] : memref<10008x64xf32, #tpu.memory_space<vmem_shared>> -> memref<104x64xf32, #tpu.memory_space<vmem_shared>>
        tpu.wait_dma2 semaphore(%run_scoped3A : memref<!tpu.dma_semaphore, #tpu.memory_space<semaphore_mem>>) src(%dma_wait3A_103 : memref<104x64xf32, #tpu.memory_space<vmem_shared>>) dst(%arg16 : memref<104x64xf32, #tpu.memory_space<vmem>>)
        tpu.yield
      }) : () -> ()
      %mul3A_73 = arith.constant 624 : i32
      %mul3A_74 = arith.muli %arg1, %mul3A_73 : i32
      %add3A_75 = arith.constant 312 : i32
      %add3A_76 = arith.addi %mul3A_74, %add3A_75 : i32
      "tpu.region"() ({
        %run_scoped3A = tpu.sem_alloc : memref<!tpu.dma_semaphore, #tpu.memory_space<semaphore_mem>>
        %dma_start3A = arith.constant 0 : i32
        %dma_start3A_98 = tpu.memref_slice %arg8[%add3A_76, %dma_start3A] : memref<10000x64xf32, #tpu.memory_space<hbm>> -> memref<104x64xf32, #tpu.memory_space<hbm>>
        %dma_start3A_99 = arith.constant 0 : i32
        %dma_start3A_100 = tpu.memref_slice %arg8[%add3A_76, %dma_start3A_99] : memref<10000x64xf32, #tpu.memory_space<hbm>> -> memref<104x64xf32, #tpu.memory_space<hbm>>
        tpu.enqueue_dma source(%arg16 : memref<104x64xf32, #tpu.memory_space<vmem>>) target(%dma_start3A_100 : memref<104x64xf32, #tpu.memory_space<hbm>>) target_semaphore(%run_scoped3A : memref<!tpu.dma_semaphore, #tpu.memory_space<semaphore_mem>>)
        %dma_wait3A = arith.constant 0 : i32
        %dma_wait3A_101 = tpu.memref_slice %arg8[%add3A_76, %dma_wait3A] : memref<10000x64xf32, #tpu.memory_space<hbm>> -> memref<104x64xf32, #tpu.memory_space<hbm>>
        %dma_wait3A_102 = arith.constant 0 : i32
        %dma_wait3A_103 = tpu.memref_slice %arg8[%add3A_76, %dma_wait3A_102] : memref<10000x64xf32, #tpu.memory_space<hbm>> -> memref<104x64xf32, #tpu.memory_space<hbm>>
        tpu.wait_dma2 semaphore(%run_scoped3A : memref<!tpu.dma_semaphore, #tpu.memory_space<semaphore_mem>>) src(%arg16 : memref<104x64xf32, #tpu.memory_space<vmem>>) dst(%dma_wait3A_103 : memref<104x64xf32, #tpu.memory_space<hbm>>)
        tpu.yield
      }) : () -> ()
      %mul3A_77 = arith.constant 624 : i32
      %mul3A_78 = arith.muli %arg1, %mul3A_77 : i32
      %add3A_79 = arith.constant 416 : i32
      %add3A_80 = arith.addi %mul3A_78, %add3A_79 : i32
      "tpu.region"() ({
        %run_scoped3A = tpu.sem_alloc : memref<!tpu.dma_semaphore, #tpu.memory_space<semaphore_mem>>
        %dma_start3A = arith.constant 0 : i32
        %dma_start3A_98 = tpu.memref_slice %arg17[%add3A_80, %dma_start3A] : memref<10008x64xf32, #tpu.memory_space<vmem_shared>> -> memref<104x64xf32, #tpu.memory_space<vmem_shared>>
        %dma_start3A_99 = arith.constant 0 : i32
        %dma_start3A_100 = tpu.memref_slice %arg17[%add3A_80, %dma_start3A_99] : memref<10008x64xf32, #tpu.memory_space<vmem_shared>> -> memref<104x64xf32, #tpu.memory_space<vmem_shared>>
        tpu.enqueue_dma source(%dma_start3A_100 : memref<104x64xf32, #tpu.memory_space<vmem_shared>>) target(%arg16 : memref<104x64xf32, #tpu.memory_space<vmem>>) target_semaphore(%run_scoped3A : memref<!tpu.dma_semaphore, #tpu.memory_space<semaphore_mem>>)
        %dma_wait3A = arith.constant 0 : i32
        %dma_wait3A_101 = tpu.memref_slice %arg17[%add3A_80, %dma_wait3A] : memref<10008x64xf32, #tpu.memory_space<vmem_shared>> -> memref<104x64xf32, #tpu.memory_space<vmem_shared>>
        %dma_wait3A_102 = arith.constant 0 : i32
        %dma_wait3A_103 = tpu.memref_slice %arg17[%add3A_80, %dma_wait3A_102] : memref<10008x64xf32, #tpu.memory_space<vmem_shared>> -> memref<104x64xf32, #tpu.memory_space<vmem_shared>>
        tpu.wait_dma2 semaphore(%run_scoped3A : memref<!tpu.dma_semaphore, #tpu.memory_space<semaphore_mem>>) src(%dma_wait3A_103 : memref<104x64xf32, #tpu.memory_space<vmem_shared>>) dst(%arg16 : memref<104x64xf32, #tpu.memory_space<vmem>>)
        tpu.yield
      }) : () -> ()
      %mul3A_81 = arith.constant 624 : i32
      %mul3A_82 = arith.muli %arg1, %mul3A_81 : i32
      %add3A_83 = arith.constant 416 : i32
      %add3A_84 = arith.addi %mul3A_82, %add3A_83 : i32
      "tpu.region"() ({
        %run_scoped3A = tpu.sem_alloc : memref<!tpu.dma_semaphore, #tpu.memory_space<semaphore_mem>>
        %dma_start3A = arith.constant 0 : i32
        %dma_start3A_98 = tpu.memref_slice %arg8[%add3A_84, %dma_start3A] : memref<10000x64xf32, #tpu.memory_space<hbm>> -> memref<104x64xf32, #tpu.memory_space<hbm>>
        %dma_start3A_99 = arith.constant 0 : i32
        %dma_start3A_100 = tpu.memref_slice %arg8[%add3A_84, %dma_start3A_99] : memref<10000x64xf32, #tpu.memory_space<hbm>> -> memref<104x64xf32, #tpu.memory_space<hbm>>
        tpu.enqueue_dma source(%arg16 : memref<104x64xf32, #tpu.memory_space<vmem>>) target(%dma_start3A_100 : memref<104x64xf32, #tpu.memory_space<hbm>>) target_semaphore(%run_scoped3A : memref<!tpu.dma_semaphore, #tpu.memory_space<semaphore_mem>>)
        %dma_wait3A = arith.constant 0 : i32
        %dma_wait3A_101 = tpu.memref_slice %arg8[%add3A_84, %dma_wait3A] : memref<10000x64xf32, #tpu.memory_space<hbm>> -> memref<104x64xf32, #tpu.memory_space<hbm>>
        %dma_wait3A_102 = arith.constant 0 : i32
        %dma_wait3A_103 = tpu.memref_slice %arg8[%add3A_84, %dma_wait3A_102] : memref<10000x64xf32, #tpu.memory_space<hbm>> -> memref<104x64xf32, #tpu.memory_space<hbm>>
        tpu.wait_dma2 semaphore(%run_scoped3A : memref<!tpu.dma_semaphore, #tpu.memory_space<semaphore_mem>>) src(%arg16 : memref<104x64xf32, #tpu.memory_space<vmem>>) dst(%dma_wait3A_103 : memref<104x64xf32, #tpu.memory_space<hbm>>)
        tpu.yield
      }) : () -> ()
      %mul3A_85 = arith.constant 624 : i32
      %mul3A_86 = arith.muli %arg1, %mul3A_85 : i32
      %add3A_87 = arith.constant 520 : i32
      %add3A_88 = arith.addi %mul3A_86, %add3A_87 : i32
      "tpu.region"() ({
        %run_scoped3A = tpu.sem_alloc : memref<!tpu.dma_semaphore, #tpu.memory_space<semaphore_mem>>
        %dma_start3A = arith.constant 0 : i32
        %dma_start3A_98 = tpu.memref_slice %arg17[%add3A_88, %dma_start3A] : memref<10008x64xf32, #tpu.memory_space<vmem_shared>> -> memref<104x64xf32, #tpu.memory_space<vmem_shared>>
        %dma_start3A_99 = arith.constant 0 : i32
        %dma_start3A_100 = tpu.memref_slice %arg17[%add3A_88, %dma_start3A_99] : memref<10008x64xf32, #tpu.memory_space<vmem_shared>> -> memref<104x64xf32, #tpu.memory_space<vmem_shared>>
        tpu.enqueue_dma source(%dma_start3A_100 : memref<104x64xf32, #tpu.memory_space<vmem_shared>>) target(%arg16 : memref<104x64xf32, #tpu.memory_space<vmem>>) target_semaphore(%run_scoped3A : memref<!tpu.dma_semaphore, #tpu.memory_space<semaphore_mem>>)
        %dma_wait3A = arith.constant 0 : i32
        %dma_wait3A_101 = tpu.memref_slice %arg17[%add3A_88, %dma_wait3A] : memref<10008x64xf32, #tpu.memory_space<vmem_shared>> -> memref<104x64xf32, #tpu.memory_space<vmem_shared>>
        %dma_wait3A_102 = arith.constant 0 : i32
        %dma_wait3A_103 = tpu.memref_slice %arg17[%add3A_88, %dma_wait3A_102] : memref<10008x64xf32, #tpu.memory_space<vmem_shared>> -> memref<104x64xf32, #tpu.memory_space<vmem_shared>>
        tpu.wait_dma2 semaphore(%run_scoped3A : memref<!tpu.dma_semaphore, #tpu.memory_space<semaphore_mem>>) src(%dma_wait3A_103 : memref<104x64xf32, #tpu.memory_space<vmem_shared>>) dst(%arg16 : memref<104x64xf32, #tpu.memory_space<vmem>>)
        tpu.yield
      }) : () -> ()
      %mul3A_89 = arith.constant 624 : i32
      %mul3A_90 = arith.muli %arg1, %mul3A_89 : i32
      %add3A_91 = arith.constant 520 : i32
      %add3A_92 = arith.addi %mul3A_90, %add3A_91 : i32
      "tpu.region"() ({
        %run_scoped3A = tpu.sem_alloc : memref<!tpu.dma_semaphore, #tpu.memory_space<semaphore_mem>>
        %dma_start3A = arith.constant 0 : i32
        %dma_start3A_98 = tpu.memref_slice %arg8[%add3A_92, %dma_start3A] : memref<10000x64xf32, #tpu.memory_space<hbm>> -> memref<104x64xf32, #tpu.memory_space<hbm>>
        %dma_start3A_99 = arith.constant 0 : i32
        %dma_start3A_100 = tpu.memref_slice %arg8[%add3A_92, %dma_start3A_99] : memref<10000x64xf32, #tpu.memory_space<hbm>> -> memref<104x64xf32, #tpu.memory_space<hbm>>
        tpu.enqueue_dma source(%arg16 : memref<104x64xf32, #tpu.memory_space<vmem>>) target(%dma_start3A_100 : memref<104x64xf32, #tpu.memory_space<hbm>>) target_semaphore(%run_scoped3A : memref<!tpu.dma_semaphore, #tpu.memory_space<semaphore_mem>>)
        %dma_wait3A = arith.constant 0 : i32
        %dma_wait3A_101 = tpu.memref_slice %arg8[%add3A_92, %dma_wait3A] : memref<10000x64xf32, #tpu.memory_space<hbm>> -> memref<104x64xf32, #tpu.memory_space<hbm>>
        %dma_wait3A_102 = arith.constant 0 : i32
        %dma_wait3A_103 = tpu.memref_slice %arg8[%add3A_92, %dma_wait3A_102] : memref<10000x64xf32, #tpu.memory_space<hbm>> -> memref<104x64xf32, #tpu.memory_space<hbm>>
        tpu.wait_dma2 semaphore(%run_scoped3A : memref<!tpu.dma_semaphore, #tpu.memory_space<semaphore_mem>>) src(%arg16 : memref<104x64xf32, #tpu.memory_space<vmem>>) dst(%dma_wait3A_103 : memref<104x64xf32, #tpu.memory_space<hbm>>)
        tpu.yield
      }) : () -> ()
      %eq3A_93 = arith.constant 15 : i32
      %eq3A_94 = arith.cmpi eq, %arg1, %eq3A_93 : i32
      %convert_element_type3A_95 = arith.extui %eq3A_94 : i1 to i32
      %cond3A_96 = arith.constant 0 : i32
      %cond3A_97 = arith.cmpi ne, %convert_element_type3A_95, %cond3A_96 : i32
      scf.if %cond3A_97 {
        "tpu.region"() ({
          %run_scoped3A = tpu.sem_alloc : memref<!tpu.dma_semaphore, #tpu.memory_space<semaphore_mem>>
          %dma_start3A = arith.constant 0 : i32
          %dma_start3A_98 = arith.constant 0 : i32
          %dma_start3A_99 = tpu.memref_slice %arg11[%dma_start3A, %dma_start3A_98] : memref<128x64xf32, #tpu.memory_space<vmem>> -> memref<16x64xf32, #tpu.memory_space<vmem>>
          %dma_start3A_100 = arith.constant 9984 : i32
          %dma_start3A_101 = arith.constant 0 : i32
          %dma_start3A_102 = tpu.memref_slice %arg17[%dma_start3A_100, %dma_start3A_101] : memref<10008x64xf32, #tpu.memory_space<vmem_shared>> -> memref<16x64xf32, #tpu.memory_space<vmem_shared>>
          %dma_start3A_103 = arith.constant 0 : i32
          %dma_start3A_104 = arith.constant 0 : i32
          %dma_start3A_105 = tpu.memref_slice %arg11[%dma_start3A_103, %dma_start3A_104] : memref<128x64xf32, #tpu.memory_space<vmem>> -> memref<16x64xf32, #tpu.memory_space<vmem>>
          %dma_start3A_106 = arith.constant 9984 : i32
          %dma_start3A_107 = arith.constant 0 : i32
          %dma_start3A_108 = tpu.memref_slice %arg17[%dma_start3A_106, %dma_start3A_107] : memref<10008x64xf32, #tpu.memory_space<vmem_shared>> -> memref<16x64xf32, #tpu.memory_space<vmem_shared>>
          tpu.enqueue_dma source(%dma_start3A_108 : memref<16x64xf32, #tpu.memory_space<vmem_shared>>) target(%dma_start3A_105 : memref<16x64xf32, #tpu.memory_space<vmem>>) target_semaphore(%run_scoped3A : memref<!tpu.dma_semaphore, #tpu.memory_space<semaphore_mem>>)
          %dma_wait3A = arith.constant 0 : i32
          %dma_wait3A_109 = arith.constant 0 : i32
          %dma_wait3A_110 = tpu.memref_slice %arg11[%dma_wait3A, %dma_wait3A_109] : memref<128x64xf32, #tpu.memory_space<vmem>> -> memref<16x64xf32, #tpu.memory_space<vmem>>
          %dma_wait3A_111 = arith.constant 9984 : i32
          %dma_wait3A_112 = arith.constant 0 : i32
          %dma_wait3A_113 = tpu.memref_slice %arg17[%dma_wait3A_111, %dma_wait3A_112] : memref<10008x64xf32, #tpu.memory_space<vmem_shared>> -> memref<16x64xf32, #tpu.memory_space<vmem_shared>>
          %dma_wait3A_114 = arith.constant 0 : i32
          %dma_wait3A_115 = arith.constant 0 : i32
          %dma_wait3A_116 = tpu.memref_slice %arg11[%dma_wait3A_114, %dma_wait3A_115] : memref<128x64xf32, #tpu.memory_space<vmem>> -> memref<16x64xf32, #tpu.memory_space<vmem>>
          %dma_wait3A_117 = arith.constant 9984 : i32
          %dma_wait3A_118 = arith.constant 0 : i32
          %dma_wait3A_119 = tpu.memref_slice %arg17[%dma_wait3A_117, %dma_wait3A_118] : memref<10008x64xf32, #tpu.memory_space<vmem_shared>> -> memref<16x64xf32, #tpu.memory_space<vmem_shared>>
          tpu.wait_dma2 semaphore(%run_scoped3A : memref<!tpu.dma_semaphore, #tpu.memory_space<semaphore_mem>>) src(%dma_wait3A_119 : memref<16x64xf32, #tpu.memory_space<vmem_shared>>) dst(%dma_wait3A_116 : memref<16x64xf32, #tpu.memory_space<vmem>>)
          tpu.yield
        }) : () -> ()
        "tpu.region"() ({
          %run_scoped3A = tpu.sem_alloc : memref<!tpu.dma_semaphore, #tpu.memory_space<semaphore_mem>>
          %dma_start3A = arith.constant 0 : i32
          %dma_start3A_98 = arith.constant 0 : i32
          %dma_start3A_99 = tpu.memref_slice %arg11[%dma_start3A, %dma_start3A_98] : memref<128x64xf32, #tpu.memory_space<vmem>> -> memref<16x64xf32, #tpu.memory_space<vmem>>
          %dma_start3A_100 = arith.constant 9984 : i32
          %dma_start3A_101 = arith.constant 0 : i32
          %dma_start3A_102 = tpu.memref_slice %arg8[%dma_start3A_100, %dma_start3A_101] : memref<10000x64xf32, #tpu.memory_space<hbm>> -> memref<16x64xf32, #tpu.memory_space<hbm>>
          %dma_start3A_103 = arith.constant 9984 : i32
          %dma_start3A_104 = arith.constant 0 : i32
          %dma_start3A_105 = tpu.memref_slice %arg8[%dma_start3A_103, %dma_start3A_104] : memref<10000x64xf32, #tpu.memory_space<hbm>> -> memref<16x64xf32, #tpu.memory_space<hbm>>
          %dma_start3A_106 = arith.constant 0 : i32
          %dma_start3A_107 = arith.constant 0 : i32
          %dma_start3A_108 = tpu.memref_slice %arg11[%dma_start3A_106, %dma_start3A_107] : memref<128x64xf32, #tpu.memory_space<vmem>> -> memref<16x64xf32, #tpu.memory_space<vmem>>
          tpu.enqueue_dma source(%dma_start3A_108 : memref<16x64xf32, #tpu.memory_space<vmem>>) target(%dma_start3A_105 : memref<16x64xf32, #tpu.memory_space<hbm>>) target_semaphore(%run_scoped3A : memref<!tpu.dma_semaphore, #tpu.memory_space<semaphore_mem>>)
          %dma_wait3A = arith.constant 0 : i32
          %dma_wait3A_109 = arith.constant 0 : i32
          %dma_wait3A_110 = tpu.memref_slice %arg11[%dma_wait3A, %dma_wait3A_109] : memref<128x64xf32, #tpu.memory_space<vmem>> -> memref<16x64xf32, #tpu.memory_space<vmem>>
          %dma_wait3A_111 = arith.constant 9984 : i32
          %dma_wait3A_112 = arith.constant 0 : i32
          %dma_wait3A_113 = tpu.memref_slice %arg8[%dma_wait3A_111, %dma_wait3A_112] : memref<10000x64xf32, #tpu.memory_space<hbm>> -> memref<16x64xf32, #tpu.memory_space<hbm>>
          %dma_wait3A_114 = arith.constant 9984 : i32
          %dma_wait3A_115 = arith.constant 0 : i32
          %dma_wait3A_116 = tpu.memref_slice %arg8[%dma_wait3A_114, %dma_wait3A_115] : memref<10000x64xf32, #tpu.memory_space<hbm>> -> memref<16x64xf32, #tpu.memory_space<hbm>>
          %dma_wait3A_117 = arith.constant 0 : i32
          %dma_wait3A_118 = arith.constant 0 : i32
          %dma_wait3A_119 = tpu.memref_slice %arg11[%dma_wait3A_117, %dma_wait3A_118] : memref<128x64xf32, #tpu.memory_space<vmem>> -> memref<16x64xf32, #tpu.memory_space<vmem>>
          tpu.wait_dma2 semaphore(%run_scoped3A : memref<!tpu.dma_semaphore, #tpu.memory_space<semaphore_mem>>) src(%dma_wait3A_119 : memref<16x64xf32, #tpu.memory_space<vmem>>) dst(%dma_wait3A_116 : memref<16x64xf32, #tpu.memory_space<hbm>>)
          tpu.yield
        }) : () -> ()
      } else {
      }
      "tpu.trace_stop"() : () -> ()
    } else {
    }
    return
  }
}

module attributes {stable_mosaic.version = 14 : i64} {
  func.func @_mm1_body(%arg0: i32, %arg1: memref<1000x256xf32, #tpu.memory_space<vmem>>, %arg2: memref<128x128xf32, #tpu.memory_space<vmem>>, %arg3: memref<1000x4xf32, #tpu.memory_space<vmem>>, %arg4: memref<1000x128xf32, #tpu.memory_space<vmem>>, %arg5: memref<1000x128xf32, #tpu.memory_space<vmem>>) attributes {dimension_semantics = [#tpu.dimension_semantics<arbitrary>], iteration_bounds = array<i64: 5>, scalar_prefetch = 0 : i64, scratch_operands = 0 : i64, tpu.core_type = #tpu.core_type<tc>, window_params = [{transform_indices = @transform_0, window_bounds = array<i64: 1000, 256>}, {pipeline_mode = #tpu.pipeline_mode<synchronous>, transform_indices = @transform_1, window_bounds = array<i64: 128, 128>}, {transform_indices = @transform_2, window_bounds = array<i64: 1000, 4>}, {transform_indices = @transform_3, window_bounds = array<i64: 1000, 128>}, {transform_indices = @transform_4, window_bounds = array<i64: 1000, 128>}]} {
    %get3A = arith.constant 0 : index
    %get3A_0 = arith.constant 0 : index
    %get3A_1 = vector.load %arg2[%get3A, %get3A_0] : memref<128x128xf32, #tpu.memory_space<vmem>>, vector<128x128xf32>
    %get3A_2 = arith.constant 0 : index
    %get3A_3 = arith.constant 0 : index
    %get3A_4 = vector.load %arg1[%get3A_2, %get3A_3] : memref<1000x256xf32, #tpu.memory_space<vmem>>, vector<1000x128xf32>
    %dot_general3A = arith.constant dense<0.000000e+00> : vector<1000x128xf32>
    %dot_general3A_5 = tpu.matmul %get3A_4, %get3A_1, %dot_general3A {dimension_numbers = #tpu.dot_dimension_numbers<[1], [0], [0], [1], [0, 0, 1, 1], [], []>, transpose_lhs_hint = false} : vector<1000x128xf32>, vector<128x128xf32>, vector<1000x128xf32> -> vector<1000x128xf32>
    %get3A_6 = arith.constant 0 : index
    %get3A_7 = arith.constant 128 : index
    %get3A_8 = vector.load %arg1[%get3A_6, %get3A_7] : memref<1000x256xf32, #tpu.memory_space<vmem>>, vector<1000x128xf32>
    %dot_general3A_9 = arith.constant dense<0.000000e+00> : vector<1000x128xf32>
    %dot_general3A_10 = tpu.matmul %get3A_8, %get3A_1, %dot_general3A_9 {dimension_numbers = #tpu.dot_dimension_numbers<[1], [0], [0], [1], [0, 0, 1, 1], [], []>, transpose_lhs_hint = false} : vector<1000x128xf32>, vector<128x128xf32>, vector<1000x128xf32> -> vector<1000x128xf32>
    %get3A_11 = arith.constant 0 : index
    %get3A_12 = arith.constant 0 : index
    %get3A_13 = vector.load %arg3[%get3A_11, %get3A_12] : memref<1000x4xf32, #tpu.memory_space<vmem>>, vector<1000x4xf32>
    %slice3A = vector.extract_strided_slice %get3A_13 {offsets = [0, 0], sizes = [1000, 1], strides = [1, 1]} : vector<1000x4xf32> to vector<1000x1xf32>
    %slice3A_14 = vector.extract_strided_slice %get3A_13 {offsets = [0, 1], sizes = [1000, 1], strides = [1, 1]} : vector<1000x4xf32> to vector<1000x1xf32>
    %add3A = arith.addf %slice3A, %slice3A_14 : vector<1000x1xf32>
    %add3A_15 = arith.constant 1.000000e+00 : f32
    %add3A_16 = vector.broadcast %add3A_15 : f32 to vector<1000x1xf32>
    %add3A_17 = arith.addf %add3A, %add3A_16 : vector<1000x1xf32>
    %rsqrt3A = math.rsqrt %add3A_17 : vector<1000x1xf32>
    %slice3A_18 = vector.extract_strided_slice %get3A_13 {offsets = [0, 2], sizes = [1000, 1], strides = [1, 1]} : vector<1000x4xf32> to vector<1000x1xf32>
    %slice3A_19 = vector.extract_strided_slice %get3A_13 {offsets = [0, 3], sizes = [1000, 1], strides = [1, 1]} : vector<1000x4xf32> to vector<1000x1xf32>
    %add3A_20 = arith.addf %slice3A_18, %slice3A_19 : vector<1000x1xf32>
    %add3A_21 = arith.constant 1.000000e+00 : f32
    %add3A_22 = vector.broadcast %add3A_21 : f32 to vector<1000x1xf32>
    %add3A_23 = arith.addf %add3A_20, %add3A_22 : vector<1000x1xf32>
    %rsqrt3A_24 = math.rsqrt %add3A_23 : vector<1000x1xf32>
    %mul3A = vector.broadcast %rsqrt3A : vector<1000x1xf32> to vector<1000x128xf32>
    %mul3A_25 = arith.mulf %dot_general3A_5, %mul3A : vector<1000x128xf32>
    %mul3A_26 = vector.broadcast %rsqrt3A_24 : vector<1000x1xf32> to vector<1000x128xf32>
    %mul3A_27 = arith.mulf %dot_general3A_10, %mul3A_26 : vector<1000x128xf32>
    %slice3A_28 = vector.extract_strided_slice %mul3A_25 {offsets = [0, 0], sizes = [1000, 64], strides = [1, 1]} : vector<1000x128xf32> to vector<1000x64xf32>
    %slice3A_29 = vector.extract_strided_slice %mul3A_27 {offsets = [0, 0], sizes = [1000, 64], strides = [1, 1]} : vector<1000x128xf32> to vector<1000x64xf32>
    %concatenate3A = tpu.concatenate %slice3A_28, %slice3A_29 in 1 : vector<1000x64xf32>, vector<1000x64xf32> -> vector<1000x128xf32>
    %swap3A = arith.constant 0 : index
    %swap3A_30 = arith.constant 0 : index
    %swap3A_31 = vector.load %arg4[%swap3A, %swap3A_30] : memref<1000x128xf32, #tpu.memory_space<vmem>>, vector<1000x128xf32>
    tpu.vector_store %arg4[%swap3A, %swap3A_30], %concatenate3A {strides = array<i32>} : memref<1000x128xf32, #tpu.memory_space<vmem>>, vector<1000x128xf32>,
    %slice3A_32 = vector.extract_strided_slice %mul3A_25 {offsets = [0, 64], sizes = [1000, 64], strides = [1, 1]} : vector<1000x128xf32> to vector<1000x64xf32>
    %slice3A_33 = vector.extract_strided_slice %mul3A_27 {offsets = [0, 64], sizes = [1000, 64], strides = [1, 1]} : vector<1000x128xf32> to vector<1000x64xf32>
    %concatenate3A_34 = tpu.concatenate %slice3A_32, %slice3A_33 in 1 : vector<1000x64xf32>, vector<1000x64xf32> -> vector<1000x128xf32>
    %swap3A_35 = arith.constant 0 : index
    %swap3A_36 = arith.constant 0 : index
    %swap3A_37 = vector.load %arg5[%swap3A_35, %swap3A_36] : memref<1000x128xf32, #tpu.memory_space<vmem>>, vector<1000x128xf32>
    tpu.vector_store %arg5[%swap3A_35, %swap3A_36], %concatenate3A_34 {strides = array<i32>} : memref<1000x128xf32, #tpu.memory_space<vmem>>, vector<1000x128xf32>,
    return
  }
  func.func @transform_0(%arg0: i32) -> (i32, i32) {
    %c0_i32 = arith.constant 0 : i32
    %c0_i32_0 = arith.constant 0 : i32
    return %arg0, %c0_i32 : i32, i32
  }
  func.func @transform_1(%arg0: i32) -> (i32, i32) {
    %c0_i32 = arith.constant 0 : i32
    %c0_i32_0 = arith.constant 0 : i32
    %c0_i32_1 = arith.constant 0 : i32
    return %c0_i32, %c0_i32_0 : i32, i32
  }
  func.func @transform_2(%arg0: i32) -> (i32, i32) {
    %c0_i32 = arith.constant 0 : i32
    %c0_i32_0 = arith.constant 0 : i32
    return %arg0, %c0_i32 : i32, i32
  }
  func.func @transform_3(%arg0: i32) -> (i32, i32) {
    %c0_i32 = arith.constant 0 : i32
    %c0_i32_0 = arith.constant 0 : i32
    return %arg0, %c0_i32 : i32, i32
  }
  func.func @transform_4(%arg0: i32) -> (i32, i32) {
    %c0_i32 = arith.constant 0 : i32
    %c0_i32_0 = arith.constant 0 : i32
    return %arg0, %c0_i32 : i32, i32
  }
}

module attributes {stable_mosaic.version = 14 : i64} {
  func.func @_mm2_body(%arg0: i32, %arg1: memref<1000x128xf32, #tpu.memory_space<vmem>>, %arg2: memref<1000x128xf32, #tpu.memory_space<vmem>>, %arg3: memref<1000x128xf32, #tpu.memory_space<vmem>>, %arg4: memref<1000x128xf32, #tpu.memory_space<vmem>>, %arg5: memref<1000x4xf32, #tpu.memory_space<vmem>>, %arg6: memref<1x128xf32, #tpu.memory_space<vmem>>, %arg7: memref<128x128xf32, #tpu.memory_space<vmem>>, %arg8: memref<1000x128xf32, #tpu.memory_space<vmem>>, %arg9: memref<1000x128xf32, #tpu.memory_space<vmem>>) attributes {dimension_semantics = [#tpu.dimension_semantics<arbitrary>], iteration_bounds = array<i64: 5>, scalar_prefetch = 0 : i64, scratch_operands = 0 : i64, tpu.core_type = #tpu.core_type<tc>, window_params = [{transform_indices = @transform_0, window_bounds = array<i64: 1000, 128>}, {transform_indices = @transform_1, window_bounds = array<i64: 1000, 128>}, {transform_indices = @transform_2, window_bounds = array<i64: 1000, 128>}, {transform_indices = @transform_3, window_bounds = array<i64: 1000, 128>}, {transform_indices = @transform_4, window_bounds = array<i64: 1000, 4>}, {pipeline_mode = #tpu.pipeline_mode<synchronous>, transform_indices = @transform_5, window_bounds = array<i64: 1, 128>}, {pipeline_mode = #tpu.pipeline_mode<synchronous>, transform_indices = @transform_6, window_bounds = array<i64: 128, 128>}, {transform_indices = @transform_7, window_bounds = array<i64: 1000, 128>}, {transform_indices = @transform_8, window_bounds = array<i64: 1000, 128>}]} {
    %get3A = arith.constant 0 : index
    %get3A_0 = arith.constant 0 : index
    %get3A_1 = vector.load %arg5[%get3A, %get3A_0] : memref<1000x4xf32, #tpu.memory_space<vmem>>, vector<1000x4xf32>
    %slice3A = vector.extract_strided_slice %get3A_1 {offsets = [0, 0], sizes = [1000, 1], strides = [1, 1]} : vector<1000x4xf32> to vector<1000x1xf32>
    %slice3A_2 = vector.extract_strided_slice %get3A_1 {offsets = [0, 1], sizes = [1000, 1], strides = [1, 1]} : vector<1000x4xf32> to vector<1000x1xf32>
    %add3A = arith.addf %slice3A, %slice3A_2 : vector<1000x1xf32>
    %add3A_3 = arith.constant 1.000000e+00 : f32
    %add3A_4 = vector.broadcast %add3A_3 : f32 to vector<1000x1xf32>
    %add3A_5 = arith.addf %add3A, %add3A_4 : vector<1000x1xf32>
    %rsqrt3A = math.rsqrt %add3A_5 : vector<1000x1xf32>
    %slice3A_6 = vector.extract_strided_slice %get3A_1 {offsets = [0, 2], sizes = [1000, 1], strides = [1, 1]} : vector<1000x4xf32> to vector<1000x1xf32>
    %slice3A_7 = vector.extract_strided_slice %get3A_1 {offsets = [0, 3], sizes = [1000, 1], strides = [1, 1]} : vector<1000x4xf32> to vector<1000x1xf32>
    %add3A_8 = arith.addf %slice3A_6, %slice3A_7 : vector<1000x1xf32>
    %add3A_9 = arith.constant 1.000000e+00 : f32
    %add3A_10 = vector.broadcast %add3A_9 : f32 to vector<1000x1xf32>
    %add3A_11 = arith.addf %add3A_8, %add3A_10 : vector<1000x1xf32>
    %rsqrt3A_12 = math.rsqrt %add3A_11 : vector<1000x1xf32>
    %iota3A = tpu.iota {dimensions = array<i32: 1>} : vector<1000x128xi32>
    %lt3A = arith.constant 64 : i32
    %lt3A_13 = vector.broadcast %lt3A : i32 to vector<1000x128xi32>
    %lt3A_14 = arith.cmpi slt, %iota3A, %lt3A_13 : vector<1000x128xi32>
    %broadcast_in_dim3A = vector.shape_cast %rsqrt3A : vector<1000x1xf32> to vector<1000x1xf32>
    %broadcast_in_dim3A_15 = vector.broadcast %broadcast_in_dim3A : vector<1000x1xf32> to vector<1000x128xf32>
    %broadcast_in_dim3A_16 = vector.shape_cast %rsqrt3A_12 : vector<1000x1xf32> to vector<1000x1xf32>
    %broadcast_in_dim3A_17 = vector.broadcast %broadcast_in_dim3A_16 : vector<1000x1xf32> to vector<1000x128xf32>
    %select_n3A = arith.select %lt3A_14, %broadcast_in_dim3A_15, %broadcast_in_dim3A_17 : vector<1000x128xi1>, vector<1000x128xf32>
    %get3A_18 = arith.constant 0 : index
    %get3A_19 = arith.constant 0 : index
    %get3A_20 = vector.load %arg6[%get3A_18, %get3A_19] : memref<1x128xf32, #tpu.memory_space<vmem>>, vector<1x128xf32>
    %get3A_21 = arith.constant 0 : index
    %get3A_22 = arith.constant 0 : index
    %get3A_23 = vector.load %arg1[%get3A_21, %get3A_22] : memref<1000x128xf32, #tpu.memory_space<vmem>>, vector<1000x128xf32>
    %get3A_24 = arith.constant 0 : index
    %get3A_25 = arith.constant 0 : index
    %get3A_26 = vector.load %arg3[%get3A_24, %get3A_25] : memref<1000x128xf32, #tpu.memory_space<vmem>>, vector<1000x128xf32>
    %add3A_27 = arith.addf %get3A_23, %get3A_26 : vector<1000x128xf32>
    %mul3A = arith.mulf %select_n3A, %add3A_27 : vector<1000x128xf32>
    %slice3A_28 = vector.extract_strided_slice %get3A_20 {offsets = [0, 0], sizes = [1, 64], strides = [1, 1]} : vector<1x128xf32> to vector<1x64xf32>
    %slice3A_29 = vector.extract_strided_slice %get3A_20 {offsets = [0, 0], sizes = [1, 64], strides = [1, 1]} : vector<1x128xf32> to vector<1x64xf32>
    %concatenate3A = tpu.concatenate %slice3A_28, %slice3A_29 in 1 : vector<1x64xf32>, vector<1x64xf32> -> vector<1x128xf32>
    %add3A_30 = vector.broadcast %concatenate3A : vector<1x128xf32> to vector<1000x128xf32>
    %add3A_31 = arith.addf %mul3A, %add3A_30 : vector<1000x128xf32>
    %get3A_32 = arith.constant 0 : index
    %get3A_33 = arith.constant 0 : index
    %get3A_34 = vector.load %arg2[%get3A_32, %get3A_33] : memref<1000x128xf32, #tpu.memory_space<vmem>>, vector<1000x128xf32>
    %get3A_35 = arith.constant 0 : index
    %get3A_36 = arith.constant 0 : index
    %get3A_37 = vector.load %arg4[%get3A_35, %get3A_36] : memref<1000x128xf32, #tpu.memory_space<vmem>>, vector<1000x128xf32>
    %add3A_38 = arith.addf %get3A_34, %get3A_37 : vector<1000x128xf32>
    %mul3A_39 = arith.mulf %select_n3A, %add3A_38 : vector<1000x128xf32>
    %slice3A_40 = vector.extract_strided_slice %get3A_20 {offsets = [0, 64], sizes = [1, 64], strides = [1, 1]} : vector<1x128xf32> to vector<1x64xf32>
    %slice3A_41 = vector.extract_strided_slice %get3A_20 {offsets = [0, 64], sizes = [1, 64], strides = [1, 1]} : vector<1x128xf32> to vector<1x64xf32>
    %concatenate3A_42 = tpu.concatenate %slice3A_40, %slice3A_41 in 1 : vector<1x64xf32>, vector<1x64xf32> -> vector<1x128xf32>
    %add3A_43 = vector.broadcast %concatenate3A_42 : vector<1x128xf32> to vector<1000x128xf32>
    %add3A_44 = arith.addf %mul3A_39, %add3A_43 : vector<1000x128xf32>
    %max3A = arith.constant 0.000000e+00 : f32
    %max3A_45 = vector.broadcast %max3A : f32 to vector<1000x128xf32>
    %max3A_46 = arith.maximumf %add3A_31, %max3A_45 : vector<1000x128xf32>
    %max3A_47 = arith.constant 0.000000e+00 : f32
    %max3A_48 = vector.broadcast %max3A_47 : f32 to vector<1000x128xf32>
    %max3A_49 = arith.maximumf %add3A_44, %max3A_48 : vector<1000x128xf32>
    %slice3A_50 = vector.extract_strided_slice %max3A_46 {offsets = [0, 0], sizes = [1000, 64], strides = [1, 1]} : vector<1000x128xf32> to vector<1000x64xf32>
    %slice3A_51 = vector.extract_strided_slice %max3A_49 {offsets = [0, 0], sizes = [1000, 64], strides = [1, 1]} : vector<1000x128xf32> to vector<1000x64xf32>
    %concatenate3A_52 = tpu.concatenate %slice3A_50, %slice3A_51 in 1 : vector<1000x64xf32>, vector<1000x64xf32> -> vector<1000x128xf32>
    %slice3A_53 = vector.extract_strided_slice %max3A_46 {offsets = [0, 64], sizes = [1000, 64], strides = [1, 1]} : vector<1000x128xf32> to vector<1000x64xf32>
    %slice3A_54 = vector.extract_strided_slice %max3A_49 {offsets = [0, 64], sizes = [1000, 64], strides = [1, 1]} : vector<1000x128xf32> to vector<1000x64xf32>
    %concatenate3A_55 = tpu.concatenate %slice3A_53, %slice3A_54 in 1 : vector<1000x64xf32>, vector<1000x64xf32> -> vector<1000x128xf32>
    %get3A_56 = arith.constant 0 : index
    %get3A_57 = arith.constant 0 : index
    %get3A_58 = vector.load %arg7[%get3A_56, %get3A_57] : memref<128x128xf32, #tpu.memory_space<vmem>>, vector<128x128xf32>
    %dot_general3A = arith.constant dense<0.000000e+00> : vector<1000x128xf32>
    %dot_general3A_59 = tpu.matmul %concatenate3A_52, %get3A_58, %dot_general3A {dimension_numbers = #tpu.dot_dimension_numbers<[1], [0], [0], [1], [0, 0, 1, 1], [], []>, transpose_lhs_hint = false} : vector<1000x128xf32>, vector<128x128xf32>, vector<1000x128xf32> -> vector<1000x128xf32>
    %mul3A_60 = vector.broadcast %rsqrt3A : vector<1000x1xf32> to vector<1000x128xf32>
    %mul3A_61 = arith.mulf %dot_general3A_59, %mul3A_60 : vector<1000x128xf32>
    %dot_general3A_62 = arith.constant dense<0.000000e+00> : vector<1000x128xf32>
    %dot_general3A_63 = tpu.matmul %concatenate3A_55, %get3A_58, %dot_general3A_62 {dimension_numbers = #tpu.dot_dimension_numbers<[1], [0], [0], [1], [0, 0, 1, 1], [], []>, transpose_lhs_hint = false} : vector<1000x128xf32>, vector<128x128xf32>, vector<1000x128xf32> -> vector<1000x128xf32>
    %mul3A_64 = vector.broadcast %rsqrt3A_12 : vector<1000x1xf32> to vector<1000x128xf32>
    %mul3A_65 = arith.mulf %dot_general3A_63, %mul3A_64 : vector<1000x128xf32>
    %slice3A_66 = vector.extract_strided_slice %mul3A_61 {offsets = [0, 0], sizes = [1000, 64], strides = [1, 1]} : vector<1000x128xf32> to vector<1000x64xf32>
    %slice3A_67 = vector.extract_strided_slice %mul3A_65 {offsets = [0, 0], sizes = [1000, 64], strides = [1, 1]} : vector<1000x128xf32> to vector<1000x64xf32>
    %concatenate3A_68 = tpu.concatenate %slice3A_66, %slice3A_67 in 1 : vector<1000x64xf32>, vector<1000x64xf32> -> vector<1000x128xf32>
    %swap3A = arith.constant 0 : index
    %swap3A_69 = arith.constant 0 : index
    %swap3A_70 = vector.load %arg8[%swap3A, %swap3A_69] : memref<1000x128xf32, #tpu.memory_space<vmem>>, vector<1000x128xf32>
    tpu.vector_store %arg8[%swap3A, %swap3A_69], %concatenate3A_68 {strides = array<i32>} : memref<1000x128xf32, #tpu.memory_space<vmem>>, vector<1000x128xf32>,
    %slice3A_71 = vector.extract_strided_slice %mul3A_61 {offsets = [0, 64], sizes = [1000, 64], strides = [1, 1]} : vector<1000x128xf32> to vector<1000x64xf32>
    %slice3A_72 = vector.extract_strided_slice %mul3A_65 {offsets = [0, 64], sizes = [1000, 64], strides = [1, 1]} : vector<1000x128xf32> to vector<1000x64xf32>
    %concatenate3A_73 = tpu.concatenate %slice3A_71, %slice3A_72 in 1 : vector<1000x64xf32>, vector<1000x64xf32> -> vector<1000x128xf32>
    %swap3A_74 = arith.constant 0 : index
    %swap3A_75 = arith.constant 0 : index
    %swap3A_76 = vector.load %arg9[%swap3A_74, %swap3A_75] : memref<1000x128xf32, #tpu.memory_space<vmem>>, vector<1000x128xf32>
    tpu.vector_store %arg9[%swap3A_74, %swap3A_75], %concatenate3A_73 {strides = array<i32>} : memref<1000x128xf32, #tpu.memory_space<vmem>>, vector<1000x128xf32>,
    return
  }
  func.func @transform_0(%arg0: i32) -> (i32, i32) {
    %c0_i32 = arith.constant 0 : i32
    %c0_i32_0 = arith.constant 0 : i32
    return %arg0, %c0_i32 : i32, i32
  }
  func.func @transform_1(%arg0: i32) -> (i32, i32) {
    %c0_i32 = arith.constant 0 : i32
    %c0_i32_0 = arith.constant 0 : i32
    return %arg0, %c0_i32 : i32, i32
  }
  func.func @transform_2(%arg0: i32) -> (i32, i32) {
    %c0_i32 = arith.constant 0 : i32
    %c0_i32_0 = arith.constant 0 : i32
    return %arg0, %c0_i32 : i32, i32
  }
  func.func @transform_3(%arg0: i32) -> (i32, i32) {
    %c0_i32 = arith.constant 0 : i32
    %c0_i32_0 = arith.constant 0 : i32
    return %arg0, %c0_i32 : i32, i32
  }
  func.func @transform_4(%arg0: i32) -> (i32, i32) {
    %c0_i32 = arith.constant 0 : i32
    %c0_i32_0 = arith.constant 0 : i32
    return %arg0, %c0_i32 : i32, i32
  }
  func.func @transform_5(%arg0: i32) -> (i32, i32) {
    %c0_i32 = arith.constant 0 : i32
    %c0_i32_0 = arith.constant 0 : i32
    %c0_i32_1 = arith.constant 0 : i32
    return %c0_i32, %c0_i32_0 : i32, i32
  }
  func.func @transform_6(%arg0: i32) -> (i32, i32) {
    %c0_i32 = arith.constant 0 : i32
    %c0_i32_0 = arith.constant 0 : i32
    %c0_i32_1 = arith.constant 0 : i32
    return %c0_i32, %c0_i32_0 : i32, i32
  }
  func.func @transform_7(%arg0: i32) -> (i32, i32) {
    %c0_i32 = arith.constant 0 : i32
    %c0_i32_0 = arith.constant 0 : i32
    return %arg0, %c0_i32 : i32, i32
  }
  func.func @transform_8(%arg0: i32) -> (i32, i32) {
    %c0_i32 = arith.constant 0 : i32
    %c0_i32_0 = arith.constant 0 : i32
    return %arg0, %c0_i32 : i32, i32
  }
}

module attributes {stable_mosaic.version = 14 : i64} {
  func.func @_fin_body(%arg0: i32, %arg1: memref<1000x128xf32, #tpu.memory_space<vmem>>, %arg2: memref<1000x128xf32, #tpu.memory_space<vmem>>, %arg3: memref<1000x128xf32, #tpu.memory_space<vmem>>, %arg4: memref<1000x128xf32, #tpu.memory_space<vmem>>, %arg5: memref<1000x4xf32, #tpu.memory_space<vmem>>, %arg6: memref<1x128xf32, #tpu.memory_space<vmem>>, %arg7: memref<1000x256xf32, #tpu.memory_space<vmem>>) attributes {dimension_semantics = [#tpu.dimension_semantics<arbitrary>], iteration_bounds = array<i64: 5>, scalar_prefetch = 0 : i64, scratch_operands = 0 : i64, tpu.core_type = #tpu.core_type<tc>, window_params = [{transform_indices = @transform_0, window_bounds = array<i64: 1000, 128>}, {transform_indices = @transform_1, window_bounds = array<i64: 1000, 128>}, {transform_indices = @transform_2, window_bounds = array<i64: 1000, 128>}, {transform_indices = @transform_3, window_bounds = array<i64: 1000, 128>}, {transform_indices = @transform_4, window_bounds = array<i64: 1000, 4>}, {pipeline_mode = #tpu.pipeline_mode<synchronous>, transform_indices = @transform_5, window_bounds = array<i64: 1, 128>}, {transform_indices = @transform_6, window_bounds = array<i64: 1000, 256>}]} {
    %get3A = arith.constant 0 : index
    %get3A_0 = arith.constant 0 : index
    %get3A_1 = vector.load %arg5[%get3A, %get3A_0] : memref<1000x4xf32, #tpu.memory_space<vmem>>, vector<1000x4xf32>
    %slice3A = vector.extract_strided_slice %get3A_1 {offsets = [0, 0], sizes = [1000, 1], strides = [1, 1]} : vector<1000x4xf32> to vector<1000x1xf32>
    %slice3A_2 = vector.extract_strided_slice %get3A_1 {offsets = [0, 1], sizes = [1000, 1], strides = [1, 1]} : vector<1000x4xf32> to vector<1000x1xf32>
    %add3A = arith.addf %slice3A, %slice3A_2 : vector<1000x1xf32>
    %add3A_3 = arith.constant 1.000000e+00 : f32
    %add3A_4 = vector.broadcast %add3A_3 : f32 to vector<1000x1xf32>
    %add3A_5 = arith.addf %add3A, %add3A_4 : vector<1000x1xf32>
    %rsqrt3A = math.rsqrt %add3A_5 : vector<1000x1xf32>
    %slice3A_6 = vector.extract_strided_slice %get3A_1 {offsets = [0, 2], sizes = [1000, 1], strides = [1, 1]} : vector<1000x4xf32> to vector<1000x1xf32>
    %slice3A_7 = vector.extract_strided_slice %get3A_1 {offsets = [0, 3], sizes = [1000, 1], strides = [1, 1]} : vector<1000x4xf32> to vector<1000x1xf32>
    %add3A_8 = arith.addf %slice3A_6, %slice3A_7 : vector<1000x1xf32>
    %add3A_9 = arith.constant 1.000000e+00 : f32
    %add3A_10 = vector.broadcast %add3A_9 : f32 to vector<1000x1xf32>
    %add3A_11 = arith.addf %add3A_8, %add3A_10 : vector<1000x1xf32>
    %rsqrt3A_12 = math.rsqrt %add3A_11 : vector<1000x1xf32>
    %iota3A = tpu.iota {dimensions = array<i32: 1>} : vector<1000x128xi32>
    %lt3A = arith.constant 64 : i32
    %lt3A_13 = vector.broadcast %lt3A : i32 to vector<1000x128xi32>
    %lt3A_14 = arith.cmpi slt, %iota3A, %lt3A_13 : vector<1000x128xi32>
    %broadcast_in_dim3A = vector.shape_cast %rsqrt3A : vector<1000x1xf32> to vector<1000x1xf32>
    %broadcast_in_dim3A_15 = vector.broadcast %broadcast_in_dim3A : vector<1000x1xf32> to vector<1000x128xf32>
    %broadcast_in_dim3A_16 = vector.shape_cast %rsqrt3A_12 : vector<1000x1xf32> to vector<1000x1xf32>
    %broadcast_in_dim3A_17 = vector.broadcast %broadcast_in_dim3A_16 : vector<1000x1xf32> to vector<1000x128xf32>
    %select_n3A = arith.select %lt3A_14, %broadcast_in_dim3A_15, %broadcast_in_dim3A_17 : vector<1000x128xi1>, vector<1000x128xf32>
    %get3A_18 = arith.constant 0 : index
    %get3A_19 = arith.constant 0 : index
    %get3A_20 = vector.load %arg6[%get3A_18, %get3A_19] : memref<1x128xf32, #tpu.memory_space<vmem>>, vector<1x128xf32>
    %get3A_21 = arith.constant 0 : index
    %get3A_22 = arith.constant 0 : index
    %get3A_23 = vector.load %arg1[%get3A_21, %get3A_22] : memref<1000x128xf32, #tpu.memory_space<vmem>>, vector<1000x128xf32>
    %get3A_24 = arith.constant 0 : index
    %get3A_25 = arith.constant 0 : index
    %get3A_26 = vector.load %arg3[%get3A_24, %get3A_25] : memref<1000x128xf32, #tpu.memory_space<vmem>>, vector<1000x128xf32>
    %add3A_27 = arith.addf %get3A_23, %get3A_26 : vector<1000x128xf32>
    %mul3A = arith.mulf %select_n3A, %add3A_27 : vector<1000x128xf32>
    %slice3A_28 = vector.extract_strided_slice %get3A_20 {offsets = [0, 0], sizes = [1, 64], strides = [1, 1]} : vector<1x128xf32> to vector<1x64xf32>
    %slice3A_29 = vector.extract_strided_slice %get3A_20 {offsets = [0, 0], sizes = [1, 64], strides = [1, 1]} : vector<1x128xf32> to vector<1x64xf32>
    %concatenate3A = tpu.concatenate %slice3A_28, %slice3A_29 in 1 : vector<1x64xf32>, vector<1x64xf32> -> vector<1x128xf32>
    %add3A_30 = vector.broadcast %concatenate3A : vector<1x128xf32> to vector<1000x128xf32>
    %add3A_31 = arith.addf %mul3A, %add3A_30 : vector<1000x128xf32>
    %get3A_32 = arith.constant 0 : index
    %get3A_33 = arith.constant 0 : index
    %get3A_34 = vector.load %arg2[%get3A_32, %get3A_33] : memref<1000x128xf32, #tpu.memory_space<vmem>>, vector<1000x128xf32>
    %get3A_35 = arith.constant 0 : index
    %get3A_36 = arith.constant 0 : index
    %get3A_37 = vector.load %arg4[%get3A_35, %get3A_36] : memref<1000x128xf32, #tpu.memory_space<vmem>>, vector<1000x128xf32>
    %add3A_38 = arith.addf %get3A_34, %get3A_37 : vector<1000x128xf32>
    %mul3A_39 = arith.mulf %select_n3A, %add3A_38 : vector<1000x128xf32>
    %slice3A_40 = vector.extract_strided_slice %get3A_20 {offsets = [0, 64], sizes = [1, 64], strides = [1, 1]} : vector<1x128xf32> to vector<1x64xf32>
    %slice3A_41 = vector.extract_strided_slice %get3A_20 {offsets = [0, 64], sizes = [1, 64], strides = [1, 1]} : vector<1x128xf32> to vector<1x64xf32>
    %concatenate3A_42 = tpu.concatenate %slice3A_40, %slice3A_41 in 1 : vector<1x64xf32>, vector<1x64xf32> -> vector<1x128xf32>
    %add3A_43 = vector.broadcast %concatenate3A_42 : vector<1x128xf32> to vector<1000x128xf32>
    %add3A_44 = arith.addf %mul3A_39, %add3A_43 : vector<1000x128xf32>
    %slice3A_45 = vector.extract_strided_slice %add3A_31 {offsets = [0, 0], sizes = [1000, 64], strides = [1, 1]} : vector<1000x128xf32> to vector<1000x64xf32>
    %slice3A_46 = vector.extract_strided_slice %add3A_44 {offsets = [0, 0], sizes = [1000, 64], strides = [1, 1]} : vector<1000x128xf32> to vector<1000x64xf32>
    %concatenate3A_47 = tpu.concatenate %slice3A_45, %slice3A_46 in 1 : vector<1000x64xf32>, vector<1000x64xf32> -> vector<1000x128xf32>
    %slice3A_48 = vector.extract_strided_slice %add3A_31 {offsets = [0, 64], sizes = [1000, 64], strides = [1, 1]} : vector<1000x128xf32> to vector<1000x64xf32>
    %slice3A_49 = vector.extract_strided_slice %add3A_44 {offsets = [0, 64], sizes = [1000, 64], strides = [1, 1]} : vector<1000x128xf32> to vector<1000x64xf32>
    %concatenate3A_50 = tpu.concatenate %slice3A_48, %slice3A_49 in 1 : vector<1000x64xf32>, vector<1000x64xf32> -> vector<1000x128xf32>
    %concatenate3A_51 = tpu.concatenate %concatenate3A_47, %concatenate3A_50 in 1 : vector<1000x128xf32>, vector<1000x128xf32> -> vector<1000x256xf32>
    %swap3A = arith.constant 0 : index
    %swap3A_52 = arith.constant 0 : index
    %swap3A_53 = vector.load %arg7[%swap3A, %swap3A_52] : memref<1000x256xf32, #tpu.memory_space<vmem>>, vector<1000x256xf32>
    tpu.vector_store %arg7[%swap3A, %swap3A_52], %concatenate3A_51 {strides = array<i32>} : memref<1000x256xf32, #tpu.memory_space<vmem>>, vector<1000x256xf32>,
    return
  }
  func.func @transform_0(%arg0: i32) -> (i32, i32) {
    %c0_i32 = arith.constant 0 : i32
    %c0_i32_0 = arith.constant 0 : i32
    return %arg0, %c0_i32 : i32, i32
  }
  func.func @transform_1(%arg0: i32) -> (i32, i32) {
    %c0_i32 = arith.constant 0 : i32
    %c0_i32_0 = arith.constant 0 : i32
    return %arg0, %c0_i32 : i32, i32
  }
  func.func @transform_2(%arg0: i32) -> (i32, i32) {
    %c0_i32 = arith.constant 0 : i32
    %c0_i32_0 = arith.constant 0 : i32
    return %arg0, %c0_i32 : i32, i32
  }
  func.func @transform_3(%arg0: i32) -> (i32, i32) {
    %c0_i32 = arith.constant 0 : i32
    %c0_i32_0 = arith.constant 0 : i32
    return %arg0, %c0_i32 : i32, i32
  }
  func.func @transform_4(%arg0: i32) -> (i32, i32) {
    %c0_i32 = arith.constant 0 : i32
    %c0_i32_0 = arith.constant 0 : i32
    return %arg0, %c0_i32 : i32, i32
  }
  func.func @transform_5(%arg0: i32) -> (i32, i32) {
    %c0_i32 = arith.constant 0 : i32
    %c0_i32_0 = arith.constant 0 : i32
    %c0_i32_1 = arith.constant 0 : i32
    return %c0_i32, %c0_i32_0 : i32, i32
  }
  func.func @transform_6(%arg0: i32) -> (i32, i32) {
    %c0_i32 = arith.constant 0 : i32
    %c0_i32_0 = arith.constant 0 : i32
    return %arg0, %c0_i32 : i32, i32
  }
}

</mosaic_0001>

<sc_bundles>
// kernel: kernel.11.cloned.1.call-start
scs
__scs_entry_jumppad:
0x0: {  	(pc) =	sbr.rel $0x88, $3  }
0x1: {  	(tag) =	ssettag $0x0;
	lr =	simm.s32 $0x1  }
0x2: {  	[smem:$0x3F9B] =	sst lr;
	_ =	strace $0xD0000000  }
0x3: {  	_ = 	snop  }
0x4: {  	_ = 	snop  }
0x5: {  	_ = 	snop  }
0x6: {  	_ = 	snop  }
0x7: {  	_ = 	snop  }
__scs_overlays_trampoline_lowered:
0x8: {  	[smem:$0x3FAA] =	sst s0  }
0x9: {  	[smem:$0x3FAB] =	sst s1  }
0xa: {  	[smem:$0x3FAC] =	sst s2  }
0xb: {  	[smem:$0x3FAD] =	sst s3  }
0xc: {  	[smem:$0x3FAE] =	sst s4  }
0xd: {  	[smem:$0x3FAF] =	sst s5  }
0xe: {  	[smem:$0x3FB0] =	sst s6  }
0xf: {  	[smem:$0x3FB1] =	sst s7  }
0x10: {  	[smem:$0x3FB2] =	sst s8  }
0x11: {  	[smem:$0x3FB3] =	sst s9;
	s0 =	simm.s32 @!p0 $0x0  }
0x12: {  	s1 =	sld [smem:$0x3F99];
	s0 =	simm.s32 @p0 $0x1  }
0x13: {  	[smem:$0x3FB4] =	sst s0;
	s0 =	simm.s32 @!p1 $0x0  }
0x14: {  	s2 =	sld [smem:$0x3F98];
	s0 =	simm.s32 @p1 $0x1  }
0x15: {  	[smem:$0x3FB5] =	sst s0;
	s0 =	simm.s32 @!p2 $0x0  }
0x16: {  	s3 =	sld [smem:$0x3FDB];
	s0 =	simm.s32 @p2 $0x1  }
0x17: {  	s4 =	simm.s32 $0x1BF5;
	[smem:$0x3FB7] =	sst s0  }
0x18: {  	s0 =	sld [smem:$0x3F9A];
	_ =	swait.ge [sflag:s4], $0x0  }
0x19: {  	s7 =	sld [smem:$0x3F9B]  }
0x1a: {  	s8 =	sadd.s32 $0xFFFFE003, lr  }
0x1b: {  	s9 =	sadd.s32 $0xFFFFFEF7, lr;
	s5 =	simm.s32 $0xFFFFFFFF;
	p2 =	slt.u32 s8, $0xFFFFF086  }
0x1c: {  	p1 =	slt.u32 s9, $0xF7A;
	s5 =	simm.s32 @!p2 $0x0  }
0x1d: {  	s5 =	simm.s32 @p1 $0x1;
	p0 =	seq.s32 s7, s2  }
0x1e: {  	s7 =	smul.u32 @!p0 $0xF7A, s2;
	p2 =	seq.s32 @!p0 s5, $0x0  }
0x1f: {  	s9 =	smul.u32 $0xF7A, s1;
	s8 =	simm.s32 @!p0 $0x1BF5;
	p2 =	por !p2, p0  }
0x20: {  	[sflag:s8] =	ssyncset.s32 @!p0 $0xFFFFF086;
	s6 =	sadd.s32 @!p0 s3, s7;
	s7 =	simm.s32 @!p0 $0x108  }
0x21: {  	s3 =	sadd.s32 s3, s9;
	s6 =	sadd.s32 @!p0 $0x88, s6;
	s7 =	simm.s32 @p2 $0x1082  }
0x22: {  	[simem:s7], [sflag:s8] =	dma.local @!p0 [hbm:s6], $0xF7A  }
0x23: {  	s9 =	sor.u32 $0xD0000000, s2;
	s6 =	simm.s32 $0x108;
	_ =	swait.ge @!p0 [sflag:s8], $0x0  }
0x24: {  	s3 =	sadd.s32 $0x88, s3;
	s6 =	simm.s32 @!p1 $0x1082;
	[sflag:s4] =	ssyncset.s32 $0xFFFFF086  }
0x25: {  	[simem:s6], [sflag:s4] =	dma.local [hbm:s3], $0xF7A  }
0x26: {  	[smem:$0x3F9B] =	sst s1;
	(tag) =	ssettag s2;
	_ =	strace s9  }
0x27: {  	s1 =	sld [smem:$0x3FAB]  }
0x28: {  	s2 =	sld [smem:$0x3FAC]  }
0x29: {  	s4 =	sld [smem:$0x3FAE]  }
0x2a: {  	p0 =	seq.s32 s5, $0x0;
	s5 =	sld [smem:$0x3FAF]  }
0x2b: {  	s6 =	sld [smem:$0x3FB0]  }
0x2c: {  	s7 =	sld [smem:$0x3FB1]  }
0x2d: {  	s3 =	simm.s32 $0x108;
	s8 =	sld [smem:$0x3FB2]  }
0x2e: {  	s3 =	simm.s32 @!p0 $0x1082;
	s9 =	sld [smem:$0x3FB3]  }
0x2f: {  	lr =	sadd.s32 s0, s3;
	s0 =	sld [smem:$0x3FAA]  }
0x30: {  	s3 =	sld [smem:$0x3FAD]  }
0x31: {  	[smem:$0x3FB6] =	sst s10  }
0x32: {  	s10 =	sld [smem:$0x3FB4];
	_ =	sdelay $0x3  }
0x33: {  	p0 =	seq.s32 s10, $0x1;
	s10 =	sld [smem:$0x3FB6];
	_ =	sdelay $0x3  }
0x34: {  	[smem:$0x3FB6] =	sst s10  }
0x35: {  	s10 =	sld [smem:$0x3FB5];
	_ =	sdelay $0x3  }
0x36: {  	p1 =	seq.s32 s10, $0x1;
	s10 =	sld [smem:$0x3FB6];
	_ =	sdelay $0x3  }
0x37: {  	[smem:$0x3FB6] =	sst s10  }
0x38: {  	s10 =	sld [smem:$0x3FB7]  }
0x39: {  	_ = 	snop;
	(pc) =	sbr.ind lr, $3  }
0x3a: {  	_ = 	snop  }
0x3b: {  	_ = 	snop  }
0x3c: {  	p2 =	seq.s32 s10, $0x1;
	s10 =	sld [smem:$0x3FB6]  }
0x3d: {  	_ =	shalt  }
0x3e: {  	_ =	shalt  }
0x3f: {  	_ =	shalt  }
0x40: {  	_ =	shalt  }
0x41: {  	_ =	shalt  }
0x42: {  	_ =	shalt  }
0x43: {  	_ =	shalt  }
0x44: {  	_ =	shalt  }
0x45: {  	_ =	shalt  }
0x46: {  	_ =	shalt  }
0x47: {  	_ =	shalt  }
0x48: {  	_ =	shalt  }
0x49: {  	_ =	shalt  }
0x4a: {  	_ =	shalt  }
0x4b: {  	_ =	shalt  }
0x4c: {  	_ =	shalt  }
0x4d: {  	_ =	shalt  }
0x4e: {  	_ =	shalt  }
0x4f: {  	_ =	shalt  }
0x50: {  	_ =	shalt  }
0x51: {  	_ =	shalt  }
0x52: {  	_ =	shalt  }
0x53: {  	_ =	shalt  }
0x54: {  	_ =	shalt  }
0x55: {  	_ =	shalt  }
0x56: {  	_ =	shalt  }
0x57: {  	_ =	shalt  }
0x58: {  	_ =	shalt  }
0x59: {  	_ =	shalt  }
0x5a: {  	_ =	shalt  }
0x5b: {  	_ =	shalt  }
0x5c: {  	_ =	shalt  }
0x5d: {  	_ =	shalt  }
0x5e: {  	_ =	shalt  }
0x5f: {  	_ =	shalt  }
0x60: {  	_ =	shalt  }
0x61: {  	_ =	shalt  }
0x62: {  	_ =	shalt  }
0x63: {  	_ =	shalt  }
0x64: {  	_ =	shalt  }
0x65: {  	_ =	shalt  }
0x66: {  	_ =	shalt  }
0x67: {  	_ =	shalt  }
0x68: {  	_ =	shalt  }
0x69: {  	_ =	shalt  }
0x6a: {  	_ =	shalt  }
0x6b: {  	_ =	shalt  }
0x6c: {  	_ =	shalt  }
0x6d: {  	_ =	shalt  }
0x6e: {  	_ =	shalt  }
0x6f: {  	_ =	shalt  }
0x70: {  	_ =	shalt  }
0x71: {  	_ =	shalt  }
0x72: {  	_ =	shalt  }
0x73: {  	_ =	shalt  }
0x74: {  	_ =	shalt  }
0x75: {  	_ =	shalt  }
0x76: {  	_ =	shalt  }
0x77: {  	_ =	shalt  }
0x78: {  	_ =	shalt  }
0x79: {  	_ =	shalt  }
0x7a: {  	_ =	shalt  }
0x7b: {  	_ =	shalt  }
0x7c: {  	_ =	shalt  }
0x7d: {  	_ =	shalt  }
0x7e: {  	_ =	shalt  }
0x7f: {  	_ =	shalt  }
0x80: {  	_ =	shalt  }
0x81: {  	_ =	shalt  }
0x82: {  	_ =	shalt  }
0x83: {  	_ =	shalt  }
0x84: {  	_ =	shalt  }
0x85: {  	_ =	shalt  }
0x86: {  	_ =	shalt  }
0x87: {  	_ =	shalt  }
.Lfunc_end0:
.L_simem_size_0:
called_computation.1_lowered:
.L_overlay_start_0:
0x88: {  	s2 =	sld [smem:$0x3FD9]  }
0x89: {  	s3 =	sld [smem:$0x3FFE];
	_ =	sdelay $0x1  }
0x8a: {  	s1 =	srdreg.scid  }
0x8b: {  	s0 =	sand.u32 $0x1, s1  }
0x8c: {  	s17 =	sshll.u32 s0, $0xA;
	s2 =	sadd.s32 s3, s2  }
0x8d: {  	s2 =	sadd.s32 s2, s17  }
0x8e: {  	[smem:$0x3FC2] =	sst s2  }
0x8f: {  	_ = 	snop  }
0x90: {  	s2 =	sld [smem:$0x3FD0];
	(tm) =	ssettm $0x1  }
0x91: {  	s18 =	sld [smem:$0x3FFB];
	_ =	sdelay $0x3  }
0x92: {  	_ =	strace s18  }
0x93: {  	s3 =	sld [smem:$0x3FFC];
	_ =	sdelay $0x3  }
0x94: {  	_ =	strace s3  }
0x95: {  	s3 =	sld [smem:$0x3FFD];
	_ =	sdelay $0x3  }
0x96: {  	_ =	strace s3  }
0x97: {  	_ =	strace $0x8FFFFFFF  }
0x98: {  	s19 =	sld [smem:$0x3FDB];
	_ =	sdelay $0x1  }
0x99: {  	s4 =	simm.s32 $_scs_section_size  }
0x9a: {  	s5 =	simm.s32 $_size__tile_overlayer_lowered;
	s6 =	simm.s32 $_tile_overlayer_lowered  }
0x9b: {  	s22 =	simm.s32 $0x1BFF;
	s21 =	sshll.u32 s6, $0x1;
	s3 =	sadd.s32 s4, s19  }
0x9c: {  	s7 =	simm.s32 $0x0;
	s20 =	sshll.u32 s5, $0x1;
	s5 =	sadd.s32 s21, s3  }
0x9d: {  	[timem:s7], [sflag:s22] =	dma.local [hbm:s5], s20  }
0x9e: {  	_ =	swait.ge [sflag:s22], s20  }
0x9f: {  	s4 =	ssub.s32 $0x0, s20;
	[sflag:s22] =	ssyncset.done $0x0  }
0xa0: {  	[sflag:s22] =	ssyncadd.s32 s4;
	_ =	sdelay $0x1  }
0xa1: {  	s23 =	simm.s32 $0x1B8B  }
0xa2: {  	_ =	swait.ge [sflag:s23], $0x1  }
0xa3: {  	[sflag:s23] =	ssyncset.done $0x0  }
0xa4: {  	s25 =	simm.s32 $0x1B8E;
	s24 =	sld [smem:$0x3FFE];
	[sflag:s23] =	ssyncadd.s32 $0xFFFFFFFF  }
0xa5: {  	s26 =	simm.s32 $execute0_lowered;
	[smem:$0x3FD2] =	sst s25  }
0xa6: {  	s5 =	sshll.u32 s26, $0x1;
	_ =	strace $0x80000049;
	[dreg:$0x1] =	wrdreg $0xFFFFFFFF  }
0xa7: {  	s28 =	simm.s32 $_size_execute0_lowered;
	s3 =	sadd.s32 s3, s5;
	[dreg:$0x0] =	wrdreg $0x0  }
0xa8: {  	s5 =	sshll.u32 s28, $0x1;
	[dreg:$0x2] =	wrdreg s3  }
0xa9: {  	[dreg:$0x3] =	wrdreg s5  }
0xaa: {  	[dreg:$0x4] =	wrdreg $0xC0  }
0xab: {  	_ =	task [dreg:s7], $0x5FFFF  }
0xac: {  	[dreg:$0x1] =	wrdreg $0xFFFFFFFF  }
0xad: {  	[dreg:$0x0] =	wrdreg $0x60  }
0xae: {  	[dreg:$0x2] =	wrdreg s2  }
0xaf: {  	[dreg:$0x3] =	wrdreg s24  }
0xb0: {  	[dreg:$0x4] =	wrdreg $0x15A000  }
0xb1: {  	[dreg:$0x5] =	wrdreg $0x9  }
0xb2: {  	_ =	task.clear_ibuf [dreg:s7], $0x6FFFF;
	_ =	strace $0x90000049  }
0xb3: {  	s29 =	simm.s32 $0x9;
	_ =	strace $0x80000050  }
0xb4: {  	_ =	swait.ge [sflag:s29], $0x1  }
0xb5: {  	[sflag:s29] =	ssyncadd.s32 $0xFFFFFFFF  }
0xb6: {  	_ =	strace $0x90000050  }
0xb7: {  	_ =	sfence  }
0xb8: {  	s30 =	sld [smem:$0x0];
	_ =	sdelay $0x2  }
0xb9: {  	s31 =	sshll.u32 s1, $0xD;
	s1 =	sshrl.u32 s1, $0x2  }
0xba: {  	s3 =	sand.u32 $0x4000, s31;
	s1 =	sadd.s32 s1, s30  }
0xbb: {  	s0 =	sor.u32 s3, s0;
	s1 =	sshll.u32 s1, $0x11  }
0xbc: {  	s0 =	sor.u32 s1, s0  }
0xbd: {  	s0 =	sadd.s32 $0x8F2B, s0  }
0xbe: {  	[sflag:s0] =	ssyncadd.remote.s32 $0x1  }
0xbf: {  	_ =	sfence.sel $0xFFFF  }
0xc0: {  	[dreg:$0x0] =	wrdreg $0xFFFFFFFF;
	(pc) =	sbr.abs _section_cstart, $3  }
0xc1: {  	[dreg:$0x1] =	wrdreg $0xFFFFFFFF  }
0xc2: {  	_ =	task.clear_ibuf [dreg:s7], $0x2FFFF;
	_ =	strace $0x9FFFFFFF  }
0xc3: {  	(tm) =	ssettm $0x7FFFFFFF  }
tec
execute0_lowered:
.L_overlay_start_1:
0x0: {  	(tag) =	ssettag $0x1  }
0x1: {  	s0 =	rddreg [dreg:$0x0]  }
0x2: {  	s2 =	rddreg [dreg:$0x1]  }
0x3: {  	s1 =	srdreg.scid;
	s3 =	rddreg [dreg:$0x2]  }
0x4: {  	s19 =	stileid.u32;
	s29 =	simm.s32 $0x6;
	s28 =	simm.s32 $0x5  }
0x5: {  	s1 =	sand.u32 $0x1, s1;
	s6 =	smul.u32 $0x9C00, s19;
	s7 =	sadd.s32 $0x2C600, s2  }
0x6: {  	s8 =	sadd.s32 $0x40000, s2;
	p1 =	sne.s32 s19, $0xF;
	p2 =	seq.s32 s19, $0xF  }
0x7: {  	s31 =	sadd.s32 $0x9C000, s3;
	s4 =	ssub.s32 $0x2, s1;
	p0 =	sne.s32 s1, $0x0  }
0x8: {  	s5 =	sshrl.u32 s4, $0x1;
	s9 =	sadd.s32 $0x3400, s6;
	s10 =	sadd.s32 $0x4E00, s6  }
0x9: {  	s11 =	sadd.s32 $0x6800, s6;
	s12 =	sadd.s32 $0x8200, s6;
	s13 =	sshrl.u32 s6, $0x3  }
0xa: {  	s4 =	ssub.s32 s4, s5;
	s5 =	sadd.s32 $0x1A00, s6;
	s14 =	sadd.s32 s8, s13  }
0xb: {  	s15 =	sshrl.u32 s9, $0x3;
	s21 =	sadd.s32 s7, s13;
	[dreg:$0x4] =	wrdreg s14  }
0xc: {  	s25 =	sshrl.u32 s10, $0x3;
	s24 =	sadd.s32 s8, s15;
	[dreg:$0xa] =	wrdreg s21  }
0xd: {  	s26 =	sshrl.u32 s11, $0x3;
	s17 =	sadd.s32 s8, s25;
	[dreg:$0x6] =	wrdreg s24  }
0xe: {  	s23 =	sshrl.u32 s5, $0x3;
	s20 =	sadd.s32 s8, s26;
	[dreg:$0x7] =	wrdreg s17  }
0xf: {  	s18 =	sshrl.u32 s12, $0x3;
	s16 =	sadd.s32 s8, s23;
	[dreg:$0x8] =	wrdreg s20  }
0x10: {  	s30 =	sadd.s32 s5, s3;
	s8 =	sadd.s32 s8, s18;
	[dreg:$0x5] =	wrdreg s16  }
0x11: {  	s14 =	sadd.s32 s9, s3;
	s22 =	sadd.s32 s7, s23;
	[dreg:$0x9] =	wrdreg s8  }
0x12: {  	s21 =	sadd.s32 $0x3C00, s2;
	s23 =	sadd.s32 s7, s15;
	[dreg:$0xb] =	wrdreg s22  }
0x13: {  	s5 =	simm.s32 $0x80;
	s24 =	sadd.s32 s7, s25;
	[dreg:$0xc] =	wrdreg s23  }
0x14: {  	s9 =	simm.s32 $0xE000;
	s25 =	sadd.s32 s7, s26;
	[dreg:$0xd] =	wrdreg s24  }
0x15: {  	s15 =	simm.s32 $0x0;
	s7 =	sadd.s32 s7, s18;
	[dreg:$0xe] =	wrdreg s25  }
0x16: {  	s26 =	smul.u32 $0xA00, s19;
	s18 =	sadd.s32 s6, s3;
	[dreg:$0xf] =	wrdreg s7  }
0x17: {  	s17 =	sadd.s32 s11, s3;
	s6 =	simm.s32 $0xA000;
	[smem:$0x7FF] =	sst s15  }
0x18: {  	s16 =	sadd.s32 s10, s3;
	_ =	strace $0x8000004A;
	[dreg:$0x10] =	wrdreg s14  }
0x19: {  	s11 =	simm.s32 $0x10000;
	s22 =	sadd.s32 s12, s3;
	[dreg:$0x11] =	wrdreg s16  }
0x1a: {  	s25 =	sadd.s32 $0x18C00, s2;
	s23 =	sadd.s32 $0x53800, s2;
	[dreg:$0x12] =	wrdreg s17  }
0x1b: {  	s24 =	sadd.s32 $0x3FE00, s2;
	s12 =	simm.s32 $0x5000;
	[dreg:$0x15] =	wrdreg s21  }
0x1c: {  	s7 =	simm.s32 $0xC000;
	s10 =	simm.s32 $0x3;
	[dreg:$0x16] =	wrdreg s23  }
0x1d: {  	s13 =	sadd.s32 s26, s2;
	[dreg:$0x17] =	wrdreg s24;
	s26 =	smax.u32 s4, $0x1  }
.Ltmp0:
0x1e: {  	s2 =	simm.s32 $0xB;
	s14 =	simm.s32 $0x1;
	(pc) =	sbr.rel .LBB2_1-.Ltmp0, $4  }
0x1f: {  	s16 =	simm.s32 $0x2;
	s23 =	simm.s32 $0x8;
	s24 =	simm.s32 $0x9  }
0x20: {  	s4 =	simm.s32 $0x0;
	s20 =	sadd.s32 $0x4C00, s13;
	[dreg:$0x18] =	wrdreg s26  }
0x21: {  	s1 =	sadd.s32 $0xEC00, s13;
	s13 =	simm.s32 $0x12000;
	[dreg:$0x13] =	wrdreg s20  }
0x22: {  	s26 =	simm.s32 $0xA;
	[dreg:$0x14] =	wrdreg s1;
	s1 =	simm.s32 $0x14000  }
.LBB2_9:
0x23: {  	_ =	swait.ge [sflag:s24], $0x2000  }
0x24: {  	[sflag:s24] =	ssyncset.done $0x0  }
0x25: {  	[sflag:s24] =	ssyncadd.s32 $0xFFFFE000  }
0x26: {  	_ =	swait.ge [sflag:s26], $0x2000  }
0x27: {  	[sflag:s26] =	ssyncset.done $0x0  }
0x28: {  	[sflag:s26] =	ssyncadd.s32 $0xFFFFE000  }
0x29: {  	_ =	strace $0x9000004D  }
0x2a: {  	[bflag:$0x0] =	sbarrier.arrive $0xFFFF  }
0x2b: {  	_ =	strace $0x8000004F  }
0x2c: {  	[tilespmem:s1], [sflag:$0xB] =	stream.linear.gather [spmem:s20], $0x1A00, $0x200038;
	[tilespmem:$0x1F660] =	vst v63  }
0x2d: {  	_ =	swait.ge [sflag:s2], $0x1A00  }
0x2e: {  	[sflag:s2] =	ssyncset.done $0x0  }
0x2f: {  	s8 =	rddreg [dreg:$0x4];
	[sflag:s2] =	ssyncadd.s32 $0xFFFFE600  }
0x30: {  	[hbm4b:s8+s15] =	stream.linear.scatter [tilespmem:s1], [sflag:$0xB], $0x1A00, $0x200038;
	[tilespmem:$0x1F660] =	vst v63  }
0x31: {  	_ =	swait.ge [sflag:s2], $0x1A00  }
0x32: {  	[sflag:s2] =	ssyncset.done $0x0  }
0x33: {  	[sflag:s2] =	ssyncadd.s32 $0xFFFFE600  }
0x34: {  	[tilespmem:s1], [sflag:$0xB] =	stream.linear.gather [spmem:s21], $0x1A00, $0x200038;
	[tilespmem:$0x1F660] =	vst v63  }
0x35: {  	_ =	swait.ge [sflag:s2], $0x1A00  }
0x36: {  	[sflag:s2] =	ssyncset.done $0x0  }
0x37: {  	s12 =	rddreg [dreg:$0x5];
	[sflag:s2] =	ssyncadd.s32 $0xFFFFE600  }
0x38: {  	[hbm4b:s12+s15] =	stream.linear.scatter [tilespmem:s1], [sflag:$0xB], $0x1A00, $0x200038;
	[tilespmem:$0x1F660] =	vst v63  }
0x39: {  	_ =	swait.ge [sflag:s2], $0x1A00  }
0x3a: {  	[sflag:s2] =	ssyncset.done $0x0  }
0x3b: {  	s17 =	rddreg [dreg:$0x10];
	[sflag:s2] =	ssyncadd.s32 $0xFFFFE600  }
0x3c: {  	[tilespmem:s1], [sflag:$0xB] =	stream.linear.gather [spmem:s17], $0x1A00, $0x200038;
	[tilespmem:$0x1F660] =	vst v63  }
0x3d: {  	_ =	swait.ge [sflag:s2], $0x1A00  }
0x3e: {  	[sflag:s2] =	ssyncset.done $0x0  }
0x3f: {  	s18 =	rddreg [dreg:$0x6];
	[sflag:s2] =	ssyncadd.s32 $0xFFFFE600  }
0x40: {  	[hbm4b:s18+s15] =	stream.linear.scatter [tilespmem:s1], [sflag:$0xB], $0x1A00, $0x200038;
	[tilespmem:$0x1F660] =	vst v63  }
0x41: {  	_ =	swait.ge [sflag:s2], $0x1A00  }
0x42: {  	[sflag:s2] =	ssyncset.done $0x0  }
0x43: {  	s19 =	rddreg [dreg:$0x11];
	[sflag:s2] =	ssyncadd.s32 $0xFFFFE600  }
0x44: {  	[tilespmem:s1], [sflag:$0xB] =	stream.linear.gather [spmem:s19], $0x1A00, $0x200038;
	[tilespmem:$0x1F660] =	vst v63  }
0x45: {  	_ =	swait.ge [sflag:s2], $0x1A00  }
0x46: {  	[sflag:s2] =	ssyncset.done $0x0  }
0x47: {  	s12 =	rddreg [dreg:$0x7];
	[sflag:s2] =	ssyncadd.s32 $0xFFFFE600  }
0x48: {  	[hbm4b:s12+s15] =	stream.linear.scatter [tilespmem:s1], [sflag:$0xB], $0x1A00, $0x200038;
	[tilespmem:$0x1F660] =	vst v63  }
0x49: {  	_ =	swait.ge [sflag:s2], $0x1A00  }
0x4a: {  	[sflag:s2] =	ssyncset.done $0x0  }
0x4b: {  	s17 =	rddreg [dreg:$0x12];
	[sflag:s2] =	ssyncadd.s32 $0xFFFFE600  }
0x4c: {  	[tilespmem:s1], [sflag:$0xB] =	stream.linear.gather [spmem:s17], $0x1A00, $0x200038;
	[tilespmem:$0x1F660] =	vst v63  }
0x4d: {  	_ =	swait.ge [sflag:s2], $0x1A00  }
0x4e: {  	[sflag:s2] =	ssyncset.done $0x0  }
0x4f: {  	s18 =	rddreg [dreg:$0x8];
	[sflag:s2] =	ssyncadd.s32 $0xFFFFE600  }
0x50: {  	[hbm4b:s18+s15] =	stream.linear.scatter [tilespmem:s1], [sflag:$0xB], $0x1A00, $0x200038;
	[tilespmem:$0x1F660] =	vst v63  }
0x51: {  	_ =	swait.ge [sflag:s2], $0x1A00  }
0x52: {  	[sflag:s2] =	ssyncset.done $0x0  }
0x53: {  	[sflag:s2] =	ssyncadd.s32 $0xFFFFE600  }
0x54: {  	[tilespmem:s1], [sflag:$0xB] =	stream.linear.gather [spmem:s22], $0x1A00, $0x200038;
	[tilespmem:$0x1F660] =	vst v63  }
0x55: {  	_ =	swait.ge [sflag:s2], $0x1A00  }
0x56: {  	[sflag:s2] =	ssyncset.done $0x0  }
0x57: {  	s19 =	rddreg [dreg:$0x9];
	[sflag:s2] =	ssyncadd.s32 $0xFFFFE600  }
0x58: {  	[hbm4b:s19+s15] =	stream.linear.scatter [tilespmem:s1], [sflag:$0xB], $0x1A00, $0x200038;
	[tilespmem:$0x1F660] =	vst v63  }
0x59: {  	_ =	swait.ge [sflag:s2], $0x1A00  }
0x5a: {  	[sflag:s2] =	ssyncset.done $0x0  }
0x5b: {  	s8 =	simm.s32 @p2 $0xA000;
	s12 =	simm.s32 @p2 $0xB;
	[sflag:s2] =	ssyncadd.s32 $0xFFFFE600  }
0x5c: {  	[tilespmem:s8], [sflag:$0xB] =	stream.linear.gather @p2 [spmem:s31], $0x400, $0x200038;
	[tilespmem:$0x1F660] =	vst v63  }
0x5d: {  	_ =	swait.ge @p2 [sflag:s12], $0x400  }
0x5e: {  	[sflag:s12] =	ssyncset.done @p2 $0x0  }
0x5f: {  	s17 =	simm.s32 @p2 $0x0;
	s19 =	rddreg [dreg:$0x16];
	[sflag:s12] =	ssyncadd.s32 @p2 $0xFFFFFC00  }
0x60: {  	[hbm4b:s19+s17] =	stream.linear.scatter @p2 [tilespmem:s8], [sflag:$0xB], $0x400, $0x200038;
	[tilespmem:$0x1F660] =	vst v63  }
0x61: {  	_ =	swait.ge @p2 [sflag:s12], $0x400  }
0x62: {  	[sflag:s12] =	ssyncset.done @p2 $0x0  }
0x63: {  	s30 =	smov.u32 s21;
	[sflag:s12] =	ssyncadd.s32 @p2 $0xFFFFFC00  }
0x64: {  	s18 =	smov.u32 s20;
	s12 =	simm.s32 $0x5000;
	_ =	strace $0x9000004F  }
.LBB2_10:
0x65: {  	s4 =	sadd.s32 $0x1, s4;
	s8 =	rddreg [dreg:$0x18]  }
0x66: {  	p3 =	sne.s32 s4, s8  }
.Ltmp1:
0x67: {  	_ = 	snop;
	(pc) =	sbr.rel @!p3 .LBB2_11-.Ltmp1, $1  }
0x68: {  	_ =	sdelay $0x3  }
.LBB2_1:
0x69: {  	_ =	strace $0x8000004B  }
0x6a: {  	s8 =	rddreg [dreg:$0x15]  }
0x6b: {  	[tilespmem:s1], [sflag:$0xB] =	stream.linear.gather [hbm4b:s8+s15], $0x1A00, $0x200038;
	[tilespmem:$0x1F660] =	vst v63  }
0x6c: {  	_ =	swait.ge [sflag:s2], $0x1A00  }
0x6d: {  	[sflag:s2] =	ssyncset.done $0x0  }
0x6e: {  	[sflag:s2] =	ssyncadd.s32 $0xFFFFE600  }
0x6f: {  	[spmem:s18] =	stream.linear.scatter [tilespmem:s1], [sflag:$0xB], $0x1A00, $0x200038;
	[tilespmem:$0x1F660] =	vst v63  }
0x70: {  	_ =	swait.ge [sflag:s2], $0x1A00  }
0x71: {  	[sflag:s2] =	ssyncset.done $0x0  }
0x72: {  	[sflag:s2] =	ssyncadd.s32 $0xFFFFE600  }
0x73: {  	[spmem:s30] =	stream.linear.scatter [tilespmem:s1], [sflag:$0xB], $0x1A00, $0x200038;
	[tilespmem:$0x1F660] =	vst v63  }
0x74: {  	_ =	swait.ge [sflag:s2], $0x1A00  }
0x75: {  	[sflag:s2] =	ssyncset.done $0x0  }
0x76: {  	s20 =	smov.u32 s18;
	s18 =	rddreg [dreg:$0x10];
	[sflag:s2] =	ssyncadd.s32 $0xFFFFE600  }
0x77: {  	[spmem:s18] =	stream.linear.scatter [tilespmem:s1], [sflag:$0xB], $0x1A00, $0x200038;
	[tilespmem:$0x1F660] =	vst v63  }
0x78: {  	_ =	swait.ge [sflag:s2], $0x1A00  }
0x79: {  	[sflag:s2] =	ssyncset.done $0x0  }
0x7a: {  	s19 =	rddreg [dreg:$0x11];
	[sflag:s2] =	ssyncadd.s32 $0xFFFFE600  }
0x7b: {  	[spmem:s19] =	stream.linear.scatter [tilespmem:s1], [sflag:$0xB], $0x1A00, $0x200038;
	[tilespmem:$0x1F660] =	vst v63  }
0x7c: {  	_ =	swait.ge [sflag:s2], $0x1A00  }
0x7d: {  	[sflag:s2] =	ssyncset.done $0x0  }
0x7e: {  	s17 =	rddreg [dreg:$0x12];
	[sflag:s2] =	ssyncadd.s32 $0xFFFFE600  }
0x7f: {  	[spmem:s17] =	stream.linear.scatter [tilespmem:s1], [sflag:$0xB], $0x1A00, $0x200038;
	[tilespmem:$0x1F660] =	vst v63  }
0x80: {  	_ =	swait.ge [sflag:s2], $0x1A00  }
0x81: {  	[sflag:s2] =	ssyncset.done $0x0  }
0x82: {  	[sflag:s2] =	ssyncadd.s32 $0xFFFFE600  }
0x83: {  	[spmem:s22] =	stream.linear.scatter [tilespmem:s1], [sflag:$0xB], $0x1A00, $0x200038;
	[tilespmem:$0x1F660] =	vst v63  }
0x84: {  	_ =	swait.ge [sflag:s2], $0x1A00  }
0x85: {  	[sflag:s2] =	ssyncset.done $0x0  }
0x86: {  	s8 =	simm.s32 @!p1 $0x14000;
	[sflag:s2] =	ssyncadd.s32 $0xFFFFE600  }
0x87: {  	[spmem:s31] =	stream.linear.scatter @!p1 [tilespmem:s8], [sflag:$0xB], $0x400, $0x200038;
	[tilespmem:$0x1F660] =	vst v63  }
0x88: {  	s8 =	simm.s32 @!p1 $0xB  }
0x89: {  	_ =	swait.ge @!p1 [sflag:s8], $0x400  }
0x8a: {  	[sflag:s8] =	ssyncset.done @!p1 $0x0  }
0x8b: {  	s18 =	rddreg [dreg:$0x13];
	[sflag:s8] =	ssyncadd.s32 @!p1 $0xFFFFFC00  }
0x8c: {  	[tilespmem:s15], [sflag:$0xB] =	stream.linear.gather [hbm4b:s18+s15], $0x5000, $0x200038;
	[tilespmem:$0x1F660] =	vst v63  }
0x8d: {  	_ =	swait.ge [sflag:s2], $0x5000  }
0x8e: {  	[sflag:s2] =	ssyncset.done $0x0  }
0x8f: {  	s19 =	rddreg [dreg:$0x14];
	[sflag:s2] =	ssyncadd.s32 $0xFFFFB000  }
0x90: {  	[tilespmem:s12], [sflag:$0xB] =	stream.linear.gather [hbm4b:s19+s15], $0x5000, $0x200038;
	[tilespmem:$0x1F660] =	vst v63  }
.Ltmp2:
0x91: {  	_ =	swait.ge [sflag:s2], $0x5000;
	(pc) =	sbr.rel @p0 .LBB2_5-.Ltmp2, $4  }
0x92: {  	[sflag:s2] =	ssyncset.done $0x0  }
0x93: {  	[sflag:s2] =	ssyncadd.s32 $0xFFFFB000  }
0x94: {  	[bflag:$0x0] =	sbarrier.arrive $0xFFFF  }
0x95: {  	s21 =	smov.u32 s30;
	s30 =	simm.s32 $0x0;
	_ =	strace $0x9000004B  }
0x96: {  	[tilespmem:s6], [sflag:$0x1] =	stream.indirect.gather [hbm4b:s0+s5], $0x40, s30, s5, $0xb8;
	[tilespmem:$0x1F660] =	vst v63  }
0x97: {  	_ = 	snop  }
0x98: {  	[tilespmem:s7], [sflag:$0x2] =	stream.indirect.gather [hbm4b:s0+s5], $0x40, s5, s5, $0xb8;
	[tilespmem:$0x1F660] =	vst v63  }
0x99: {  	s8 =	simm.s32 $0x100  }
0x9a: {  	[tilespmem:s9], [sflag:$0x3] =	stream.indirect.gather [hbm4b:s0+s5], $0x40, s8, s5, $0xb8;
	[tilespmem:$0x1F660] =	vst v63  }
0x9b: {  	s17 =	simm.s32 $0x180  }
0x9c: {  	[tilespmem:s11], [sflag:$0x4] =	stream.indirect.gather [hbm4b:s0+s5], $0x40, s17, s5, $0xb8;
	[tilespmem:$0x1F660] =	vst v63  }
0x9d: {  	s18 =	simm.s32 $0x200  }
0x9e: {  	[tilespmem:s13], [sflag:$0x5] =	stream.indirect.gather [hbm4b:s0+s5], $0x40, s18, s5, $0xb8;
	[tilespmem:$0x1F660] =	vst v63  }
0x9f: {  	_ =	strace $0x8000004C  }
0xa0: {  	_ =	swait.ge [sflag:s14], $0x2000  }
0xa1: {  	[sflag:s14] =	ssyncset.done $0x0  }
0xa2: {  	[sflag:s14] =	ssyncadd.s32 $0xFFFFE000  }
0xa3: {  	[spmem:s3] =	stream.indirect.scatter.add.f32 [tilespmem:s6], [sflag:$0x6], $0x40, s12, s5, $0x2000b8;
	[tilespmem:$0x1F660] =	vst v63  }
0xa4: {  	_ =	swait.ge [sflag:s16], $0x2000  }
0xa5: {  	[sflag:s16] =	ssyncset.done $0x0  }
0xa6: {  	s19 =	simm.s32 $0x5080;
	[sflag:s16] =	ssyncadd.s32 $0xFFFFE000  }
0xa7: {  	[spmem:s3] =	stream.indirect.scatter.add.f32 [tilespmem:s7], [sflag:$0x7], $0x40, s19, s5, $0x2000b8;
	[tilespmem:$0x1F660] =	vst v63  }
0xa8: {  	_ =	swait.ge [sflag:s10], $0x2000  }
0xa9: {  	[sflag:s10] =	ssyncset.done $0x0  }
0xaa: {  	s12 =	simm.s32 $0x5100;
	[sflag:s10] =	ssyncadd.s32 $0xFFFFE000  }
0xab: {  	[spmem:s3] =	stream.indirect.scatter.add.f32 [tilespmem:s9], [sflag:$0x8], $0x40, s12, s5, $0x2000b8;
	[tilespmem:$0x1F660] =	vst v63  }
0xac: {  	_ =	swait.ge [sflag:s29], $0x2000  }
0xad: {  	[sflag:s29] =	ssyncset.done $0x0  }
0xae: {  	s17 =	simm.s32 $0x280;
	s18 =	simm.s32 $0x4;
	[sflag:s29] =	ssyncadd.s32 $0xFFFFE000  }
0xaf: {  	[tilespmem:s6], [sflag:$0x1] =	stream.indirect.gather [hbm4b:s0+s5], $0x40, s17, s5, $0x2000b8;
	[tilespmem:$0x1F660] =	vst v63  }
0xb0: {  	_ =	swait.ge [sflag:s18], $0x2000  }
0xb1: {  	[sflag:s18] =	ssyncset.done $0x0  }
0xb2: {  	s19 =	simm.s32 $0x5180;
	s12 =	simm.s32 $0x7;
	[sflag:s18] =	ssyncadd.s32 $0xFFFFE000  }
0xb3: {  	[spmem:s3] =	stream.indirect.scatter.add.f32 [tilespmem:s11], [sflag:$0x9], $0x40, s19, s5, $0x2000b8;
	[tilespmem:$0x1F660] =	vst v63  }
0xb4: {  	_ =	swait.ge [sflag:s12], $0x2000  }
0xb5: {  	[sflag:s12] =	ssyncset.done $0x0  }
0xb6: {  	s17 =	simm.s32 $0x300;
	[sflag:s12] =	ssyncadd.s32 $0xFFFFE000  }
0xb7: {  	[tilespmem:s7], [sflag:$0x2] =	stream.indirect.gather [hbm4b:s0+s5], $0x40, s17, s5, $0x2000b8;
	[tilespmem:$0x1F660] =	vst v63  }
0xb8: {  	_ =	swait.ge [sflag:s28], $0x2000  }
0xb9: {  	[sflag:s28] =	ssyncset.done $0x0  }
0xba: {  	s18 =	simm.s32 $0x5200;
	[sflag:s28] =	ssyncadd.s32 $0xFFFFE000  }
0xbb: {  	[spmem:s3] =	stream.indirect.scatter.add.f32 [tilespmem:s13], [sflag:$0xA], $0x40, s18, s5, $0x2000b8;
	[tilespmem:$0x1F660] =	vst v63  }
0xbc: {  	_ =	swait.ge [sflag:s23], $0x2000  }
0xbd: {  	[sflag:s23] =	ssyncset.done $0x0  }
0xbe: {  	s19 =	simm.s32 $0x380;
	[sflag:s23] =	ssyncadd.s32 $0xFFFFE000  }
0xbf: {  	[tilespmem:s9], [sflag:$0x3] =	stream.indirect.gather [hbm4b:s0+s5], $0x40, s19, s5, $0x2000b8;
	[tilespmem:$0x1F660] =	vst v63  }
.LBB2_3:
0xc0: {  	_ =	swait.ge [sflag:s14], $0x2000  }
0xc1: {  	s8 =	sshra.s32 s30, $0x2;
	[sflag:s14] =	ssyncset.done $0x0  }
0xc2: {  	s12 =	sadd.s32 $0x5280, s8;
	[sflag:s14] =	ssyncadd.s32 $0xFFFFE000  }
0xc3: {  	[spmem:s3] =	stream.indirect.scatter.add.f32 [tilespmem:s6], [sflag:$0x6], $0x40, s12, s5, $0x2000b8;
	[tilespmem:$0x1F660] =	vst v63  }
0xc4: {  	_ =	swait.ge [sflag:s24], $0x2000  }
0xc5: {  	[sflag:s24] =	ssyncset.done $0x0  }
0xc6: {  	s18 =	sadd.s32 $0x400, s8;
	[sflag:s24] =	ssyncadd.s32 $0xFFFFE000  }
0xc7: {  	[tilespmem:s11], [sflag:$0x4] =	stream.indirect.gather [hbm4b:s0+s5], $0x40, s18, s5, $0x2000b8;
	[tilespmem:$0x1F660] =	vst v63  }
0xc8: {  	_ =	swait.ge [sflag:s16], $0x2000  }
0xc9: {  	[sflag:s16] =	ssyncset.done $0x0  }
0xca: {  	s19 =	sadd.s32 $0x5300, s8;
	[sflag:s16] =	ssyncadd.s32 $0xFFFFE000  }
0xcb: {  	[spmem:s3] =	stream.indirect.scatter.add.f32 [tilespmem:s7], [sflag:$0x7], $0x40, s19, s5, $0x2000b8;
	[tilespmem:$0x1F660] =	vst v63  }
0xcc: {  	_ =	swait.ge [sflag:s26], $0x2000  }
0xcd: {  	[sflag:s26] =	ssyncset.done $0x0  }
0xce: {  	s17 =	sadd.s32 $0x480, s8;
	[sflag:s26] =	ssyncadd.s32 $0xFFFFE000  }
0xcf: {  	[tilespmem:s13], [sflag:$0x5] =	stream.indirect.gather [hbm4b:s0+s5], $0x40, s17, s5, $0x2000b8;
	[tilespmem:$0x1F660] =	vst v63  }
0xd0: {  	_ =	swait.ge [sflag:s10], $0x2000  }
0xd1: {  	[sflag:s10] =	ssyncset.done $0x0  }
0xd2: {  	s18 =	sadd.s32 $0x5380, s8;
	[sflag:s10] =	ssyncadd.s32 $0xFFFFE000  }
0xd3: {  	[spmem:s3] =	stream.indirect.scatter.add.f32 [tilespmem:s9], [sflag:$0x8], $0x40, s18, s5, $0x2000b8;
	[tilespmem:$0x1F660] =	vst v63  }
0xd4: {  	_ =	swait.ge [sflag:s29], $0x2000  }
0xd5: {  	p3 =	seq.s32 s30, $0x12C00;
	[sflag:s29] =	ssyncset.done $0x0  }
0xd6: {  	s12 =	simm.s32 @p3 $0x4;
	[sflag:s29] =	ssyncadd.s32 $0xFFFFE000  }
0xd7: {  	_ =	swait.ge @p3 [sflag:s12], $0x2000  }
0xd8: {  	[sflag:s12] =	ssyncset.done @p3 $0x0  }
0xd9: {  	[sflag:s12] =	ssyncadd.s32 @p3 $0xFFFFE000;
	s12 =	sshra.s32 @p3 s30, $0x2  }
0xda: {  	s17 =	simm.s32 @p3 $0x80;
	s18 =	simm.s32 @p3 $0x10000;
	s12 =	sadd.s32 @p3 $0x5400, s12  }
0xdb: {  	[spmem:s3] =	stream.indirect.scatter.add.f32 @p3 [tilespmem:s18], [sflag:$0x9], $0x40, s12, s17, $0x2000b8;
	[tilespmem:$0x1F660] =	vst v63  }
0xdc: {  	s12 =	simm.s32 @p3 $0x7  }
0xdd: {  	_ =	swait.ge @p3 [sflag:s12], $0x2000  }
0xde: {  	[sflag:s12] =	ssyncset.done @p3 $0x0  }
0xdf: {  	[sflag:s12] =	ssyncadd.s32 @p3 $0xFFFFE000;
	s12 =	sshra.s32 @!p3 s30, $0x2  }
0xe0: {  	s19 =	simm.s32 @!p3 $0xA000;
	s18 =	simm.s32 @!p3 $0x80;
	s17 =	sadd.s32 @!p3 $0x500, s12  }
0xe1: {  	[tilespmem:s19], [sflag:$0x1] =	stream.indirect.gather @!p3 [hbm4b:s0+s18], $0x40, s17, s18, $0x2000b8;
	[tilespmem:$0x1F660] =	vst v63  }
0xe2: {  	s17 =	simm.s32 @!p3 $0x4  }
0xe3: {  	_ =	swait.ge @!p3 [sflag:s17], $0x2000  }
0xe4: {  	[sflag:s17] =	ssyncset.done @!p3 $0x0  }
0xe5: {  	s19 =	simm.s32 @!p3 $0x10000;
	[sflag:s17] =	ssyncadd.s32 @!p3 $0xFFFFE000;
	s17 =	sadd.s32 @!p3 $0x5400, s12  }
0xe6: {  	[spmem:s3] =	stream.indirect.scatter.add.f32 @!p3 [tilespmem:s19], [sflag:$0x9], $0x40, s17, s18, $0x2000b8;
	[tilespmem:$0x1F660] =	vst v63  }
0xe7: {  	s17 =	simm.s32 @!p3 $0x7  }
0xe8: {  	_ =	swait.ge @!p3 [sflag:s17], $0x2000  }
0xe9: {  	[sflag:s17] =	ssyncset.done @!p3 $0x0  }
0xea: {  	s12 =	sadd.s32 @!p3 $0x580, s12;
	[sflag:s17] =	ssyncadd.s32 @!p3 $0xFFFFE000;
	s17 =	simm.s32 @!p3 $0xC000  }
0xeb: {  	[tilespmem:s17], [sflag:$0x2] =	stream.indirect.gather @!p3 [hbm4b:s0+s18], $0x40, s12, s18, $0x2000b8;
	[tilespmem:$0x1F660] =	vst v63  }
0xec: {  	_ =	swait.ge [sflag:s28], $0x2000  }
0xed: {  	[sflag:s28] =	ssyncset.done $0x0  }
.Ltmp3:
0xee: {  	s19 =	sadd.s32 $0x5480, s8;
	[sflag:s28] =	ssyncadd.s32 $0xFFFFE000;
	(pc) =	sbr.rel @p3 .LBB2_8-.Ltmp3, $4  }
0xef: {  	[spmem:s3] =	stream.indirect.scatter.add.f32 [tilespmem:s13], [sflag:$0xA], $0x40, s19, s5, $0x2000b8;
	[tilespmem:$0x1F660] =	vst v63  }
0xf0: {  	_ =	swait.ge [sflag:s23], $0x2000  }
0xf1: {  	[sflag:s23] =	ssyncset.done $0x0  }
0xf2: {  	[sflag:s23] =	ssyncadd.s32 $0xFFFFE000  }
.Ltmp4:
0xf3: {  	(pc) =	sbr.rel .LBB2_3-.Ltmp4, $3  }
0xf4: {  	_ =	sdelay $0x1  }
0xf5: {  	s8 =	sadd.s32 $0x600, s8;
	s30 =	sadd.s32 $0xA00, s30  }
0xf6: {  	[tilespmem:s9], [sflag:$0x3] =	stream.indirect.gather [hbm4b:s0+s5], $0x40, s8, s5, $0x2000b8;
	[tilespmem:$0x1F660] =	vst v63  }
.LBB2_5:
0xf7: {  	[tilespmem:s6], [sflag:$0x1] =	stream.indirect.gather [hbm4b:s25+s5], $0x40, s30, s5, $0xb8;
	[tilespmem:$0x1F660] =	vst v63  }
0xf8: {  	_ = 	snop  }
0xf9: {  	[tilespmem:s7], [sflag:$0x2] =	stream.indirect.gather [hbm4b:s25+s5], $0x40, s5, s5, $0xb8;
	[tilespmem:$0x1F660] =	vst v63  }
0xfa: {  	s8 =	simm.s32 $0x100  }
0xfb: {  	[tilespmem:s9], [sflag:$0x3] =	stream.indirect.gather [hbm4b:s25+s5], $0x40, s8, s5, $0xb8;
	[tilespmem:$0x1F660] =	vst v63  }
0xfc: {  	s17 =	simm.s32 $0x180  }
0xfd: {  	[tilespmem:s11], [sflag:$0x4] =	stream.indirect.gather [hbm4b:s25+s5], $0x40, s17, s5, $0xb8;
	[tilespmem:$0x1F660] =	vst v63  }
0xfe: {  	s18 =	simm.s32 $0x200  }
0xff: {  	[tilespmem:s13], [sflag:$0x5] =	stream.indirect.gather [hbm4b:s25+s5], $0x40, s18, s5, $0xb8;
	[tilespmem:$0x1F660] =	vst v63  }
0x100: {  	_ =	strace $0x8000004D  }
0x101: {  	_ =	swait.ge [sflag:s14], $0x2000  }
0x102: {  	[sflag:s14] =	ssyncset.done $0x0  }
0x103: {  	[sflag:s14] =	ssyncadd.s32 $0xFFFFE000  }
0x104: {  	[spmem:s3] =	stream.indirect.scatter.add.f32 [tilespmem:s6], [sflag:$0x6], $0x40, s12, s5, $0x2000b8;
	[tilespmem:$0x1F660] =	vst v63  }
0x105: {  	_ =	swait.ge [sflag:s16], $0x2000  }
0x106: {  	[sflag:s16] =	ssyncset.done $0x0  }
0x107: {  	s19 =	simm.s32 $0x5080;
	[sflag:s16] =	ssyncadd.s32 $0xFFFFE000  }
0x108: {  	[spmem:s3] =	stream.indirect.scatter.add.f32 [tilespmem:s7], [sflag:$0x7], $0x40, s19, s5, $0x2000b8;
	[tilespmem:$0x1F660] =	vst v63  }
0x109: {  	_ =	swait.ge [sflag:s10], $0x2000  }
0x10a: {  	[sflag:s10] =	ssyncset.done $0x0  }
0x10b: {  	s12 =	simm.s32 $0x5100;
	[sflag:s10] =	ssyncadd.s32 $0xFFFFE000  }
0x10c: {  	[spmem:s3] =	stream.indirect.scatter.add.f32 [tilespmem:s9], [sflag:$0x8], $0x40, s12, s5, $0x2000b8;
	[tilespmem:$0x1F660] =	vst v63  }
0x10d: {  	_ =	swait.ge [sflag:s29], $0x2000  }
0x10e: {  	[sflag:s29] =	ssyncset.done $0x0  }
0x10f: {  	s17 =	simm.s32 $0x280;
	s18 =	simm.s32 $0x4;
	[sflag:s29] =	ssyncadd.s32 $0xFFFFE000  }
0x110: {  	[tilespmem:s6], [sflag:$0x1] =	stream.indirect.gather [hbm4b:s25+s5], $0x40, s17, s5, $0x2000b8;
	[tilespmem:$0x1F660] =	vst v63  }
0x111: {  	_ =	swait.ge [sflag:s18], $0x2000  }
0x112: {  	[sflag:s18] =	ssyncset.done $0x0  }
0x113: {  	s19 =	simm.s32 $0x5180;
	s12 =	simm.s32 $0x7;
	[sflag:s18] =	ssyncadd.s32 $0xFFFFE000  }
0x114: {  	[spmem:s3] =	stream.indirect.scatter.add.f32 [tilespmem:s11], [sflag:$0x9], $0x40, s19, s5, $0x2000b8;
	[tilespmem:$0x1F660] =	vst v63  }
0x115: {  	_ =	swait.ge [sflag:s12], $0x2000  }
0x116: {  	[sflag:s12] =	ssyncset.done $0x0  }
0x117: {  	s17 =	simm.s32 $0x300;
	[sflag:s12] =	ssyncadd.s32 $0xFFFFE000  }
0x118: {  	[tilespmem:s7], [sflag:$0x2] =	stream.indirect.gather [hbm4b:s25+s5], $0x40, s17, s5, $0x2000b8;
	[tilespmem:$0x1F660] =	vst v63  }
0x119: {  	_ =	swait.ge [sflag:s28], $0x2000  }
0x11a: {  	[sflag:s28] =	ssyncset.done $0x0  }
0x11b: {  	s18 =	simm.s32 $0x5200;
	[sflag:s28] =	ssyncadd.s32 $0xFFFFE000  }
0x11c: {  	[spmem:s3] =	stream.indirect.scatter.add.f32 [tilespmem:s13], [sflag:$0xA], $0x40, s18, s5, $0x2000b8;
	[tilespmem:$0x1F660] =	vst v63  }
0x11d: {  	_ =	swait.ge [sflag:s23], $0x2000  }
0x11e: {  	[sflag:s23] =	ssyncset.done $0x0  }
0x11f: {  	s19 =	simm.s32 $0x380;
	[sflag:s23] =	ssyncadd.s32 $0xFFFFE000  }
0x120: {  	[tilespmem:s9], [sflag:$0x3] =	stream.indirect.gather [hbm4b:s25+s5], $0x40, s19, s5, $0x2000b8;
	[tilespmem:$0x1F660] =	vst v63  }
.LBB2_6:
0x121: {  	_ =	swait.ge [sflag:s14], $0x2000  }
0x122: {  	s8 =	sshra.s32 s30, $0x2;
	[sflag:s14] =	ssyncset.done $0x0  }
0x123: {  	s12 =	sadd.s32 $0x5280, s8;
	[sflag:s14] =	ssyncadd.s32 $0xFFFFE000  }
0x124: {  	[spmem:s3] =	stream.indirect.scatter.add.f32 [tilespmem:s6], [sflag:$0x6], $0x40, s12, s5, $0x2000b8;
	[tilespmem:$0x1F660] =	vst v63  }
0x125: {  	_ =	swait.ge [sflag:s24], $0x2000  }
0x126: {  	[sflag:s24] =	ssyncset.done $0x0  }
0x127: {  	s18 =	sadd.s32 $0x400, s8;
	[sflag:s24] =	ssyncadd.s32 $0xFFFFE000  }
0x128: {  	[tilespmem:s11], [sflag:$0x4] =	stream.indirect.gather [hbm4b:s25+s5], $0x40, s18, s5, $0x2000b8;
	[tilespmem:$0x1F660] =	vst v63  }
0x129: {  	_ =	swait.ge [sflag:s16], $0x2000  }
0x12a: {  	[sflag:s16] =	ssyncset.done $0x0  }
0x12b: {  	s19 =	sadd.s32 $0x5300, s8;
	[sflag:s16] =	ssyncadd.s32 $0xFFFFE000  }
0x12c: {  	[spmem:s3] =	stream.indirect.scatter.add.f32 [tilespmem:s7], [sflag:$0x7], $0x40, s19, s5, $0x2000b8;
	[tilespmem:$0x1F660] =	vst v63  }
0x12d: {  	_ =	swait.ge [sflag:s26], $0x2000  }
0x12e: {  	[sflag:s26] =	ssyncset.done $0x0  }
0x12f: {  	s17 =	sadd.s32 $0x480, s8;
	[sflag:s26] =	ssyncadd.s32 $0xFFFFE000  }
0x130: {  	[tilespmem:s13], [sflag:$0x5] =	stream.indirect.gather [hbm4b:s25+s5], $0x40, s17, s5, $0x2000b8;
	[tilespmem:$0x1F660] =	vst v63  }
0x131: {  	_ =	swait.ge [sflag:s10], $0x2000  }
0x132: {  	[sflag:s10] =	ssyncset.done $0x0  }
0x133: {  	s18 =	sadd.s32 $0x5380, s8;
	[sflag:s10] =	ssyncadd.s32 $0xFFFFE000  }
0x134: {  	[spmem:s3] =	stream.indirect.scatter.add.f32 [tilespmem:s9], [sflag:$0x8], $0x40, s18, s5, $0x2000b8;
	[tilespmem:$0x1F660] =	vst v63  }
0x135: {  	_ =	swait.ge [sflag:s29], $0x2000  }
0x136: {  	p3 =	seq.s32 s30, $0x12C00;
	[sflag:s29] =	ssyncset.done $0x0  }
0x137: {  	s12 =	simm.s32 @p3 $0x4;
	[sflag:s29] =	ssyncadd.s32 $0xFFFFE000  }
0x138: {  	_ =	swait.ge @p3 [sflag:s12], $0x2000  }
0x139: {  	[sflag:s12] =	ssyncset.done @p3 $0x0  }
0x13a: {  	[sflag:s12] =	ssyncadd.s32 @p3 $0xFFFFE000;
	s12 =	sshra.s32 @p3 s30, $0x2  }
0x13b: {  	s17 =	simm.s32 @p3 $0x80;
	s18 =	simm.s32 @p3 $0x10000;
	s12 =	sadd.s32 @p3 $0x5400, s12  }
0x13c: {  	[spmem:s3] =	stream.indirect.scatter.add.f32 @p3 [tilespmem:s18], [sflag:$0x9], $0x40, s12, s17, $0x2000b8;
	[tilespmem:$0x1F660] =	vst v63  }
0x13d: {  	s12 =	simm.s32 @p3 $0x7  }
0x13e: {  	_ =	swait.ge @p3 [sflag:s12], $0x2000  }
0x13f: {  	[sflag:s12] =	ssyncset.done @p3 $0x0  }
0x140: {  	[sflag:s12] =	ssyncadd.s32 @p3 $0xFFFFE000;
	s12 =	sshra.s32 @!p3 s30, $0x2  }
0x141: {  	s19 =	simm.s32 @!p3 $0xA000;
	s18 =	simm.s32 @!p3 $0x80;
	s17 =	sadd.s32 @!p3 $0x500, s12  }
0x142: {  	[tilespmem:s19], [sflag:$0x1] =	stream.indirect.gather @!p3 [hbm4b:s25+s18], $0x40, s17, s18, $0x2000b8;
	[tilespmem:$0x1F660] =	vst v63  }
0x143: {  	s17 =	simm.s32 @!p3 $0x4  }
0x144: {  	_ =	swait.ge @!p3 [sflag:s17], $0x2000  }
0x145: {  	[sflag:s17] =	ssyncset.done @!p3 $0x0  }
0x146: {  	s19 =	simm.s32 @!p3 $0x10000;
	[sflag:s17] =	ssyncadd.s32 @!p3 $0xFFFFE000;
	s17 =	sadd.s32 @!p3 $0x5400, s12  }
0x147: {  	[spmem:s3] =	stream.indirect.scatter.add.f32 @!p3 [tilespmem:s19], [sflag:$0x9], $0x40, s17, s18, $0x2000b8;
	[tilespmem:$0x1F660] =	vst v63  }
0x148: {  	s17 =	simm.s32 @!p3 $0x7  }
0x149: {  	_ =	swait.ge @!p3 [sflag:s17], $0x2000  }
0x14a: {  	[sflag:s17] =	ssyncset.done @!p3 $0x0  }
0x14b: {  	s12 =	sadd.s32 @!p3 $0x580, s12;
	[sflag:s17] =	ssyncadd.s32 @!p3 $0xFFFFE000;
	s17 =	simm.s32 @!p3 $0xC000  }
0x14c: {  	[tilespmem:s17], [sflag:$0x2] =	stream.indirect.gather @!p3 [hbm4b:s25+s18], $0x40, s12, s18, $0x2000b8;
	[tilespmem:$0x1F660] =	vst v63  }
0x14d: {  	_ =	swait.ge [sflag:s28], $0x2000  }
0x14e: {  	[sflag:s28] =	ssyncset.done $0x0  }
.Ltmp5:
0x14f: {  	s19 =	sadd.s32 $0x5480, s8;
	[sflag:s28] =	ssyncadd.s32 $0xFFFFE000;
	(pc) =	sbr.rel @p3 .LBB2_9-.Ltmp5, $4  }
0x150: {  	[spmem:s3] =	stream.indirect.scatter.add.f32 [tilespmem:s13], [sflag:$0xA], $0x40, s19, s5, $0x2000b8;
	[tilespmem:$0x1F660] =	vst v63  }
0x151: {  	_ =	swait.ge [sflag:s23], $0x2000  }
0x152: {  	[sflag:s23] =	ssyncset.done $0x0  }
0x153: {  	[sflag:s23] =	ssyncadd.s32 $0xFFFFE000  }
.Ltmp6:
0x154: {  	(pc) =	sbr.rel .LBB2_6-.Ltmp6, $3  }
0x155: {  	_ =	sdelay $0x1  }
0x156: {  	s8 =	sadd.s32 $0x600, s8;
	s30 =	sadd.s32 $0xA00, s30  }
0x157: {  	[tilespmem:s9], [sflag:$0x3] =	stream.indirect.gather [hbm4b:s25+s5], $0x40, s8, s5, $0x2000b8;
	[tilespmem:$0x1F660] =	vst v63  }
.LBB2_8:
0x158: {  	_ =	swait.ge [sflag:s24], $0x2000  }
0x159: {  	[sflag:s24] =	ssyncset.done $0x0  }
0x15a: {  	[sflag:s24] =	ssyncadd.s32 $0xFFFFE000  }
0x15b: {  	_ =	swait.ge [sflag:s26], $0x2000  }
0x15c: {  	[sflag:s26] =	ssyncset.done $0x0  }
0x15d: {  	[sflag:s26] =	ssyncadd.s32 $0xFFFFE000  }
0x15e: {  	_ =	strace $0x9000004C  }
0x15f: {  	[bflag:$0x0] =	sbarrier.arrive $0xFFFF  }
0x160: {  	_ =	strace $0x8000004E  }
0x161: {  	[tilespmem:s1], [sflag:$0xB] =	stream.linear.gather [spmem:s20], $0x1A00, $0x200038;
	[tilespmem:$0x1F660] =	vst v63  }
0x162: {  	_ =	swait.ge [sflag:s2], $0x1A00  }
0x163: {  	[sflag:s2] =	ssyncset.done $0x0  }
0x164: {  	s8 =	rddreg [dreg:$0xa];
	[sflag:s2] =	ssyncadd.s32 $0xFFFFE600  }
0x165: {  	[hbm4b:s8+s15] =	stream.linear.scatter [tilespmem:s1], [sflag:$0xB], $0x1A00, $0x200038;
	[tilespmem:$0x1F660] =	vst v63  }
0x166: {  	_ =	swait.ge [sflag:s2], $0x1A00  }
0x167: {  	[sflag:s2] =	ssyncset.done $0x0  }
0x168: {  	[sflag:s2] =	ssyncadd.s32 $0xFFFFE600  }
0x169: {  	[tilespmem:s1], [sflag:$0xB] =	stream.linear.gather [spmem:s21], $0x1A00, $0x200038;
	[tilespmem:$0x1F660] =	vst v63  }
0x16a: {  	_ =	swait.ge [sflag:s2], $0x1A00  }
0x16b: {  	[sflag:s2] =	ssyncset.done $0x0  }
0x16c: {  	s12 =	rddreg [dreg:$0xb];
	[sflag:s2] =	ssyncadd.s32 $0xFFFFE600  }
0x16d: {  	[hbm4b:s12+s15] =	stream.linear.scatter [tilespmem:s1], [sflag:$0xB], $0x1A00, $0x200038;
	[tilespmem:$0x1F660] =	vst v63  }
0x16e: {  	_ =	swait.ge [sflag:s2], $0x1A00  }
0x16f: {  	[sflag:s2] =	ssyncset.done $0x0  }
0x170: {  	s17 =	rddreg [dreg:$0x10];
	[sflag:s2] =	ssyncadd.s32 $0xFFFFE600  }
0x171: {  	[tilespmem:s1], [sflag:$0xB] =	stream.linear.gather [spmem:s17], $0x1A00, $0x200038;
	[tilespmem:$0x1F660] =	vst v63  }
0x172: {  	_ =	swait.ge [sflag:s2], $0x1A00  }
0x173: {  	[sflag:s2] =	ssyncset.done $0x0  }
0x174: {  	s18 =	rddreg [dreg:$0xc];
	[sflag:s2] =	ssyncadd.s32 $0xFFFFE600  }
0x175: {  	[hbm4b:s18+s15] =	stream.linear.scatter [tilespmem:s1], [sflag:$0xB], $0x1A00, $0x200038;
	[tilespmem:$0x1F660] =	vst v63  }
0x176: {  	_ =	swait.ge [sflag:s2], $0x1A00  }
0x177: {  	[sflag:s2] =	ssyncset.done $0x0  }
0x178: {  	s19 =	rddreg [dreg:$0x11];
	[sflag:s2] =	ssyncadd.s32 $0xFFFFE600  }
0x179: {  	[tilespmem:s1], [sflag:$0xB] =	stream.linear.gather [spmem:s19], $0x1A00, $0x200038;
	[tilespmem:$0x1F660] =	vst v63  }
0x17a: {  	_ =	swait.ge [sflag:s2], $0x1A00  }
0x17b: {  	[sflag:s2] =	ssyncset.done $0x0  }
0x17c: {  	s12 =	rddreg [dreg:$0xd];
	[sflag:s2] =	ssyncadd.s32 $0xFFFFE600  }
0x17d: {  	[hbm4b:s12+s15] =	stream.linear.scatter [tilespmem:s1], [sflag:$0xB], $0x1A00, $0x200038;
	[tilespmem:$0x1F660] =	vst v63  }
0x17e: {  	_ =	swait.ge [sflag:s2], $0x1A00  }
0x17f: {  	[sflag:s2] =	ssyncset.done $0x0  }
0x180: {  	s17 =	rddreg [dreg:$0x12];
	[sflag:s2] =	ssyncadd.s32 $0xFFFFE600  }
0x181: {  	[tilespmem:s1], [sflag:$0xB] =	stream.linear.gather [spmem:s17], $0x1A00, $0x200038;
	[tilespmem:$0x1F660] =	vst v63  }
0x182: {  	_ =	swait.ge [sflag:s2], $0x1A00  }
0x183: {  	[sflag:s2] =	ssyncset.done $0x0  }
0x184: {  	s18 =	rddreg [dreg:$0xe];
	[sflag:s2] =	ssyncadd.s32 $0xFFFFE600  }
0x185: {  	[hbm4b:s18+s15] =	stream.linear.scatter [tilespmem:s1], [sflag:$0xB], $0x1A00, $0x200038;
	[tilespmem:$0x1F660] =	vst v63  }
0x186: {  	_ =	swait.ge [sflag:s2], $0x1A00  }
0x187: {  	[sflag:s2] =	ssyncset.done $0x0  }
0x188: {  	[sflag:s2] =	ssyncadd.s32 $0xFFFFE600  }
0x189: {  	[tilespmem:s1], [sflag:$0xB] =	stream.linear.gather [spmem:s22], $0x1A00, $0x200038;
	[tilespmem:$0x1F660] =	vst v63  }
0x18a: {  	_ =	swait.ge [sflag:s2], $0x1A00  }
0x18b: {  	[sflag:s2] =	ssyncset.done $0x0  }
0x18c: {  	s19 =	rddreg [dreg:$0xf];
	[sflag:s2] =	ssyncadd.s32 $0xFFFFE600  }
0x18d: {  	[hbm4b:s19+s15] =	stream.linear.scatter [tilespmem:s1], [sflag:$0xB], $0x1A00, $0x200038;
	[tilespmem:$0x1F660] =	vst v63  }
0x18e: {  	_ =	swait.ge [sflag:s2], $0x1A00  }
0x18f: {  	[sflag:s2] =	ssyncset.done $0x0  }
0x190: {  	s8 =	simm.s32 @p2 $0xA000;
	s12 =	simm.s32 @p2 $0xB;
	[sflag:s2] =	ssyncadd.s32 $0xFFFFE600  }
0x191: {  	[tilespmem:s8], [sflag:$0xB] =	stream.linear.gather @p2 [spmem:s31], $0x400, $0x200038;
	[tilespmem:$0x1F660] =	vst v63  }
0x192: {  	_ =	swait.ge @p2 [sflag:s12], $0x400  }
0x193: {  	[sflag:s12] =	ssyncset.done @p2 $0x0  }
0x194: {  	s17 =	simm.s32 @p2 $0x0;
	s19 =	rddreg [dreg:$0x17];
	[sflag:s12] =	ssyncadd.s32 @p2 $0xFFFFFC00  }
0x195: {  	[hbm4b:s19+s17] =	stream.linear.scatter @p2 [tilespmem:s8], [sflag:$0xB], $0x400, $0x200038;
	[tilespmem:$0x1F660] =	vst v63  }
.Ltmp7:
0x196: {  	_ = 	snop;
	(pc) =	sbr.rel .LBB2_10-.Ltmp7, $4  }
0x197: {  	_ =	swait.ge @p2 [sflag:s12], $0x400  }
0x198: {  	[sflag:s12] =	ssyncset.done @p2 $0x0  }
0x199: {  	s30 =	smov.u32 s21;
	[sflag:s12] =	ssyncadd.s32 @p2 $0xFFFFFC00  }
0x19a: {  	s18 =	smov.u32 s20;
	s12 =	simm.s32 $0x5000;
	_ =	strace $0x9000004E  }
.LBB2_11:
0x19b: {  	_ =	sfence.sel $0x180000  }
0x19c: {  	[bflag:$0x0] =	sbarrier.arrive $0xFFFF  }
0x19d: {  	_ =	strace $0x9000004A  }
0x19e: {  	s0 =	stileid.u32;
	[bflag:$0x2] =	sbarrier.arrive $0xFFFF  }
0x19f: {  	p0 =	sne.s32 s0, $0x0;
	s0 =	rddreg [dreg:$0x3]  }
0x1a0: {  	s0 =	sadd.s32 @!p0 $0x100000, s0  }
0x1a1: {  	[sflag:s0] =	ssyncadd.tile.s32 @!p0 $0x1;
	_ =	shalt  }
.Lfunc_end2:
_tile_overlayer_lowered:
.L_overlay_start_2:
0x1a2: {  	(tag) =	ssettag $0x2  }
0x1a3: {  	s0 =	rddreg [dreg:$0x0];
	s2 =	stileid.u32  }
0x1a4: {  	s1 =	rddreg [dreg:$0x1];
	p0 =	sne.s32 s2, $0x0  }
0x1a5: {  	s3 =	rddreg [dreg:$0x2];
	[bflag:$0x3] =	sbarrier.arrive $0xFFFF;
	s2 =	simm.s32 @!p0 $0x1C0B  }
0x1a6: {  	[timem:s3], [sflag:s2] =	dma.local @!p0 [hbm:s0], s1  }
0x1a7: {  	s0 =	simm.s32 @!p0 $0xB  }
0x1a8: {  	_ =	swait.ge @!p0 [sflag:s0], s1  }
0x1a9: {  	s1 =	ssub.s32 @!p0 $0x0, s1;
	[sflag:s0] =	ssyncset.done @!p0 $0x0  }
0x1aa: {  	[sflag:s0] =	ssyncadd.s32 @!p0 s1  }
0x1ab: {  	[bflag:$0x3] =	sbarrier.arrive $0xFFFF  }
0x1ac: {  	_ =	shalt  }

// kernel: kernel.14.cloned.1.call-start
scs
__scs_entry_jumppad:
0x0: {  	(pc) =	sbr.rel $0x88, $3  }
0x1: {  	(tag) =	ssettag $0x0;
	lr =	simm.s32 $0x1  }
0x2: {  	[smem:$0x3F9B] =	sst lr;
	_ =	strace $0xD0000000  }
0x3: {  	_ = 	snop  }
0x4: {  	_ = 	snop  }
0x5: {  	_ = 	snop  }
0x6: {  	_ = 	snop  }
0x7: {  	_ = 	snop  }
__scs_overlays_trampoline_lowered:
0x8: {  	[smem:$0x3FAA] =	sst s0  }
0x9: {  	[smem:$0x3FAB] =	sst s1  }
0xa: {  	[smem:$0x3FAC] =	sst s2  }
0xb: {  	[smem:$0x3FAD] =	sst s3  }
0xc: {  	[smem:$0x3FAE] =	sst s4  }
0xd: {  	[smem:$0x3FAF] =	sst s5  }
0xe: {  	[smem:$0x3FB0] =	sst s6  }
0xf: {  	[smem:$0x3FB1] =	sst s7  }
0x10: {  	[smem:$0x3FB2] =	sst s8  }
0x11: {  	[smem:$0x3FB3] =	sst s9;
	s0 =	simm.s32 @!p0 $0x0  }
0x12: {  	s1 =	sld [smem:$0x3F99];
	s0 =	simm.s32 @p0 $0x1  }
0x13: {  	[smem:$0x3FB4] =	sst s0;
	s0 =	simm.s32 @!p1 $0x0  }
0x14: {  	s2 =	sld [smem:$0x3F98];
	s0 =	simm.s32 @p1 $0x1  }
0x15: {  	[smem:$0x3FB5] =	sst s0;
	s0 =	simm.s32 @!p2 $0x0  }
0x16: {  	s3 =	sld [smem:$0x3FDB];
	s0 =	simm.s32 @p2 $0x1  }
0x17: {  	s4 =	simm.s32 $0x1BF5;
	[smem:$0x3FB7] =	sst s0  }
0x18: {  	s0 =	sld [smem:$0x3F9A];
	_ =	swait.ge [sflag:s4], $0x0  }
0x19: {  	s7 =	sld [smem:$0x3F9B]  }
0x1a: {  	s8 =	sadd.s32 $0xFFFFE003, lr  }
0x1b: {  	s9 =	sadd.s32 $0xFFFFFEF7, lr;
	s5 =	simm.s32 $0xFFFFFFFF;
	p2 =	slt.u32 s8, $0xFFFFF086  }
0x1c: {  	p1 =	slt.u32 s9, $0xF7A;
	s5 =	simm.s32 @!p2 $0x0  }
0x1d: {  	s5 =	simm.s32 @p1 $0x1;
	p0 =	seq.s32 s7, s2  }
0x1e: {  	s7 =	smul.u32 @!p0 $0xF7A, s2;
	p2 =	seq.s32 @!p0 s5, $0x0  }
0x1f: {  	s9 =	smul.u32 $0xF7A, s1;
	s8 =	simm.s32 @!p0 $0x1BF5;
	p2 =	por !p2, p0  }
0x20: {  	[sflag:s8] =	ssyncset.s32 @!p0 $0xFFFFF086;
	s6 =	sadd.s32 @!p0 s3, s7;
	s7 =	simm.s32 @!p0 $0x108  }
0x21: {  	s3 =	sadd.s32 s3, s9;
	s6 =	sadd.s32 @!p0 $0x88, s6;
	s7 =	simm.s32 @p2 $0x1082  }
0x22: {  	[simem:s7], [sflag:s8] =	dma.local @!p0 [hbm:s6], $0xF7A  }
0x23: {  	s9 =	sor.u32 $0xD0000000, s2;
	s6 =	simm.s32 $0x108;
	_ =	swait.ge @!p0 [sflag:s8], $0x0  }
0x24: {  	s3 =	sadd.s32 $0x88, s3;
	s6 =	simm.s32 @!p1 $0x1082;
	[sflag:s4] =	ssyncset.s32 $0xFFFFF086  }
0x25: {  	[simem:s6], [sflag:s4] =	dma.local [hbm:s3], $0xF7A  }
0x26: {  	[smem:$0x3F9B] =	sst s1;
	(tag) =	ssettag s2;
	_ =	strace s9  }
0x27: {  	s1 =	sld [smem:$0x3FAB]  }
0x28: {  	s2 =	sld [smem:$0x3FAC]  }
0x29: {  	s4 =	sld [smem:$0x3FAE]  }
0x2a: {  	p0 =	seq.s32 s5, $0x0;
	s5 =	sld [smem:$0x3FAF]  }
0x2b: {  	s6 =	sld [smem:$0x3FB0]  }
0x2c: {  	s7 =	sld [smem:$0x3FB1]  }
0x2d: {  	s3 =	simm.s32 $0x108;
	s8 =	sld [smem:$0x3FB2]  }
0x2e: {  	s3 =	simm.s32 @!p0 $0x1082;
	s9 =	sld [smem:$0x3FB3]  }
0x2f: {  	lr =	sadd.s32 s0, s3;
	s0 =	sld [smem:$0x3FAA]  }
0x30: {  	s3 =	sld [smem:$0x3FAD]  }
0x31: {  	[smem:$0x3FB6] =	sst s10  }
0x32: {  	s10 =	sld [smem:$0x3FB4];
	_ =	sdelay $0x3  }
0x33: {  	p0 =	seq.s32 s10, $0x1;
	s10 =	sld [smem:$0x3FB6];
	_ =	sdelay $0x3  }
0x34: {  	[smem:$0x3FB6] =	sst s10  }
0x35: {  	s10 =	sld [smem:$0x3FB5];
	_ =	sdelay $0x3  }
0x36: {  	p1 =	seq.s32 s10, $0x1;
	s10 =	sld [smem:$0x3FB6];
	_ =	sdelay $0x3  }
0x37: {  	[smem:$0x3FB6] =	sst s10  }
0x38: {  	s10 =	sld [smem:$0x3FB7]  }
0x39: {  	_ = 	snop;
	(pc) =	sbr.ind lr, $3  }
0x3a: {  	_ = 	snop  }
0x3b: {  	_ = 	snop  }
0x3c: {  	p2 =	seq.s32 s10, $0x1;
	s10 =	sld [smem:$0x3FB6]  }
0x3d: {  	_ =	shalt  }
0x3e: {  	_ =	shalt  }
0x3f: {  	_ =	shalt  }
0x40: {  	_ =	shalt  }
0x41: {  	_ =	shalt  }
0x42: {  	_ =	shalt  }
0x43: {  	_ =	shalt  }
0x44: {  	_ =	shalt  }
0x45: {  	_ =	shalt  }
0x46: {  	_ =	shalt  }
0x47: {  	_ =	shalt  }
0x48: {  	_ =	shalt  }
0x49: {  	_ =	shalt  }
0x4a: {  	_ =	shalt  }
0x4b: {  	_ =	shalt  }
0x4c: {  	_ =	shalt  }
0x4d: {  	_ =	shalt  }
0x4e: {  	_ =	shalt  }
0x4f: {  	_ =	shalt  }
0x50: {  	_ =	shalt  }
0x51: {  	_ =	shalt  }
0x52: {  	_ =	shalt  }
0x53: {  	_ =	shalt  }
0x54: {  	_ =	shalt  }
0x55: {  	_ =	shalt  }
0x56: {  	_ =	shalt  }
0x57: {  	_ =	shalt  }
0x58: {  	_ =	shalt  }
0x59: {  	_ =	shalt  }
0x5a: {  	_ =	shalt  }
0x5b: {  	_ =	shalt  }
0x5c: {  	_ =	shalt  }
0x5d: {  	_ =	shalt  }
0x5e: {  	_ =	shalt  }
0x5f: {  	_ =	shalt  }
0x60: {  	_ =	shalt  }
0x61: {  	_ =	shalt  }
0x62: {  	_ =	shalt  }
0x63: {  	_ =	shalt  }
0x64: {  	_ =	shalt  }
0x65: {  	_ =	shalt  }
0x66: {  	_ =	shalt  }
0x67: {  	_ =	shalt  }
0x68: {  	_ =	shalt  }
0x69: {  	_ =	shalt  }
0x6a: {  	_ =	shalt  }
0x6b: {  	_ =	shalt  }
0x6c: {  	_ =	shalt  }
0x6d: {  	_ =	shalt  }
0x6e: {  	_ =	shalt  }
0x6f: {  	_ =	shalt  }
0x70: {  	_ =	shalt  }
0x71: {  	_ =	shalt  }
0x72: {  	_ =	shalt  }
0x73: {  	_ =	shalt  }
0x74: {  	_ =	shalt  }
0x75: {  	_ =	shalt  }
0x76: {  	_ =	shalt  }
0x77: {  	_ =	shalt  }
0x78: {  	_ =	shalt  }
0x79: {  	_ =	shalt  }
0x7a: {  	_ =	shalt  }
0x7b: {  	_ =	shalt  }
0x7c: {  	_ =	shalt  }
0x7d: {  	_ =	shalt  }
0x7e: {  	_ =	shalt  }
0x7f: {  	_ =	shalt  }
0x80: {  	_ =	shalt  }
0x81: {  	_ =	shalt  }
0x82: {  	_ =	shalt  }
0x83: {  	_ =	shalt  }
0x84: {  	_ =	shalt  }
0x85: {  	_ =	shalt  }
0x86: {  	_ =	shalt  }
0x87: {  	_ =	shalt  }
.Lfunc_end0:
.L_simem_size_0:
called_computation.2_lowered:
.L_overlay_start_0:
0x88: {  	s2 =	sld [smem:$0x3FD9]  }
0x89: {  	s3 =	sld [smem:$0x3FFE];
	_ =	sdelay $0x1  }
0x8a: {  	s1 =	srdreg.scid  }
0x8b: {  	s0 =	sand.u32 $0x1, s1  }
0x8c: {  	s17 =	sshll.u32 s0, $0xA;
	s2 =	sadd.s32 s3, s2  }
0x8d: {  	s2 =	sadd.s32 s2, s17  }
0x8e: {  	[smem:$0x3FC2] =	sst s2  }
0x8f: {  	_ = 	snop  }
0x90: {  	s2 =	sld [smem:$0x3FD0];
	(tm) =	ssettm $0x1  }
0x91: {  	s18 =	sld [smem:$0x3FFB];
	_ =	sdelay $0x3  }
0x92: {  	_ =	strace s18  }
0x93: {  	s3 =	sld [smem:$0x3FFC];
	_ =	sdelay $0x3  }
0x94: {  	_ =	strace s3  }
0x95: {  	s3 =	sld [smem:$0x3FFD];
	_ =	sdelay $0x3  }
0x96: {  	_ =	strace s3  }
0x97: {  	_ =	strace $0x8FFFFFFF  }
0x98: {  	s19 =	sld [smem:$0x3FDB];
	_ =	sdelay $0x1  }
0x99: {  	s4 =	simm.s32 $_scs_section_size  }
0x9a: {  	s5 =	simm.s32 $_size__tile_overlayer_lowered;
	s6 =	simm.s32 $_tile_overlayer_lowered  }
0x9b: {  	s22 =	simm.s32 $0x1BFF;
	s21 =	sshll.u32 s6, $0x1;
	s3 =	sadd.s32 s4, s19  }
0x9c: {  	s7 =	simm.s32 $0x0;
	s20 =	sshll.u32 s5, $0x1;
	s5 =	sadd.s32 s21, s3  }
0x9d: {  	[timem:s7], [sflag:s22] =	dma.local [hbm:s5], s20  }
0x9e: {  	_ =	swait.ge [sflag:s22], s20  }
0x9f: {  	s4 =	ssub.s32 $0x0, s20;
	[sflag:s22] =	ssyncset.done $0x0  }
0xa0: {  	[sflag:s22] =	ssyncadd.s32 s4;
	_ =	sdelay $0x1  }
0xa1: {  	s23 =	simm.s32 $0x1B8B  }
0xa2: {  	_ =	swait.ge [sflag:s23], $0x1  }
0xa3: {  	[sflag:s23] =	ssyncset.done $0x0  }
0xa4: {  	s25 =	simm.s32 $0x1B8E;
	s24 =	sld [smem:$0x3FFE];
	[sflag:s23] =	ssyncadd.s32 $0xFFFFFFFF  }
0xa5: {  	s26 =	simm.s32 $execute0_lowered;
	[smem:$0x3FD2] =	sst s25  }
0xa6: {  	s5 =	sshll.u32 s26, $0x1;
	_ =	strace $0x80000051;
	[dreg:$0x1] =	wrdreg $0xFFFFFFFF  }
0xa7: {  	s28 =	simm.s32 $_size_execute0_lowered;
	s3 =	sadd.s32 s3, s5;
	[dreg:$0x0] =	wrdreg $0x0  }
0xa8: {  	s5 =	sshll.u32 s28, $0x1;
	[dreg:$0x2] =	wrdreg s3  }
0xa9: {  	[dreg:$0x3] =	wrdreg s5  }
0xaa: {  	[dreg:$0x4] =	wrdreg $0xC0  }
0xab: {  	_ =	task [dreg:s7], $0x5FFFF  }
0xac: {  	[dreg:$0x1] =	wrdreg $0xFFFFFFFF  }
0xad: {  	[dreg:$0x0] =	wrdreg $0x60  }
0xae: {  	[dreg:$0x2] =	wrdreg s2  }
0xaf: {  	[dreg:$0x3] =	wrdreg s24  }
0xb0: {  	[dreg:$0x4] =	wrdreg $0x15A000  }
0xb1: {  	[dreg:$0x5] =	wrdreg $0x9  }
0xb2: {  	_ =	task.clear_ibuf [dreg:s7], $0x6FFFF;
	_ =	strace $0x90000051  }
0xb3: {  	s29 =	simm.s32 $0x9;
	_ =	strace $0x80000058  }
0xb4: {  	_ =	swait.ge [sflag:s29], $0x1  }
0xb5: {  	[sflag:s29] =	ssyncadd.s32 $0xFFFFFFFF  }
0xb6: {  	_ =	strace $0x90000058  }
0xb7: {  	_ =	sfence  }
0xb8: {  	s30 =	sld [smem:$0x0];
	_ =	sdelay $0x2  }
0xb9: {  	s31 =	sshll.u32 s1, $0xD;
	s1 =	sshrl.u32 s1, $0x2  }
0xba: {  	s3 =	sand.u32 $0x4000, s31;
	s1 =	sadd.s32 s1, s30  }
0xbb: {  	s0 =	sor.u32 s3, s0;
	s1 =	sshll.u32 s1, $0x11  }
0xbc: {  	s0 =	sor.u32 s1, s0  }
0xbd: {  	s0 =	sadd.s32 $0x8F2B, s0  }
0xbe: {  	[sflag:s0] =	ssyncadd.remote.s32 $0x1  }
0xbf: {  	_ =	sfence.sel $0xFFFF  }
0xc0: {  	[dreg:$0x0] =	wrdreg $0xFFFFFFFF;
	(pc) =	sbr.abs _section_cstart, $3  }
0xc1: {  	[dreg:$0x1] =	wrdreg $0xFFFFFFFF  }
0xc2: {  	_ =	task.clear_ibuf [dreg:s7], $0x2FFFF;
	_ =	strace $0x9FFFFFFF  }
0xc3: {  	(tm) =	ssettm $0x7FFFFFFF  }
tec
execute0_lowered:
.L_overlay_start_1:
0x0: {  	(tag) =	ssettag $0x1  }
0x1: {  	s0 =	rddreg [dreg:$0x0]  }
0x2: {  	s2 =	rddreg [dreg:$0x1]  }
0x3: {  	s1 =	srdreg.scid;
	s3 =	rddreg [dreg:$0x2]  }
0x4: {  	s19 =	stileid.u32;
	s29 =	simm.s32 $0x6;
	s28 =	simm.s32 $0x5  }
0x5: {  	s1 =	sand.u32 $0x1, s1;
	s6 =	smul.u32 $0x9C00, s19;
	s7 =	sadd.s32 $0x2C600, s2  }
0x6: {  	s8 =	sadd.s32 $0x40000, s2;
	p1 =	sne.s32 s19, $0xF;
	p2 =	seq.s32 s19, $0xF  }
0x7: {  	s31 =	sadd.s32 $0x9C000, s3;
	s4 =	ssub.s32 $0x2, s1;
	p0 =	sne.s32 s1, $0x0  }
0x8: {  	s5 =	sshrl.u32 s4, $0x1;
	s9 =	sadd.s32 $0x3400, s6;
	s10 =	sadd.s32 $0x4E00, s6  }
0x9: {  	s11 =	sadd.s32 $0x6800, s6;
	s12 =	sadd.s32 $0x8200, s6;
	s13 =	sshrl.u32 s6, $0x3  }
0xa: {  	s4 =	ssub.s32 s4, s5;
	s5 =	sadd.s32 $0x1A00, s6;
	s14 =	sadd.s32 s8, s13  }
0xb: {  	s15 =	sshrl.u32 s9, $0x3;
	s21 =	sadd.s32 s7, s13;
	[dreg:$0x4] =	wrdreg s14  }
0xc: {  	s25 =	sshrl.u32 s10, $0x3;
	s24 =	sadd.s32 s8, s15;
	[dreg:$0xa] =	wrdreg s21  }
0xd: {  	s26 =	sshrl.u32 s11, $0x3;
	s17 =	sadd.s32 s8, s25;
	[dreg:$0x6] =	wrdreg s24  }
0xe: {  	s23 =	sshrl.u32 s5, $0x3;
	s20 =	sadd.s32 s8, s26;
	[dreg:$0x7] =	wrdreg s17  }
0xf: {  	s18 =	sshrl.u32 s12, $0x3;
	s16 =	sadd.s32 s8, s23;
	[dreg:$0x8] =	wrdreg s20  }
0x10: {  	s30 =	sadd.s32 s5, s3;
	s8 =	sadd.s32 s8, s18;
	[dreg:$0x5] =	wrdreg s16  }
0x11: {  	s14 =	sadd.s32 s9, s3;
	s22 =	sadd.s32 s7, s23;
	[dreg:$0x9] =	wrdreg s8  }
0x12: {  	s21 =	sadd.s32 $0x3C00, s2;
	s23 =	sadd.s32 s7, s15;
	[dreg:$0xb] =	wrdreg s22  }
0x13: {  	s5 =	simm.s32 $0x80;
	s24 =	sadd.s32 s7, s25;
	[dreg:$0xc] =	wrdreg s23  }
0x14: {  	s9 =	simm.s32 $0xE000;
	s25 =	sadd.s32 s7, s26;
	[dreg:$0xd] =	wrdreg s24  }
0x15: {  	s15 =	simm.s32 $0x0;
	s7 =	sadd.s32 s7, s18;
	[dreg:$0xe] =	wrdreg s25  }
0x16: {  	s26 =	smul.u32 $0xA00, s19;
	s18 =	sadd.s32 s6, s3;
	[dreg:$0xf] =	wrdreg s7  }
0x17: {  	s17 =	sadd.s32 s11, s3;
	s6 =	simm.s32 $0xA000;
	[smem:$0x7FF] =	sst s15  }
0x18: {  	s16 =	sadd.s32 s10, s3;
	_ =	strace $0x80000052;
	[dreg:$0x10] =	wrdreg s14  }
0x19: {  	s11 =	simm.s32 $0x10000;
	s22 =	sadd.s32 s12, s3;
	[dreg:$0x11] =	wrdreg s16  }
0x1a: {  	s25 =	sadd.s32 $0x18C00, s2;
	s23 =	sadd.s32 $0x53800, s2;
	[dreg:$0x12] =	wrdreg s17  }
0x1b: {  	s24 =	sadd.s32 $0x3FE00, s2;
	s12 =	simm.s32 $0x5000;
	[dreg:$0x15] =	wrdreg s21  }
0x1c: {  	s7 =	simm.s32 $0xC000;
	s10 =	simm.s32 $0x3;
	[dreg:$0x16] =	wrdreg s23  }
0x1d: {  	s13 =	sadd.s32 s26, s2;
	[dreg:$0x17] =	wrdreg s24;
	s26 =	smax.u32 s4, $0x1  }
.Ltmp0:
0x1e: {  	s2 =	simm.s32 $0xB;
	s14 =	simm.s32 $0x1;
	(pc) =	sbr.rel .LBB2_1-.Ltmp0, $4  }
0x1f: {  	s16 =	simm.s32 $0x2;
	s23 =	simm.s32 $0x8;
	s24 =	simm.s32 $0x9  }
0x20: {  	s4 =	simm.s32 $0x0;
	s20 =	sadd.s32 $0x4C00, s13;
	[dreg:$0x18] =	wrdreg s26  }
0x21: {  	s1 =	sadd.s32 $0xEC00, s13;
	s13 =	simm.s32 $0x12000;
	[dreg:$0x13] =	wrdreg s20  }
0x22: {  	s26 =	simm.s32 $0xA;
	[dreg:$0x14] =	wrdreg s1;
	s1 =	simm.s32 $0x14000  }
.LBB2_9:
0x23: {  	_ =	swait.ge [sflag:s24], $0x2000  }
0x24: {  	[sflag:s24] =	ssyncset.done $0x0  }
0x25: {  	[sflag:s24] =	ssyncadd.s32 $0xFFFFE000  }
0x26: {  	_ =	swait.ge [sflag:s26], $0x2000  }
0x27: {  	[sflag:s26] =	ssyncset.done $0x0  }
0x28: {  	[sflag:s26] =	ssyncadd.s32 $0xFFFFE000  }
0x29: {  	_ =	strace $0x90000055  }
0x2a: {  	[bflag:$0x0] =	sbarrier.arrive $0xFFFF  }
0x2b: {  	_ =	strace $0x80000057  }
0x2c: {  	[tilespmem:s1], [sflag:$0xB] =	stream.linear.gather [spmem:s20], $0x1A00, $0x200038;
	[tilespmem:$0x1F660] =	vst v63  }
0x2d: {  	_ =	swait.ge [sflag:s2], $0x1A00  }
0x2e: {  	[sflag:s2] =	ssyncset.done $0x0  }
0x2f: {  	s8 =	rddreg [dreg:$0x4];
	[sflag:s2] =	ssyncadd.s32 $0xFFFFE600  }
0x30: {  	[hbm4b:s8+s15] =	stream.linear.scatter [tilespmem:s1], [sflag:$0xB], $0x1A00, $0x200038;
	[tilespmem:$0x1F660] =	vst v63  }
0x31: {  	_ =	swait.ge [sflag:s2], $0x1A00  }
0x32: {  	[sflag:s2] =	ssyncset.done $0x0  }
0x33: {  	[sflag:s2] =	ssyncadd.s32 $0xFFFFE600  }
0x34: {  	[tilespmem:s1], [sflag:$0xB] =	stream.linear.gather [spmem:s21], $0x1A00, $0x200038;
	[tilespmem:$0x1F660] =	vst v63  }
0x35: {  	_ =	swait.ge [sflag:s2], $0x1A00  }
0x36: {  	[sflag:s2] =	ssyncset.done $0x0  }
0x37: {  	s12 =	rddreg [dreg:$0x5];
	[sflag:s2] =	ssyncadd.s32 $0xFFFFE600  }
0x38: {  	[hbm4b:s12+s15] =	stream.linear.scatter [tilespmem:s1], [sflag:$0xB], $0x1A00, $0x200038;
	[tilespmem:$0x1F660] =	vst v63  }
0x39: {  	_ =	swait.ge [sflag:s2], $0x1A00  }
0x3a: {  	[sflag:s2] =	ssyncset.done $0x0  }
0x3b: {  	s17 =	rddreg [dreg:$0x10];
	[sflag:s2] =	ssyncadd.s32 $0xFFFFE600  }
0x3c: {  	[tilespmem:s1], [sflag:$0xB] =	stream.linear.gather [spmem:s17], $0x1A00, $0x200038;
	[tilespmem:$0x1F660] =	vst v63  }
0x3d: {  	_ =	swait.ge [sflag:s2], $0x1A00  }
0x3e: {  	[sflag:s2] =	ssyncset.done $0x0  }
0x3f: {  	s18 =	rddreg [dreg:$0x6];
	[sflag:s2] =	ssyncadd.s32 $0xFFFFE600  }
0x40: {  	[hbm4b:s18+s15] =	stream.linear.scatter [tilespmem:s1], [sflag:$0xB], $0x1A00, $0x200038;
	[tilespmem:$0x1F660] =	vst v63  }
0x41: {  	_ =	swait.ge [sflag:s2], $0x1A00  }
0x42: {  	[sflag:s2] =	ssyncset.done $0x0  }
0x43: {  	s19 =	rddreg [dreg:$0x11];
	[sflag:s2] =	ssyncadd.s32 $0xFFFFE600  }
0x44: {  	[tilespmem:s1], [sflag:$0xB] =	stream.linear.gather [spmem:s19], $0x1A00, $0x200038;
	[tilespmem:$0x1F660] =	vst v63  }
0x45: {  	_ =	swait.ge [sflag:s2], $0x1A00  }
0x46: {  	[sflag:s2] =	ssyncset.done $0x0  }
0x47: {  	s12 =	rddreg [dreg:$0x7];
	[sflag:s2] =	ssyncadd.s32 $0xFFFFE600  }
0x48: {  	[hbm4b:s12+s15] =	stream.linear.scatter [tilespmem:s1], [sflag:$0xB], $0x1A00, $0x200038;
	[tilespmem:$0x1F660] =	vst v63  }
0x49: {  	_ =	swait.ge [sflag:s2], $0x1A00  }
0x4a: {  	[sflag:s2] =	ssyncset.done $0x0  }
0x4b: {  	s17 =	rddreg [dreg:$0x12];
	[sflag:s2] =	ssyncadd.s32 $0xFFFFE600  }
0x4c: {  	[tilespmem:s1], [sflag:$0xB] =	stream.linear.gather [spmem:s17], $0x1A00, $0x200038;
	[tilespmem:$0x1F660] =	vst v63  }
0x4d: {  	_ =	swait.ge [sflag:s2], $0x1A00  }
0x4e: {  	[sflag:s2] =	ssyncset.done $0x0  }
0x4f: {  	s18 =	rddreg [dreg:$0x8];
	[sflag:s2] =	ssyncadd.s32 $0xFFFFE600  }
0x50: {  	[hbm4b:s18+s15] =	stream.linear.scatter [tilespmem:s1], [sflag:$0xB], $0x1A00, $0x200038;
	[tilespmem:$0x1F660] =	vst v63  }
0x51: {  	_ =	swait.ge [sflag:s2], $0x1A00  }
0x52: {  	[sflag:s2] =	ssyncset.done $0x0  }
0x53: {  	[sflag:s2] =	ssyncadd.s32 $0xFFFFE600  }
0x54: {  	[tilespmem:s1], [sflag:$0xB] =	stream.linear.gather [spmem:s22], $0x1A00, $0x200038;
	[tilespmem:$0x1F660] =	vst v63  }
0x55: {  	_ =	swait.ge [sflag:s2], $0x1A00  }
0x56: {  	[sflag:s2] =	ssyncset.done $0x0  }
0x57: {  	s19 =	rddreg [dreg:$0x9];
	[sflag:s2] =	ssyncadd.s32 $0xFFFFE600  }
0x58: {  	[hbm4b:s19+s15] =	stream.linear.scatter [tilespmem:s1], [sflag:$0xB], $0x1A00, $0x200038;
	[tilespmem:$0x1F660] =	vst v63  }
0x59: {  	_ =	swait.ge [sflag:s2], $0x1A00  }
0x5a: {  	[sflag:s2] =	ssyncset.done $0x0  }
0x5b: {  	s8 =	simm.s32 @p2 $0xA000;
	s12 =	simm.s32 @p2 $0xB;
	[sflag:s2] =	ssyncadd.s32 $0xFFFFE600  }
0x5c: {  	[tilespmem:s8], [sflag:$0xB] =	stream.linear.gather @p2 [spmem:s31], $0x400, $0x200038;
	[tilespmem:$0x1F660] =	vst v63  }
0x5d: {  	_ =	swait.ge @p2 [sflag:s12], $0x400  }
0x5e: {  	[sflag:s12] =	ssyncset.done @p2 $0x0  }
0x5f: {  	s17 =	simm.s32 @p2 $0x0;
	s19 =	rddreg [dreg:$0x16];
	[sflag:s12] =	ssyncadd.s32 @p2 $0xFFFFFC00  }
0x60: {  	[hbm4b:s19+s17] =	stream.linear.scatter @p2 [tilespmem:s8], [sflag:$0xB], $0x400, $0x200038;
	[tilespmem:$0x1F660] =	vst v63  }
0x61: {  	_ =	swait.ge @p2 [sflag:s12], $0x400  }
0x62: {  	[sflag:s12] =	ssyncset.done @p2 $0x0  }
0x63: {  	s30 =	smov.u32 s21;
	[sflag:s12] =	ssyncadd.s32 @p2 $0xFFFFFC00  }
0x64: {  	s18 =	smov.u32 s20;
	s12 =	simm.s32 $0x5000;
	_ =	strace $0x90000057  }
.LBB2_10:
0x65: {  	s4 =	sadd.s32 $0x1, s4;
	s8 =	rddreg [dreg:$0x18]  }
0x66: {  	p3 =	sne.s32 s4, s8  }
.Ltmp1:
0x67: {  	_ = 	snop;
	(pc) =	sbr.rel @!p3 .LBB2_11-.Ltmp1, $1  }
0x68: {  	_ =	sdelay $0x3  }
.LBB2_1:
0x69: {  	_ =	strace $0x80000053  }
0x6a: {  	s8 =	rddreg [dreg:$0x15]  }
0x6b: {  	[tilespmem:s1], [sflag:$0xB] =	stream.linear.gather [hbm4b:s8+s15], $0x1A00, $0x200038;
	[tilespmem:$0x1F660] =	vst v63  }
0x6c: {  	_ =	swait.ge [sflag:s2], $0x1A00  }
0x6d: {  	[sflag:s2] =	ssyncset.done $0x0  }
0x6e: {  	[sflag:s2] =	ssyncadd.s32 $0xFFFFE600  }
0x6f: {  	[spmem:s18] =	stream.linear.scatter [tilespmem:s1], [sflag:$0xB], $0x1A00, $0x200038;
	[tilespmem:$0x1F660] =	vst v63  }
0x70: {  	_ =	swait.ge [sflag:s2], $0x1A00  }
0x71: {  	[sflag:s2] =	ssyncset.done $0x0  }
0x72: {  	[sflag:s2] =	ssyncadd.s32 $0xFFFFE600  }
0x73: {  	[spmem:s30] =	stream.linear.scatter [tilespmem:s1], [sflag:$0xB], $0x1A00, $0x200038;
	[tilespmem:$0x1F660] =	vst v63  }
0x74: {  	_ =	swait.ge [sflag:s2], $0x1A00  }
0x75: {  	[sflag:s2] =	ssyncset.done $0x0  }
0x76: {  	s20 =	smov.u32 s18;
	s18 =	rddreg [dreg:$0x10];
	[sflag:s2] =	ssyncadd.s32 $0xFFFFE600  }
0x77: {  	[spmem:s18] =	stream.linear.scatter [tilespmem:s1], [sflag:$0xB], $0x1A00, $0x200038;
	[tilespmem:$0x1F660] =	vst v63  }
0x78: {  	_ =	swait.ge [sflag:s2], $0x1A00  }
0x79: {  	[sflag:s2] =	ssyncset.done $0x0  }
0x7a: {  	s19 =	rddreg [dreg:$0x11];
	[sflag:s2] =	ssyncadd.s32 $0xFFFFE600  }
0x7b: {  	[spmem:s19] =	stream.linear.scatter [tilespmem:s1], [sflag:$0xB], $0x1A00, $0x200038;
	[tilespmem:$0x1F660] =	vst v63  }
0x7c: {  	_ =	swait.ge [sflag:s2], $0x1A00  }
0x7d: {  	[sflag:s2] =	ssyncset.done $0x0  }
0x7e: {  	s17 =	rddreg [dreg:$0x12];
	[sflag:s2] =	ssyncadd.s32 $0xFFFFE600  }
0x7f: {  	[spmem:s17] =	stream.linear.scatter [tilespmem:s1], [sflag:$0xB], $0x1A00, $0x200038;
	[tilespmem:$0x1F660] =	vst v63  }
0x80: {  	_ =	swait.ge [sflag:s2], $0x1A00  }
0x81: {  	[sflag:s2] =	ssyncset.done $0x0  }
0x82: {  	[sflag:s2] =	ssyncadd.s32 $0xFFFFE600  }
0x83: {  	[spmem:s22] =	stream.linear.scatter [tilespmem:s1], [sflag:$0xB], $0x1A00, $0x200038;
	[tilespmem:$0x1F660] =	vst v63  }
0x84: {  	_ =	swait.ge [sflag:s2], $0x1A00  }
0x85: {  	[sflag:s2] =	ssyncset.done $0x0  }
0x86: {  	s8 =	simm.s32 @!p1 $0x14000;
	[sflag:s2] =	ssyncadd.s32 $0xFFFFE600  }
0x87: {  	[spmem:s31] =	stream.linear.scatter @!p1 [tilespmem:s8], [sflag:$0xB], $0x400, $0x200038;
	[tilespmem:$0x1F660] =	vst v63  }
0x88: {  	s8 =	simm.s32 @!p1 $0xB  }
0x89: {  	_ =	swait.ge @!p1 [sflag:s8], $0x400  }
0x8a: {  	[sflag:s8] =	ssyncset.done @!p1 $0x0  }
0x8b: {  	s18 =	rddreg [dreg:$0x13];
	[sflag:s8] =	ssyncadd.s32 @!p1 $0xFFFFFC00  }
0x8c: {  	[tilespmem:s15], [sflag:$0xB] =	stream.linear.gather [hbm4b:s18+s15], $0x5000, $0x200038;
	[tilespmem:$0x1F660] =	vst v63  }
0x8d: {  	_ =	swait.ge [sflag:s2], $0x5000  }
0x8e: {  	[sflag:s2] =	ssyncset.done $0x0  }
0x8f: {  	s19 =	rddreg [dreg:$0x14];
	[sflag:s2] =	ssyncadd.s32 $0xFFFFB000  }
0x90: {  	[tilespmem:s12], [sflag:$0xB] =	stream.linear.gather [hbm4b:s19+s15], $0x5000, $0x200038;
	[tilespmem:$0x1F660] =	vst v63  }
.Ltmp2:
0x91: {  	_ =	swait.ge [sflag:s2], $0x5000;
	(pc) =	sbr.rel @p0 .LBB2_5-.Ltmp2, $4  }
0x92: {  	[sflag:s2] =	ssyncset.done $0x0  }
0x93: {  	[sflag:s2] =	ssyncadd.s32 $0xFFFFB000  }
0x94: {  	[bflag:$0x0] =	sbarrier.arrive $0xFFFF  }
0x95: {  	s21 =	smov.u32 s30;
	s30 =	simm.s32 $0x0;
	_ =	strace $0x90000053  }
0x96: {  	[tilespmem:s6], [sflag:$0x1] =	stream.indirect.gather [hbm4b:s0+s5], $0x40, s30, s5, $0xb8;
	[tilespmem:$0x1F660] =	vst v63  }
0x97: {  	_ = 	snop  }
0x98: {  	[tilespmem:s7], [sflag:$0x2] =	stream.indirect.gather [hbm4b:s0+s5], $0x40, s5, s5, $0xb8;
	[tilespmem:$0x1F660] =	vst v63  }
0x99: {  	s8 =	simm.s32 $0x100  }
0x9a: {  	[tilespmem:s9], [sflag:$0x3] =	stream.indirect.gather [hbm4b:s0+s5], $0x40, s8, s5, $0xb8;
	[tilespmem:$0x1F660] =	vst v63  }
0x9b: {  	s17 =	simm.s32 $0x180  }
0x9c: {  	[tilespmem:s11], [sflag:$0x4] =	stream.indirect.gather [hbm4b:s0+s5], $0x40, s17, s5, $0xb8;
	[tilespmem:$0x1F660] =	vst v63  }
0x9d: {  	s18 =	simm.s32 $0x200  }
0x9e: {  	[tilespmem:s13], [sflag:$0x5] =	stream.indirect.gather [hbm4b:s0+s5], $0x40, s18, s5, $0xb8;
	[tilespmem:$0x1F660] =	vst v63  }
0x9f: {  	_ =	strace $0x80000054  }
0xa0: {  	_ =	swait.ge [sflag:s14], $0x2000  }
0xa1: {  	[sflag:s14] =	ssyncset.done $0x0  }
0xa2: {  	[sflag:s14] =	ssyncadd.s32 $0xFFFFE000  }
0xa3: {  	[spmem:s3] =	stream.indirect.scatter.add.f32 [tilespmem:s6], [sflag:$0x6], $0x40, s12, s5, $0x2000b8;
	[tilespmem:$0x1F660] =	vst v63  }
0xa4: {  	_ =	swait.ge [sflag:s16], $0x2000  }
0xa5: {  	[sflag:s16] =	ssyncset.done $0x0  }
0xa6: {  	s19 =	simm.s32 $0x5080;
	[sflag:s16] =	ssyncadd.s32 $0xFFFFE000  }
0xa7: {  	[spmem:s3] =	stream.indirect.scatter.add.f32 [tilespmem:s7], [sflag:$0x7], $0x40, s19, s5, $0x2000b8;
	[tilespmem:$0x1F660] =	vst v63  }
0xa8: {  	_ =	swait.ge [sflag:s10], $0x2000  }
0xa9: {  	[sflag:s10] =	ssyncset.done $0x0  }
0xaa: {  	s12 =	simm.s32 $0x5100;
	[sflag:s10] =	ssyncadd.s32 $0xFFFFE000  }
0xab: {  	[spmem:s3] =	stream.indirect.scatter.add.f32 [tilespmem:s9], [sflag:$0x8], $0x40, s12, s5, $0x2000b8;
	[tilespmem:$0x1F660] =	vst v63  }
0xac: {  	_ =	swait.ge [sflag:s29], $0x2000  }
0xad: {  	[sflag:s29] =	ssyncset.done $0x0  }
0xae: {  	s17 =	simm.s32 $0x280;
	s18 =	simm.s32 $0x4;
	[sflag:s29] =	ssyncadd.s32 $0xFFFFE000  }
0xaf: {  	[tilespmem:s6], [sflag:$0x1] =	stream.indirect.gather [hbm4b:s0+s5], $0x40, s17, s5, $0x2000b8;
	[tilespmem:$0x1F660] =	vst v63  }
0xb0: {  	_ =	swait.ge [sflag:s18], $0x2000  }
0xb1: {  	[sflag:s18] =	ssyncset.done $0x0  }
0xb2: {  	s19 =	simm.s32 $0x5180;
	s12 =	simm.s32 $0x7;
	[sflag:s18] =	ssyncadd.s32 $0xFFFFE000  }
0xb3: {  	[spmem:s3] =	stream.indirect.scatter.add.f32 [tilespmem:s11], [sflag:$0x9], $0x40, s19, s5, $0x2000b8;
	[tilespmem:$0x1F660] =	vst v63  }
0xb4: {  	_ =	swait.ge [sflag:s12], $0x2000  }
0xb5: {  	[sflag:s12] =	ssyncset.done $0x0  }
0xb6: {  	s17 =	simm.s32 $0x300;
	[sflag:s12] =	ssyncadd.s32 $0xFFFFE000  }
0xb7: {  	[tilespmem:s7], [sflag:$0x2] =	stream.indirect.gather [hbm4b:s0+s5], $0x40, s17, s5, $0x2000b8;
	[tilespmem:$0x1F660] =	vst v63  }
0xb8: {  	_ =	swait.ge [sflag:s28], $0x2000  }
0xb9: {  	[sflag:s28] =	ssyncset.done $0x0  }
0xba: {  	s18 =	simm.s32 $0x5200;
	[sflag:s28] =	ssyncadd.s32 $0xFFFFE000  }
0xbb: {  	[spmem:s3] =	stream.indirect.scatter.add.f32 [tilespmem:s13], [sflag:$0xA], $0x40, s18, s5, $0x2000b8;
	[tilespmem:$0x1F660] =	vst v63  }
0xbc: {  	_ =	swait.ge [sflag:s23], $0x2000  }
0xbd: {  	[sflag:s23] =	ssyncset.done $0x0  }
0xbe: {  	s19 =	simm.s32 $0x380;
	[sflag:s23] =	ssyncadd.s32 $0xFFFFE000  }
0xbf: {  	[tilespmem:s9], [sflag:$0x3] =	stream.indirect.gather [hbm4b:s0+s5], $0x40, s19, s5, $0x2000b8;
	[tilespmem:$0x1F660] =	vst v63  }
.LBB2_3:
0xc0: {  	_ =	swait.ge [sflag:s14], $0x2000  }
0xc1: {  	s8 =	sshra.s32 s30, $0x2;
	[sflag:s14] =	ssyncset.done $0x0  }
0xc2: {  	s12 =	sadd.s32 $0x5280, s8;
	[sflag:s14] =	ssyncadd.s32 $0xFFFFE000  }
0xc3: {  	[spmem:s3] =	stream.indirect.scatter.add.f32 [tilespmem:s6], [sflag:$0x6], $0x40, s12, s5, $0x2000b8;
	[tilespmem:$0x1F660] =	vst v63  }
0xc4: {  	_ =	swait.ge [sflag:s24], $0x2000  }
0xc5: {  	[sflag:s24] =	ssyncset.done $0x0  }
0xc6: {  	s18 =	sadd.s32 $0x400, s8;
	[sflag:s24] =	ssyncadd.s32 $0xFFFFE000  }
0xc7: {  	[tilespmem:s11], [sflag:$0x4] =	stream.indirect.gather [hbm4b:s0+s5], $0x40, s18, s5, $0x2000b8;
	[tilespmem:$0x1F660] =	vst v63  }
0xc8: {  	_ =	swait.ge [sflag:s16], $0x2000  }
0xc9: {  	[sflag:s16] =	ssyncset.done $0x0  }
0xca: {  	s19 =	sadd.s32 $0x5300, s8;
	[sflag:s16] =	ssyncadd.s32 $0xFFFFE000  }
0xcb: {  	[spmem:s3] =	stream.indirect.scatter.add.f32 [tilespmem:s7], [sflag:$0x7], $0x40, s19, s5, $0x2000b8;
	[tilespmem:$0x1F660] =	vst v63  }
0xcc: {  	_ =	swait.ge [sflag:s26], $0x2000  }
0xcd: {  	[sflag:s26] =	ssyncset.done $0x0  }
0xce: {  	s17 =	sadd.s32 $0x480, s8;
	[sflag:s26] =	ssyncadd.s32 $0xFFFFE000  }
0xcf: {  	[tilespmem:s13], [sflag:$0x5] =	stream.indirect.gather [hbm4b:s0+s5], $0x40, s17, s5, $0x2000b8;
	[tilespmem:$0x1F660] =	vst v63  }
0xd0: {  	_ =	swait.ge [sflag:s10], $0x2000  }
0xd1: {  	[sflag:s10] =	ssyncset.done $0x0  }
0xd2: {  	s18 =	sadd.s32 $0x5380, s8;
	[sflag:s10] =	ssyncadd.s32 $0xFFFFE000  }
0xd3: {  	[spmem:s3] =	stream.indirect.scatter.add.f32 [tilespmem:s9], [sflag:$0x8], $0x40, s18, s5, $0x2000b8;
	[tilespmem:$0x1F660] =	vst v63  }
0xd4: {  	_ =	swait.ge [sflag:s29], $0x2000  }
0xd5: {  	p3 =	seq.s32 s30, $0x12C00;
	[sflag:s29] =	ssyncset.done $0x0  }
0xd6: {  	s12 =	simm.s32 @p3 $0x4;
	[sflag:s29] =	ssyncadd.s32 $0xFFFFE000  }
0xd7: {  	_ =	swait.ge @p3 [sflag:s12], $0x2000  }
0xd8: {  	[sflag:s12] =	ssyncset.done @p3 $0x0  }
0xd9: {  	[sflag:s12] =	ssyncadd.s32 @p3 $0xFFFFE000;
	s12 =	sshra.s32 @p3 s30, $0x2  }
0xda: {  	s17 =	simm.s32 @p3 $0x80;
	s18 =	simm.s32 @p3 $0x10000;
	s12 =	sadd.s32 @p3 $0x5400, s12  }
0xdb: {  	[spmem:s3] =	stream.indirect.scatter.add.f32 @p3 [tilespmem:s18], [sflag:$0x9], $0x40, s12, s17, $0x2000b8;
	[tilespmem:$0x1F660] =	vst v63  }
0xdc: {  	s12 =	simm.s32 @p3 $0x7  }
0xdd: {  	_ =	swait.ge @p3 [sflag:s12], $0x2000  }
0xde: {  	[sflag:s12] =	ssyncset.done @p3 $0x0  }
0xdf: {  	[sflag:s12] =	ssyncadd.s32 @p3 $0xFFFFE000;
	s12 =	sshra.s32 @!p3 s30, $0x2  }
0xe0: {  	s19 =	simm.s32 @!p3 $0xA000;
	s18 =	simm.s32 @!p3 $0x80;
	s17 =	sadd.s32 @!p3 $0x500, s12  }
0xe1: {  	[tilespmem:s19], [sflag:$0x1] =	stream.indirect.gather @!p3 [hbm4b:s0+s18], $0x40, s17, s18, $0x2000b8;
	[tilespmem:$0x1F660] =	vst v63  }
0xe2: {  	s17 =	simm.s32 @!p3 $0x4  }
0xe3: {  	_ =	swait.ge @!p3 [sflag:s17], $0x2000  }
0xe4: {  	[sflag:s17] =	ssyncset.done @!p3 $0x0  }
0xe5: {  	s19 =	simm.s32 @!p3 $0x10000;
	[sflag:s17] =	ssyncadd.s32 @!p3 $0xFFFFE000;
	s17 =	sadd.s32 @!p3 $0x5400, s12  }
0xe6: {  	[spmem:s3] =	stream.indirect.scatter.add.f32 @!p3 [tilespmem:s19], [sflag:$0x9], $0x40, s17, s18, $0x2000b8;
	[tilespmem:$0x1F660] =	vst v63  }
0xe7: {  	s17 =	simm.s32 @!p3 $0x7  }
0xe8: {  	_ =	swait.ge @!p3 [sflag:s17], $0x2000  }
0xe9: {  	[sflag:s17] =	ssyncset.done @!p3 $0x0  }
0xea: {  	s12 =	sadd.s32 @!p3 $0x580, s12;
	[sflag:s17] =	ssyncadd.s32 @!p3 $0xFFFFE000;
	s17 =	simm.s32 @!p3 $0xC000  }
0xeb: {  	[tilespmem:s17], [sflag:$0x2] =	stream.indirect.gather @!p3 [hbm4b:s0+s18], $0x40, s12, s18, $0x2000b8;
	[tilespmem:$0x1F660] =	vst v63  }
0xec: {  	_ =	swait.ge [sflag:s28], $0x2000  }
0xed: {  	[sflag:s28] =	ssyncset.done $0x0  }
.Ltmp3:
0xee: {  	s19 =	sadd.s32 $0x5480, s8;
	[sflag:s28] =	ssyncadd.s32 $0xFFFFE000;
	(pc) =	sbr.rel @p3 .LBB2_8-.Ltmp3, $4  }
0xef: {  	[spmem:s3] =	stream.indirect.scatter.add.f32 [tilespmem:s13], [sflag:$0xA], $0x40, s19, s5, $0x2000b8;
	[tilespmem:$0x1F660] =	vst v63  }
0xf0: {  	_ =	swait.ge [sflag:s23], $0x2000  }
0xf1: {  	[sflag:s23] =	ssyncset.done $0x0  }
0xf2: {  	[sflag:s23] =	ssyncadd.s32 $0xFFFFE000  }
.Ltmp4:
0xf3: {  	(pc) =	sbr.rel .LBB2_3-.Ltmp4, $3  }
0xf4: {  	_ =	sdelay $0x1  }
0xf5: {  	s8 =	sadd.s32 $0x600, s8;
	s30 =	sadd.s32 $0xA00, s30  }
0xf6: {  	[tilespmem:s9], [sflag:$0x3] =	stream.indirect.gather [hbm4b:s0+s5], $0x40, s8, s5, $0x2000b8;
	[tilespmem:$0x1F660] =	vst v63  }
.LBB2_5:
0xf7: {  	[tilespmem:s6], [sflag:$0x1] =	stream.indirect.gather [hbm4b:s25+s5], $0x40, s30, s5, $0xb8;
	[tilespmem:$0x1F660] =	vst v63  }
0xf8: {  	_ = 	snop  }
0xf9: {  	[tilespmem:s7], [sflag:$0x2] =	stream.indirect.gather [hbm4b:s25+s5], $0x40, s5, s5, $0xb8;
	[tilespmem:$0x1F660] =	vst v63  }
0xfa: {  	s8 =	simm.s32 $0x100  }
0xfb: {  	[tilespmem:s9], [sflag:$0x3] =	stream.indirect.gather [hbm4b:s25+s5], $0x40, s8, s5, $0xb8;
	[tilespmem:$0x1F660] =	vst v63  }
0xfc: {  	s17 =	simm.s32 $0x180  }
0xfd: {  	[tilespmem:s11], [sflag:$0x4] =	stream.indirect.gather [hbm4b:s25+s5], $0x40, s17, s5, $0xb8;
	[tilespmem:$0x1F660] =	vst v63  }
0xfe: {  	s18 =	simm.s32 $0x200  }
0xff: {  	[tilespmem:s13], [sflag:$0x5] =	stream.indirect.gather [hbm4b:s25+s5], $0x40, s18, s5, $0xb8;
	[tilespmem:$0x1F660] =	vst v63  }
0x100: {  	_ =	strace $0x80000055  }
0x101: {  	_ =	swait.ge [sflag:s14], $0x2000  }
0x102: {  	[sflag:s14] =	ssyncset.done $0x0  }
0x103: {  	[sflag:s14] =	ssyncadd.s32 $0xFFFFE000  }
0x104: {  	[spmem:s3] =	stream.indirect.scatter.add.f32 [tilespmem:s6], [sflag:$0x6], $0x40, s12, s5, $0x2000b8;
	[tilespmem:$0x1F660] =	vst v63  }
0x105: {  	_ =	swait.ge [sflag:s16], $0x2000  }
0x106: {  	[sflag:s16] =	ssyncset.done $0x0  }
0x107: {  	s19 =	simm.s32 $0x5080;
	[sflag:s16] =	ssyncadd.s32 $0xFFFFE000  }
0x108: {  	[spmem:s3] =	stream.indirect.scatter.add.f32 [tilespmem:s7], [sflag:$0x7], $0x40, s19, s5, $0x2000b8;
	[tilespmem:$0x1F660] =	vst v63  }
0x109: {  	_ =	swait.ge [sflag:s10], $0x2000  }
0x10a: {  	[sflag:s10] =	ssyncset.done $0x0  }
0x10b: {  	s12 =	simm.s32 $0x5100;
	[sflag:s10] =	ssyncadd.s32 $0xFFFFE000  }
0x10c: {  	[spmem:s3] =	stream.indirect.scatter.add.f32 [tilespmem:s9], [sflag:$0x8], $0x40, s12, s5, $0x2000b8;
	[tilespmem:$0x1F660] =	vst v63  }
0x10d: {  	_ =	swait.ge [sflag:s29], $0x2000  }
0x10e: {  	[sflag:s29] =	ssyncset.done $0x0  }
0x10f: {  	s17 =	simm.s32 $0x280;
	s18 =	simm.s32 $0x4;
	[sflag:s29] =	ssyncadd.s32 $0xFFFFE000  }
0x110: {  	[tilespmem:s6], [sflag:$0x1] =	stream.indirect.gather [hbm4b:s25+s5], $0x40, s17, s5, $0x2000b8;
	[tilespmem:$0x1F660] =	vst v63  }
0x111: {  	_ =	swait.ge [sflag:s18], $0x2000  }
0x112: {  	[sflag:s18] =	ssyncset.done $0x0  }
0x113: {  	s19 =	simm.s32 $0x5180;
	s12 =	simm.s32 $0x7;
	[sflag:s18] =	ssyncadd.s32 $0xFFFFE000  }
0x114: {  	[spmem:s3] =	stream.indirect.scatter.add.f32 [tilespmem:s11], [sflag:$0x9], $0x40, s19, s5, $0x2000b8;
	[tilespmem:$0x1F660] =	vst v63  }
0x115: {  	_ =	swait.ge [sflag:s12], $0x2000  }
0x116: {  	[sflag:s12] =	ssyncset.done $0x0  }
0x117: {  	s17 =	simm.s32 $0x300;
	[sflag:s12] =	ssyncadd.s32 $0xFFFFE000  }
0x118: {  	[tilespmem:s7], [sflag:$0x2] =	stream.indirect.gather [hbm4b:s25+s5], $0x40, s17, s5, $0x2000b8;
	[tilespmem:$0x1F660] =	vst v63  }
0x119: {  	_ =	swait.ge [sflag:s28], $0x2000  }
0x11a: {  	[sflag:s28] =	ssyncset.done $0x0  }
0x11b: {  	s18 =	simm.s32 $0x5200;
	[sflag:s28] =	ssyncadd.s32 $0xFFFFE000  }
0x11c: {  	[spmem:s3] =	stream.indirect.scatter.add.f32 [tilespmem:s13], [sflag:$0xA], $0x40, s18, s5, $0x2000b8;
	[tilespmem:$0x1F660] =	vst v63  }
0x11d: {  	_ =	swait.ge [sflag:s23], $0x2000  }
0x11e: {  	[sflag:s23] =	ssyncset.done $0x0  }
0x11f: {  	s19 =	simm.s32 $0x380;
	[sflag:s23] =	ssyncadd.s32 $0xFFFFE000  }
0x120: {  	[tilespmem:s9], [sflag:$0x3] =	stream.indirect.gather [hbm4b:s25+s5], $0x40, s19, s5, $0x2000b8;
	[tilespmem:$0x1F660] =	vst v63  }
.LBB2_6:
0x121: {  	_ =	swait.ge [sflag:s14], $0x2000  }
0x122: {  	s8 =	sshra.s32 s30, $0x2;
	[sflag:s14] =	ssyncset.done $0x0  }
0x123: {  	s12 =	sadd.s32 $0x5280, s8;
	[sflag:s14] =	ssyncadd.s32 $0xFFFFE000  }
0x124: {  	[spmem:s3] =	stream.indirect.scatter.add.f32 [tilespmem:s6], [sflag:$0x6], $0x40, s12, s5, $0x2000b8;
	[tilespmem:$0x1F660] =	vst v63  }
0x125: {  	_ =	swait.ge [sflag:s24], $0x2000  }
0x126: {  	[sflag:s24] =	ssyncset.done $0x0  }
0x127: {  	s18 =	sadd.s32 $0x400, s8;
	[sflag:s24] =	ssyncadd.s32 $0xFFFFE000  }
0x128: {  	[tilespmem:s11], [sflag:$0x4] =	stream.indirect.gather [hbm4b:s25+s5], $0x40, s18, s5, $0x2000b8;
	[tilespmem:$0x1F660] =	vst v63  }
0x129: {  	_ =	swait.ge [sflag:s16], $0x2000  }
0x12a: {  	[sflag:s16] =	ssyncset.done $0x0  }
0x12b: {  	s19 =	sadd.s32 $0x5300, s8;
	[sflag:s16] =	ssyncadd.s32 $0xFFFFE000  }
0x12c: {  	[spmem:s3] =	stream.indirect.scatter.add.f32 [tilespmem:s7], [sflag:$0x7], $0x40, s19, s5, $0x2000b8;
	[tilespmem:$0x1F660] =	vst v63  }
0x12d: {  	_ =	swait.ge [sflag:s26], $0x2000  }
0x12e: {  	[sflag:s26] =	ssyncset.done $0x0  }
0x12f: {  	s17 =	sadd.s32 $0x480, s8;
	[sflag:s26] =	ssyncadd.s32 $0xFFFFE000  }
0x130: {  	[tilespmem:s13], [sflag:$0x5] =	stream.indirect.gather [hbm4b:s25+s5], $0x40, s17, s5, $0x2000b8;
	[tilespmem:$0x1F660] =	vst v63  }
0x131: {  	_ =	swait.ge [sflag:s10], $0x2000  }
0x132: {  	[sflag:s10] =	ssyncset.done $0x0  }
0x133: {  	s18 =	sadd.s32 $0x5380, s8;
	[sflag:s10] =	ssyncadd.s32 $0xFFFFE000  }
0x134: {  	[spmem:s3] =	stream.indirect.scatter.add.f32 [tilespmem:s9], [sflag:$0x8], $0x40, s18, s5, $0x2000b8;
	[tilespmem:$0x1F660] =	vst v63  }
0x135: {  	_ =	swait.ge [sflag:s29], $0x2000  }
0x136: {  	p3 =	seq.s32 s30, $0x12C00;
	[sflag:s29] =	ssyncset.done $0x0  }
0x137: {  	s12 =	simm.s32 @p3 $0x4;
	[sflag:s29] =	ssyncadd.s32 $0xFFFFE000  }
0x138: {  	_ =	swait.ge @p3 [sflag:s12], $0x2000  }
0x139: {  	[sflag:s12] =	ssyncset.done @p3 $0x0  }
0x13a: {  	[sflag:s12] =	ssyncadd.s32 @p3 $0xFFFFE000;
	s12 =	sshra.s32 @p3 s30, $0x2  }
0x13b: {  	s17 =	simm.s32 @p3 $0x80;
	s18 =	simm.s32 @p3 $0x10000;
	s12 =	sadd.s32 @p3 $0x5400, s12  }
0x13c: {  	[spmem:s3] =	stream.indirect.scatter.add.f32 @p3 [tilespmem:s18], [sflag:$0x9], $0x40, s12, s17, $0x2000b8;
	[tilespmem:$0x1F660] =	vst v63  }
0x13d: {  	s12 =	simm.s32 @p3 $0x7  }
0x13e: {  	_ =	swait.ge @p3 [sflag:s12], $0x2000  }
0x13f: {  	[sflag:s12] =	ssyncset.done @p3 $0x0  }
0x140: {  	[sflag:s12] =	ssyncadd.s32 @p3 $0xFFFFE000;
	s12 =	sshra.s32 @!p3 s30, $0x2  }
0x141: {  	s19 =	simm.s32 @!p3 $0xA000;
	s18 =	simm.s32 @!p3 $0x80;
	s17 =	sadd.s32 @!p3 $0x500, s12  }
0x142: {  	[tilespmem:s19], [sflag:$0x1] =	stream.indirect.gather @!p3 [hbm4b:s25+s18], $0x40, s17, s18, $0x2000b8;
	[tilespmem:$0x1F660] =	vst v63  }
0x143: {  	s17 =	simm.s32 @!p3 $0x4  }
0x144: {  	_ =	swait.ge @!p3 [sflag:s17], $0x2000  }
0x145: {  	[sflag:s17] =	ssyncset.done @!p3 $0x0  }
0x146: {  	s19 =	simm.s32 @!p3 $0x10000;
	[sflag:s17] =	ssyncadd.s32 @!p3 $0xFFFFE000;
	s17 =	sadd.s32 @!p3 $0x5400, s12  }
0x147: {  	[spmem:s3] =	stream.indirect.scatter.add.f32 @!p3 [tilespmem:s19], [sflag:$0x9], $0x40, s17, s18, $0x2000b8;
	[tilespmem:$0x1F660] =	vst v63  }
0x148: {  	s17 =	simm.s32 @!p3 $0x7  }
0x149: {  	_ =	swait.ge @!p3 [sflag:s17], $0x2000  }
0x14a: {  	[sflag:s17] =	ssyncset.done @!p3 $0x0  }
0x14b: {  	s12 =	sadd.s32 @!p3 $0x580, s12;
	[sflag:s17] =	ssyncadd.s32 @!p3 $0xFFFFE000;
	s17 =	simm.s32 @!p3 $0xC000  }
0x14c: {  	[tilespmem:s17], [sflag:$0x2] =	stream.indirect.gather @!p3 [hbm4b:s25+s18], $0x40, s12, s18, $0x2000b8;
	[tilespmem:$0x1F660] =	vst v63  }
0x14d: {  	_ =	swait.ge [sflag:s28], $0x2000  }
0x14e: {  	[sflag:s28] =	ssyncset.done $0x0  }
.Ltmp5:
0x14f: {  	s19 =	sadd.s32 $0x5480, s8;
	[sflag:s28] =	ssyncadd.s32 $0xFFFFE000;
	(pc) =	sbr.rel @p3 .LBB2_9-.Ltmp5, $4  }
0x150: {  	[spmem:s3] =	stream.indirect.scatter.add.f32 [tilespmem:s13], [sflag:$0xA], $0x40, s19, s5, $0x2000b8;
	[tilespmem:$0x1F660] =	vst v63  }
0x151: {  	_ =	swait.ge [sflag:s23], $0x2000  }
0x152: {  	[sflag:s23] =	ssyncset.done $0x0  }
0x153: {  	[sflag:s23] =	ssyncadd.s32 $0xFFFFE000  }
.Ltmp6:
0x154: {  	(pc) =	sbr.rel .LBB2_6-.Ltmp6, $3  }
0x155: {  	_ =	sdelay $0x1  }
0x156: {  	s8 =	sadd.s32 $0x600, s8;
	s30 =	sadd.s32 $0xA00, s30  }
0x157: {  	[tilespmem:s9], [sflag:$0x3] =	stream.indirect.gather [hbm4b:s25+s5], $0x40, s8, s5, $0x2000b8;
	[tilespmem:$0x1F660] =	vst v63  }
.LBB2_8:
0x158: {  	_ =	swait.ge [sflag:s24], $0x2000  }
0x159: {  	[sflag:s24] =	ssyncset.done $0x0  }
0x15a: {  	[sflag:s24] =	ssyncadd.s32 $0xFFFFE000  }
0x15b: {  	_ =	swait.ge [sflag:s26], $0x2000  }
0x15c: {  	[sflag:s26] =	ssyncset.done $0x0  }
0x15d: {  	[sflag:s26] =	ssyncadd.s32 $0xFFFFE000  }
0x15e: {  	_ =	strace $0x90000054  }
0x15f: {  	[bflag:$0x0] =	sbarrier.arrive $0xFFFF  }
0x160: {  	_ =	strace $0x80000056  }
0x161: {  	[tilespmem:s1], [sflag:$0xB] =	stream.linear.gather [spmem:s20], $0x1A00, $0x200038;
	[tilespmem:$0x1F660] =	vst v63  }
0x162: {  	_ =	swait.ge [sflag:s2], $0x1A00  }
0x163: {  	[sflag:s2] =	ssyncset.done $0x0  }
0x164: {  	s8 =	rddreg [dreg:$0xa];
	[sflag:s2] =	ssyncadd.s32 $0xFFFFE600  }
0x165: {  	[hbm4b:s8+s15] =	stream.linear.scatter [tilespmem:s1], [sflag:$0xB], $0x1A00, $0x200038;
	[tilespmem:$0x1F660] =	vst v63  }
0x166: {  	_ =	swait.ge [sflag:s2], $0x1A00  }
0x167: {  	[sflag:s2] =	ssyncset.done $0x0  }
0x168: {  	[sflag:s2] =	ssyncadd.s32 $0xFFFFE600  }
0x169: {  	[tilespmem:s1], [sflag:$0xB] =	stream.linear.gather [spmem:s21], $0x1A00, $0x200038;
	[tilespmem:$0x1F660] =	vst v63  }
0x16a: {  	_ =	swait.ge [sflag:s2], $0x1A00  }
0x16b: {  	[sflag:s2] =	ssyncset.done $0x0  }
0x16c: {  	s12 =	rddreg [dreg:$0xb];
	[sflag:s2] =	ssyncadd.s32 $0xFFFFE600  }
0x16d: {  	[hbm4b:s12+s15] =	stream.linear.scatter [tilespmem:s1], [sflag:$0xB], $0x1A00, $0x200038;
	[tilespmem:$0x1F660] =	vst v63  }
0x16e: {  	_ =	swait.ge [sflag:s2], $0x1A00  }
0x16f: {  	[sflag:s2] =	ssyncset.done $0x0  }
0x170: {  	s17 =	rddreg [dreg:$0x10];
	[sflag:s2] =	ssyncadd.s32 $0xFFFFE600  }
0x171: {  	[tilespmem:s1], [sflag:$0xB] =	stream.linear.gather [spmem:s17], $0x1A00, $0x200038;
	[tilespmem:$0x1F660] =	vst v63  }
0x172: {  	_ =	swait.ge [sflag:s2], $0x1A00  }
0x173: {  	[sflag:s2] =	ssyncset.done $0x0  }
0x174: {  	s18 =	rddreg [dreg:$0xc];
	[sflag:s2] =	ssyncadd.s32 $0xFFFFE600  }
0x175: {  	[hbm4b:s18+s15] =	stream.linear.scatter [tilespmem:s1], [sflag:$0xB], $0x1A00, $0x200038;
	[tilespmem:$0x1F660] =	vst v63  }
0x176: {  	_ =	swait.ge [sflag:s2], $0x1A00  }
0x177: {  	[sflag:s2] =	ssyncset.done $0x0  }
0x178: {  	s19 =	rddreg [dreg:$0x11];
	[sflag:s2] =	ssyncadd.s32 $0xFFFFE600  }
0x179: {  	[tilespmem:s1], [sflag:$0xB] =	stream.linear.gather [spmem:s19], $0x1A00, $0x200038;
	[tilespmem:$0x1F660] =	vst v63  }
0x17a: {  	_ =	swait.ge [sflag:s2], $0x1A00  }
0x17b: {  	[sflag:s2] =	ssyncset.done $0x0  }
0x17c: {  	s12 =	rddreg [dreg:$0xd];
	[sflag:s2] =	ssyncadd.s32 $0xFFFFE600  }
0x17d: {  	[hbm4b:s12+s15] =	stream.linear.scatter [tilespmem:s1], [sflag:$0xB], $0x1A00, $0x200038;
	[tilespmem:$0x1F660] =	vst v63  }
0x17e: {  	_ =	swait.ge [sflag:s2], $0x1A00  }
0x17f: {  	[sflag:s2] =	ssyncset.done $0x0  }
0x180: {  	s17 =	rddreg [dreg:$0x12];
	[sflag:s2] =	ssyncadd.s32 $0xFFFFE600  }
0x181: {  	[tilespmem:s1], [sflag:$0xB] =	stream.linear.gather [spmem:s17], $0x1A00, $0x200038;
	[tilespmem:$0x1F660] =	vst v63  }
0x182: {  	_ =	swait.ge [sflag:s2], $0x1A00  }
0x183: {  	[sflag:s2] =	ssyncset.done $0x0  }
0x184: {  	s18 =	rddreg [dreg:$0xe];
	[sflag:s2] =	ssyncadd.s32 $0xFFFFE600  }
0x185: {  	[hbm4b:s18+s15] =	stream.linear.scatter [tilespmem:s1], [sflag:$0xB], $0x1A00, $0x200038;
	[tilespmem:$0x1F660] =	vst v63  }
0x186: {  	_ =	swait.ge [sflag:s2], $0x1A00  }
0x187: {  	[sflag:s2] =	ssyncset.done $0x0  }
0x188: {  	[sflag:s2] =	ssyncadd.s32 $0xFFFFE600  }
0x189: {  	[tilespmem:s1], [sflag:$0xB] =	stream.linear.gather [spmem:s22], $0x1A00, $0x200038;
	[tilespmem:$0x1F660] =	vst v63  }
0x18a: {  	_ =	swait.ge [sflag:s2], $0x1A00  }
0x18b: {  	[sflag:s2] =	ssyncset.done $0x0  }
0x18c: {  	s19 =	rddreg [dreg:$0xf];
	[sflag:s2] =	ssyncadd.s32 $0xFFFFE600  }
0x18d: {  	[hbm4b:s19+s15] =	stream.linear.scatter [tilespmem:s1], [sflag:$0xB], $0x1A00, $0x200038;
	[tilespmem:$0x1F660] =	vst v63  }
0x18e: {  	_ =	swait.ge [sflag:s2], $0x1A00  }
0x18f: {  	[sflag:s2] =	ssyncset.done $0x0  }
0x190: {  	s8 =	simm.s32 @p2 $0xA000;
	s12 =	simm.s32 @p2 $0xB;
	[sflag:s2] =	ssyncadd.s32 $0xFFFFE600  }
0x191: {  	[tilespmem:s8], [sflag:$0xB] =	stream.linear.gather @p2 [spmem:s31], $0x400, $0x200038;
	[tilespmem:$0x1F660] =	vst v63  }
0x192: {  	_ =	swait.ge @p2 [sflag:s12], $0x400  }
0x193: {  	[sflag:s12] =	ssyncset.done @p2 $0x0  }
0x194: {  	s17 =	simm.s32 @p2 $0x0;
	s19 =	rddreg [dreg:$0x17];
	[sflag:s12] =	ssyncadd.s32 @p2 $0xFFFFFC00  }
0x195: {  	[hbm4b:s19+s17] =	stream.linear.scatter @p2 [tilespmem:s8], [sflag:$0xB], $0x400, $0x200038;
	[tilespmem:$0x1F660] =	vst v63  }
.Ltmp7:
0x196: {  	_ = 	snop;
	(pc) =	sbr.rel .LBB2_10-.Ltmp7, $4  }
0x197: {  	_ =	swait.ge @p2 [sflag:s12], $0x400  }
0x198: {  	[sflag:s12] =	ssyncset.done @p2 $0x0  }
0x199: {  	s30 =	smov.u32 s21;
	[sflag:s12] =	ssyncadd.s32 @p2 $0xFFFFFC00  }
0x19a: {  	s18 =	smov.u32 s20;
	s12 =	simm.s32 $0x5000;
	_ =	strace $0x90000056  }
.LBB2_11:
0x19b: {  	_ =	sfence.sel $0x180000  }
0x19c: {  	[bflag:$0x0] =	sbarrier.arrive $0xFFFF  }
0x19d: {  	_ =	strace $0x90000052  }
0x19e: {  	s0 =	stileid.u32;
	[bflag:$0x2] =	sbarrier.arrive $0xFFFF  }
0x19f: {  	p0 =	sne.s32 s0, $0x0;
	s0 =	rddreg [dreg:$0x3]  }
0x1a0: {  	s0 =	sadd.s32 @!p0 $0x100000, s0  }
0x1a1: {  	[sflag:s0] =	ssyncadd.tile.s32 @!p0 $0x1;
	_ =	shalt  }
.Lfunc_end2:
_tile_overlayer_lowered:
.L_overlay_start_2:
0x1a2: {  	(tag) =	ssettag $0x2  }
0x1a3: {  	s0 =	rddreg [dreg:$0x0];
	s2 =	stileid.u32  }
0x1a4: {  	s1 =	rddreg [dreg:$0x1];
	p0 =	sne.s32 s2, $0x0  }
0x1a5: {  	s3 =	rddreg [dreg:$0x2];
	[bflag:$0x3] =	sbarrier.arrive $0xFFFF;
	s2 =	simm.s32 @!p0 $0x1C0B  }
0x1a6: {  	[timem:s3], [sflag:s2] =	dma.local @!p0 [hbm:s0], s1  }
0x1a7: {  	s0 =	simm.s32 @!p0 $0xB  }
0x1a8: {  	_ =	swait.ge @!p0 [sflag:s0], s1  }
0x1a9: {  	s1 =	ssub.s32 @!p0 $0x0, s1;
	[sflag:s0] =	ssyncset.done @!p0 $0x0  }
0x1aa: {  	[sflag:s0] =	ssyncadd.s32 @!p0 s1  }
0x1ab: {  	[bflag:$0x3] =	sbarrier.arrive $0xFFFF  }
0x1ac: {  	_ =	shalt  }

// kernel: kernel.8.cloned.1.call-start
scs
__scs_entry_jumppad:
0x0: {  	(pc) =	sbr.rel $0x88, $3  }
0x1: {  	(tag) =	ssettag $0x0;
	lr =	simm.s32 $0x1  }
0x2: {  	[smem:$0x3F9B] =	sst lr;
	_ =	strace $0xD0000000  }
0x3: {  	_ = 	snop  }
0x4: {  	_ = 	snop  }
0x5: {  	_ = 	snop  }
0x6: {  	_ = 	snop  }
0x7: {  	_ = 	snop  }
__scs_overlays_trampoline_lowered:
0x8: {  	[smem:$0x3FAA] =	sst s0  }
0x9: {  	[smem:$0x3FAB] =	sst s1  }
0xa: {  	[smem:$0x3FAC] =	sst s2  }
0xb: {  	[smem:$0x3FAD] =	sst s3  }
0xc: {  	[smem:$0x3FAE] =	sst s4  }
0xd: {  	[smem:$0x3FAF] =	sst s5  }
0xe: {  	[smem:$0x3FB0] =	sst s6  }
0xf: {  	[smem:$0x3FB1] =	sst s7  }
0x10: {  	[smem:$0x3FB2] =	sst s8  }
0x11: {  	[smem:$0x3FB3] =	sst s9;
	s0 =	simm.s32 @!p0 $0x0  }
0x12: {  	s1 =	sld [smem:$0x3F99];
	s0 =	simm.s32 @p0 $0x1  }
0x13: {  	[smem:$0x3FB4] =	sst s0;
	s0 =	simm.s32 @!p1 $0x0  }
0x14: {  	s2 =	sld [smem:$0x3F98];
	s0 =	simm.s32 @p1 $0x1  }
0x15: {  	[smem:$0x3FB5] =	sst s0;
	s0 =	simm.s32 @!p2 $0x0  }
0x16: {  	s3 =	sld [smem:$0x3FDB];
	s0 =	simm.s32 @p2 $0x1  }
0x17: {  	s4 =	simm.s32 $0x1BF5;
	[smem:$0x3FB7] =	sst s0  }
0x18: {  	s0 =	sld [smem:$0x3F9A];
	_ =	swait.ge [sflag:s4], $0x0  }
0x19: {  	s7 =	sld [smem:$0x3F9B]  }
0x1a: {  	s8 =	sadd.s32 $0xFFFFE003, lr  }
0x1b: {  	s9 =	sadd.s32 $0xFFFFFEF7, lr;
	s5 =	simm.s32 $0xFFFFFFFF;
	p2 =	slt.u32 s8, $0xFFFFF086  }
0x1c: {  	p1 =	slt.u32 s9, $0xF7A;
	s5 =	simm.s32 @!p2 $0x0  }
0x1d: {  	s5 =	simm.s32 @p1 $0x1;
	p0 =	seq.s32 s7, s2  }
0x1e: {  	s7 =	smul.u32 @!p0 $0xF7A, s2;
	p2 =	seq.s32 @!p0 s5, $0x0  }
0x1f: {  	s9 =	smul.u32 $0xF7A, s1;
	s8 =	simm.s32 @!p0 $0x1BF5;
	p2 =	por !p2, p0  }
0x20: {  	[sflag:s8] =	ssyncset.s32 @!p0 $0xFFFFF086;
	s6 =	sadd.s32 @!p0 s3, s7;
	s7 =	simm.s32 @!p0 $0x108  }
0x21: {  	s3 =	sadd.s32 s3, s9;
	s6 =	sadd.s32 @!p0 $0x88, s6;
	s7 =	simm.s32 @p2 $0x1082  }
0x22: {  	[simem:s7], [sflag:s8] =	dma.local @!p0 [hbm:s6], $0xF7A  }
0x23: {  	s9 =	sor.u32 $0xD0000000, s2;
	s6 =	simm.s32 $0x108;
	_ =	swait.ge @!p0 [sflag:s8], $0x0  }
0x24: {  	s3 =	sadd.s32 $0x88, s3;
	s6 =	simm.s32 @!p1 $0x1082;
	[sflag:s4] =	ssyncset.s32 $0xFFFFF086  }
0x25: {  	[simem:s6], [sflag:s4] =	dma.local [hbm:s3], $0xF7A  }
0x26: {  	[smem:$0x3F9B] =	sst s1;
	(tag) =	ssettag s2;
	_ =	strace s9  }
0x27: {  	s1 =	sld [smem:$0x3FAB]  }
0x28: {  	s2 =	sld [smem:$0x3FAC]  }
0x29: {  	s4 =	sld [smem:$0x3FAE]  }
0x2a: {  	p0 =	seq.s32 s5, $0x0;
	s5 =	sld [smem:$0x3FAF]  }
0x2b: {  	s6 =	sld [smem:$0x3FB0]  }
0x2c: {  	s7 =	sld [smem:$0x3FB1]  }
0x2d: {  	s3 =	simm.s32 $0x108;
	s8 =	sld [smem:$0x3FB2]  }
0x2e: {  	s3 =	simm.s32 @!p0 $0x1082;
	s9 =	sld [smem:$0x3FB3]  }
0x2f: {  	lr =	sadd.s32 s0, s3;
	s0 =	sld [smem:$0x3FAA]  }
0x30: {  	s3 =	sld [smem:$0x3FAD]  }
0x31: {  	[smem:$0x3FB6] =	sst s10  }
0x32: {  	s10 =	sld [smem:$0x3FB4];
	_ =	sdelay $0x3  }
0x33: {  	p0 =	seq.s32 s10, $0x1;
	s10 =	sld [smem:$0x3FB6];
	_ =	sdelay $0x3  }
0x34: {  	[smem:$0x3FB6] =	sst s10  }
0x35: {  	s10 =	sld [smem:$0x3FB5];
	_ =	sdelay $0x3  }
0x36: {  	p1 =	seq.s32 s10, $0x1;
	s10 =	sld [smem:$0x3FB6];
	_ =	sdelay $0x3  }
0x37: {  	[smem:$0x3FB6] =	sst s10  }
0x38: {  	s10 =	sld [smem:$0x3FB7]  }
0x39: {  	_ = 	snop;
	(pc) =	sbr.ind lr, $3  }
0x3a: {  	_ = 	snop  }
0x3b: {  	_ = 	snop  }
0x3c: {  	p2 =	seq.s32 s10, $0x1;
	s10 =	sld [smem:$0x3FB6]  }
0x3d: {  	_ =	shalt  }
0x3e: {  	_ =	shalt  }
0x3f: {  	_ =	shalt  }
0x40: {  	_ =	shalt  }
0x41: {  	_ =	shalt  }
0x42: {  	_ =	shalt  }
0x43: {  	_ =	shalt  }
0x44: {  	_ =	shalt  }
0x45: {  	_ =	shalt  }
0x46: {  	_ =	shalt  }
0x47: {  	_ =	shalt  }
0x48: {  	_ =	shalt  }
0x49: {  	_ =	shalt  }
0x4a: {  	_ =	shalt  }
0x4b: {  	_ =	shalt  }
0x4c: {  	_ =	shalt  }
0x4d: {  	_ =	shalt  }
0x4e: {  	_ =	shalt  }
0x4f: {  	_ =	shalt  }
0x50: {  	_ =	shalt  }
0x51: {  	_ =	shalt  }
0x52: {  	_ =	shalt  }
0x53: {  	_ =	shalt  }
0x54: {  	_ =	shalt  }
0x55: {  	_ =	shalt  }
0x56: {  	_ =	shalt  }
0x57: {  	_ =	shalt  }
0x58: {  	_ =	shalt  }
0x59: {  	_ =	shalt  }
0x5a: {  	_ =	shalt  }
0x5b: {  	_ =	shalt  }
0x5c: {  	_ =	shalt  }
0x5d: {  	_ =	shalt  }
0x5e: {  	_ =	shalt  }
0x5f: {  	_ =	shalt  }
0x60: {  	_ =	shalt  }
0x61: {  	_ =	shalt  }
0x62: {  	_ =	shalt  }
0x63: {  	_ =	shalt  }
0x64: {  	_ =	shalt  }
0x65: {  	_ =	shalt  }
0x66: {  	_ =	shalt  }
0x67: {  	_ =	shalt  }
0x68: {  	_ =	shalt  }
0x69: {  	_ =	shalt  }
0x6a: {  	_ =	shalt  }
0x6b: {  	_ =	shalt  }
0x6c: {  	_ =	shalt  }
0x6d: {  	_ =	shalt  }
0x6e: {  	_ =	shalt  }
0x6f: {  	_ =	shalt  }
0x70: {  	_ =	shalt  }
0x71: {  	_ =	shalt  }
0x72: {  	_ =	shalt  }
0x73: {  	_ =	shalt  }
0x74: {  	_ =	shalt  }
0x75: {  	_ =	shalt  }
0x76: {  	_ =	shalt  }
0x77: {  	_ =	shalt  }
0x78: {  	_ =	shalt  }
0x79: {  	_ =	shalt  }
0x7a: {  	_ =	shalt  }
0x7b: {  	_ =	shalt  }
0x7c: {  	_ =	shalt  }
0x7d: {  	_ =	shalt  }
0x7e: {  	_ =	shalt  }
0x7f: {  	_ =	shalt  }
0x80: {  	_ =	shalt  }
0x81: {  	_ =	shalt  }
0x82: {  	_ =	shalt  }
0x83: {  	_ =	shalt  }
0x84: {  	_ =	shalt  }
0x85: {  	_ =	shalt  }
0x86: {  	_ =	shalt  }
0x87: {  	_ =	shalt  }
.Lfunc_end0:
.L_simem_size_0:
called_computation_lowered:
.L_overlay_start_0:
0x88: {  	s2 =	sld [smem:$0x3FD9]  }
0x89: {  	s3 =	sld [smem:$0x3FFE];
	_ =	sdelay $0x1  }
0x8a: {  	s1 =	srdreg.scid  }
0x8b: {  	s0 =	sand.u32 $0x1, s1  }
0x8c: {  	s17 =	sshll.u32 s0, $0xA;
	s2 =	sadd.s32 s3, s2  }
0x8d: {  	s2 =	sadd.s32 s2, s17  }
0x8e: {  	[smem:$0x3FC2] =	sst s2  }
0x8f: {  	_ = 	snop  }
0x90: {  	s2 =	sld [smem:$0x3FD0];
	(tm) =	ssettm $0x1  }
0x91: {  	s18 =	sld [smem:$0x3FFB];
	_ =	sdelay $0x3  }
0x92: {  	_ =	strace s18  }
0x93: {  	s3 =	sld [smem:$0x3FFC];
	_ =	sdelay $0x3  }
0x94: {  	_ =	strace s3  }
0x95: {  	s3 =	sld [smem:$0x3FFD];
	_ =	sdelay $0x3  }
0x96: {  	_ =	strace s3  }
0x97: {  	_ =	strace $0x8FFFFFFF  }
0x98: {  	s19 =	sld [smem:$0x3FDB];
	_ =	sdelay $0x1  }
0x99: {  	s4 =	simm.s32 $_scs_section_size  }
0x9a: {  	s5 =	simm.s32 $_size__tile_overlayer_lowered;
	s6 =	simm.s32 $_tile_overlayer_lowered  }
0x9b: {  	s22 =	simm.s32 $0x1BFF;
	s21 =	sshll.u32 s6, $0x1;
	s3 =	sadd.s32 s4, s19  }
0x9c: {  	s7 =	simm.s32 $0x0;
	s20 =	sshll.u32 s5, $0x1;
	s5 =	sadd.s32 s21, s3  }
0x9d: {  	[timem:s7], [sflag:s22] =	dma.local [hbm:s5], s20  }
0x9e: {  	_ =	swait.ge [sflag:s22], s20  }
0x9f: {  	s4 =	ssub.s32 $0x0, s20;
	[sflag:s22] =	ssyncset.done $0x0  }
0xa0: {  	[sflag:s22] =	ssyncadd.s32 s4;
	_ =	sdelay $0x1  }
0xa1: {  	s23 =	simm.s32 $0x1B8B  }
0xa2: {  	_ =	swait.ge [sflag:s23], $0x1  }
0xa3: {  	[sflag:s23] =	ssyncset.done $0x0  }
0xa4: {  	s25 =	simm.s32 $0x1B8E;
	s24 =	sld [smem:$0x3FFE];
	[sflag:s23] =	ssyncadd.s32 $0xFFFFFFFF  }
0xa5: {  	s26 =	simm.s32 $execute0_lowered;
	[smem:$0x3FD2] =	sst s25  }
0xa6: {  	s5 =	sshll.u32 s26, $0x1;
	_ =	strace $0x80000046;
	[dreg:$0x1] =	wrdreg $0xFFFFFFFF  }
0xa7: {  	s28 =	simm.s32 $_size_execute0_lowered;
	s3 =	sadd.s32 s3, s5;
	[dreg:$0x0] =	wrdreg $0x0  }
0xa8: {  	s5 =	sshll.u32 s28, $0x1;
	[dreg:$0x2] =	wrdreg s3  }
0xa9: {  	[dreg:$0x3] =	wrdreg s5  }
0xaa: {  	[dreg:$0x4] =	wrdreg $0xC0  }
0xab: {  	_ =	task [dreg:s7], $0x5FFFF  }
0xac: {  	[dreg:$0x1] =	wrdreg $0xFFFFFFFF  }
0xad: {  	[dreg:$0x0] =	wrdreg $0x60  }
0xae: {  	[dreg:$0x2] =	wrdreg s2  }
0xaf: {  	[dreg:$0x3] =	wrdreg s24  }
0xb0: {  	[dreg:$0x4] =	wrdreg $0x43000  }
0xb1: {  	[dreg:$0x5] =	wrdreg $0x9  }
0xb2: {  	_ =	task.clear_ibuf [dreg:s7], $0x6FFFF;
	_ =	strace $0x90000046  }
0xb3: {  	s29 =	simm.s32 $0x9;
	_ =	strace $0x80000048  }
0xb4: {  	_ =	swait.ge [sflag:s29], $0x1  }
0xb5: {  	[sflag:s29] =	ssyncadd.s32 $0xFFFFFFFF  }
0xb6: {  	_ =	strace $0x90000048  }
0xb7: {  	_ =	sfence  }
0xb8: {  	s30 =	sld [smem:$0x0];
	_ =	sdelay $0x2  }
0xb9: {  	s31 =	sshll.u32 s1, $0xD;
	s1 =	sshrl.u32 s1, $0x2  }
0xba: {  	s3 =	sand.u32 $0x4000, s31;
	s1 =	sadd.s32 s1, s30  }
0xbb: {  	s0 =	sor.u32 s3, s0;
	s1 =	sshll.u32 s1, $0x11  }
0xbc: {  	s0 =	sor.u32 s1, s0  }
0xbd: {  	s0 =	sadd.s32 $0x8F2B, s0  }
0xbe: {  	[sflag:s0] =	ssyncadd.remote.s32 $0x1  }
0xbf: {  	_ =	sfence.sel $0xFFFF  }
0xc0: {  	[dreg:$0x0] =	wrdreg $0xFFFFFFFF;
	(pc) =	sbr.abs _section_cstart, $3  }
0xc1: {  	[dreg:$0x1] =	wrdreg $0xFFFFFFFF  }
0xc2: {  	_ =	task.clear_ibuf [dreg:s7], $0x2FFFF;
	_ =	strace $0x9FFFFFFF  }
0xc3: {  	(tm) =	ssettm $0x7FFFFFFF  }
tec
execute0_lowered:
.L_overlay_start_1:
0x0: {  	(tag) =	ssettag $0x1  }
0x1: {  	s9 =	rddreg [dreg:$0x0]  }
0x2: {  	s7 =	rddreg [dreg:$0x1]  }
0x3: {  	s1 =	rddreg [dreg:$0x2]  }
0x4: {  	s0 =	rddreg [dreg:$0x3];
	s2 =	simm.s32 $0x0  }
0x5: {  	s3 =	srdreg.scid;
	s15 =	simm.s32 $0x1;
	s16 =	simm.s32 $0x4000  }
0x6: {  	s17 =	simm.s32 $0x50;
	s18 =	simm.s32 $0x42F0;
	s19 =	simm.s32 $0x0  }
0x7: {  	[smem:$0x7FF] =	sst s2;
	s4 =	sadd.s32 $0x3E00, s7;
	s11 =	sand.u32 $0x1, s3  }
0x8: {  	s5 =	sadd.s32 $0x3C00, s7;
	s3 =	stileid.u32;
	s6 =	sadd.s32 $0x4000, s7  }
0x9: {  	s7 =	sadd.s32 $0x4600, s7;
	_ =	strace $0x80000047;
	s8 =	ssub.s32 $0x2, s11  }
0xa: {  	s12 =	smul.u32 $0x270, s3;
	s31 =	sshll.u32 s3, $0xB;
	s14 =	sshll.u32 s11, $0xF  }
.Ltmp0:
0xb: {  	p0 =	seq.s32 s11, $0x1;
	s10 =	sshrl.u32 s8, $0x1;
	(pc) =	sbr.rel .LBB2_1-.Ltmp0, $4  }
0xc: {  	p1 =	sne.s32 s3, $0xF;
	p2 =	seq.s32 s3, $0xF;
	s13 =	ssub.s32 s8, s10  }
0xd: {  	s8 =	sadd.s32 s12, s1;
	s10 =	sadd.s32 s9, s31;
	s12 =	sshrl.u32 s12, $0x3  }
0xe: {  	s9 =	sadd.s32 $0x2700, s1;
	s10 =	sadd.s32 s14, s10;
	s11 =	sadd.s32 s6, s12  }
0xf: {  	s12 =	sadd.s32 s7, s12;
	s13 =	smax.u32 s13, $0x1;
	s14 =	simm.s32 $0x4080  }
.LBB2_6:
0x10: {  	[tilespmem:s18], [sflag:$0x1] =	stream.linear.gather [spmem:s9], $0x10, $0x38;
	[tilespmem:$0x4578] =	vst v63  }
0x11: {  	_ =	swait.ge [sflag:s15], $0x10  }
0x12: {  	[sflag:s15] =	ssyncset.done $0x0  }
0x13: {  	s20 =	sadd.s32 $0x4E0, s20;
	[sflag:s15] =	ssyncadd.s32 $0xFFFFFFF0  }
0x14: {  	[hbm4b:s20+s2] =	stream.linear.scatter [tilespmem:s18], [sflag:$0x1], $0x10, $0x38;
	[tilespmem:$0x4578] =	vst v63  }
0x15: {  	_ =	swait.ge [sflag:s15], $0x10  }
0x16: {  	[sflag:s15] =	ssyncset.done $0x0  }
0x17: {  	[sflag:s15] =	ssyncadd.s32 $0xFFFFFFF0  }
.LBB2_7:
0x18: {  	s19 =	sadd.s32 $0x1, s19  }
0x19: {  	p3 =	sne.s32 s19, s13  }
.Ltmp1:
0x1a: {  	_ = 	snop;
	(pc) =	sbr.rel @!p3 .LBB2_8-.Ltmp1, $1  }
0x1b: {  	_ =	sdelay $0x3  }
.LBB2_1:
0x1c: {  	[tilespmem:s14], [sflag:$0x1] =	stream.linear.gather [hbm4b:s4+s2], $0x280, $0x38;
	[tilespmem:$0x4578] =	vst v63  }
0x1d: {  	_ =	swait.ge [sflag:s15], $0x280  }
0x1e: {  	[sflag:s15] =	ssyncset.done $0x0  }
0x1f: {  	[sflag:s15] =	ssyncadd.s32 $0xFFFFFD80  }
0x20: {  	[spmem:s8] =	stream.linear.scatter [tilespmem:s14], [sflag:$0x1], $0x270, $0x38;
	[tilespmem:$0x4578] =	vst v63  }
0x21: {  	_ =	swait.ge [sflag:s15], $0x270  }
0x22: {  	[sflag:s15] =	ssyncset.done $0x0  }
0x23: {  	s20 =	simm.s32 @!p1 $0x4080;
	[sflag:s15] =	ssyncadd.s32 $0xFFFFFD90  }
0x24: {  	[spmem:s9] =	stream.linear.scatter @!p1 [tilespmem:s20], [sflag:$0x1], $0x10, $0x38;
	[tilespmem:$0x4578] =	vst v63  }
0x25: {  	s20 =	simm.s32 @!p1 $0x1  }
0x26: {  	_ =	swait.ge @!p1 [sflag:s20], $0x10  }
0x27: {  	[sflag:s20] =	ssyncset.done @!p1 $0x0  }
0x28: {  	[sflag:s20] =	ssyncadd.s32 @!p1 $0xFFFFFFF0  }
0x29: {  	[tilespmem:s16], [sflag:$0x1] =	stream.linear.gather [hbm4b:s5+s2], $0x80, $0x38;
	[tilespmem:$0x4578] =	vst v63  }
0x2a: {  	_ =	swait.ge [sflag:s15], $0x80  }
0x2b: {  	[sflag:s15] =	ssyncset.done $0x0  }
0x2c: {  	[sflag:s15] =	ssyncadd.s32 $0xFFFFFF80  }
0x2d: {  	[tilespmem:s2], [sflag:$0x1] =	stream.linear.gather [hbm4b:s10+s2], $0x3E80, $0x38;
	[tilespmem:$0x4578] =	vst v63  }
0x2e: {  	_ =	swait.ge [sflag:s15], $0x3E80  }
0x2f: {  	[sflag:s15] =	ssyncset.done $0x0  }
0x30: {  	[sflag:s15] =	ssyncadd.s32 $0xFFFFC180  }
0x31: {  	s31 =	simm.s32 $0x0;
	[bflag:$0x0] =	sbarrier.arrive $0xFFFF  }
0x32: {  	[spmem:s1] =	stream.indirect.scatter.add.f32 [tilespmem:s16], [sflag:$0x1], $0x1, s31, s17, $0xb8;
	[tilespmem:$0x4578] =	vst v63  }
0x33: {  	_ =	swait.ge [sflag:s15], $0x50  }
0x34: {  	s20 =	simm.s32 $0x200;
	[sflag:s15] =	ssyncset.done $0x0  }
.LBB2_2:
0x35: {  	s21 =	sshra.s32 s20, $0x2;
	[sflag:s15] =	ssyncadd.s32 $0xFFFFFFB0;
	p3 =	sne.s32 s20, $0xF800  }
0x36: {  	[spmem:s1] =	stream.indirect.scatter.add.f32 [tilespmem:s16], [sflag:$0x1], $0x1, s21, s17, $0xb8;
	[tilespmem:$0x4578] =	vst v63  }
.Ltmp2:
0x37: {  	_ = 	snop;
	(pc) =	sbr.rel @p3 .LBB2_2-.Ltmp2, $4  }
0x38: {  	_ = 	snop  }
0x39: {  	s20 =	sadd.s32 $0x200, s20  }
0x3a: {  	_ =	swait.ge [sflag:s15], $0x50  }
0x3b: {  	[sflag:s15] =	ssyncset.done $0x0  }
0x3c: {  	[sflag:s15] =	ssyncadd.s32 $0xFFFFFFB0  }
.Ltmp3:
0x3d: {  	[bflag:$0x0] =	sbarrier.arrive $0xFFFF;
	(pc) =	sbr.rel @!p0 .LBB2_4-.Ltmp3, $4  }
0x3e: {  	[tilespmem:s14], [sflag:$0x1] =	stream.linear.gather [spmem:s8], $0x270, $0x38;
	[tilespmem:$0x4578] =	vst v63  }
0x3f: {  	_ =	swait.ge [sflag:s15], $0x270  }
0x40: {  	[sflag:s15] =	ssyncset.done $0x0  }
0x41: {  	[sflag:s15] =	ssyncadd.s32 $0xFFFFFD90  }
0x42: {  	[hbm4b:s12+s2] =	stream.linear.scatter [tilespmem:s14], [sflag:$0x1], $0x270, $0x38;
	[tilespmem:$0x4578] =	vst v63  }
.Ltmp4:
0x43: {  	_ = 	snop;
	(pc) =	sbr.rel @p1 .LBB2_7-.Ltmp4, $4  }
.Ltmp5:
0x44: {  	_ = 	snop;
	(pc) =	sbr.rel @!p1 .LBB2_6-.Ltmp5, $4  }
0x45: {  	_ =	swait.ge [sflag:s15], $0x270  }
0x46: {  	[sflag:s15] =	ssyncset.done $0x0  }
0x47: {  	s20 =	smov.u32 s7;
	[sflag:s15] =	ssyncadd.s32 $0xFFFFFD90  }
0x48: {  	_ = 	snop  }
.LBB2_4:
0x49: {  	[hbm4b:s11+s2] =	stream.linear.scatter [tilespmem:s14], [sflag:$0x1], $0x270, $0x38;
	[tilespmem:$0x4578] =	vst v63  }
.Ltmp6:
0x4a: {  	_ = 	snop;
	(pc) =	sbr.rel @p2 .LBB2_6-.Ltmp6, $4  }
.Ltmp7:
0x4b: {  	_ = 	snop;
	(pc) =	sbr.rel @!p2 .LBB2_7-.Ltmp7, $4  }
0x4c: {  	_ =	swait.ge [sflag:s15], $0x270  }
0x4d: {  	[sflag:s15] =	ssyncset.done $0x0  }
0x4e: {  	s20 =	smov.u32 s6;
	[sflag:s15] =	ssyncadd.s32 $0xFFFFFD90  }
0x4f: {  	_ = 	snop  }
.LBB2_8:
0x50: {  	_ =	sfence.sel $0x180000  }
0x51: {  	[bflag:$0x0] =	sbarrier.arrive $0xFFFF  }
0x52: {  	p0 =	sne.s32 s3, $0x0;
	_ =	strace $0x90000047  }
0x53: {  	s0 =	sadd.s32 @!p0 $0x100000, s0;
	[bflag:$0x2] =	sbarrier.arrive $0xFFFF  }
0x54: {  	[sflag:s0] =	ssyncadd.tile.s32 @!p0 $0x1;
	_ =	shalt  }
.Lfunc_end2:
_tile_overlayer_lowered:
.L_overlay_start_2:
0x55: {  	(tag) =	ssettag $0x2  }
0x56: {  	s0 =	rddreg [dreg:$0x0];
	s2 =	stileid.u32  }
0x57: {  	s1 =	rddreg [dreg:$0x1];
	p0 =	sne.s32 s2, $0x0  }
0x58: {  	s3 =	rddreg [dreg:$0x2];
	[bflag:$0x3] =	sbarrier.arrive $0xFFFF;
	s2 =	simm.s32 @!p0 $0x1C01  }
0x59: {  	[timem:s3], [sflag:s2] =	dma.local @!p0 [hbm:s0], s1  }
0x5a: {  	s0 =	simm.s32 @!p0 $0x1  }
0x5b: {  	_ =	swait.ge @!p0 [sflag:s0], s1  }
0x5c: {  	s1 =	ssub.s32 @!p0 $0x0, s1;
	[sflag:s0] =	ssyncset.done @!p0 $0x0  }
0x5d: {  	[sflag:s0] =	ssyncadd.s32 @!p0 s1  }
0x5e: {  	[bflag:$0x3] =	sbarrier.arrive $0xFFFF  }
0x5f: {  	_ =	shalt  }

</sc_bundles>
